<compile_context>
chip_gen: v7x
topology: tpu7x:2x2x1
jax: 0.10.2.dev20260603
libtpu: 0.0.44.dev20260713+nightly
codegen_flags: <defaults>
</compile_context>

<pallas_src>
import functools

import jax
import jax.numpy as jnp
from jax import lax
from jax.experimental import pallas as pl
from jax.experimental.pallas import tpu as pltpu
from jax.experimental.pallas import tpu_sc as plsc

N = 10000
F = 128
FH = 64
NP = 10240
E = 320000
EP = 327680
BK = 128
NBLK = 80
NBLKC = 160
EPT = NBLK * BK
RPT = NP // 16

_mesh = plsc.VectorSubcoreMesh(core_axis_name="c", subcore_axis_name="s")


def _zero_fill(ref, nwords):
    def body(i, _):
        ref[pl.ds(i * 16, 16)] = jnp.zeros((16,), jnp.float32)
        return 0
    lax.fori_loop(0, nwords // 16, body, 0)


@functools.partial(
    pl.kernel,
    out_type=jax.ShapeDtypeStruct((2, NP), jnp.float32),
    mesh=_mesh,
    scratch_types=[
        pltpu.VMEM((NBLK, BK), jnp.int32),
        pltpu.VMEM((BK,), jnp.float32),
        pltpu.VMEM((RPT,), jnp.float32),
        pltpu.VMEM_SHARED((NP,), jnp.float32),
        pltpu.SemaphoreType.DMA,
    ],
)
def _deg_kernel(dst_hbm, out_hbm, dst_v, ones_v, buf_v, deg_sh, sem):
    c = lax.axis_index("c")
    s = lax.axis_index("s")
    chunk = c * 16 + s
    _zero_fill(buf_v, RPT)
    pltpu.sync_copy(buf_v, deg_sh.at[pl.ds(s * RPT, RPT)])

    def fill_ones(i, _):
        ones_v[pl.ds(i * 16, 16)] = jnp.ones((16,), jnp.float32)
        return 0
    lax.fori_loop(0, BK // 16, fill_ones, 0)
    pltpu.sync_copy(dst_hbm.at[chunk], dst_v)
    plsc.subcore_barrier()

    def body(j, _):
        for k in range(8):
            pltpu.async_copy(ones_v, deg_sh.at[dst_v.at[j * 8 + k]], sem,
                             add=True)
        for k in range(8):
            pltpu.make_async_copy(ones_v, deg_sh.at[dst_v.at[j * 8 + k]],
                                  sem).wait()
        return 0
    lax.fori_loop(0, NBLK // 8, body, 0)
    plsc.subcore_barrier()
    pltpu.sync_copy(deg_sh.at[pl.ds(s * RPT, RPT)], buf_v)
    pltpu.sync_copy(buf_v, out_hbm.at[c, pl.ds(s * RPT, RPT)])


SUP = 8
CH = NBLKC // SUP


@functools.partial(
    pl.kernel,
    out_type=jax.ShapeDtypeStruct((2, NP, FH), jnp.float32),
    mesh=_mesh,
    compiler_params=pltpu.CompilerParams(use_tc_tiling_on_sc=False),
    scratch_types=[
        [pltpu.VMEM((CH, BK), jnp.int32) for _ in range(2)],
        [pltpu.VMEM((CH, BK), jnp.int32) for _ in range(2)],
        [pltpu.VMEM((BK, FH), jnp.float32) for _ in range(4)],
        [pltpu.SemaphoreType.DMA for _ in range(4)],
        [pltpu.SemaphoreType.DMA for _ in range(4)],
        pltpu.SemaphoreType.DMA,
        pltpu.VMEM_SHARED((NP, FH), jnp.float32),
        pltpu.VMEM_SHARED((NP, FH), jnp.float32),
    ],
)
def _agg_kernel(y_hbm, src_hbm, dst_hbm, out_hbm, srcs, dsts, bufs, gs, ss,
                isem, y_sh, agg_sh):
    c = lax.axis_index("c")
    s = lax.axis_index("s")
    b0 = bufs[0]

    def init(i, _):
        r = s * RPT + i * BK
        pltpu.sync_copy(y_hbm.at[c, pl.ds(r, BK)], b0)
        pltpu.sync_copy(b0, y_sh.at[pl.ds(r, BK)])
        pltpu.sync_copy(b0, agg_sh.at[pl.ds(r, BK)])
        return 0
    lax.fori_loop(0, RPT // BK, init, 0)
    pltpu.sync_copy(src_hbm.at[s, pl.ds(0, CH)], srcs[0])
    pltpu.sync_copy(dst_hbm.at[s, pl.ds(0, CH)], dsts[0])
    plsc.subcore_barrier()

    for sup in range(SUP):
        src_v = srcs[sup % 2]
        dst_v = dsts[sup % 2]
        if sup < SUP - 1:
            pltpu.async_copy(src_hbm.at[s, pl.ds((sup + 1) * CH, CH)],
                             srcs[(sup + 1) % 2], isem)
            pltpu.async_copy(dst_hbm.at[s, pl.ds((sup + 1) * CH, CH)],
                             dsts[(sup + 1) % 2], isem)
        pltpu.async_copy(y_sh.at[src_v.at[0]], bufs[0], gs[0])
        pltpu.async_copy(y_sh.at[src_v.at[1]], bufs[1], gs[1])

        def body(gg, _):
            g0 = gg * 4
            for k in range(4):
                g = g0 + k
                pltpu.make_async_copy(y_sh.at[src_v.at[g]],
                                      bufs[k], gs[k]).wait()
                pltpu.async_copy(bufs[k], agg_sh.at[dst_v.at[g]], ss[k],
                                 add=True)
                kp = (k + 2) % 4

                @pl.when(g >= 2)
                def _():
                    pltpu.make_async_copy(bufs[kp],
                                          agg_sh.at[dst_v.at[g - 2]],
                                          ss[kp]).wait()

                @pl.when(g + 2 < CH)
                def _():
                    pltpu.async_copy(y_sh.at[src_v.at[g + 2]],
                                     bufs[kp], gs[kp])
            return 0
        lax.fori_loop(0, CH // 4, body, 0)
        for k in range(2):
            g = CH - 2 + k
            pltpu.make_async_copy(bufs[g % 4], agg_sh.at[dst_v.at[g]],
                                  ss[g % 4]).wait()
        if sup < SUP - 1:
            pltpu.make_async_copy(src_hbm.at[s, pl.ds((sup + 1) * CH, CH)],
                                  srcs[(sup + 1) % 2], isem).wait()
            pltpu.make_async_copy(dst_hbm.at[s, pl.ds((sup + 1) * CH, CH)],
                                  dsts[(sup + 1) % 2], isem).wait()
    plsc.subcore_barrier()

    def copy_out(i, _):
        r = s * RPT + i * BK
        pltpu.sync_copy(agg_sh.at[pl.ds(r, BK)], b0)
        pltpu.sync_copy(b0, out_hbm.at[c, pl.ds(r, BK)])
        return 0
    lax.fori_loop(0, RPT // BK, copy_out, 0)


@functools.partial(
    pl.kernel,
    out_type=jax.ShapeDtypeStruct((2, NP), jnp.float32),
    mesh=_mesh,
    compiler_params=pltpu.CompilerParams(needs_layout_passes=False),
    scratch_types=[
        pltpu.VMEM((NP,), jnp.float32),
        pltpu.VMEM((EPT,), jnp.int32),
        pltpu.VMEM((NBLK, BK), jnp.int32),
        pltpu.VMEM((EPT,), jnp.float32),
        pltpu.VMEM((RPT,), jnp.float32),
        pltpu.VMEM_SHARED((NP,), jnp.float32),
        pltpu.SemaphoreType.DMA,
    ],
)
def _l2_kernel(t_hbm, srcf_hbm, dst_hbm, out_hbm, t_v, src_v, dst_v, vals_v,
               buf_v, acc_sh, sem):
    c = lax.axis_index("c")
    s = lax.axis_index("s")
    chunk = c * 16 + s
    _zero_fill(buf_v, RPT)
    pltpu.sync_copy(buf_v, acc_sh.at[pl.ds(s * RPT, RPT)])
    pltpu.sync_copy(t_hbm, t_v)
    pltpu.sync_copy(srcf_hbm.at[chunk], src_v)
    pltpu.sync_copy(dst_hbm.at[chunk], dst_v)

    def gather(i, _):
        idx = src_v[pl.ds(i * 16, 16)]
        vals_v[pl.ds(i * 16, 16)] = plsc.load_gather(t_v, [idx])
        return 0
    lax.fori_loop(0, EPT // 16, gather, 0)
    plsc.subcore_barrier()

    def scatter(j, _):
        for k in range(8):
            jj = j * 8 + k
            pltpu.async_copy(vals_v.at[pl.ds(jj * BK, BK)],
                             acc_sh.at[dst_v.at[jj]], sem, add=True)
        for k in range(8):
            jj = j * 8 + k
            pltpu.make_async_copy(vals_v.at[pl.ds(jj * BK, BK)],
                                  acc_sh.at[dst_v.at[jj]], sem).wait()
        return 0
    lax.fori_loop(0, NBLK // 8, scatter, 0)
    plsc.subcore_barrier()
    pltpu.sync_copy(acc_sh.at[pl.ds(s * RPT, RPT)], buf_v)
    pltpu.sync_copy(buf_v, out_hbm.at[c, pl.ds(s * RPT, RPT)])


_BR = 1024


def _mm1_body(x_ref, w_ref, parts_ref, y_ref, dinv_ref):
    xw = jnp.dot(x_ref[...], w_ref[...], preferred_element_type=jnp.float32)
    deg = parts_ref[0] + parts_ref[1] + 1.0
    dinv = lax.rsqrt(deg)
    dinv_ref[...] = dinv
    ys = xw * dinv
    y_ref[...] = jnp.stack([ys[:, :FH], ys[:, FH:]])


def _mm1(x_p, w1, parts3):
    return pl.pallas_call(
        _mm1_body,
        grid=(NP // _BR,),
        in_specs=[
            pl.BlockSpec((_BR, F), lambda i: (i, 0)),
            pl.BlockSpec((F, F), lambda i: (0, 0)),
            pl.BlockSpec((2, _BR, 1), lambda i: (0, i, 0)),
        ],
        out_specs=[
            pl.BlockSpec((2, _BR, FH), lambda i: (0, i, 0)),
            pl.BlockSpec((_BR, 1), lambda i: (i, 0)),
        ],
        out_shape=[
            jax.ShapeDtypeStruct((2, NP, FH), jnp.float32),
            jax.ShapeDtypeStruct((NP, 1), jnp.float32),
        ],
    )(x_p, w1, parts3)


def _mm2_body(p_ref, dinv_ref, b1_ref, w2_ref, t_ref):
    p = p_ref[...]
    dinv = dinv_ref[...]
    h0 = jnp.maximum(p[0] * dinv + b1_ref[:, :FH], 0.0)
    h1 = jnp.maximum(p[1] * dinv + b1_ref[:, FH:], 0.0)
    w2 = w2_ref[...]
    sc = (jnp.dot(h0, w2[:FH], preferred_element_type=jnp.float32)
          + jnp.dot(h1, w2[FH:], preferred_element_type=jnp.float32))
    t_ref[...] = sc * dinv


def _mm2(parts, dinv, b1, w2):
    return pl.pallas_call(
        _mm2_body,
        grid=(NP // _BR,),
        in_specs=[
            pl.BlockSpec((2, _BR, FH), lambda i: (0, i, 0)),
            pl.BlockSpec((_BR, 1), lambda i: (i, 0)),
            pl.BlockSpec((1, F), lambda i: (0, 0)),
            pl.BlockSpec((F, 1), lambda i: (0, 0)),
        ],
        out_specs=pl.BlockSpec((_BR, 1), lambda i: (i, 0)),
        out_shape=jax.ShapeDtypeStruct((NP, 1), jnp.float32),
    )(parts, dinv, b1, w2)


def kernel(x, edge_index, W1, b1, W2, b2):
    src = edge_index[0].astype(jnp.int32)
    dst = edge_index[1].astype(jnp.int32)
    pad = EP - E
    src_p = jnp.concatenate([src, jnp.zeros((pad,), jnp.int32)])
    dst_p = jnp.concatenate([dst, jnp.full((pad,), NP - 1, jnp.int32)])
    srcf = src_p.reshape(32, EPT)
    dst3 = dst_p.reshape(32, NBLK, BK)
    src16 = src_p.reshape(16, NBLKC, BK)
    dstC = dst_p.reshape(16, NBLKC, BK)
    x_p = jnp.pad(x, ((0, NP - N), (0, 0)))

    deg_parts = _deg_kernel(dst3)
    parts3 = deg_parts.reshape(2, NP, 1)
    y_split, dinv = _mm1(x_p, W1, parts3)
    agg_parts = _agg_kernel(y_split, src16, dstC)
    t = _mm2(agg_parts, dinv, b1.reshape(1, F), W2)
    l2_parts = _l2_kernel(t.reshape(NP), srcf, dst3)

    out = (l2_parts[0] + l2_parts[1] + t[:, 0]) * dinv[:, 0] + b2[0]
    return out[:N]

# --- scband reference (transcript-rebuilt; emitter-appended) ---
"""Pipeline reference for scband-gcn-1614907703639 (READ-ONLY COPY).

The authoritative reference and input builder live on the scoring server;
editing this copy changes nothing except your own understanding.
"""

import jax, jax.numpy as jnp
import numpy as np


def gcn_conv(x, edge_index, W, b):
    # Faithful PyG GCNConv: add self-loops, symmetric normalization D^-1/2 A_hat D^-1/2, then XW + b.
    N = x.shape[0]
    loop = jnp.arange(N, dtype=edge_index.dtype)
    src = jnp.concatenate([edge_index[0], loop])
    dst = jnp.concatenate([edge_index[1], loop])
    deg = jnp.zeros((N,), dtype=x.dtype).at[dst].add(1.0)
    dinv = jnp.where(deg > 0, jax.lax.rsqrt(jnp.maximum(deg, 1e-12)), 0.0)
    norm = dinv[src] * dinv[dst]
    xw = x @ W
    msg = jnp.take(xw, src, axis=0) * norm[:, None]
    out = jnp.zeros((N, W.shape[1]), dtype=x.dtype).at[dst].add(msg)
    return out + b


def setup_inputs(seed: int = 0) -> dict:
    key = jax.random.key(seed)
    k1, k2, k3, k4 = jax.random.split(key, 4)
    N, F, H, E = 10000, 128, 128, 320000
    x = jax.random.normal(k1, (N, F), dtype=jnp.float32)
    edge_index = jax.random.randint(k2, (2, E), 0, N)
    W1 = jax.random.normal(k3, (F, H), dtype=jnp.float32) * (1.0 / np.sqrt(F))
    b1 = jnp.zeros((H,), dtype=jnp.float32)
    W2 = jax.random.normal(k4, (H, 1), dtype=jnp.float32) * (1.0 / np.sqrt(H))
    b2 = jnp.zeros((1,), dtype=jnp.float32)
    return {"x": x, "edge_index": edge_index, "W1": W1, "b1": b1, "W2": W2, "b2": b2}


def reference(x, edge_index, W1, b1, W2, b2):
    h = gcn_conv(x, edge_index, W1, b1)
    h = jax.nn.relu(h)
    h = gcn_conv(h, edge_index, W2, b2)
    return h.mean(axis=1)

if __name__ == "__main__":
    import jax
    _d = setup_inputs()
    print(jax.jit(kernel)(*tuple(_d.values())))

</pallas_src>

<mosaic_0001>
#map = affine_map<(d0, d1) -> (0, 0, 0)>
#map1 = affine_map<(d0, d1) -> (0, 0)>
module attributes {stable_mosaic.version = 14 : i64} {
  func.func @_deg_kernel(%arg0: i32, %arg1: i32, %arg2: memref<32x80x128xi32, #tpu.memory_space<hbm>>, %arg3: memref<2x10240xf32, #tpu.memory_space<hbm>>, %arg4: memref<80x128xi32, #tpu.memory_space<vmem>>, %arg5: memref<128xf32, #tpu.memory_space<vmem>>, %arg6: memref<640xf32, #tpu.memory_space<vmem>>, %arg7: memref<10240xf32, #tpu.memory_space<vmem_shared>>, %arg8: memref<!tpu.dma_semaphore, #tpu.memory_space<semaphore_mem>>) attributes {dimension_semantics = [#tpu.dimension_semantics<core_parallel>, #tpu.dimension_semantics<subcore_parallel>], iteration_bounds = array<i64: 2, 16>, scalar_prefetch = 0 : i64, scratch_operands = 5 : i64, tpu.core_type = #tpu.core_type<sc_vector_subcore>, window_params = [{transform_indices = #map}, {transform_indices = #map1}]} {
    %mul3A = arith.constant 16 : i32
    %mul3A_0 = arith.muli %arg0, %mul3A : i32
    %add3A = arith.addi %mul3A_0, %arg1 : i32
    %scan3A = arith.constant 0 : i32
    %scan3A_1 = arith.constant 0 : i32
    %scan3A_2 = arith.constant 40 : i32
    %scan3A_3 = arith.addi %scan3A_1, %scan3A_2 : i32
    %scan3A_4 = arith.constant 1 : i32
    %scan3A_5 = scf.for %scan3A_28 = %scan3A_1 to %scan3A_3 step %scan3A_4 iter_args(%scan3A_29 = %scan3A) -> (i32)  : i32 {
      %broadcast_in_dim3A = arith.constant 0.000000e+00 : f32
      %broadcast_in_dim3A_30 = vector.broadcast %broadcast_in_dim3A : f32 to vector<16xf32>
      %mul3A_31 = arith.constant 16 : i32
      %mul3A_32 = arith.muli %scan3A_28, %mul3A_31 : i32
      %swap3A = arith.index_cast %mul3A_32 : i32 to index
      %swap3A_33 = tpu.vector_load %arg6[%swap3A] {strides = array<i32>} : memref<640xf32, #tpu.memory_space<vmem>>, vector<16xf32>,
      %swap3A_34 = vector.shape_cast %swap3A_33 : vector<16xf32> to vector<16xf32>
      %swap3A_35 = vector.shape_cast %broadcast_in_dim3A_30 : vector<16xf32> to vector<16xf32>
      tpu.vector_store %arg6[%swap3A], %swap3A_35 {strides = array<i32>} : memref<640xf32, #tpu.memory_space<vmem>>, vector<16xf32>,
      %scan3A_36 = arith.constant 0 : i32
      scf.yield %scan3A_36 : i32
    }
    %scan3A_6 = arith.constant 40 : i32
    %mul3A_7 = arith.constant 640 : i32
    %mul3A_8 = arith.muli %arg1, %mul3A_7 : i32
    "tpu.region"() ({
      %run_scoped3A = tpu.sem_alloc : memref<!tpu.dma_semaphore, #tpu.memory_space<semaphore_mem>>
      %dma_start3A = tpu.memref_slice %arg7[%mul3A_8] : memref<10240xf32, #tpu.memory_space<vmem_shared>> -> memref<640xf32, #tpu.memory_space<vmem_shared>>
      %dma_start3A_28 = tpu.memref_slice %arg7[%mul3A_8] : memref<10240xf32, #tpu.memory_space<vmem_shared>> -> memref<640xf32, #tpu.memory_space<vmem_shared>>
      tpu.enqueue_dma source(%arg6 : memref<640xf32, #tpu.memory_space<vmem>>) target(%dma_start3A_28 : memref<640xf32, #tpu.memory_space<vmem_shared>>) target_semaphore(%run_scoped3A : memref<!tpu.dma_semaphore, #tpu.memory_space<semaphore_mem>>)
      %dma_wait3A = tpu.memref_slice %arg7[%mul3A_8] : memref<10240xf32, #tpu.memory_space<vmem_shared>> -> memref<640xf32, #tpu.memory_space<vmem_shared>>
      %dma_wait3A_29 = tpu.memref_slice %arg7[%mul3A_8] : memref<10240xf32, #tpu.memory_space<vmem_shared>> -> memref<640xf32, #tpu.memory_space<vmem_shared>>
      tpu.wait_dma2 semaphore(%run_scoped3A : memref<!tpu.dma_semaphore, #tpu.memory_space<semaphore_mem>>) src(%arg6 : memref<640xf32, #tpu.memory_space<vmem>>) dst(%dma_wait3A_29 : memref<640xf32, #tpu.memory_space<vmem_shared>>)
      tpu.yield
    }) : () -> ()
    %scan3A_9 = arith.constant 0 : i32
    %scan3A_10 = arith.constant 0 : i32
    %scan3A_11 = arith.constant 8 : i32
    %scan3A_12 = arith.addi %scan3A_10, %scan3A_11 : i32
    %scan3A_13 = arith.constant 1 : i32
    %scan3A_14 = scf.for %scan3A_28 = %scan3A_10 to %scan3A_12 step %scan3A_13 iter_args(%scan3A_29 = %scan3A_9) -> (i32)  : i32 {
      %broadcast_in_dim3A = arith.constant 1.000000e+00 : f32
      %broadcast_in_dim3A_30 = vector.broadcast %broadcast_in_dim3A : f32 to vector<16xf32>
      %mul3A_31 = arith.constant 16 : i32
      %mul3A_32 = arith.muli %scan3A_28, %mul3A_31 : i32
      %swap3A = arith.index_cast %mul3A_32 : i32 to index
      %swap3A_33 = tpu.vector_load %arg5[%swap3A] {strides = array<i32>} : memref<128xf32, #tpu.memory_space<vmem>>, vector<16xf32>,
      %swap3A_34 = vector.shape_cast %swap3A_33 : vector<16xf32> to vector<16xf32>
      %swap3A_35 = vector.shape_cast %broadcast_in_dim3A_30 : vector<16xf32> to vector<16xf32>
      tpu.vector_store %arg5[%swap3A], %swap3A_35 {strides = array<i32>} : memref<128xf32, #tpu.memory_space<vmem>>, vector<16xf32>,
      %scan3A_36 = arith.constant 0 : i32
      scf.yield %scan3A_36 : i32
    }
    %scan3A_15 = arith.constant 8 : i32
    "tpu.region"() ({
      %run_scoped3A = tpu.sem_alloc : memref<!tpu.dma_semaphore, #tpu.memory_space<semaphore_mem>>
      %dma_start3A = arith.constant 0 : i32
      %dma_start3A_28 = arith.constant 0 : i32
      %dma_start3A_29 = tpu.memref_slice %arg2[%add3A, %dma_start3A, %dma_start3A_28] : memref<32x80x128xi32, #tpu.memory_space<hbm>> -> memref<1x80x128xi32, #tpu.memory_space<hbm>>
      %dma_start3A_30 = tpu.memref_squeeze %dma_start3A_29 : memref<1x80x128xi32, #tpu.memory_space<hbm>> -> memref<80x128xi32, #tpu.memory_space<hbm>>
      %dma_start3A_31 = arith.constant 0 : i32
      %dma_start3A_32 = arith.constant 0 : i32
      %dma_start3A_33 = tpu.memref_slice %arg2[%add3A, %dma_start3A_31, %dma_start3A_32] : memref<32x80x128xi32, #tpu.memory_space<hbm>> -> memref<1x80x128xi32, #tpu.memory_space<hbm>>
      %dma_start3A_34 = tpu.memref_squeeze %dma_start3A_33 : memref<1x80x128xi32, #tpu.memory_space<hbm>> -> memref<80x128xi32, #tpu.memory_space<hbm>>
      tpu.enqueue_dma source(%dma_start3A_34 : memref<80x128xi32, #tpu.memory_space<hbm>>) target(%arg4 : memref<80x128xi32, #tpu.memory_space<vmem>>) target_semaphore(%run_scoped3A : memref<!tpu.dma_semaphore, #tpu.memory_space<semaphore_mem>>)
      %dma_wait3A = arith.constant 0 : i32
      %dma_wait3A_35 = arith.constant 0 : i32
      %dma_wait3A_36 = tpu.memref_slice %arg2[%add3A, %dma_wait3A, %dma_wait3A_35] : memref<32x80x128xi32, #tpu.memory_space<hbm>> -> memref<1x80x128xi32, #tpu.memory_space<hbm>>
      %dma_wait3A_37 = tpu.memref_squeeze %dma_wait3A_36 : memref<1x80x128xi32, #tpu.memory_space<hbm>> -> memref<80x128xi32, #tpu.memory_space<hbm>>
      %dma_wait3A_38 = arith.constant 0 : i32
      %dma_wait3A_39 = arith.constant 0 : i32
      %dma_wait3A_40 = tpu.memref_slice %arg2[%add3A, %dma_wait3A_38, %dma_wait3A_39] : memref<32x80x128xi32, #tpu.memory_space<hbm>> -> memref<1x80x128xi32, #tpu.memory_space<hbm>>
      %dma_wait3A_41 = tpu.memref_squeeze %dma_wait3A_40 : memref<1x80x128xi32, #tpu.memory_space<hbm>> -> memref<80x128xi32, #tpu.memory_space<hbm>>
      tpu.wait_dma2 semaphore(%run_scoped3A : memref<!tpu.dma_semaphore, #tpu.memory_space<semaphore_mem>>) src(%dma_wait3A_41 : memref<80x128xi32, #tpu.memory_space<hbm>>) dst(%arg4 : memref<80x128xi32, #tpu.memory_space<vmem>>)
      tpu.yield
    }) : () -> ()
    %barrier3A = arith.constant 0 : index
    tpu.barrier barrier_id(%barrier3A)
    %scan3A_16 = arith.constant 0 : i32
    %scan3A_17 = arith.constant 0 : i32
    %scan3A_18 = arith.constant 10 : i32
    %scan3A_19 = arith.addi %scan3A_17, %scan3A_18 : i32
    %scan3A_20 = arith.constant 1 : i32
    %scan3A_21 = scf.for %scan3A_28 = %scan3A_17 to %scan3A_19 step %scan3A_20 iter_args(%scan3A_29 = %scan3A_16) -> (i32)  : i32 {
      %mul3A_30 = arith.constant 8 : i32
      %mul3A_31 = arith.muli %scan3A_28, %mul3A_30 : i32
      %add3A_32 = arith.constant 0 : i32
      %add3A_33 = arith.addi %mul3A_31, %add3A_32 : i32
      %dma_start3A = arith.constant 0 : i32
      %dma_start3A_34 = tpu.memref_slice %arg4[%add3A_33, %dma_start3A] : memref<80x128xi32, #tpu.memory_space<vmem>> -> memref<1x128xi32, #tpu.memory_space<vmem>>
      %dma_start3A_35 = tpu.memref_squeeze %dma_start3A_34 : memref<1x128xi32, #tpu.memory_space<vmem>> -> memref<128xi32, #tpu.memory_space<vmem>>
      %dma_start3A_36 = arith.constant 0 : i32
      %dma_start3A_37 = tpu.memref_slice %arg7[%dma_start3A_36] : memref<10240xf32, #tpu.memory_space<vmem_shared>> -> memref<10240xf32, #tpu.memory_space<vmem_shared>>
      tpu.enqueue_indirect_dma source(%arg5 : memref<128xf32, #tpu.memory_space<vmem>>) target(%dma_start3A_37 : memref<10240xf32, #tpu.memory_space<vmem_shared>>) offsets(%dma_start3A_35 : memref<128xi32, #tpu.memory_space<vmem>>) semaphore(%arg8 : memref<!tpu.dma_semaphore, #tpu.memory_space<semaphore_mem>>) {add = true}
      %mul3A_38 = arith.constant 8 : i32
      %mul3A_39 = arith.muli %scan3A_28, %mul3A_38 : i32
      %add3A_40 = arith.constant 1 : i32
      %add3A_41 = arith.addi %mul3A_39, %add3A_40 : i32
      %dma_start3A_42 = arith.constant 0 : i32
      %dma_start3A_43 = tpu.memref_slice %arg4[%add3A_41, %dma_start3A_42] : memref<80x128xi32, #tpu.memory_space<vmem>> -> memref<1x128xi32, #tpu.memory_space<vmem>>
      %dma_start3A_44 = tpu.memref_squeeze %dma_start3A_43 : memref<1x128xi32, #tpu.memory_space<vmem>> -> memref<128xi32, #tpu.memory_space<vmem>>
      %dma_start3A_45 = arith.constant 0 : i32
      %dma_start3A_46 = tpu.memref_slice %arg7[%dma_start3A_45] : memref<10240xf32, #tpu.memory_space<vmem_shared>> -> memref<10240xf32, #tpu.memory_space<vmem_shared>>
      tpu.enqueue_indirect_dma source(%arg5 : memref<128xf32, #tpu.memory_space<vmem>>) target(%dma_start3A_46 : memref<10240xf32, #tpu.memory_space<vmem_shared>>) offsets(%dma_start3A_44 : memref<128xi32, #tpu.memory_space<vmem>>) semaphore(%arg8 : memref<!tpu.dma_semaphore, #tpu.memory_space<semaphore_mem>>) {add = true}
      %mul3A_47 = arith.constant 8 : i32
      %mul3A_48 = arith.muli %scan3A_28, %mul3A_47 : i32
      %add3A_49 = arith.constant 2 : i32
      %add3A_50 = arith.addi %mul3A_48, %add3A_49 : i32
      %dma_start3A_51 = arith.constant 0 : i32
      %dma_start3A_52 = tpu.memref_slice %arg4[%add3A_50, %dma_start3A_51] : memref<80x128xi32, #tpu.memory_space<vmem>> -> memref<1x128xi32, #tpu.memory_space<vmem>>
      %dma_start3A_53 = tpu.memref_squeeze %dma_start3A_52 : memref<1x128xi32, #tpu.memory_space<vmem>> -> memref<128xi32, #tpu.memory_space<vmem>>
      %dma_start3A_54 = arith.constant 0 : i32
      %dma_start3A_55 = tpu.memref_slice %arg7[%dma_start3A_54] : memref<10240xf32, #tpu.memory_space<vmem_shared>> -> memref<10240xf32, #tpu.memory_space<vmem_shared>>
      tpu.enqueue_indirect_dma source(%arg5 : memref<128xf32, #tpu.memory_space<vmem>>) target(%dma_start3A_55 : memref<10240xf32, #tpu.memory_space<vmem_shared>>) offsets(%dma_start3A_53 : memref<128xi32, #tpu.memory_space<vmem>>) semaphore(%arg8 : memref<!tpu.dma_semaphore, #tpu.memory_space<semaphore_mem>>) {add = true}
      %mul3A_56 = arith.constant 8 : i32
      %mul3A_57 = arith.muli %scan3A_28, %mul3A_56 : i32
      %add3A_58 = arith.constant 3 : i32
      %add3A_59 = arith.addi %mul3A_57, %add3A_58 : i32
      %dma_start3A_60 = arith.constant 0 : i32
      %dma_start3A_61 = tpu.memref_slice %arg4[%add3A_59, %dma_start3A_60] : memref<80x128xi32, #tpu.memory_space<vmem>> -> memref<1x128xi32, #tpu.memory_space<vmem>>
      %dma_start3A_62 = tpu.memref_squeeze %dma_start3A_61 : memref<1x128xi32, #tpu.memory_space<vmem>> -> memref<128xi32, #tpu.memory_space<vmem>>
      %dma_start3A_63 = arith.constant 0 : i32
      %dma_start3A_64 = tpu.memref_slice %arg7[%dma_start3A_63] : memref<10240xf32, #tpu.memory_space<vmem_shared>> -> memref<10240xf32, #tpu.memory_space<vmem_shared>>
      tpu.enqueue_indirect_dma source(%arg5 : memref<128xf32, #tpu.memory_space<vmem>>) target(%dma_start3A_64 : memref<10240xf32, #tpu.memory_space<vmem_shared>>) offsets(%dma_start3A_62 : memref<128xi32, #tpu.memory_space<vmem>>) semaphore(%arg8 : memref<!tpu.dma_semaphore, #tpu.memory_space<semaphore_mem>>) {add = true}
      %mul3A_65 = arith.constant 8 : i32
      %mul3A_66 = arith.muli %scan3A_28, %mul3A_65 : i32
      %add3A_67 = arith.constant 4 : i32
      %add3A_68 = arith.addi %mul3A_66, %add3A_67 : i32
      %dma_start3A_69 = arith.constant 0 : i32
      %dma_start3A_70 = tpu.memref_slice %arg4[%add3A_68, %dma_start3A_69] : memref<80x128xi32, #tpu.memory_space<vmem>> -> memref<1x128xi32, #tpu.memory_space<vmem>>
      %dma_start3A_71 = tpu.memref_squeeze %dma_start3A_70 : memref<1x128xi32, #tpu.memory_space<vmem>> -> memref<128xi32, #tpu.memory_space<vmem>>
      %dma_start3A_72 = arith.constant 0 : i32
      %dma_start3A_73 = tpu.memref_slice %arg7[%dma_start3A_72] : memref<10240xf32, #tpu.memory_space<vmem_shared>> -> memref<10240xf32, #tpu.memory_space<vmem_shared>>
      tpu.enqueue_indirect_dma source(%arg5 : memref<128xf32, #tpu.memory_space<vmem>>) target(%dma_start3A_73 : memref<10240xf32, #tpu.memory_space<vmem_shared>>) offsets(%dma_start3A_71 : memref<128xi32, #tpu.memory_space<vmem>>) semaphore(%arg8 : memref<!tpu.dma_semaphore, #tpu.memory_space<semaphore_mem>>) {add = true}
      %mul3A_74 = arith.constant 8 : i32
      %mul3A_75 = arith.muli %scan3A_28, %mul3A_74 : i32
      %add3A_76 = arith.constant 5 : i32
      %add3A_77 = arith.addi %mul3A_75, %add3A_76 : i32
      %dma_start3A_78 = arith.constant 0 : i32
      %dma_start3A_79 = tpu.memref_slice %arg4[%add3A_77, %dma_start3A_78] : memref<80x128xi32, #tpu.memory_space<vmem>> -> memref<1x128xi32, #tpu.memory_space<vmem>>
      %dma_start3A_80 = tpu.memref_squeeze %dma_start3A_79 : memref<1x128xi32, #tpu.memory_space<vmem>> -> memref<128xi32, #tpu.memory_space<vmem>>
      %dma_start3A_81 = arith.constant 0 : i32
      %dma_start3A_82 = tpu.memref_slice %arg7[%dma_start3A_81] : memref<10240xf32, #tpu.memory_space<vmem_shared>> -> memref<10240xf32, #tpu.memory_space<vmem_shared>>
      tpu.enqueue_indirect_dma source(%arg5 : memref<128xf32, #tpu.memory_space<vmem>>) target(%dma_start3A_82 : memref<10240xf32, #tpu.memory_space<vmem_shared>>) offsets(%dma_start3A_80 : memref<128xi32, #tpu.memory_space<vmem>>) semaphore(%arg8 : memref<!tpu.dma_semaphore, #tpu.memory_space<semaphore_mem>>) {add = true}
      %mul3A_83 = arith.constant 8 : i32
      %mul3A_84 = arith.muli %scan3A_28, %mul3A_83 : i32
      %add3A_85 = arith.constant 6 : i32
      %add3A_86 = arith.addi %mul3A_84, %add3A_85 : i32
      %dma_start3A_87 = arith.constant 0 : i32
      %dma_start3A_88 = tpu.memref_slice %arg4[%add3A_86, %dma_start3A_87] : memref<80x128xi32, #tpu.memory_space<vmem>> -> memref<1x128xi32, #tpu.memory_space<vmem>>
      %dma_start3A_89 = tpu.memref_squeeze %dma_start3A_88 : memref<1x128xi32, #tpu.memory_space<vmem>> -> memref<128xi32, #tpu.memory_space<vmem>>
      %dma_start3A_90 = arith.constant 0 : i32
      %dma_start3A_91 = tpu.memref_slice %arg7[%dma_start3A_90] : memref<10240xf32, #tpu.memory_space<vmem_shared>> -> memref<10240xf32, #tpu.memory_space<vmem_shared>>
      tpu.enqueue_indirect_dma source(%arg5 : memref<128xf32, #tpu.memory_space<vmem>>) target(%dma_start3A_91 : memref<10240xf32, #tpu.memory_space<vmem_shared>>) offsets(%dma_start3A_89 : memref<128xi32, #tpu.memory_space<vmem>>) semaphore(%arg8 : memref<!tpu.dma_semaphore, #tpu.memory_space<semaphore_mem>>) {add = true}
      %mul3A_92 = arith.constant 8 : i32
      %mul3A_93 = arith.muli %scan3A_28, %mul3A_92 : i32
      %add3A_94 = arith.constant 7 : i32
      %add3A_95 = arith.addi %mul3A_93, %add3A_94 : i32
      %dma_start3A_96 = arith.constant 0 : i32
      %dma_start3A_97 = tpu.memref_slice %arg4[%add3A_95, %dma_start3A_96] : memref<80x128xi32, #tpu.memory_space<vmem>> -> memref<1x128xi32, #tpu.memory_space<vmem>>
      %dma_start3A_98 = tpu.memref_squeeze %dma_start3A_97 : memref<1x128xi32, #tpu.memory_space<vmem>> -> memref<128xi32, #tpu.memory_space<vmem>>
      %dma_start3A_99 = arith.constant 0 : i32
      %dma_start3A_100 = tpu.memref_slice %arg7[%dma_start3A_99] : memref<10240xf32, #tpu.memory_space<vmem_shared>> -> memref<10240xf32, #tpu.memory_space<vmem_shared>>
      tpu.enqueue_indirect_dma source(%arg5 : memref<128xf32, #tpu.memory_space<vmem>>) target(%dma_start3A_100 : memref<10240xf32, #tpu.memory_space<vmem_shared>>) offsets(%dma_start3A_98 : memref<128xi32, #tpu.memory_space<vmem>>) semaphore(%arg8 : memref<!tpu.dma_semaphore, #tpu.memory_space<semaphore_mem>>) {add = true}
      %mul3A_101 = arith.constant 8 : i32
      %mul3A_102 = arith.muli %scan3A_28, %mul3A_101 : i32
      %add3A_103 = arith.constant 0 : i32
      %add3A_104 = arith.addi %mul3A_102, %add3A_103 : i32
      %dma_wait3A = arith.constant 0 : i32
      %dma_wait3A_105 = tpu.memref_slice %arg4[%add3A_104, %dma_wait3A] : memref<80x128xi32, #tpu.memory_space<vmem>> -> memref<1x128xi32, #tpu.memory_space<vmem>>
      %dma_wait3A_106 = tpu.memref_squeeze %dma_wait3A_105 : memref<1x128xi32, #tpu.memory_space<vmem>> -> memref<128xi32, #tpu.memory_space<vmem>>
      %dma_wait3A_107 = arith.constant 0 : i32
      %dma_wait3A_108 = tpu.memref_slice %arg7[%dma_wait3A_107] : memref<10240xf32, #tpu.memory_space<vmem_shared>> -> memref<10240xf32, #tpu.memory_space<vmem_shared>>
      tpu.wait_indirect_dma semaphore(%arg8 : memref<!tpu.dma_semaphore, #tpu.memory_space<semaphore_mem>>) src(%arg5 : memref<128xf32, #tpu.memory_space<vmem>>) dst(%dma_wait3A_108 : memref<10240xf32, #tpu.memory_space<vmem_shared>>)
      %mul3A_109 = arith.constant 8 : i32
      %mul3A_110 = arith.muli %scan3A_28, %mul3A_109 : i32
      %add3A_111 = arith.constant 1 : i32
      %add3A_112 = arith.addi %mul3A_110, %add3A_111 : i32
      %dma_wait3A_113 = arith.constant 0 : i32
      %dma_wait3A_114 = tpu.memref_slice %arg4[%add3A_112, %dma_wait3A_113] : memref<80x128xi32, #tpu.memory_space<vmem>> -> memref<1x128xi32, #tpu.memory_space<vmem>>
      %dma_wait3A_115 = tpu.memref_squeeze %dma_wait3A_114 : memref<1x128xi32, #tpu.memory_space<vmem>> -> memref<128xi32, #tpu.memory_space<vmem>>
      %dma_wait3A_116 = arith.constant 0 : i32
      %dma_wait3A_117 = tpu.memref_slice %arg7[%dma_wait3A_116] : memref<10240xf32, #tpu.memory_space<vmem_shared>> -> memref<10240xf32, #tpu.memory_space<vmem_shared>>
      tpu.wait_indirect_dma semaphore(%arg8 : memref<!tpu.dma_semaphore, #tpu.memory_space<semaphore_mem>>) src(%arg5 : memref<128xf32, #tpu.memory_space<vmem>>) dst(%dma_wait3A_117 : memref<10240xf32, #tpu.memory_space<vmem_shared>>)
      %mul3A_118 = arith.constant 8 : i32
      %mul3A_119 = arith.muli %scan3A_28, %mul3A_118 : i32
      %add3A_120 = arith.constant 2 : i32
      %add3A_121 = arith.addi %mul3A_119, %add3A_120 : i32
      %dma_wait3A_122 = arith.constant 0 : i32
      %dma_wait3A_123 = tpu.memref_slice %arg4[%add3A_121, %dma_wait3A_122] : memref<80x128xi32, #tpu.memory_space<vmem>> -> memref<1x128xi32, #tpu.memory_space<vmem>>
      %dma_wait3A_124 = tpu.memref_squeeze %dma_wait3A_123 : memref<1x128xi32, #tpu.memory_space<vmem>> -> memref<128xi32, #tpu.memory_space<vmem>>
      %dma_wait3A_125 = arith.constant 0 : i32
      %dma_wait3A_126 = tpu.memref_slice %arg7[%dma_wait3A_125] : memref<10240xf32, #tpu.memory_space<vmem_shared>> -> memref<10240xf32, #tpu.memory_space<vmem_shared>>
      tpu.wait_indirect_dma semaphore(%arg8 : memref<!tpu.dma_semaphore, #tpu.memory_space<semaphore_mem>>) src(%arg5 : memref<128xf32, #tpu.memory_space<vmem>>) dst(%dma_wait3A_126 : memref<10240xf32, #tpu.memory_space<vmem_shared>>)
      %mul3A_127 = arith.constant 8 : i32
      %mul3A_128 = arith.muli %scan3A_28, %mul3A_127 : i32
      %add3A_129 = arith.constant 3 : i32
      %add3A_130 = arith.addi %mul3A_128, %add3A_129 : i32
      %dma_wait3A_131 = arith.constant 0 : i32
      %dma_wait3A_132 = tpu.memref_slice %arg4[%add3A_130, %dma_wait3A_131] : memref<80x128xi32, #tpu.memory_space<vmem>> -> memref<1x128xi32, #tpu.memory_space<vmem>>
      %dma_wait3A_133 = tpu.memref_squeeze %dma_wait3A_132 : memref<1x128xi32, #tpu.memory_space<vmem>> -> memref<128xi32, #tpu.memory_space<vmem>>
      %dma_wait3A_134 = arith.constant 0 : i32
      %dma_wait3A_135 = tpu.memref_slice %arg7[%dma_wait3A_134] : memref<10240xf32, #tpu.memory_space<vmem_shared>> -> memref<10240xf32, #tpu.memory_space<vmem_shared>>
      tpu.wait_indirect_dma semaphore(%arg8 : memref<!tpu.dma_semaphore, #tpu.memory_space<semaphore_mem>>) src(%arg5 : memref<128xf32, #tpu.memory_space<vmem>>) dst(%dma_wait3A_135 : memref<10240xf32, #tpu.memory_space<vmem_shared>>)
      %mul3A_136 = arith.constant 8 : i32
      %mul3A_137 = arith.muli %scan3A_28, %mul3A_136 : i32
      %add3A_138 = arith.constant 4 : i32
      %add3A_139 = arith.addi %mul3A_137, %add3A_138 : i32
      %dma_wait3A_140 = arith.constant 0 : i32
      %dma_wait3A_141 = tpu.memref_slice %arg4[%add3A_139, %dma_wait3A_140] : memref<80x128xi32, #tpu.memory_space<vmem>> -> memref<1x128xi32, #tpu.memory_space<vmem>>
      %dma_wait3A_142 = tpu.memref_squeeze %dma_wait3A_141 : memref<1x128xi32, #tpu.memory_space<vmem>> -> memref<128xi32, #tpu.memory_space<vmem>>
      %dma_wait3A_143 = arith.constant 0 : i32
      %dma_wait3A_144 = tpu.memref_slice %arg7[%dma_wait3A_143] : memref<10240xf32, #tpu.memory_space<vmem_shared>> -> memref<10240xf32, #tpu.memory_space<vmem_shared>>
      tpu.wait_indirect_dma semaphore(%arg8 : memref<!tpu.dma_semaphore, #tpu.memory_space<semaphore_mem>>) src(%arg5 : memref<128xf32, #tpu.memory_space<vmem>>) dst(%dma_wait3A_144 : memref<10240xf32, #tpu.memory_space<vmem_shared>>)
      %mul3A_145 = arith.constant 8 : i32
      %mul3A_146 = arith.muli %scan3A_28, %mul3A_145 : i32
      %add3A_147 = arith.constant 5 : i32
      %add3A_148 = arith.addi %mul3A_146, %add3A_147 : i32
      %dma_wait3A_149 = arith.constant 0 : i32
      %dma_wait3A_150 = tpu.memref_slice %arg4[%add3A_148, %dma_wait3A_149] : memref<80x128xi32, #tpu.memory_space<vmem>> -> memref<1x128xi32, #tpu.memory_space<vmem>>
      %dma_wait3A_151 = tpu.memref_squeeze %dma_wait3A_150 : memref<1x128xi32, #tpu.memory_space<vmem>> -> memref<128xi32, #tpu.memory_space<vmem>>
      %dma_wait3A_152 = arith.constant 0 : i32
      %dma_wait3A_153 = tpu.memref_slice %arg7[%dma_wait3A_152] : memref<10240xf32, #tpu.memory_space<vmem_shared>> -> memref<10240xf32, #tpu.memory_space<vmem_shared>>
      tpu.wait_indirect_dma semaphore(%arg8 : memref<!tpu.dma_semaphore, #tpu.memory_space<semaphore_mem>>) src(%arg5 : memref<128xf32, #tpu.memory_space<vmem>>) dst(%dma_wait3A_153 : memref<10240xf32, #tpu.memory_space<vmem_shared>>)
      %mul3A_154 = arith.constant 8 : i32
      %mul3A_155 = arith.muli %scan3A_28, %mul3A_154 : i32
      %add3A_156 = arith.constant 6 : i32
      %add3A_157 = arith.addi %mul3A_155, %add3A_156 : i32
      %dma_wait3A_158 = arith.constant 0 : i32
      %dma_wait3A_159 = tpu.memref_slice %arg4[%add3A_157, %dma_wait3A_158] : memref<80x128xi32, #tpu.memory_space<vmem>> -> memref<1x128xi32, #tpu.memory_space<vmem>>
      %dma_wait3A_160 = tpu.memref_squeeze %dma_wait3A_159 : memref<1x128xi32, #tpu.memory_space<vmem>> -> memref<128xi32, #tpu.memory_space<vmem>>
      %dma_wait3A_161 = arith.constant 0 : i32
      %dma_wait3A_162 = tpu.memref_slice %arg7[%dma_wait3A_161] : memref<10240xf32, #tpu.memory_space<vmem_shared>> -> memref<10240xf32, #tpu.memory_space<vmem_shared>>
      tpu.wait_indirect_dma semaphore(%arg8 : memref<!tpu.dma_semaphore, #tpu.memory_space<semaphore_mem>>) src(%arg5 : memref<128xf32, #tpu.memory_space<vmem>>) dst(%dma_wait3A_162 : memref<10240xf32, #tpu.memory_space<vmem_shared>>)
      %mul3A_163 = arith.constant 8 : i32
      %mul3A_164 = arith.muli %scan3A_28, %mul3A_163 : i32
      %add3A_165 = arith.constant 7 : i32
      %add3A_166 = arith.addi %mul3A_164, %add3A_165 : i32
      %dma_wait3A_167 = arith.constant 0 : i32
      %dma_wait3A_168 = tpu.memref_slice %arg4[%add3A_166, %dma_wait3A_167] : memref<80x128xi32, #tpu.memory_space<vmem>> -> memref<1x128xi32, #tpu.memory_space<vmem>>
      %dma_wait3A_169 = tpu.memref_squeeze %dma_wait3A_168 : memref<1x128xi32, #tpu.memory_space<vmem>> -> memref<128xi32, #tpu.memory_space<vmem>>
      %dma_wait3A_170 = arith.constant 0 : i32
      %dma_wait3A_171 = tpu.memref_slice %arg7[%dma_wait3A_170] : memref<10240xf32, #tpu.memory_space<vmem_shared>> -> memref<10240xf32, #tpu.memory_space<vmem_shared>>
      tpu.wait_indirect_dma semaphore(%arg8 : memref<!tpu.dma_semaphore, #tpu.memory_space<semaphore_mem>>) src(%arg5 : memref<128xf32, #tpu.memory_space<vmem>>) dst(%dma_wait3A_171 : memref<10240xf32, #tpu.memory_space<vmem_shared>>)
      %scan3A_172 = arith.constant 0 : i32
      scf.yield %scan3A_172 : i32
    }
    %scan3A_22 = arith.constant 10 : i32
    %barrier3A_23 = arith.constant 0 : index
    tpu.barrier barrier_id(%barrier3A_23)
    %mul3A_24 = arith.constant 640 : i32
    %mul3A_25 = arith.muli %arg1, %mul3A_24 : i32
    "tpu.region"() ({
      %run_scoped3A = tpu.sem_alloc : memref<!tpu.dma_semaphore, #tpu.memory_space<semaphore_mem>>
      %dma_start3A = tpu.memref_slice %arg7[%mul3A_25] : memref<10240xf32, #tpu.memory_space<vmem_shared>> -> memref<640xf32, #tpu.memory_space<vmem_shared>>
      %dma_start3A_28 = tpu.memref_slice %arg7[%mul3A_25] : memref<10240xf32, #tpu.memory_space<vmem_shared>> -> memref<640xf32, #tpu.memory_space<vmem_shared>>
      tpu.enqueue_dma source(%dma_start3A_28 : memref<640xf32, #tpu.memory_space<vmem_shared>>) target(%arg6 : memref<640xf32, #tpu.memory_space<vmem>>) target_semaphore(%run_scoped3A : memref<!tpu.dma_semaphore, #tpu.memory_space<semaphore_mem>>)
      %dma_wait3A = tpu.memref_slice %arg7[%mul3A_25] : memref<10240xf32, #tpu.memory_space<vmem_shared>> -> memref<640xf32, #tpu.memory_space<vmem_shared>>
      %dma_wait3A_29 = tpu.memref_slice %arg7[%mul3A_25] : memref<10240xf32, #tpu.memory_space<vmem_shared>> -> memref<640xf32, #tpu.memory_space<vmem_shared>>
      tpu.wait_dma2 semaphore(%run_scoped3A : memref<!tpu.dma_semaphore, #tpu.memory_space<semaphore_mem>>) src(%dma_wait3A_29 : memref<640xf32, #tpu.memory_space<vmem_shared>>) dst(%arg6 : memref<640xf32, #tpu.memory_space<vmem>>)
      tpu.yield
    }) : () -> ()
    %mul3A_26 = arith.constant 640 : i32
    %mul3A_27 = arith.muli %arg1, %mul3A_26 : i32
    "tpu.region"() ({
      %run_scoped3A = tpu.sem_alloc : memref<!tpu.dma_semaphore, #tpu.memory_space<semaphore_mem>>
      %dma_start3A = tpu.memref_slice %arg3[%arg0, %mul3A_27] : memref<2x10240xf32, #tpu.memory_space<hbm>> -> memref<1x640xf32, #tpu.memory_space<hbm>>
      %dma_start3A_28 = tpu.memref_squeeze %dma_start3A : memref<1x640xf32, #tpu.memory_space<hbm>> -> memref<640xf32, #tpu.memory_space<hbm>>
      %dma_start3A_29 = tpu.memref_slice %arg3[%arg0, %mul3A_27] : memref<2x10240xf32, #tpu.memory_space<hbm>> -> memref<1x640xf32, #tpu.memory_space<hbm>>
      %dma_start3A_30 = tpu.memref_squeeze %dma_start3A_29 : memref<1x640xf32, #tpu.memory_space<hbm>> -> memref<640xf32, #tpu.memory_space<hbm>>
      tpu.enqueue_dma source(%arg6 : memref<640xf32, #tpu.memory_space<vmem>>) target(%dma_start3A_30 : memref<640xf32, #tpu.memory_space<hbm>>) target_semaphore(%run_scoped3A : memref<!tpu.dma_semaphore, #tpu.memory_space<semaphore_mem>>)
      %dma_wait3A = tpu.memref_slice %arg3[%arg0, %mul3A_27] : memref<2x10240xf32, #tpu.memory_space<hbm>> -> memref<1x640xf32, #tpu.memory_space<hbm>>
      %dma_wait3A_31 = tpu.memref_squeeze %dma_wait3A : memref<1x640xf32, #tpu.memory_space<hbm>> -> memref<640xf32, #tpu.memory_space<hbm>>
      %dma_wait3A_32 = tpu.memref_slice %arg3[%arg0, %mul3A_27] : memref<2x10240xf32, #tpu.memory_space<hbm>> -> memref<1x640xf32, #tpu.memory_space<hbm>>
      %dma_wait3A_33 = tpu.memref_squeeze %dma_wait3A_32 : memref<1x640xf32, #tpu.memory_space<hbm>> -> memref<640xf32, #tpu.memory_space<hbm>>
      tpu.wait_dma2 semaphore(%run_scoped3A : memref<!tpu.dma_semaphore, #tpu.memory_space<semaphore_mem>>) src(%arg6 : memref<640xf32, #tpu.memory_space<vmem>>) dst(%dma_wait3A_33 : memref<640xf32, #tpu.memory_space<hbm>>)
      tpu.yield
    }) : () -> ()
    return
  }
}

#map = affine_map<(d0, d1) -> (0, 0, 0)>
module attributes {stable_mosaic.version = 14 : i64} {
  func.func @_agg_kernel(%arg0: i32, %arg1: i32, %arg2: memref<2x10240x64xf32, #tpu.memory_space<hbm>>, %arg3: memref<16x160x128xi32, #tpu.memory_space<hbm>>, %arg4: memref<16x160x128xi32, #tpu.memory_space<hbm>>, %arg5: memref<2x10240x64xf32, #tpu.memory_space<hbm>>, %arg6: memref<20x128xi32, #tpu.memory_space<vmem>>, %arg7: memref<20x128xi32, #tpu.memory_space<vmem>>, %arg8: memref<20x128xi32, #tpu.memory_space<vmem>>, %arg9: memref<20x128xi32, #tpu.memory_space<vmem>>, %arg10: memref<128x64xf32, #tpu.memory_space<vmem>>, %arg11: memref<128x64xf32, #tpu.memory_space<vmem>>, %arg12: memref<128x64xf32, #tpu.memory_space<vmem>>, %arg13: memref<128x64xf32, #tpu.memory_space<vmem>>, %arg14: memref<!tpu.dma_semaphore, #tpu.memory_space<semaphore_mem>>, %arg15: memref<!tpu.dma_semaphore, #tpu.memory_space<semaphore_mem>>, %arg16: memref<!tpu.dma_semaphore, #tpu.memory_space<semaphore_mem>>, %arg17: memref<!tpu.dma_semaphore, #tpu.memory_space<semaphore_mem>>, %arg18: memref<!tpu.dma_semaphore, #tpu.memory_space<semaphore_mem>>, %arg19: memref<!tpu.dma_semaphore, #tpu.memory_space<semaphore_mem>>, %arg20: memref<!tpu.dma_semaphore, #tpu.memory_space<semaphore_mem>>, %arg21: memref<!tpu.dma_semaphore, #tpu.memory_space<semaphore_mem>>, %arg22: memref<!tpu.dma_semaphore, #tpu.memory_space<semaphore_mem>>, %arg23: memref<10240x64xf32, #tpu.memory_space<vmem_shared>>, %arg24: memref<10240x64xf32, #tpu.memory_space<vmem_shared>>) attributes {dimension_semantics = [#tpu.dimension_semantics<core_parallel>, #tpu.dimension_semantics<subcore_parallel>], iteration_bounds = array<i64: 2, 16>, scalar_prefetch = 0 : i64, scratch_operands = 19 : i64, tpu.core_type = #tpu.core_type<sc_vector_subcore>, window_params = [{transform_indices = #map}, {transform_indices = #map}, {transform_indices = #map}, {transform_indices = #map}]} {
    %scan3A = arith.constant 0 : i32
    %scan3A_0 = arith.constant 0 : i32
    %scan3A_1 = arith.constant 5 : i32
    %scan3A_2 = arith.addi %scan3A_0, %scan3A_1 : i32
    %scan3A_3 = arith.constant 1 : i32
    %scan3A_4 = scf.for %scan3A_516 = %scan3A_0 to %scan3A_2 step %scan3A_3 iter_args(%scan3A_517 = %scan3A) -> (i32)  : i32 {
      %mul3A = arith.constant 640 : i32
      %mul3A_518 = arith.muli %arg1, %mul3A : i32
      %mul3A_519 = arith.constant 128 : i32
      %mul3A_520 = arith.muli %scan3A_516, %mul3A_519 : i32
      %add3A = arith.addi %mul3A_518, %mul3A_520 : i32
      "tpu.region"() ({
        %run_scoped3A = tpu.sem_alloc : memref<!tpu.dma_semaphore, #tpu.memory_space<semaphore_mem>>
        %dma_start3A_522 = arith.constant 0 : i32
        %dma_start3A_523 = tpu.memref_slice %arg2[%arg0, %add3A, %dma_start3A_522] : memref<2x10240x64xf32, #tpu.memory_space<hbm>> -> memref<1x128x64xf32, #tpu.memory_space<hbm>>
        %dma_start3A_524 = tpu.memref_squeeze %dma_start3A_523 : memref<1x128x64xf32, #tpu.memory_space<hbm>> -> memref<128x64xf32, #tpu.memory_space<hbm>>
        %dma_start3A_525 = arith.constant 0 : i32
        %dma_start3A_526 = tpu.memref_slice %arg2[%arg0, %add3A, %dma_start3A_525] : memref<2x10240x64xf32, #tpu.memory_space<hbm>> -> memref<1x128x64xf32, #tpu.memory_space<hbm>>
        %dma_start3A_527 = tpu.memref_squeeze %dma_start3A_526 : memref<1x128x64xf32, #tpu.memory_space<hbm>> -> memref<128x64xf32, #tpu.memory_space<hbm>>
        tpu.enqueue_dma source(%dma_start3A_527 : memref<128x64xf32, #tpu.memory_space<hbm>>) target(%arg10 : memref<128x64xf32, #tpu.memory_space<vmem>>) target_semaphore(%run_scoped3A : memref<!tpu.dma_semaphore, #tpu.memory_space<semaphore_mem>>)
        %dma_wait3A_528 = arith.constant 0 : i32
        %dma_wait3A_529 = tpu.memref_slice %arg2[%arg0, %add3A, %dma_wait3A_528] : memref<2x10240x64xf32, #tpu.memory_space<hbm>> -> memref<1x128x64xf32, #tpu.memory_space<hbm>>
        %dma_wait3A_530 = tpu.memref_squeeze %dma_wait3A_529 : memref<1x128x64xf32, #tpu.memory_space<hbm>> -> memref<128x64xf32, #tpu.memory_space<hbm>>
        %dma_wait3A_531 = arith.constant 0 : i32
        %dma_wait3A_532 = tpu.memref_slice %arg2[%arg0, %add3A, %dma_wait3A_531] : memref<2x10240x64xf32, #tpu.memory_space<hbm>> -> memref<1x128x64xf32, #tpu.memory_space<hbm>>
        %dma_wait3A_533 = tpu.memref_squeeze %dma_wait3A_532 : memref<1x128x64xf32, #tpu.memory_space<hbm>> -> memref<128x64xf32, #tpu.memory_space<hbm>>
        tpu.wait_dma2 semaphore(%run_scoped3A : memref<!tpu.dma_semaphore, #tpu.memory_space<semaphore_mem>>) src(%dma_wait3A_533 : memref<128x64xf32, #tpu.memory_space<hbm>>) dst(%arg10 : memref<128x64xf32, #tpu.memory_space<vmem>>)
        tpu.yield
      }) : () -> ()
      "tpu.region"() ({
        %run_scoped3A = tpu.sem_alloc : memref<!tpu.dma_semaphore, #tpu.memory_space<semaphore_mem>>
        %dma_start3A_522 = arith.constant 0 : i32
        %dma_start3A_523 = tpu.memref_slice %arg23[%add3A, %dma_start3A_522] : memref<10240x64xf32, #tpu.memory_space<vmem_shared>> -> memref<128x64xf32, #tpu.memory_space<vmem_shared>>
        %dma_start3A_524 = arith.constant 0 : i32
        %dma_start3A_525 = tpu.memref_slice %arg23[%add3A, %dma_start3A_524] : memref<10240x64xf32, #tpu.memory_space<vmem_shared>> -> memref<128x64xf32, #tpu.memory_space<vmem_shared>>
        tpu.enqueue_dma source(%arg10 : memref<128x64xf32, #tpu.memory_space<vmem>>) target(%dma_start3A_525 : memref<128x64xf32, #tpu.memory_space<vmem_shared>>) target_semaphore(%run_scoped3A : memref<!tpu.dma_semaphore, #tpu.memory_space<semaphore_mem>>)
        %dma_wait3A_526 = arith.constant 0 : i32
        %dma_wait3A_527 = tpu.memref_slice %arg23[%add3A, %dma_wait3A_526] : memref<10240x64xf32, #tpu.memory_space<vmem_shared>> -> memref<128x64xf32, #tpu.memory_space<vmem_shared>>
        %dma_wait3A_528 = arith.constant 0 : i32
        %dma_wait3A_529 = tpu.memref_slice %arg23[%add3A, %dma_wait3A_528] : memref<10240x64xf32, #tpu.memory_space<vmem_shared>> -> memref<128x64xf32, #tpu.memory_space<vmem_shared>>
        tpu.wait_dma2 semaphore(%run_scoped3A : memref<!tpu.dma_semaphore, #tpu.memory_space<semaphore_mem>>) src(%arg10 : memref<128x64xf32, #tpu.memory_space<vmem>>) dst(%dma_wait3A_529 : memref<128x64xf32, #tpu.memory_space<vmem_shared>>)
        tpu.yield
      }) : () -> ()
      "tpu.region"() ({
        %run_scoped3A = tpu.sem_alloc : memref<!tpu.dma_semaphore, #tpu.memory_space<semaphore_mem>>
        %dma_start3A_522 = arith.constant 0 : i32
        %dma_start3A_523 = tpu.memref_slice %arg24[%add3A, %dma_start3A_522] : memref<10240x64xf32, #tpu.memory_space<vmem_shared>> -> memref<128x64xf32, #tpu.memory_space<vmem_shared>>
        %dma_start3A_524 = arith.constant 0 : i32
        %dma_start3A_525 = tpu.memref_slice %arg24[%add3A, %dma_start3A_524] : memref<10240x64xf32, #tpu.memory_space<vmem_shared>> -> memref<128x64xf32, #tpu.memory_space<vmem_shared>>
        tpu.enqueue_dma source(%arg10 : memref<128x64xf32, #tpu.memory_space<vmem>>) target(%dma_start3A_525 : memref<128x64xf32, #tpu.memory_space<vmem_shared>>) target_semaphore(%run_scoped3A : memref<!tpu.dma_semaphore, #tpu.memory_space<semaphore_mem>>)
        %dma_wait3A_526 = arith.constant 0 : i32
        %dma_wait3A_527 = tpu.memref_slice %arg24[%add3A, %dma_wait3A_526] : memref<10240x64xf32, #tpu.memory_space<vmem_shared>> -> memref<128x64xf32, #tpu.memory_space<vmem_shared>>
        %dma_wait3A_528 = arith.constant 0 : i32
        %dma_wait3A_529 = tpu.memref_slice %arg24[%add3A, %dma_wait3A_528] : memref<10240x64xf32, #tpu.memory_space<vmem_shared>> -> memref<128x64xf32, #tpu.memory_space<vmem_shared>>
        tpu.wait_dma2 semaphore(%run_scoped3A : memref<!tpu.dma_semaphore, #tpu.memory_space<semaphore_mem>>) src(%arg10 : memref<128x64xf32, #tpu.memory_space<vmem>>) dst(%dma_wait3A_529 : memref<128x64xf32, #tpu.memory_space<vmem_shared>>)
        tpu.yield
      }) : () -> ()
      %scan3A_521 = arith.constant 0 : i32
      scf.yield %scan3A_521 : i32
    }
    %scan3A_5 = arith.constant 5 : i32
    "tpu.region"() ({
      %run_scoped3A = tpu.sem_alloc : memref<!tpu.dma_semaphore, #tpu.memory_space<semaphore_mem>>
      %dma_start3A_516 = arith.constant 0 : i32
      %dma_start3A_517 = arith.constant 0 : i32
      %dma_start3A_518 = tpu.memref_slice %arg3[%arg1, %dma_start3A_516, %dma_start3A_517] : memref<16x160x128xi32, #tpu.memory_space<hbm>> -> memref<1x20x128xi32, #tpu.memory_space<hbm>>
      %dma_start3A_519 = tpu.memref_squeeze %dma_start3A_518 : memref<1x20x128xi32, #tpu.memory_space<hbm>> -> memref<20x128xi32, #tpu.memory_space<hbm>>
      %dma_start3A_520 = arith.constant 0 : i32
      %dma_start3A_521 = arith.constant 0 : i32
      %dma_start3A_522 = tpu.memref_slice %arg3[%arg1, %dma_start3A_520, %dma_start3A_521] : memref<16x160x128xi32, #tpu.memory_space<hbm>> -> memref<1x20x128xi32, #tpu.memory_space<hbm>>
      %dma_start3A_523 = tpu.memref_squeeze %dma_start3A_522 : memref<1x20x128xi32, #tpu.memory_space<hbm>> -> memref<20x128xi32, #tpu.memory_space<hbm>>
      tpu.enqueue_dma source(%dma_start3A_523 : memref<20x128xi32, #tpu.memory_space<hbm>>) target(%arg6 : memref<20x128xi32, #tpu.memory_space<vmem>>) target_semaphore(%run_scoped3A : memref<!tpu.dma_semaphore, #tpu.memory_space<semaphore_mem>>)
      %dma_wait3A_524 = arith.constant 0 : i32
      %dma_wait3A_525 = arith.constant 0 : i32
      %dma_wait3A_526 = tpu.memref_slice %arg3[%arg1, %dma_wait3A_524, %dma_wait3A_525] : memref<16x160x128xi32, #tpu.memory_space<hbm>> -> memref<1x20x128xi32, #tpu.memory_space<hbm>>
      %dma_wait3A_527 = tpu.memref_squeeze %dma_wait3A_526 : memref<1x20x128xi32, #tpu.memory_space<hbm>> -> memref<20x128xi32, #tpu.memory_space<hbm>>
      %dma_wait3A_528 = arith.constant 0 : i32
      %dma_wait3A_529 = arith.constant 0 : i32
      %dma_wait3A_530 = tpu.memref_slice %arg3[%arg1, %dma_wait3A_528, %dma_wait3A_529] : memref<16x160x128xi32, #tpu.memory_space<hbm>> -> memref<1x20x128xi32, #tpu.memory_space<hbm>>
      %dma_wait3A_531 = tpu.memref_squeeze %dma_wait3A_530 : memref<1x20x128xi32, #tpu.memory_space<hbm>> -> memref<20x128xi32, #tpu.memory_space<hbm>>
      tpu.wait_dma2 semaphore(%run_scoped3A : memref<!tpu.dma_semaphore, #tpu.memory_space<semaphore_mem>>) src(%dma_wait3A_531 : memref<20x128xi32, #tpu.memory_space<hbm>>) dst(%arg6 : memref<20x128xi32, #tpu.memory_space<vmem>>)
      tpu.yield
    }) : () -> ()
    "tpu.region"() ({
      %run_scoped3A = tpu.sem_alloc : memref<!tpu.dma_semaphore, #tpu.memory_space<semaphore_mem>>
      %dma_start3A_516 = arith.constant 0 : i32
      %dma_start3A_517 = arith.constant 0 : i32
      %dma_start3A_518 = tpu.memref_slice %arg4[%arg1, %dma_start3A_516, %dma_start3A_517] : memref<16x160x128xi32, #tpu.memory_space<hbm>> -> memref<1x20x128xi32, #tpu.memory_space<hbm>>
      %dma_start3A_519 = tpu.memref_squeeze %dma_start3A_518 : memref<1x20x128xi32, #tpu.memory_space<hbm>> -> memref<20x128xi32, #tpu.memory_space<hbm>>
      %dma_start3A_520 = arith.constant 0 : i32
      %dma_start3A_521 = arith.constant 0 : i32
      %dma_start3A_522 = tpu.memref_slice %arg4[%arg1, %dma_start3A_520, %dma_start3A_521] : memref<16x160x128xi32, #tpu.memory_space<hbm>> -> memref<1x20x128xi32, #tpu.memory_space<hbm>>
      %dma_start3A_523 = tpu.memref_squeeze %dma_start3A_522 : memref<1x20x128xi32, #tpu.memory_space<hbm>> -> memref<20x128xi32, #tpu.memory_space<hbm>>
      tpu.enqueue_dma source(%dma_start3A_523 : memref<20x128xi32, #tpu.memory_space<hbm>>) target(%arg8 : memref<20x128xi32, #tpu.memory_space<vmem>>) target_semaphore(%run_scoped3A : memref<!tpu.dma_semaphore, #tpu.memory_space<semaphore_mem>>)
      %dma_wait3A_524 = arith.constant 0 : i32
      %dma_wait3A_525 = arith.constant 0 : i32
      %dma_wait3A_526 = tpu.memref_slice %arg4[%arg1, %dma_wait3A_524, %dma_wait3A_525] : memref<16x160x128xi32, #tpu.memory_space<hbm>> -> memref<1x20x128xi32, #tpu.memory_space<hbm>>
      %dma_wait3A_527 = tpu.memref_squeeze %dma_wait3A_526 : memref<1x20x128xi32, #tpu.memory_space<hbm>> -> memref<20x128xi32, #tpu.memory_space<hbm>>
      %dma_wait3A_528 = arith.constant 0 : i32
      %dma_wait3A_529 = arith.constant 0 : i32
      %dma_wait3A_530 = tpu.memref_slice %arg4[%arg1, %dma_wait3A_528, %dma_wait3A_529] : memref<16x160x128xi32, #tpu.memory_space<hbm>> -> memref<1x20x128xi32, #tpu.memory_space<hbm>>
      %dma_wait3A_531 = tpu.memref_squeeze %dma_wait3A_530 : memref<1x20x128xi32, #tpu.memory_space<hbm>> -> memref<20x128xi32, #tpu.memory_space<hbm>>
      tpu.wait_dma2 semaphore(%run_scoped3A : memref<!tpu.dma_semaphore, #tpu.memory_space<semaphore_mem>>) src(%dma_wait3A_531 : memref<20x128xi32, #tpu.memory_space<hbm>>) dst(%arg8 : memref<20x128xi32, #tpu.memory_space<vmem>>)
      tpu.yield
    }) : () -> ()
    %barrier3A = arith.constant 0 : index
    tpu.barrier barrier_id(%barrier3A)
    %dma_start3A = arith.constant 20 : i32
    %dma_start3A_6 = arith.constant 0 : i32
    %dma_start3A_7 = tpu.memref_slice %arg3[%arg1, %dma_start3A, %dma_start3A_6] : memref<16x160x128xi32, #tpu.memory_space<hbm>> -> memref<1x20x128xi32, #tpu.memory_space<hbm>>
    %dma_start3A_8 = tpu.memref_squeeze %dma_start3A_7 : memref<1x20x128xi32, #tpu.memory_space<hbm>> -> memref<20x128xi32, #tpu.memory_space<hbm>>
    %dma_start3A_9 = arith.constant 20 : i32
    %dma_start3A_10 = arith.constant 0 : i32
    %dma_start3A_11 = tpu.memref_slice %arg3[%arg1, %dma_start3A_9, %dma_start3A_10] : memref<16x160x128xi32, #tpu.memory_space<hbm>> -> memref<1x20x128xi32, #tpu.memory_space<hbm>>
    %dma_start3A_12 = tpu.memref_squeeze %dma_start3A_11 : memref<1x20x128xi32, #tpu.memory_space<hbm>> -> memref<20x128xi32, #tpu.memory_space<hbm>>
    tpu.enqueue_dma source(%dma_start3A_12 : memref<20x128xi32, #tpu.memory_space<hbm>>) target(%arg7 : memref<20x128xi32, #tpu.memory_space<vmem>>) target_semaphore(%arg22 : memref<!tpu.dma_semaphore, #tpu.memory_space<semaphore_mem>>)
    %dma_start3A_13 = arith.constant 20 : i32
    %dma_start3A_14 = arith.constant 0 : i32
    %dma_start3A_15 = tpu.memref_slice %arg4[%arg1, %dma_start3A_13, %dma_start3A_14] : memref<16x160x128xi32, #tpu.memory_space<hbm>> -> memref<1x20x128xi32, #tpu.memory_space<hbm>>
    %dma_start3A_16 = tpu.memref_squeeze %dma_start3A_15 : memref<1x20x128xi32, #tpu.memory_space<hbm>> -> memref<20x128xi32, #tpu.memory_space<hbm>>
    %dma_start3A_17 = arith.constant 20 : i32
    %dma_start3A_18 = arith.constant 0 : i32
    %dma_start3A_19 = tpu.memref_slice %arg4[%arg1, %dma_start3A_17, %dma_start3A_18] : memref<16x160x128xi32, #tpu.memory_space<hbm>> -> memref<1x20x128xi32, #tpu.memory_space<hbm>>
    %dma_start3A_20 = tpu.memref_squeeze %dma_start3A_19 : memref<1x20x128xi32, #tpu.memory_space<hbm>> -> memref<20x128xi32, #tpu.memory_space<hbm>>
    tpu.enqueue_dma source(%dma_start3A_20 : memref<20x128xi32, #tpu.memory_space<hbm>>) target(%arg9 : memref<20x128xi32, #tpu.memory_space<vmem>>) target_semaphore(%arg22 : memref<!tpu.dma_semaphore, #tpu.memory_space<semaphore_mem>>)
    %dma_start3A_21 = arith.constant 0 : i32
    %dma_start3A_22 = arith.constant 0 : i32
    %dma_start3A_23 = tpu.memref_slice %arg6[%dma_start3A_21, %dma_start3A_22] : memref<20x128xi32, #tpu.memory_space<vmem>> -> memref<1x128xi32, #tpu.memory_space<vmem>>
    %dma_start3A_24 = tpu.memref_squeeze %dma_start3A_23 : memref<1x128xi32, #tpu.memory_space<vmem>> -> memref<128xi32, #tpu.memory_space<vmem>>
    %dma_start3A_25 = arith.constant 0 : i32
    %dma_start3A_26 = arith.constant 0 : i32
    %dma_start3A_27 = tpu.memref_slice %arg23[%dma_start3A_25, %dma_start3A_26] : memref<10240x64xf32, #tpu.memory_space<vmem_shared>> -> memref<10240x64xf32, #tpu.memory_space<vmem_shared>>
    tpu.enqueue_indirect_dma source(%dma_start3A_27 : memref<10240x64xf32, #tpu.memory_space<vmem_shared>>) target(%arg10 : memref<128x64xf32, #tpu.memory_space<vmem>>) offsets(%dma_start3A_24 : memref<128xi32, #tpu.memory_space<vmem>>) semaphore(%arg14 : memref<!tpu.dma_semaphore, #tpu.memory_space<semaphore_mem>>)
    %dma_start3A_28 = arith.constant 1 : i32
    %dma_start3A_29 = arith.constant 0 : i32
    %dma_start3A_30 = tpu.memref_slice %arg6[%dma_start3A_28, %dma_start3A_29] : memref<20x128xi32, #tpu.memory_space<vmem>> -> memref<1x128xi32, #tpu.memory_space<vmem>>
    %dma_start3A_31 = tpu.memref_squeeze %dma_start3A_30 : memref<1x128xi32, #tpu.memory_space<vmem>> -> memref<128xi32, #tpu.memory_space<vmem>>
    %dma_start3A_32 = arith.constant 0 : i32
    %dma_start3A_33 = arith.constant 0 : i32
    %dma_start3A_34 = tpu.memref_slice %arg23[%dma_start3A_32, %dma_start3A_33] : memref<10240x64xf32, #tpu.memory_space<vmem_shared>> -> memref<10240x64xf32, #tpu.memory_space<vmem_shared>>
    tpu.enqueue_indirect_dma source(%dma_start3A_34 : memref<10240x64xf32, #tpu.memory_space<vmem_shared>>) target(%arg11 : memref<128x64xf32, #tpu.memory_space<vmem>>) offsets(%dma_start3A_31 : memref<128xi32, #tpu.memory_space<vmem>>) semaphore(%arg15 : memref<!tpu.dma_semaphore, #tpu.memory_space<semaphore_mem>>)
    %scan3A_35 = arith.constant 0 : i32
    %scan3A_36 = arith.constant 0 : i32
    %scan3A_37 = arith.constant 5 : i32
    %scan3A_38 = arith.addi %scan3A_36, %scan3A_37 : i32
    %scan3A_39 = arith.constant 1 : i32
    %scan3A_40 = scf.for %scan3A_516 = %scan3A_36 to %scan3A_38 step %scan3A_39 iter_args(%scan3A_517 = %scan3A_35) -> (i32)  : i32 {
      %mul3A = arith.constant 4 : i32
      %mul3A_518 = arith.muli %scan3A_516, %mul3A : i32
      %add3A = arith.constant 0 : i32
      %add3A_519 = arith.addi %mul3A_518, %add3A : i32
      %dma_wait3A_520 = arith.constant 0 : i32
      %dma_wait3A_521 = tpu.memref_slice %arg6[%add3A_519, %dma_wait3A_520] : memref<20x128xi32, #tpu.memory_space<vmem>> -> memref<1x128xi32, #tpu.memory_space<vmem>>
      %dma_wait3A_522 = tpu.memref_squeeze %dma_wait3A_521 : memref<1x128xi32, #tpu.memory_space<vmem>> -> memref<128xi32, #tpu.memory_space<vmem>>
      %dma_wait3A_523 = arith.constant 0 : i32
      %dma_wait3A_524 = arith.constant 0 : i32
      %dma_wait3A_525 = tpu.memref_slice %arg23[%dma_wait3A_523, %dma_wait3A_524] : memref<10240x64xf32, #tpu.memory_space<vmem_shared>> -> memref<10240x64xf32, #tpu.memory_space<vmem_shared>>
      tpu.wait_indirect_dma semaphore(%arg14 : memref<!tpu.dma_semaphore, #tpu.memory_space<semaphore_mem>>) src(%dma_wait3A_525 : memref<10240x64xf32, #tpu.memory_space<vmem_shared>>) dst(%arg10 : memref<128x64xf32, #tpu.memory_space<vmem>>)
      %dma_start3A_526 = arith.constant 0 : i32
      %dma_start3A_527 = tpu.memref_slice %arg8[%add3A_519, %dma_start3A_526] : memref<20x128xi32, #tpu.memory_space<vmem>> -> memref<1x128xi32, #tpu.memory_space<vmem>>
      %dma_start3A_528 = tpu.memref_squeeze %dma_start3A_527 : memref<1x128xi32, #tpu.memory_space<vmem>> -> memref<128xi32, #tpu.memory_space<vmem>>
      %dma_start3A_529 = arith.constant 0 : i32
      %dma_start3A_530 = arith.constant 0 : i32
      %dma_start3A_531 = tpu.memref_slice %arg24[%dma_start3A_529, %dma_start3A_530] : memref<10240x64xf32, #tpu.memory_space<vmem_shared>> -> memref<10240x64xf32, #tpu.memory_space<vmem_shared>>
      tpu.enqueue_indirect_dma source(%arg10 : memref<128x64xf32, #tpu.memory_space<vmem>>) target(%dma_start3A_531 : memref<10240x64xf32, #tpu.memory_space<vmem_shared>>) offsets(%dma_start3A_528 : memref<128xi32, #tpu.memory_space<vmem>>) semaphore(%arg18 : memref<!tpu.dma_semaphore, #tpu.memory_space<semaphore_mem>>) {add = true}
      %ge3A = arith.constant 2 : i32
      %ge3A_532 = arith.cmpi sge, %add3A_519, %ge3A : i32
      %convert_element_type3A = arith.extui %ge3A_532 : i1 to i32
      %cond3A = arith.constant 0 : i32
      %cond3A_533 = arith.cmpi ne, %convert_element_type3A, %cond3A : i32
      scf.if %cond3A_533 {
        %sub3A = arith.constant 2 : i32
        %sub3A_619 = arith.subi %add3A_519, %sub3A : i32
        %dma_wait3A_620 = arith.constant 0 : i32
        %dma_wait3A_621 = tpu.memref_slice %arg8[%sub3A_619, %dma_wait3A_620] : memref<20x128xi32, #tpu.memory_space<vmem>> -> memref<1x128xi32, #tpu.memory_space<vmem>>
        %dma_wait3A_622 = tpu.memref_squeeze %dma_wait3A_621 : memref<1x128xi32, #tpu.memory_space<vmem>> -> memref<128xi32, #tpu.memory_space<vmem>>
        %dma_wait3A_623 = arith.constant 0 : i32
        %dma_wait3A_624 = arith.constant 0 : i32
        %dma_wait3A_625 = tpu.memref_slice %arg24[%dma_wait3A_623, %dma_wait3A_624] : memref<10240x64xf32, #tpu.memory_space<vmem_shared>> -> memref<10240x64xf32, #tpu.memory_space<vmem_shared>>
        tpu.wait_indirect_dma semaphore(%arg20 : memref<!tpu.dma_semaphore, #tpu.memory_space<semaphore_mem>>) src(%arg12 : memref<128x64xf32, #tpu.memory_space<vmem>>) dst(%dma_wait3A_625 : memref<10240x64xf32, #tpu.memory_space<vmem_shared>>)
      } else {
      }
      %add3A_534 = arith.constant 2 : i32
      %add3A_535 = arith.addi %add3A_519, %add3A_534 : i32
      %lt3A = arith.constant 20 : i32
      %lt3A_536 = arith.cmpi slt, %add3A_535, %lt3A : i32
      %convert_element_type3A_537 = arith.extui %lt3A_536 : i1 to i32
      %cond3A_538 = arith.constant 0 : i32
      %cond3A_539 = arith.cmpi ne, %convert_element_type3A_537, %cond3A_538 : i32
      scf.if %cond3A_539 {
        %add3A_619 = arith.constant 2 : i32
        %add3A_620 = arith.addi %add3A_519, %add3A_619 : i32
        %dma_start3A_621 = arith.constant 0 : i32
        %dma_start3A_622 = tpu.memref_slice %arg6[%add3A_620, %dma_start3A_621] : memref<20x128xi32, #tpu.memory_space<vmem>> -> memref<1x128xi32, #tpu.memory_space<vmem>>
        %dma_start3A_623 = tpu.memref_squeeze %dma_start3A_622 : memref<1x128xi32, #tpu.memory_space<vmem>> -> memref<128xi32, #tpu.memory_space<vmem>>
        %dma_start3A_624 = arith.constant 0 : i32
        %dma_start3A_625 = arith.constant 0 : i32
        %dma_start3A_626 = tpu.memref_slice %arg23[%dma_start3A_624, %dma_start3A_625] : memref<10240x64xf32, #tpu.memory_space<vmem_shared>> -> memref<10240x64xf32, #tpu.memory_space<vmem_shared>>
        tpu.enqueue_indirect_dma source(%dma_start3A_626 : memref<10240x64xf32, #tpu.memory_space<vmem_shared>>) target(%arg12 : memref<128x64xf32, #tpu.memory_space<vmem>>) offsets(%dma_start3A_623 : memref<128xi32, #tpu.memory_space<vmem>>) semaphore(%arg16 : memref<!tpu.dma_semaphore, #tpu.memory_space<semaphore_mem>>)
      } else {
      }
      %add3A_540 = arith.constant 1 : i32
      %add3A_541 = arith.addi %mul3A_518, %add3A_540 : i32
      %dma_wait3A_542 = arith.constant 0 : i32
      %dma_wait3A_543 = tpu.memref_slice %arg6[%add3A_541, %dma_wait3A_542] : memref<20x128xi32, #tpu.memory_space<vmem>> -> memref<1x128xi32, #tpu.memory_space<vmem>>
      %dma_wait3A_544 = tpu.memref_squeeze %dma_wait3A_543 : memref<1x128xi32, #tpu.memory_space<vmem>> -> memref<128xi32, #tpu.memory_space<vmem>>
      %dma_wait3A_545 = arith.constant 0 : i32
      %dma_wait3A_546 = arith.constant 0 : i32
      %dma_wait3A_547 = tpu.memref_slice %arg23[%dma_wait3A_545, %dma_wait3A_546] : memref<10240x64xf32, #tpu.memory_space<vmem_shared>> -> memref<10240x64xf32, #tpu.memory_space<vmem_shared>>
      tpu.wait_indirect_dma semaphore(%arg15 : memref<!tpu.dma_semaphore, #tpu.memory_space<semaphore_mem>>) src(%dma_wait3A_547 : memref<10240x64xf32, #tpu.memory_space<vmem_shared>>) dst(%arg11 : memref<128x64xf32, #tpu.memory_space<vmem>>)
      %dma_start3A_548 = arith.constant 0 : i32
      %dma_start3A_549 = tpu.memref_slice %arg8[%add3A_541, %dma_start3A_548] : memref<20x128xi32, #tpu.memory_space<vmem>> -> memref<1x128xi32, #tpu.memory_space<vmem>>
      %dma_start3A_550 = tpu.memref_squeeze %dma_start3A_549 : memref<1x128xi32, #tpu.memory_space<vmem>> -> memref<128xi32, #tpu.memory_space<vmem>>
      %dma_start3A_551 = arith.constant 0 : i32
      %dma_start3A_552 = arith.constant 0 : i32
      %dma_start3A_553 = tpu.memref_slice %arg24[%dma_start3A_551, %dma_start3A_552] : memref<10240x64xf32, #tpu.memory_space<vmem_shared>> -> memref<10240x64xf32, #tpu.memory_space<vmem_shared>>
      tpu.enqueue_indirect_dma source(%arg11 : memref<128x64xf32, #tpu.memory_space<vmem>>) target(%dma_start3A_553 : memref<10240x64xf32, #tpu.memory_space<vmem_shared>>) offsets(%dma_start3A_550 : memref<128xi32, #tpu.memory_space<vmem>>) semaphore(%arg19 : memref<!tpu.dma_semaphore, #tpu.memory_space<semaphore_mem>>) {add = true}
      %ge3A_554 = arith.constant 2 : i32
      %ge3A_555 = arith.cmpi sge, %add3A_541, %ge3A_554 : i32
      %convert_element_type3A_556 = arith.extui %ge3A_555 : i1 to i32
      %cond3A_557 = arith.constant 0 : i32
      %cond3A_558 = arith.cmpi ne, %convert_element_type3A_556, %cond3A_557 : i32
      scf.if %cond3A_558 {
        %sub3A = arith.constant 2 : i32
        %sub3A_619 = arith.subi %add3A_541, %sub3A : i32
        %dma_wait3A_620 = arith.constant 0 : i32
        %dma_wait3A_621 = tpu.memref_slice %arg8[%sub3A_619, %dma_wait3A_620] : memref<20x128xi32, #tpu.memory_space<vmem>> -> memref<1x128xi32, #tpu.memory_space<vmem>>
        %dma_wait3A_622 = tpu.memref_squeeze %dma_wait3A_621 : memref<1x128xi32, #tpu.memory_space<vmem>> -> memref<128xi32, #tpu.memory_space<vmem>>
        %dma_wait3A_623 = arith.constant 0 : i32
        %dma_wait3A_624 = arith.constant 0 : i32
        %dma_wait3A_625 = tpu.memref_slice %arg24[%dma_wait3A_623, %dma_wait3A_624] : memref<10240x64xf32, #tpu.memory_space<vmem_shared>> -> memref<10240x64xf32, #tpu.memory_space<vmem_shared>>
        tpu.wait_indirect_dma semaphore(%arg21 : memref<!tpu.dma_semaphore, #tpu.memory_space<semaphore_mem>>) src(%arg13 : memref<128x64xf32, #tpu.memory_space<vmem>>) dst(%dma_wait3A_625 : memref<10240x64xf32, #tpu.memory_space<vmem_shared>>)
      } else {
      }
      %add3A_559 = arith.constant 2 : i32
      %add3A_560 = arith.addi %add3A_541, %add3A_559 : i32
      %lt3A_561 = arith.constant 20 : i32
      %lt3A_562 = arith.cmpi slt, %add3A_560, %lt3A_561 : i32
      %convert_element_type3A_563 = arith.extui %lt3A_562 : i1 to i32
      %cond3A_564 = arith.constant 0 : i32
      %cond3A_565 = arith.cmpi ne, %convert_element_type3A_563, %cond3A_564 : i32
      scf.if %cond3A_565 {
        %add3A_619 = arith.constant 2 : i32
        %add3A_620 = arith.addi %add3A_541, %add3A_619 : i32
        %dma_start3A_621 = arith.constant 0 : i32
        %dma_start3A_622 = tpu.memref_slice %arg6[%add3A_620, %dma_start3A_621] : memref<20x128xi32, #tpu.memory_space<vmem>> -> memref<1x128xi32, #tpu.memory_space<vmem>>
        %dma_start3A_623 = tpu.memref_squeeze %dma_start3A_622 : memref<1x128xi32, #tpu.memory_space<vmem>> -> memref<128xi32, #tpu.memory_space<vmem>>
        %dma_start3A_624 = arith.constant 0 : i32
        %dma_start3A_625 = arith.constant 0 : i32
        %dma_start3A_626 = tpu.memref_slice %arg23[%dma_start3A_624, %dma_start3A_625] : memref<10240x64xf32, #tpu.memory_space<vmem_shared>> -> memref<10240x64xf32, #tpu.memory_space<vmem_shared>>
        tpu.enqueue_indirect_dma source(%dma_start3A_626 : memref<10240x64xf32, #tpu.memory_space<vmem_shared>>) target(%arg13 : memref<128x64xf32, #tpu.memory_space<vmem>>) offsets(%dma_start3A_623 : memref<128xi32, #tpu.memory_space<vmem>>) semaphore(%arg17 : memref<!tpu.dma_semaphore, #tpu.memory_space<semaphore_mem>>)
      } else {
      }
      %add3A_566 = arith.constant 2 : i32
      %add3A_567 = arith.addi %mul3A_518, %add3A_566 : i32
      %dma_wait3A_568 = arith.constant 0 : i32
      %dma_wait3A_569 = tpu.memref_slice %arg6[%add3A_567, %dma_wait3A_568] : memref<20x128xi32, #tpu.memory_space<vmem>> -> memref<1x128xi32, #tpu.memory_space<vmem>>
      %dma_wait3A_570 = tpu.memref_squeeze %dma_wait3A_569 : memref<1x128xi32, #tpu.memory_space<vmem>> -> memref<128xi32, #tpu.memory_space<vmem>>
      %dma_wait3A_571 = arith.constant 0 : i32
      %dma_wait3A_572 = arith.constant 0 : i32
      %dma_wait3A_573 = tpu.memref_slice %arg23[%dma_wait3A_571, %dma_wait3A_572] : memref<10240x64xf32, #tpu.memory_space<vmem_shared>> -> memref<10240x64xf32, #tpu.memory_space<vmem_shared>>
      tpu.wait_indirect_dma semaphore(%arg16 : memref<!tpu.dma_semaphore, #tpu.memory_space<semaphore_mem>>) src(%dma_wait3A_573 : memref<10240x64xf32, #tpu.memory_space<vmem_shared>>) dst(%arg12 : memref<128x64xf32, #tpu.memory_space<vmem>>)
      %dma_start3A_574 = arith.constant 0 : i32
      %dma_start3A_575 = tpu.memref_slice %arg8[%add3A_567, %dma_start3A_574] : memref<20x128xi32, #tpu.memory_space<vmem>> -> memref<1x128xi32, #tpu.memory_space<vmem>>
      %dma_start3A_576 = tpu.memref_squeeze %dma_start3A_575 : memref<1x128xi32, #tpu.memory_space<vmem>> -> memref<128xi32, #tpu.memory_space<vmem>>
      %dma_start3A_577 = arith.constant 0 : i32
      %dma_start3A_578 = arith.constant 0 : i32
      %dma_start3A_579 = tpu.memref_slice %arg24[%dma_start3A_577, %dma_start3A_578] : memref<10240x64xf32, #tpu.memory_space<vmem_shared>> -> memref<10240x64xf32, #tpu.memory_space<vmem_shared>>
      tpu.enqueue_indirect_dma source(%arg12 : memref<128x64xf32, #tpu.memory_space<vmem>>) target(%dma_start3A_579 : memref<10240x64xf32, #tpu.memory_space<vmem_shared>>) offsets(%dma_start3A_576 : memref<128xi32, #tpu.memory_space<vmem>>) semaphore(%arg20 : memref<!tpu.dma_semaphore, #tpu.memory_space<semaphore_mem>>) {add = true}
      %ge3A_580 = arith.constant 2 : i32
      %ge3A_581 = arith.cmpi sge, %add3A_567, %ge3A_580 : i32
      %convert_element_type3A_582 = arith.extui %ge3A_581 : i1 to i32
      %cond3A_583 = arith.constant 0 : i32
      %cond3A_584 = arith.cmpi ne, %convert_element_type3A_582, %cond3A_583 : i32
      scf.if %cond3A_584 {
        %sub3A = arith.constant 2 : i32
        %sub3A_619 = arith.subi %add3A_567, %sub3A : i32
        %dma_wait3A_620 = arith.constant 0 : i32
        %dma_wait3A_621 = tpu.memref_slice %arg8[%sub3A_619, %dma_wait3A_620] : memref<20x128xi32, #tpu.memory_space<vmem>> -> memref<1x128xi32, #tpu.memory_space<vmem>>
        %dma_wait3A_622 = tpu.memref_squeeze %dma_wait3A_621 : memref<1x128xi32, #tpu.memory_space<vmem>> -> memref<128xi32, #tpu.memory_space<vmem>>
        %dma_wait3A_623 = arith.constant 0 : i32
        %dma_wait3A_624 = arith.constant 0 : i32
        %dma_wait3A_625 = tpu.memref_slice %arg24[%dma_wait3A_623, %dma_wait3A_624] : memref<10240x64xf32, #tpu.memory_space<vmem_shared>> -> memref<10240x64xf32, #tpu.memory_space<vmem_shared>>
        tpu.wait_indirect_dma semaphore(%arg18 : memref<!tpu.dma_semaphore, #tpu.memory_space<semaphore_mem>>) src(%arg10 : memref<128x64xf32, #tpu.memory_space<vmem>>) dst(%dma_wait3A_625 : memref<10240x64xf32, #tpu.memory_space<vmem_shared>>)
      } else {
      }
      %add3A_585 = arith.constant 2 : i32
      %add3A_586 = arith.addi %add3A_567, %add3A_585 : i32
      %lt3A_587 = arith.constant 20 : i32
      %lt3A_588 = arith.cmpi slt, %add3A_586, %lt3A_587 : i32
      %convert_element_type3A_589 = arith.extui %lt3A_588 : i1 to i32
      %cond3A_590 = arith.constant 0 : i32
      %cond3A_591 = arith.cmpi ne, %convert_element_type3A_589, %cond3A_590 : i32
      scf.if %cond3A_591 {
        %add3A_619 = arith.constant 2 : i32
        %add3A_620 = arith.addi %add3A_567, %add3A_619 : i32
        %dma_start3A_621 = arith.constant 0 : i32
        %dma_start3A_622 = tpu.memref_slice %arg6[%add3A_620, %dma_start3A_621] : memref<20x128xi32, #tpu.memory_space<vmem>> -> memref<1x128xi32, #tpu.memory_space<vmem>>
        %dma_start3A_623 = tpu.memref_squeeze %dma_start3A_622 : memref<1x128xi32, #tpu.memory_space<vmem>> -> memref<128xi32, #tpu.memory_space<vmem>>
        %dma_start3A_624 = arith.constant 0 : i32
        %dma_start3A_625 = arith.constant 0 : i32
        %dma_start3A_626 = tpu.memref_slice %arg23[%dma_start3A_624, %dma_start3A_625] : memref<10240x64xf32, #tpu.memory_space<vmem_shared>> -> memref<10240x64xf32, #tpu.memory_space<vmem_shared>>
        tpu.enqueue_indirect_dma source(%dma_start3A_626 : memref<10240x64xf32, #tpu.memory_space<vmem_shared>>) target(%arg10 : memref<128x64xf32, #tpu.memory_space<vmem>>) offsets(%dma_start3A_623 : memref<128xi32, #tpu.memory_space<vmem>>) semaphore(%arg14 : memref<!tpu.dma_semaphore, #tpu.memory_space<semaphore_mem>>)
      } else {
      }
      %add3A_592 = arith.constant 3 : i32
      %add3A_593 = arith.addi %mul3A_518, %add3A_592 : i32
      %dma_wait3A_594 = arith.constant 0 : i32
      %dma_wait3A_595 = tpu.memref_slice %arg6[%add3A_593, %dma_wait3A_594] : memref<20x128xi32, #tpu.memory_space<vmem>> -> memref<1x128xi32, #tpu.memory_space<vmem>>
      %dma_wait3A_596 = tpu.memref_squeeze %dma_wait3A_595 : memref<1x128xi32, #tpu.memory_space<vmem>> -> memref<128xi32, #tpu.memory_space<vmem>>
      %dma_wait3A_597 = arith.constant 0 : i32
      %dma_wait3A_598 = arith.constant 0 : i32
      %dma_wait3A_599 = tpu.memref_slice %arg23[%dma_wait3A_597, %dma_wait3A_598] : memref<10240x64xf32, #tpu.memory_space<vmem_shared>> -> memref<10240x64xf32, #tpu.memory_space<vmem_shared>>
      tpu.wait_indirect_dma semaphore(%arg17 : memref<!tpu.dma_semaphore, #tpu.memory_space<semaphore_mem>>) src(%dma_wait3A_599 : memref<10240x64xf32, #tpu.memory_space<vmem_shared>>) dst(%arg13 : memref<128x64xf32, #tpu.memory_space<vmem>>)
      %dma_start3A_600 = arith.constant 0 : i32
      %dma_start3A_601 = tpu.memref_slice %arg8[%add3A_593, %dma_start3A_600] : memref<20x128xi32, #tpu.memory_space<vmem>> -> memref<1x128xi32, #tpu.memory_space<vmem>>
      %dma_start3A_602 = tpu.memref_squeeze %dma_start3A_601 : memref<1x128xi32, #tpu.memory_space<vmem>> -> memref<128xi32, #tpu.memory_space<vmem>>
      %dma_start3A_603 = arith.constant 0 : i32
      %dma_start3A_604 = arith.constant 0 : i32
      %dma_start3A_605 = tpu.memref_slice %arg24[%dma_start3A_603, %dma_start3A_604] : memref<10240x64xf32, #tpu.memory_space<vmem_shared>> -> memref<10240x64xf32, #tpu.memory_space<vmem_shared>>
      tpu.enqueue_indirect_dma source(%arg13 : memref<128x64xf32, #tpu.memory_space<vmem>>) target(%dma_start3A_605 : memref<10240x64xf32, #tpu.memory_space<vmem_shared>>) offsets(%dma_start3A_602 : memref<128xi32, #tpu.memory_space<vmem>>) semaphore(%arg21 : memref<!tpu.dma_semaphore, #tpu.memory_space<semaphore_mem>>) {add = true}
      %ge3A_606 = arith.constant 2 : i32
      %ge3A_607 = arith.cmpi sge, %add3A_593, %ge3A_606 : i32
      %convert_element_type3A_608 = arith.extui %ge3A_607 : i1 to i32
      %cond3A_609 = arith.constant 0 : i32
      %cond3A_610 = arith.cmpi ne, %convert_element_type3A_608, %cond3A_609 : i32
      scf.if %cond3A_610 {
        %sub3A = arith.constant 2 : i32
        %sub3A_619 = arith.subi %add3A_593, %sub3A : i32
        %dma_wait3A_620 = arith.constant 0 : i32
        %dma_wait3A_621 = tpu.memref_slice %arg8[%sub3A_619, %dma_wait3A_620] : memref<20x128xi32, #tpu.memory_space<vmem>> -> memref<1x128xi32, #tpu.memory_space<vmem>>
        %dma_wait3A_622 = tpu.memref_squeeze %dma_wait3A_621 : memref<1x128xi32, #tpu.memory_space<vmem>> -> memref<128xi32, #tpu.memory_space<vmem>>
        %dma_wait3A_623 = arith.constant 0 : i32
        %dma_wait3A_624 = arith.constant 0 : i32
        %dma_wait3A_625 = tpu.memref_slice %arg24[%dma_wait3A_623, %dma_wait3A_624] : memref<10240x64xf32, #tpu.memory_space<vmem_shared>> -> memref<10240x64xf32, #tpu.memory_space<vmem_shared>>
        tpu.wait_indirect_dma semaphore(%arg19 : memref<!tpu.dma_semaphore, #tpu.memory_space<semaphore_mem>>) src(%arg11 : memref<128x64xf32, #tpu.memory_space<vmem>>) dst(%dma_wait3A_625 : memref<10240x64xf32, #tpu.memory_space<vmem_shared>>)
      } else {
      }
      %add3A_611 = arith.constant 2 : i32
      %add3A_612 = arith.addi %add3A_593, %add3A_611 : i32
      %lt3A_613 = arith.constant 20 : i32
      %lt3A_614 = arith.cmpi slt, %add3A_612, %lt3A_613 : i32
      %convert_element_type3A_615 = arith.extui %lt3A_614 : i1 to i32
      %cond3A_616 = arith.constant 0 : i32
      %cond3A_617 = arith.cmpi ne, %convert_element_type3A_615, %cond3A_616 : i32
      scf.if %cond3A_617 {
        %add3A_619 = arith.constant 2 : i32
        %add3A_620 = arith.addi %add3A_593, %add3A_619 : i32
        %dma_start3A_621 = arith.constant 0 : i32
        %dma_start3A_622 = tpu.memref_slice %arg6[%add3A_620, %dma_start3A_621] : memref<20x128xi32, #tpu.memory_space<vmem>> -> memref<1x128xi32, #tpu.memory_space<vmem>>
        %dma_start3A_623 = tpu.memref_squeeze %dma_start3A_622 : memref<1x128xi32, #tpu.memory_space<vmem>> -> memref<128xi32, #tpu.memory_space<vmem>>
        %dma_start3A_624 = arith.constant 0 : i32
        %dma_start3A_625 = arith.constant 0 : i32
        %dma_start3A_626 = tpu.memref_slice %arg23[%dma_start3A_624, %dma_start3A_625] : memref<10240x64xf32, #tpu.memory_space<vmem_shared>> -> memref<10240x64xf32, #tpu.memory_space<vmem_shared>>
        tpu.enqueue_indirect_dma source(%dma_start3A_626 : memref<10240x64xf32, #tpu.memory_space<vmem_shared>>) target(%arg11 : memref<128x64xf32, #tpu.memory_space<vmem>>) offsets(%dma_start3A_623 : memref<128xi32, #tpu.memory_space<vmem>>) semaphore(%arg15 : memref<!tpu.dma_semaphore, #tpu.memory_space<semaphore_mem>>)
      } else {
      }
      %scan3A_618 = arith.constant 0 : i32
      scf.yield %scan3A_618 : i32
    }
    %scan3A_41 = arith.constant 5 : i32
    %dma_wait3A = arith.constant 18 : i32
    %dma_wait3A_42 = arith.constant 0 : i32
    %dma_wait3A_43 = tpu.memref_slice %arg8[%dma_wait3A, %dma_wait3A_42] : memref<20x128xi32, #tpu.memory_space<vmem>> -> memref<1x128xi32, #tpu.memory_space<vmem>>
    %dma_wait3A_44 = tpu.memref_squeeze %dma_wait3A_43 : memref<1x128xi32, #tpu.memory_space<vmem>> -> memref<128xi32, #tpu.memory_space<vmem>>
    %dma_wait3A_45 = arith.constant 0 : i32
    %dma_wait3A_46 = arith.constant 0 : i32
    %dma_wait3A_47 = tpu.memref_slice %arg24[%dma_wait3A_45, %dma_wait3A_46] : memref<10240x64xf32, #tpu.memory_space<vmem_shared>> -> memref<10240x64xf32, #tpu.memory_space<vmem_shared>>
    tpu.wait_indirect_dma semaphore(%arg20 : memref<!tpu.dma_semaphore, #tpu.memory_space<semaphore_mem>>) src(%arg12 : memref<128x64xf32, #tpu.memory_space<vmem>>) dst(%dma_wait3A_47 : memref<10240x64xf32, #tpu.memory_space<vmem_shared>>)
    %dma_wait3A_48 = arith.constant 19 : i32
    %dma_wait3A_49 = arith.constant 0 : i32
    %dma_wait3A_50 = tpu.memref_slice %arg8[%dma_wait3A_48, %dma_wait3A_49] : memref<20x128xi32, #tpu.memory_space<vmem>> -> memref<1x128xi32, #tpu.memory_space<vmem>>
    %dma_wait3A_51 = tpu.memref_squeeze %dma_wait3A_50 : memref<1x128xi32, #tpu.memory_space<vmem>> -> memref<128xi32, #tpu.memory_space<vmem>>
    %dma_wait3A_52 = arith.constant 0 : i32
    %dma_wait3A_53 = arith.constant 0 : i32
    %dma_wait3A_54 = tpu.memref_slice %arg24[%dma_wait3A_52, %dma_wait3A_53] : memref<10240x64xf32, #tpu.memory_space<vmem_shared>> -> memref<10240x64xf32, #tpu.memory_space<vmem_shared>>
    tpu.wait_indirect_dma semaphore(%arg21 : memref<!tpu.dma_semaphore, #tpu.memory_space<semaphore_mem>>) src(%arg13 : memref<128x64xf32, #tpu.memory_space<vmem>>) dst(%dma_wait3A_54 : memref<10240x64xf32, #tpu.memory_space<vmem_shared>>)
    %dma_wait3A_55 = arith.constant 20 : i32
    %dma_wait3A_56 = arith.constant 0 : i32
    %dma_wait3A_57 = tpu.memref_slice %arg3[%arg1, %dma_wait3A_55, %dma_wait3A_56] : memref<16x160x128xi32, #tpu.memory_space<hbm>> -> memref<1x20x128xi32, #tpu.memory_space<hbm>>
    %dma_wait3A_58 = tpu.memref_squeeze %dma_wait3A_57 : memref<1x20x128xi32, #tpu.memory_space<hbm>> -> memref<20x128xi32, #tpu.memory_space<hbm>>
    %dma_wait3A_59 = arith.constant 20 : i32
    %dma_wait3A_60 = arith.constant 0 : i32
    %dma_wait3A_61 = tpu.memref_slice %arg3[%arg1, %dma_wait3A_59, %dma_wait3A_60] : memref<16x160x128xi32, #tpu.memory_space<hbm>> -> memref<1x20x128xi32, #tpu.memory_space<hbm>>
    %dma_wait3A_62 = tpu.memref_squeeze %dma_wait3A_61 : memref<1x20x128xi32, #tpu.memory_space<hbm>> -> memref<20x128xi32, #tpu.memory_space<hbm>>
    tpu.wait_dma2 semaphore(%arg22 : memref<!tpu.dma_semaphore, #tpu.memory_space<semaphore_mem>>) src(%dma_wait3A_62 : memref<20x128xi32, #tpu.memory_space<hbm>>) dst(%arg7 : memref<20x128xi32, #tpu.memory_space<vmem>>)
    %dma_wait3A_63 = arith.constant 20 : i32
    %dma_wait3A_64 = arith.constant 0 : i32
    %dma_wait3A_65 = tpu.memref_slice %arg4[%arg1, %dma_wait3A_63, %dma_wait3A_64] : memref<16x160x128xi32, #tpu.memory_space<hbm>> -> memref<1x20x128xi32, #tpu.memory_space<hbm>>
    %dma_wait3A_66 = tpu.memref_squeeze %dma_wait3A_65 : memref<1x20x128xi32, #tpu.memory_space<hbm>> -> memref<20x128xi32, #tpu.memory_space<hbm>>
    %dma_wait3A_67 = arith.constant 20 : i32
    %dma_wait3A_68 = arith.constant 0 : i32
    %dma_wait3A_69 = tpu.memref_slice %arg4[%arg1, %dma_wait3A_67, %dma_wait3A_68] : memref<16x160x128xi32, #tpu.memory_space<hbm>> -> memref<1x20x128xi32, #tpu.memory_space<hbm>>
    %dma_wait3A_70 = tpu.memref_squeeze %dma_wait3A_69 : memref<1x20x128xi32, #tpu.memory_space<hbm>> -> memref<20x128xi32, #tpu.memory_space<hbm>>
    tpu.wait_dma2 semaphore(%arg22 : memref<!tpu.dma_semaphore, #tpu.memory_space<semaphore_mem>>) src(%dma_wait3A_70 : memref<20x128xi32, #tpu.memory_space<hbm>>) dst(%arg9 : memref<20x128xi32, #tpu.memory_space<vmem>>)
    %dma_start3A_71 = arith.constant 40 : i32
    %dma_start3A_72 = arith.constant 0 : i32
    %dma_start3A_73 = tpu.memref_slice %arg3[%arg1, %dma_start3A_71, %dma_start3A_72] : memref<16x160x128xi32, #tpu.memory_space<hbm>> -> memref<1x20x128xi32, #tpu.memory_space<hbm>>
    %dma_start3A_74 = tpu.memref_squeeze %dma_start3A_73 : memref<1x20x128xi32, #tpu.memory_space<hbm>> -> memref<20x128xi32, #tpu.memory_space<hbm>>
    %dma_start3A_75 = arith.constant 40 : i32
    %dma_start3A_76 = arith.constant 0 : i32
    %dma_start3A_77 = tpu.memref_slice %arg3[%arg1, %dma_start3A_75, %dma_start3A_76] : memref<16x160x128xi32, #tpu.memory_space<hbm>> -> memref<1x20x128xi32, #tpu.memory_space<hbm>>
    %dma_start3A_78 = tpu.memref_squeeze %dma_start3A_77 : memref<1x20x128xi32, #tpu.memory_space<hbm>> -> memref<20x128xi32, #tpu.memory_space<hbm>>
    tpu.enqueue_dma source(%dma_start3A_78 : memref<20x128xi32, #tpu.memory_space<hbm>>) target(%arg6 : memref<20x128xi32, #tpu.memory_space<vmem>>) target_semaphore(%arg22 : memref<!tpu.dma_semaphore, #tpu.memory_space<semaphore_mem>>)
    %dma_start3A_79 = arith.constant 40 : i32
    %dma_start3A_80 = arith.constant 0 : i32
    %dma_start3A_81 = tpu.memref_slice %arg4[%arg1, %dma_start3A_79, %dma_start3A_80] : memref<16x160x128xi32, #tpu.memory_space<hbm>> -> memref<1x20x128xi32, #tpu.memory_space<hbm>>
    %dma_start3A_82 = tpu.memref_squeeze %dma_start3A_81 : memref<1x20x128xi32, #tpu.memory_space<hbm>> -> memref<20x128xi32, #tpu.memory_space<hbm>>
    %dma_start3A_83 = arith.constant 40 : i32
    %dma_start3A_84 = arith.constant 0 : i32
    %dma_start3A_85 = tpu.memref_slice %arg4[%arg1, %dma_start3A_83, %dma_start3A_84] : memref<16x160x128xi32, #tpu.memory_space<hbm>> -> memref<1x20x128xi32, #tpu.memory_space<hbm>>
    %dma_start3A_86 = tpu.memref_squeeze %dma_start3A_85 : memref<1x20x128xi32, #tpu.memory_space<hbm>> -> memref<20x128xi32, #tpu.memory_space<hbm>>
    tpu.enqueue_dma source(%dma_start3A_86 : memref<20x128xi32, #tpu.memory_space<hbm>>) target(%arg8 : memref<20x128xi32, #tpu.memory_space<vmem>>) target_semaphore(%arg22 : memref<!tpu.dma_semaphore, #tpu.memory_space<semaphore_mem>>)
    %dma_start3A_87 = arith.constant 0 : i32
    %dma_start3A_88 = arith.constant 0 : i32
    %dma_start3A_89 = tpu.memref_slice %arg7[%dma_start3A_87, %dma_start3A_88] : memref<20x128xi32, #tpu.memory_space<vmem>> -> memref<1x128xi32, #tpu.memory_space<vmem>>
    %dma_start3A_90 = tpu.memref_squeeze %dma_start3A_89 : memref<1x128xi32, #tpu.memory_space<vmem>> -> memref<128xi32, #tpu.memory_space<vmem>>
    %dma_start3A_91 = arith.constant 0 : i32
    %dma_start3A_92 = arith.constant 0 : i32
    %dma_start3A_93 = tpu.memref_slice %arg23[%dma_start3A_91, %dma_start3A_92] : memref<10240x64xf32, #tpu.memory_space<vmem_shared>> -> memref<10240x64xf32, #tpu.memory_space<vmem_shared>>
    tpu.enqueue_indirect_dma source(%dma_start3A_93 : memref<10240x64xf32, #tpu.memory_space<vmem_shared>>) target(%arg10 : memref<128x64xf32, #tpu.memory_space<vmem>>) offsets(%dma_start3A_90 : memref<128xi32, #tpu.memory_space<vmem>>) semaphore(%arg14 : memref<!tpu.dma_semaphore, #tpu.memory_space<semaphore_mem>>)
    %dma_start3A_94 = arith.constant 1 : i32
    %dma_start3A_95 = arith.constant 0 : i32
    %dma_start3A_96 = tpu.memref_slice %arg7[%dma_start3A_94, %dma_start3A_95] : memref<20x128xi32, #tpu.memory_space<vmem>> -> memref<1x128xi32, #tpu.memory_space<vmem>>
    %dma_start3A_97 = tpu.memref_squeeze %dma_start3A_96 : memref<1x128xi32, #tpu.memory_space<vmem>> -> memref<128xi32, #tpu.memory_space<vmem>>
    %dma_start3A_98 = arith.constant 0 : i32
    %dma_start3A_99 = arith.constant 0 : i32
    %dma_start3A_100 = tpu.memref_slice %arg23[%dma_start3A_98, %dma_start3A_99] : memref<10240x64xf32, #tpu.memory_space<vmem_shared>> -> memref<10240x64xf32, #tpu.memory_space<vmem_shared>>
    tpu.enqueue_indirect_dma source(%dma_start3A_100 : memref<10240x64xf32, #tpu.memory_space<vmem_shared>>) target(%arg11 : memref<128x64xf32, #tpu.memory_space<vmem>>) offsets(%dma_start3A_97 : memref<128xi32, #tpu.memory_space<vmem>>) semaphore(%arg15 : memref<!tpu.dma_semaphore, #tpu.memory_space<semaphore_mem>>)
    %scan3A_101 = arith.constant 0 : i32
    %scan3A_102 = arith.constant 0 : i32
    %scan3A_103 = arith.constant 5 : i32
    %scan3A_104 = arith.addi %scan3A_102, %scan3A_103 : i32
    %scan3A_105 = arith.constant 1 : i32
    %scan3A_106 = scf.for %scan3A_516 = %scan3A_102 to %scan3A_104 step %scan3A_105 iter_args(%scan3A_517 = %scan3A_101) -> (i32)  : i32 {
      %mul3A = arith.constant 4 : i32
      %mul3A_518 = arith.muli %scan3A_516, %mul3A : i32
      %add3A = arith.constant 0 : i32
      %add3A_519 = arith.addi %mul3A_518, %add3A : i32
      %dma_wait3A_520 = arith.constant 0 : i32
      %dma_wait3A_521 = tpu.memref_slice %arg7[%add3A_519, %dma_wait3A_520] : memref<20x128xi32, #tpu.memory_space<vmem>> -> memref<1x128xi32, #tpu.memory_space<vmem>>
      %dma_wait3A_522 = tpu.memref_squeeze %dma_wait3A_521 : memref<1x128xi32, #tpu.memory_space<vmem>> -> memref<128xi32, #tpu.memory_space<vmem>>
      %dma_wait3A_523 = arith.constant 0 : i32
      %dma_wait3A_524 = arith.constant 0 : i32
      %dma_wait3A_525 = tpu.memref_slice %arg23[%dma_wait3A_523, %dma_wait3A_524] : memref<10240x64xf32, #tpu.memory_space<vmem_shared>> -> memref<10240x64xf32, #tpu.memory_space<vmem_shared>>
      tpu.wait_indirect_dma semaphore(%arg14 : memref<!tpu.dma_semaphore, #tpu.memory_space<semaphore_mem>>) src(%dma_wait3A_525 : memref<10240x64xf32, #tpu.memory_space<vmem_shared>>) dst(%arg10 : memref<128x64xf32, #tpu.memory_space<vmem>>)
      %dma_start3A_526 = arith.constant 0 : i32
      %dma_start3A_527 = tpu.memref_slice %arg9[%add3A_519, %dma_start3A_526] : memref<20x128xi32, #tpu.memory_space<vmem>> -> memref<1x128xi32, #tpu.memory_space<vmem>>
      %dma_start3A_528 = tpu.memref_squeeze %dma_start3A_527 : memref<1x128xi32, #tpu.memory_space<vmem>> -> memref<128xi32, #tpu.memory_space<vmem>>
      %dma_start3A_529 = arith.constant 0 : i32
      %dma_start3A_530 = arith.constant 0 : i32
      %dma_start3A_531 = tpu.memref_slice %arg24[%dma_start3A_529, %dma_start3A_530] : memref<10240x64xf32, #tpu.memory_space<vmem_shared>> -> memref<10240x64xf32, #tpu.memory_space<vmem_shared>>
      tpu.enqueue_indirect_dma source(%arg10 : memref<128x64xf32, #tpu.memory_space<vmem>>) target(%dma_start3A_531 : memref<10240x64xf32, #tpu.memory_space<vmem_shared>>) offsets(%dma_start3A_528 : memref<128xi32, #tpu.memory_space<vmem>>) semaphore(%arg18 : memref<!tpu.dma_semaphore, #tpu.memory_space<semaphore_mem>>) {add = true}
      %ge3A = arith.constant 2 : i32
      %ge3A_532 = arith.cmpi sge, %add3A_519, %ge3A : i32
      %convert_element_type3A = arith.extui %ge3A_532 : i1 to i32
      %cond3A = arith.constant 0 : i32
      %cond3A_533 = arith.cmpi ne, %convert_element_type3A, %cond3A : i32
      scf.if %cond3A_533 {
        %sub3A = arith.constant 2 : i32
        %sub3A_619 = arith.subi %add3A_519, %sub3A : i32
        %dma_wait3A_620 = arith.constant 0 : i32
        %dma_wait3A_621 = tpu.memref_slice %arg9[%sub3A_619, %dma_wait3A_620] : memref<20x128xi32, #tpu.memory_space<vmem>> -> memref<1x128xi32, #tpu.memory_space<vmem>>
        %dma_wait3A_622 = tpu.memref_squeeze %dma_wait3A_621 : memref<1x128xi32, #tpu.memory_space<vmem>> -> memref<128xi32, #tpu.memory_space<vmem>>
        %dma_wait3A_623 = arith.constant 0 : i32
        %dma_wait3A_624 = arith.constant 0 : i32
        %dma_wait3A_625 = tpu.memref_slice %arg24[%dma_wait3A_623, %dma_wait3A_624] : memref<10240x64xf32, #tpu.memory_space<vmem_shared>> -> memref<10240x64xf32, #tpu.memory_space<vmem_shared>>
        tpu.wait_indirect_dma semaphore(%arg20 : memref<!tpu.dma_semaphore, #tpu.memory_space<semaphore_mem>>) src(%arg12 : memref<128x64xf32, #tpu.memory_space<vmem>>) dst(%dma_wait3A_625 : memref<10240x64xf32, #tpu.memory_space<vmem_shared>>)
      } else {
      }
      %add3A_534 = arith.constant 2 : i32
      %add3A_535 = arith.addi %add3A_519, %add3A_534 : i32
      %lt3A = arith.constant 20 : i32
      %lt3A_536 = arith.cmpi slt, %add3A_535, %lt3A : i32
      %convert_element_type3A_537 = arith.extui %lt3A_536 : i1 to i32
      %cond3A_538 = arith.constant 0 : i32
      %cond3A_539 = arith.cmpi ne, %convert_element_type3A_537, %cond3A_538 : i32
      scf.if %cond3A_539 {
        %add3A_619 = arith.constant 2 : i32
        %add3A_620 = arith.addi %add3A_519, %add3A_619 : i32
        %dma_start3A_621 = arith.constant 0 : i32
        %dma_start3A_622 = tpu.memref_slice %arg7[%add3A_620, %dma_start3A_621] : memref<20x128xi32, #tpu.memory_space<vmem>> -> memref<1x128xi32, #tpu.memory_space<vmem>>
        %dma_start3A_623 = tpu.memref_squeeze %dma_start3A_622 : memref<1x128xi32, #tpu.memory_space<vmem>> -> memref<128xi32, #tpu.memory_space<vmem>>
        %dma_start3A_624 = arith.constant 0 : i32
        %dma_start3A_625 = arith.constant 0 : i32
        %dma_start3A_626 = tpu.memref_slice %arg23[%dma_start3A_624, %dma_start3A_625] : memref<10240x64xf32, #tpu.memory_space<vmem_shared>> -> memref<10240x64xf32, #tpu.memory_space<vmem_shared>>
        tpu.enqueue_indirect_dma source(%dma_start3A_626 : memref<10240x64xf32, #tpu.memory_space<vmem_shared>>) target(%arg12 : memref<128x64xf32, #tpu.memory_space<vmem>>) offsets(%dma_start3A_623 : memref<128xi32, #tpu.memory_space<vmem>>) semaphore(%arg16 : memref<!tpu.dma_semaphore, #tpu.memory_space<semaphore_mem>>)
      } else {
      }
      %add3A_540 = arith.constant 1 : i32
      %add3A_541 = arith.addi %mul3A_518, %add3A_540 : i32
      %dma_wait3A_542 = arith.constant 0 : i32
      %dma_wait3A_543 = tpu.memref_slice %arg7[%add3A_541, %dma_wait3A_542] : memref<20x128xi32, #tpu.memory_space<vmem>> -> memref<1x128xi32, #tpu.memory_space<vmem>>
      %dma_wait3A_544 = tpu.memref_squeeze %dma_wait3A_543 : memref<1x128xi32, #tpu.memory_space<vmem>> -> memref<128xi32, #tpu.memory_space<vmem>>
      %dma_wait3A_545 = arith.constant 0 : i32
      %dma_wait3A_546 = arith.constant 0 : i32
      %dma_wait3A_547 = tpu.memref_slice %arg23[%dma_wait3A_545, %dma_wait3A_546] : memref<10240x64xf32, #tpu.memory_space<vmem_shared>> -> memref<10240x64xf32, #tpu.memory_space<vmem_shared>>
      tpu.wait_indirect_dma semaphore(%arg15 : memref<!tpu.dma_semaphore, #tpu.memory_space<semaphore_mem>>) src(%dma_wait3A_547 : memref<10240x64xf32, #tpu.memory_space<vmem_shared>>) dst(%arg11 : memref<128x64xf32, #tpu.memory_space<vmem>>)
      %dma_start3A_548 = arith.constant 0 : i32
      %dma_start3A_549 = tpu.memref_slice %arg9[%add3A_541, %dma_start3A_548] : memref<20x128xi32, #tpu.memory_space<vmem>> -> memref<1x128xi32, #tpu.memory_space<vmem>>
      %dma_start3A_550 = tpu.memref_squeeze %dma_start3A_549 : memref<1x128xi32, #tpu.memory_space<vmem>> -> memref<128xi32, #tpu.memory_space<vmem>>
      %dma_start3A_551 = arith.constant 0 : i32
      %dma_start3A_552 = arith.constant 0 : i32
      %dma_start3A_553 = tpu.memref_slice %arg24[%dma_start3A_551, %dma_start3A_552] : memref<10240x64xf32, #tpu.memory_space<vmem_shared>> -> memref<10240x64xf32, #tpu.memory_space<vmem_shared>>
      tpu.enqueue_indirect_dma source(%arg11 : memref<128x64xf32, #tpu.memory_space<vmem>>) target(%dma_start3A_553 : memref<10240x64xf32, #tpu.memory_space<vmem_shared>>) offsets(%dma_start3A_550 : memref<128xi32, #tpu.memory_space<vmem>>) semaphore(%arg19 : memref<!tpu.dma_semaphore, #tpu.memory_space<semaphore_mem>>) {add = true}
      %ge3A_554 = arith.constant 2 : i32
      %ge3A_555 = arith.cmpi sge, %add3A_541, %ge3A_554 : i32
      %convert_element_type3A_556 = arith.extui %ge3A_555 : i1 to i32
      %cond3A_557 = arith.constant 0 : i32
      %cond3A_558 = arith.cmpi ne, %convert_element_type3A_556, %cond3A_557 : i32
      scf.if %cond3A_558 {
        %sub3A = arith.constant 2 : i32
        %sub3A_619 = arith.subi %add3A_541, %sub3A : i32
        %dma_wait3A_620 = arith.constant 0 : i32
        %dma_wait3A_621 = tpu.memref_slice %arg9[%sub3A_619, %dma_wait3A_620] : memref<20x128xi32, #tpu.memory_space<vmem>> -> memref<1x128xi32, #tpu.memory_space<vmem>>
        %dma_wait3A_622 = tpu.memref_squeeze %dma_wait3A_621 : memref<1x128xi32, #tpu.memory_space<vmem>> -> memref<128xi32, #tpu.memory_space<vmem>>
        %dma_wait3A_623 = arith.constant 0 : i32
        %dma_wait3A_624 = arith.constant 0 : i32
        %dma_wait3A_625 = tpu.memref_slice %arg24[%dma_wait3A_623, %dma_wait3A_624] : memref<10240x64xf32, #tpu.memory_space<vmem_shared>> -> memref<10240x64xf32, #tpu.memory_space<vmem_shared>>
        tpu.wait_indirect_dma semaphore(%arg21 : memref<!tpu.dma_semaphore, #tpu.memory_space<semaphore_mem>>) src(%arg13 : memref<128x64xf32, #tpu.memory_space<vmem>>) dst(%dma_wait3A_625 : memref<10240x64xf32, #tpu.memory_space<vmem_shared>>)
      } else {
      }
      %add3A_559 = arith.constant 2 : i32
      %add3A_560 = arith.addi %add3A_541, %add3A_559 : i32
      %lt3A_561 = arith.constant 20 : i32
      %lt3A_562 = arith.cmpi slt, %add3A_560, %lt3A_561 : i32
      %convert_element_type3A_563 = arith.extui %lt3A_562 : i1 to i32
      %cond3A_564 = arith.constant 0 : i32
      %cond3A_565 = arith.cmpi ne, %convert_element_type3A_563, %cond3A_564 : i32
      scf.if %cond3A_565 {
        %add3A_619 = arith.constant 2 : i32
        %add3A_620 = arith.addi %add3A_541, %add3A_619 : i32
        %dma_start3A_621 = arith.constant 0 : i32
        %dma_start3A_622 = tpu.memref_slice %arg7[%add3A_620, %dma_start3A_621] : memref<20x128xi32, #tpu.memory_space<vmem>> -> memref<1x128xi32, #tpu.memory_space<vmem>>
        %dma_start3A_623 = tpu.memref_squeeze %dma_start3A_622 : memref<1x128xi32, #tpu.memory_space<vmem>> -> memref<128xi32, #tpu.memory_space<vmem>>
        %dma_start3A_624 = arith.constant 0 : i32
        %dma_start3A_625 = arith.constant 0 : i32
        %dma_start3A_626 = tpu.memref_slice %arg23[%dma_start3A_624, %dma_start3A_625] : memref<10240x64xf32, #tpu.memory_space<vmem_shared>> -> memref<10240x64xf32, #tpu.memory_space<vmem_shared>>
        tpu.enqueue_indirect_dma source(%dma_start3A_626 : memref<10240x64xf32, #tpu.memory_space<vmem_shared>>) target(%arg13 : memref<128x64xf32, #tpu.memory_space<vmem>>) offsets(%dma_start3A_623 : memref<128xi32, #tpu.memory_space<vmem>>) semaphore(%arg17 : memref<!tpu.dma_semaphore, #tpu.memory_space<semaphore_mem>>)
      } else {
      }
      %add3A_566 = arith.constant 2 : i32
      %add3A_567 = arith.addi %mul3A_518, %add3A_566 : i32
      %dma_wait3A_568 = arith.constant 0 : i32
      %dma_wait3A_569 = tpu.memref_slice %arg7[%add3A_567, %dma_wait3A_568] : memref<20x128xi32, #tpu.memory_space<vmem>> -> memref<1x128xi32, #tpu.memory_space<vmem>>
      %dma_wait3A_570 = tpu.memref_squeeze %dma_wait3A_569 : memref<1x128xi32, #tpu.memory_space<vmem>> -> memref<128xi32, #tpu.memory_space<vmem>>
      %dma_wait3A_571 = arith.constant 0 : i32
      %dma_wait3A_572 = arith.constant 0 : i32
      %dma_wait3A_573 = tpu.memref_slice %arg23[%dma_wait3A_571, %dma_wait3A_572] : memref<10240x64xf32, #tpu.memory_space<vmem_shared>> -> memref<10240x64xf32, #tpu.memory_space<vmem_shared>>
      tpu.wait_indirect_dma semaphore(%arg16 : memref<!tpu.dma_semaphore, #tpu.memory_space<semaphore_mem>>) src(%dma_wait3A_573 : memref<10240x64xf32, #tpu.memory_space<vmem_shared>>) dst(%arg12 : memref<128x64xf32, #tpu.memory_space<vmem>>)
      %dma_start3A_574 = arith.constant 0 : i32
      %dma_start3A_575 = tpu.memref_slice %arg9[%add3A_567, %dma_start3A_574] : memref<20x128xi32, #tpu.memory_space<vmem>> -> memref<1x128xi32, #tpu.memory_space<vmem>>
      %dma_start3A_576 = tpu.memref_squeeze %dma_start3A_575 : memref<1x128xi32, #tpu.memory_space<vmem>> -> memref<128xi32, #tpu.memory_space<vmem>>
      %dma_start3A_577 = arith.constant 0 : i32
      %dma_start3A_578 = arith.constant 0 : i32
      %dma_start3A_579 = tpu.memref_slice %arg24[%dma_start3A_577, %dma_start3A_578] : memref<10240x64xf32, #tpu.memory_space<vmem_shared>> -> memref<10240x64xf32, #tpu.memory_space<vmem_shared>>
      tpu.enqueue_indirect_dma source(%arg12 : memref<128x64xf32, #tpu.memory_space<vmem>>) target(%dma_start3A_579 : memref<10240x64xf32, #tpu.memory_space<vmem_shared>>) offsets(%dma_start3A_576 : memref<128xi32, #tpu.memory_space<vmem>>) semaphore(%arg20 : memref<!tpu.dma_semaphore, #tpu.memory_space<semaphore_mem>>) {add = true}
      %ge3A_580 = arith.constant 2 : i32
      %ge3A_581 = arith.cmpi sge, %add3A_567, %ge3A_580 : i32
      %convert_element_type3A_582 = arith.extui %ge3A_581 : i1 to i32
      %cond3A_583 = arith.constant 0 : i32
      %cond3A_584 = arith.cmpi ne, %convert_element_type3A_582, %cond3A_583 : i32
      scf.if %cond3A_584 {
        %sub3A = arith.constant 2 : i32
        %sub3A_619 = arith.subi %add3A_567, %sub3A : i32
        %dma_wait3A_620 = arith.constant 0 : i32
        %dma_wait3A_621 = tpu.memref_slice %arg9[%sub3A_619, %dma_wait3A_620] : memref<20x128xi32, #tpu.memory_space<vmem>> -> memref<1x128xi32, #tpu.memory_space<vmem>>
        %dma_wait3A_622 = tpu.memref_squeeze %dma_wait3A_621 : memref<1x128xi32, #tpu.memory_space<vmem>> -> memref<128xi32, #tpu.memory_space<vmem>>
        %dma_wait3A_623 = arith.constant 0 : i32
        %dma_wait3A_624 = arith.constant 0 : i32
        %dma_wait3A_625 = tpu.memref_slice %arg24[%dma_wait3A_623, %dma_wait3A_624] : memref<10240x64xf32, #tpu.memory_space<vmem_shared>> -> memref<10240x64xf32, #tpu.memory_space<vmem_shared>>
        tpu.wait_indirect_dma semaphore(%arg18 : memref<!tpu.dma_semaphore, #tpu.memory_space<semaphore_mem>>) src(%arg10 : memref<128x64xf32, #tpu.memory_space<vmem>>) dst(%dma_wait3A_625 : memref<10240x64xf32, #tpu.memory_space<vmem_shared>>)
      } else {
      }
      %add3A_585 = arith.constant 2 : i32
      %add3A_586 = arith.addi %add3A_567, %add3A_585 : i32
      %lt3A_587 = arith.constant 20 : i32
      %lt3A_588 = arith.cmpi slt, %add3A_586, %lt3A_587 : i32
      %convert_element_type3A_589 = arith.extui %lt3A_588 : i1 to i32
      %cond3A_590 = arith.constant 0 : i32
      %cond3A_591 = arith.cmpi ne, %convert_element_type3A_589, %cond3A_590 : i32
      scf.if %cond3A_591 {
        %add3A_619 = arith.constant 2 : i32
        %add3A_620 = arith.addi %add3A_567, %add3A_619 : i32
        %dma_start3A_621 = arith.constant 0 : i32
        %dma_start3A_622 = tpu.memref_slice %arg7[%add3A_620, %dma_start3A_621] : memref<20x128xi32, #tpu.memory_space<vmem>> -> memref<1x128xi32, #tpu.memory_space<vmem>>
        %dma_start3A_623 = tpu.memref_squeeze %dma_start3A_622 : memref<1x128xi32, #tpu.memory_space<vmem>> -> memref<128xi32, #tpu.memory_space<vmem>>
        %dma_start3A_624 = arith.constant 0 : i32
        %dma_start3A_625 = arith.constant 0 : i32
        %dma_start3A_626 = tpu.memref_slice %arg23[%dma_start3A_624, %dma_start3A_625] : memref<10240x64xf32, #tpu.memory_space<vmem_shared>> -> memref<10240x64xf32, #tpu.memory_space<vmem_shared>>
        tpu.enqueue_indirect_dma source(%dma_start3A_626 : memref<10240x64xf32, #tpu.memory_space<vmem_shared>>) target(%arg10 : memref<128x64xf32, #tpu.memory_space<vmem>>) offsets(%dma_start3A_623 : memref<128xi32, #tpu.memory_space<vmem>>) semaphore(%arg14 : memref<!tpu.dma_semaphore, #tpu.memory_space<semaphore_mem>>)
      } else {
      }
      %add3A_592 = arith.constant 3 : i32
      %add3A_593 = arith.addi %mul3A_518, %add3A_592 : i32
      %dma_wait3A_594 = arith.constant 0 : i32
      %dma_wait3A_595 = tpu.memref_slice %arg7[%add3A_593, %dma_wait3A_594] : memref<20x128xi32, #tpu.memory_space<vmem>> -> memref<1x128xi32, #tpu.memory_space<vmem>>
      %dma_wait3A_596 = tpu.memref_squeeze %dma_wait3A_595 : memref<1x128xi32, #tpu.memory_space<vmem>> -> memref<128xi32, #tpu.memory_space<vmem>>
      %dma_wait3A_597 = arith.constant 0 : i32
      %dma_wait3A_598 = arith.constant 0 : i32
      %dma_wait3A_599 = tpu.memref_slice %arg23[%dma_wait3A_597, %dma_wait3A_598] : memref<10240x64xf32, #tpu.memory_space<vmem_shared>> -> memref<10240x64xf32, #tpu.memory_space<vmem_shared>>
      tpu.wait_indirect_dma semaphore(%arg17 : memref<!tpu.dma_semaphore, #tpu.memory_space<semaphore_mem>>) src(%dma_wait3A_599 : memref<10240x64xf32, #tpu.memory_space<vmem_shared>>) dst(%arg13 : memref<128x64xf32, #tpu.memory_space<vmem>>)
      %dma_start3A_600 = arith.constant 0 : i32
      %dma_start3A_601 = tpu.memref_slice %arg9[%add3A_593, %dma_start3A_600] : memref<20x128xi32, #tpu.memory_space<vmem>> -> memref<1x128xi32, #tpu.memory_space<vmem>>
      %dma_start3A_602 = tpu.memref_squeeze %dma_start3A_601 : memref<1x128xi32, #tpu.memory_space<vmem>> -> memref<128xi32, #tpu.memory_space<vmem>>
      %dma_start3A_603 = arith.constant 0 : i32
      %dma_start3A_604 = arith.constant 0 : i32
      %dma_start3A_605 = tpu.memref_slice %arg24[%dma_start3A_603, %dma_start3A_604] : memref<10240x64xf32, #tpu.memory_space<vmem_shared>> -> memref<10240x64xf32, #tpu.memory_space<vmem_shared>>
      tpu.enqueue_indirect_dma source(%arg13 : memref<128x64xf32, #tpu.memory_space<vmem>>) target(%dma_start3A_605 : memref<10240x64xf32, #tpu.memory_space<vmem_shared>>) offsets(%dma_start3A_602 : memref<128xi32, #tpu.memory_space<vmem>>) semaphore(%arg21 : memref<!tpu.dma_semaphore, #tpu.memory_space<semaphore_mem>>) {add = true}
      %ge3A_606 = arith.constant 2 : i32
      %ge3A_607 = arith.cmpi sge, %add3A_593, %ge3A_606 : i32
      %convert_element_type3A_608 = arith.extui %ge3A_607 : i1 to i32
      %cond3A_609 = arith.constant 0 : i32
      %cond3A_610 = arith.cmpi ne, %convert_element_type3A_608, %cond3A_609 : i32
      scf.if %cond3A_610 {
        %sub3A = arith.constant 2 : i32
        %sub3A_619 = arith.subi %add3A_593, %sub3A : i32
        %dma_wait3A_620 = arith.constant 0 : i32
        %dma_wait3A_621 = tpu.memref_slice %arg9[%sub3A_619, %dma_wait3A_620] : memref<20x128xi32, #tpu.memory_space<vmem>> -> memref<1x128xi32, #tpu.memory_space<vmem>>
        %dma_wait3A_622 = tpu.memref_squeeze %dma_wait3A_621 : memref<1x128xi32, #tpu.memory_space<vmem>> -> memref<128xi32, #tpu.memory_space<vmem>>
        %dma_wait3A_623 = arith.constant 0 : i32
        %dma_wait3A_624 = arith.constant 0 : i32
        %dma_wait3A_625 = tpu.memref_slice %arg24[%dma_wait3A_623, %dma_wait3A_624] : memref<10240x64xf32, #tpu.memory_space<vmem_shared>> -> memref<10240x64xf32, #tpu.memory_space<vmem_shared>>
        tpu.wait_indirect_dma semaphore(%arg19 : memref<!tpu.dma_semaphore, #tpu.memory_space<semaphore_mem>>) src(%arg11 : memref<128x64xf32, #tpu.memory_space<vmem>>) dst(%dma_wait3A_625 : memref<10240x64xf32, #tpu.memory_space<vmem_shared>>)
      } else {
      }
      %add3A_611 = arith.constant 2 : i32
      %add3A_612 = arith.addi %add3A_593, %add3A_611 : i32
      %lt3A_613 = arith.constant 20 : i32
      %lt3A_614 = arith.cmpi slt, %add3A_612, %lt3A_613 : i32
      %convert_element_type3A_615 = arith.extui %lt3A_614 : i1 to i32
      %cond3A_616 = arith.constant 0 : i32
      %cond3A_617 = arith.cmpi ne, %convert_element_type3A_615, %cond3A_616 : i32
      scf.if %cond3A_617 {
        %add3A_619 = arith.constant 2 : i32
        %add3A_620 = arith.addi %add3A_593, %add3A_619 : i32
        %dma_start3A_621 = arith.constant 0 : i32
        %dma_start3A_622 = tpu.memref_slice %arg7[%add3A_620, %dma_start3A_621] : memref<20x128xi32, #tpu.memory_space<vmem>> -> memref<1x128xi32, #tpu.memory_space<vmem>>
        %dma_start3A_623 = tpu.memref_squeeze %dma_start3A_622 : memref<1x128xi32, #tpu.memory_space<vmem>> -> memref<128xi32, #tpu.memory_space<vmem>>
        %dma_start3A_624 = arith.constant 0 : i32
        %dma_start3A_625 = arith.constant 0 : i32
        %dma_start3A_626 = tpu.memref_slice %arg23[%dma_start3A_624, %dma_start3A_625] : memref<10240x64xf32, #tpu.memory_space<vmem_shared>> -> memref<10240x64xf32, #tpu.memory_space<vmem_shared>>
        tpu.enqueue_indirect_dma source(%dma_start3A_626 : memref<10240x64xf32, #tpu.memory_space<vmem_shared>>) target(%arg11 : memref<128x64xf32, #tpu.memory_space<vmem>>) offsets(%dma_start3A_623 : memref<128xi32, #tpu.memory_space<vmem>>) semaphore(%arg15 : memref<!tpu.dma_semaphore, #tpu.memory_space<semaphore_mem>>)
      } else {
      }
      %scan3A_618 = arith.constant 0 : i32
      scf.yield %scan3A_618 : i32
    }
    %scan3A_107 = arith.constant 5 : i32
    %dma_wait3A_108 = arith.constant 18 : i32
    %dma_wait3A_109 = arith.constant 0 : i32
    %dma_wait3A_110 = tpu.memref_slice %arg9[%dma_wait3A_108, %dma_wait3A_109] : memref<20x128xi32, #tpu.memory_space<vmem>> -> memref<1x128xi32, #tpu.memory_space<vmem>>
    %dma_wait3A_111 = tpu.memref_squeeze %dma_wait3A_110 : memref<1x128xi32, #tpu.memory_space<vmem>> -> memref<128xi32, #tpu.memory_space<vmem>>
    %dma_wait3A_112 = arith.constant 0 : i32
    %dma_wait3A_113 = arith.constant 0 : i32
    %dma_wait3A_114 = tpu.memref_slice %arg24[%dma_wait3A_112, %dma_wait3A_113] : memref<10240x64xf32, #tpu.memory_space<vmem_shared>> -> memref<10240x64xf32, #tpu.memory_space<vmem_shared>>
    tpu.wait_indirect_dma semaphore(%arg20 : memref<!tpu.dma_semaphore, #tpu.memory_space<semaphore_mem>>) src(%arg12 : memref<128x64xf32, #tpu.memory_space<vmem>>) dst(%dma_wait3A_114 : memref<10240x64xf32, #tpu.memory_space<vmem_shared>>)
    %dma_wait3A_115 = arith.constant 19 : i32
    %dma_wait3A_116 = arith.constant 0 : i32
    %dma_wait3A_117 = tpu.memref_slice %arg9[%dma_wait3A_115, %dma_wait3A_116] : memref<20x128xi32, #tpu.memory_space<vmem>> -> memref<1x128xi32, #tpu.memory_space<vmem>>
    %dma_wait3A_118 = tpu.memref_squeeze %dma_wait3A_117 : memref<1x128xi32, #tpu.memory_space<vmem>> -> memref<128xi32, #tpu.memory_space<vmem>>
    %dma_wait3A_119 = arith.constant 0 : i32
    %dma_wait3A_120 = arith.constant 0 : i32
    %dma_wait3A_121 = tpu.memref_slice %arg24[%dma_wait3A_119, %dma_wait3A_120] : memref<10240x64xf32, #tpu.memory_space<vmem_shared>> -> memref<10240x64xf32, #tpu.memory_space<vmem_shared>>
    tpu.wait_indirect_dma semaphore(%arg21 : memref<!tpu.dma_semaphore, #tpu.memory_space<semaphore_mem>>) src(%arg13 : memref<128x64xf32, #tpu.memory_space<vmem>>) dst(%dma_wait3A_121 : memref<10240x64xf32, #tpu.memory_space<vmem_shared>>)
    %dma_wait3A_122 = arith.constant 40 : i32
    %dma_wait3A_123 = arith.constant 0 : i32
    %dma_wait3A_124 = tpu.memref_slice %arg3[%arg1, %dma_wait3A_122, %dma_wait3A_123] : memref<16x160x128xi32, #tpu.memory_space<hbm>> -> memref<1x20x128xi32, #tpu.memory_space<hbm>>
    %dma_wait3A_125 = tpu.memref_squeeze %dma_wait3A_124 : memref<1x20x128xi32, #tpu.memory_space<hbm>> -> memref<20x128xi32, #tpu.memory_space<hbm>>
    %dma_wait3A_126 = arith.constant 40 : i32
    %dma_wait3A_127 = arith.constant 0 : i32
    %dma_wait3A_128 = tpu.memref_slice %arg3[%arg1, %dma_wait3A_126, %dma_wait3A_127] : memref<16x160x128xi32, #tpu.memory_space<hbm>> -> memref<1x20x128xi32, #tpu.memory_space<hbm>>
    %dma_wait3A_129 = tpu.memref_squeeze %dma_wait3A_128 : memref<1x20x128xi32, #tpu.memory_space<hbm>> -> memref<20x128xi32, #tpu.memory_space<hbm>>
    tpu.wait_dma2 semaphore(%arg22 : memref<!tpu.dma_semaphore, #tpu.memory_space<semaphore_mem>>) src(%dma_wait3A_129 : memref<20x128xi32, #tpu.memory_space<hbm>>) dst(%arg6 : memref<20x128xi32, #tpu.memory_space<vmem>>)
    %dma_wait3A_130 = arith.constant 40 : i32
    %dma_wait3A_131 = arith.constant 0 : i32
    %dma_wait3A_132 = tpu.memref_slice %arg4[%arg1, %dma_wait3A_130, %dma_wait3A_131] : memref<16x160x128xi32, #tpu.memory_space<hbm>> -> memref<1x20x128xi32, #tpu.memory_space<hbm>>
    %dma_wait3A_133 = tpu.memref_squeeze %dma_wait3A_132 : memref<1x20x128xi32, #tpu.memory_space<hbm>> -> memref<20x128xi32, #tpu.memory_space<hbm>>
    %dma_wait3A_134 = arith.constant 40 : i32
    %dma_wait3A_135 = arith.constant 0 : i32
    %dma_wait3A_136 = tpu.memref_slice %arg4[%arg1, %dma_wait3A_134, %dma_wait3A_135] : memref<16x160x128xi32, #tpu.memory_space<hbm>> -> memref<1x20x128xi32, #tpu.memory_space<hbm>>
    %dma_wait3A_137 = tpu.memref_squeeze %dma_wait3A_136 : memref<1x20x128xi32, #tpu.memory_space<hbm>> -> memref<20x128xi32, #tpu.memory_space<hbm>>
    tpu.wait_dma2 semaphore(%arg22 : memref<!tpu.dma_semaphore, #tpu.memory_space<semaphore_mem>>) src(%dma_wait3A_137 : memref<20x128xi32, #tpu.memory_space<hbm>>) dst(%arg8 : memref<20x128xi32, #tpu.memory_space<vmem>>)
    %dma_start3A_138 = arith.constant 60 : i32
    %dma_start3A_139 = arith.constant 0 : i32
    %dma_start3A_140 = tpu.memref_slice %arg3[%arg1, %dma_start3A_138, %dma_start3A_139] : memref<16x160x128xi32, #tpu.memory_space<hbm>> -> memref<1x20x128xi32, #tpu.memory_space<hbm>>
    %dma_start3A_141 = tpu.memref_squeeze %dma_start3A_140 : memref<1x20x128xi32, #tpu.memory_space<hbm>> -> memref<20x128xi32, #tpu.memory_space<hbm>>
    %dma_start3A_142 = arith.constant 60 : i32
    %dma_start3A_143 = arith.constant 0 : i32
    %dma_start3A_144 = tpu.memref_slice %arg3[%arg1, %dma_start3A_142, %dma_start3A_143] : memref<16x160x128xi32, #tpu.memory_space<hbm>> -> memref<1x20x128xi32, #tpu.memory_space<hbm>>
    %dma_start3A_145 = tpu.memref_squeeze %dma_start3A_144 : memref<1x20x128xi32, #tpu.memory_space<hbm>> -> memref<20x128xi32, #tpu.memory_space<hbm>>
    tpu.enqueue_dma source(%dma_start3A_145 : memref<20x128xi32, #tpu.memory_space<hbm>>) target(%arg7 : memref<20x128xi32, #tpu.memory_space<vmem>>) target_semaphore(%arg22 : memref<!tpu.dma_semaphore, #tpu.memory_space<semaphore_mem>>)
    %dma_start3A_146 = arith.constant 60 : i32
    %dma_start3A_147 = arith.constant 0 : i32
    %dma_start3A_148 = tpu.memref_slice %arg4[%arg1, %dma_start3A_146, %dma_start3A_147] : memref<16x160x128xi32, #tpu.memory_space<hbm>> -> memref<1x20x128xi32, #tpu.memory_space<hbm>>
    %dma_start3A_149 = tpu.memref_squeeze %dma_start3A_148 : memref<1x20x128xi32, #tpu.memory_space<hbm>> -> memref<20x128xi32, #tpu.memory_space<hbm>>
    %dma_start3A_150 = arith.constant 60 : i32
    %dma_start3A_151 = arith.constant 0 : i32
    %dma_start3A_152 = tpu.memref_slice %arg4[%arg1, %dma_start3A_150, %dma_start3A_151] : memref<16x160x128xi32, #tpu.memory_space<hbm>> -> memref<1x20x128xi32, #tpu.memory_space<hbm>>
    %dma_start3A_153 = tpu.memref_squeeze %dma_start3A_152 : memref<1x20x128xi32, #tpu.memory_space<hbm>> -> memref<20x128xi32, #tpu.memory_space<hbm>>
    tpu.enqueue_dma source(%dma_start3A_153 : memref<20x128xi32, #tpu.memory_space<hbm>>) target(%arg9 : memref<20x128xi32, #tpu.memory_space<vmem>>) target_semaphore(%arg22 : memref<!tpu.dma_semaphore, #tpu.memory_space<semaphore_mem>>)
    %dma_start3A_154 = arith.constant 0 : i32
    %dma_start3A_155 = arith.constant 0 : i32
    %dma_start3A_156 = tpu.memref_slice %arg6[%dma_start3A_154, %dma_start3A_155] : memref<20x128xi32, #tpu.memory_space<vmem>> -> memref<1x128xi32, #tpu.memory_space<vmem>>
    %dma_start3A_157 = tpu.memref_squeeze %dma_start3A_156 : memref<1x128xi32, #tpu.memory_space<vmem>> -> memref<128xi32, #tpu.memory_space<vmem>>
    %dma_start3A_158 = arith.constant 0 : i32
    %dma_start3A_159 = arith.constant 0 : i32
    %dma_start3A_160 = tpu.memref_slice %arg23[%dma_start3A_158, %dma_start3A_159] : memref<10240x64xf32, #tpu.memory_space<vmem_shared>> -> memref<10240x64xf32, #tpu.memory_space<vmem_shared>>
    tpu.enqueue_indirect_dma source(%dma_start3A_160 : memref<10240x64xf32, #tpu.memory_space<vmem_shared>>) target(%arg10 : memref<128x64xf32, #tpu.memory_space<vmem>>) offsets(%dma_start3A_157 : memref<128xi32, #tpu.memory_space<vmem>>) semaphore(%arg14 : memref<!tpu.dma_semaphore, #tpu.memory_space<semaphore_mem>>)
    %dma_start3A_161 = arith.constant 1 : i32
    %dma_start3A_162 = arith.constant 0 : i32
    %dma_start3A_163 = tpu.memref_slice %arg6[%dma_start3A_161, %dma_start3A_162] : memref<20x128xi32, #tpu.memory_space<vmem>> -> memref<1x128xi32, #tpu.memory_space<vmem>>
    %dma_start3A_164 = tpu.memref_squeeze %dma_start3A_163 : memref<1x128xi32, #tpu.memory_space<vmem>> -> memref<128xi32, #tpu.memory_space<vmem>>
    %dma_start3A_165 = arith.constant 0 : i32
    %dma_start3A_166 = arith.constant 0 : i32
    %dma_start3A_167 = tpu.memref_slice %arg23[%dma_start3A_165, %dma_start3A_166] : memref<10240x64xf32, #tpu.memory_space<vmem_shared>> -> memref<10240x64xf32, #tpu.memory_space<vmem_shared>>
    tpu.enqueue_indirect_dma source(%dma_start3A_167 : memref<10240x64xf32, #tpu.memory_space<vmem_shared>>) target(%arg11 : memref<128x64xf32, #tpu.memory_space<vmem>>) offsets(%dma_start3A_164 : memref<128xi32, #tpu.memory_space<vmem>>) semaphore(%arg15 : memref<!tpu.dma_semaphore, #tpu.memory_space<semaphore_mem>>)
    %scan3A_168 = arith.constant 0 : i32
    %scan3A_169 = arith.constant 0 : i32
    %scan3A_170 = arith.constant 5 : i32
    %scan3A_171 = arith.addi %scan3A_169, %scan3A_170 : i32
    %scan3A_172 = arith.constant 1 : i32
    %scan3A_173 = scf.for %scan3A_516 = %scan3A_169 to %scan3A_171 step %scan3A_172 iter_args(%scan3A_517 = %scan3A_168) -> (i32)  : i32 {
      %mul3A = arith.constant 4 : i32
      %mul3A_518 = arith.muli %scan3A_516, %mul3A : i32
      %add3A = arith.constant 0 : i32
      %add3A_519 = arith.addi %mul3A_518, %add3A : i32
      %dma_wait3A_520 = arith.constant 0 : i32
      %dma_wait3A_521 = tpu.memref_slice %arg6[%add3A_519, %dma_wait3A_520] : memref<20x128xi32, #tpu.memory_space<vmem>> -> memref<1x128xi32, #tpu.memory_space<vmem>>
      %dma_wait3A_522 = tpu.memref_squeeze %dma_wait3A_521 : memref<1x128xi32, #tpu.memory_space<vmem>> -> memref<128xi32, #tpu.memory_space<vmem>>
      %dma_wait3A_523 = arith.constant 0 : i32
      %dma_wait3A_524 = arith.constant 0 : i32
      %dma_wait3A_525 = tpu.memref_slice %arg23[%dma_wait3A_523, %dma_wait3A_524] : memref<10240x64xf32, #tpu.memory_space<vmem_shared>> -> memref<10240x64xf32, #tpu.memory_space<vmem_shared>>
      tpu.wait_indirect_dma semaphore(%arg14 : memref<!tpu.dma_semaphore, #tpu.memory_space<semaphore_mem>>) src(%dma_wait3A_525 : memref<10240x64xf32, #tpu.memory_space<vmem_shared>>) dst(%arg10 : memref<128x64xf32, #tpu.memory_space<vmem>>)
      %dma_start3A_526 = arith.constant 0 : i32
      %dma_start3A_527 = tpu.memref_slice %arg8[%add3A_519, %dma_start3A_526] : memref<20x128xi32, #tpu.memory_space<vmem>> -> memref<1x128xi32, #tpu.memory_space<vmem>>
      %dma_start3A_528 = tpu.memref_squeeze %dma_start3A_527 : memref<1x128xi32, #tpu.memory_space<vmem>> -> memref<128xi32, #tpu.memory_space<vmem>>
      %dma_start3A_529 = arith.constant 0 : i32
      %dma_start3A_530 = arith.constant 0 : i32
      %dma_start3A_531 = tpu.memref_slice %arg24[%dma_start3A_529, %dma_start3A_530] : memref<10240x64xf32, #tpu.memory_space<vmem_shared>> -> memref<10240x64xf32, #tpu.memory_space<vmem_shared>>
      tpu.enqueue_indirect_dma source(%arg10 : memref<128x64xf32, #tpu.memory_space<vmem>>) target(%dma_start3A_531 : memref<10240x64xf32, #tpu.memory_space<vmem_shared>>) offsets(%dma_start3A_528 : memref<128xi32, #tpu.memory_space<vmem>>) semaphore(%arg18 : memref<!tpu.dma_semaphore, #tpu.memory_space<semaphore_mem>>) {add = true}
      %ge3A = arith.constant 2 : i32
      %ge3A_532 = arith.cmpi sge, %add3A_519, %ge3A : i32
      %convert_element_type3A = arith.extui %ge3A_532 : i1 to i32
      %cond3A = arith.constant 0 : i32
      %cond3A_533 = arith.cmpi ne, %convert_element_type3A, %cond3A : i32
      scf.if %cond3A_533 {
        %sub3A = arith.constant 2 : i32
        %sub3A_619 = arith.subi %add3A_519, %sub3A : i32
        %dma_wait3A_620 = arith.constant 0 : i32
        %dma_wait3A_621 = tpu.memref_slice %arg8[%sub3A_619, %dma_wait3A_620] : memref<20x128xi32, #tpu.memory_space<vmem>> -> memref<1x128xi32, #tpu.memory_space<vmem>>
        %dma_wait3A_622 = tpu.memref_squeeze %dma_wait3A_621 : memref<1x128xi32, #tpu.memory_space<vmem>> -> memref<128xi32, #tpu.memory_space<vmem>>
        %dma_wait3A_623 = arith.constant 0 : i32
        %dma_wait3A_624 = arith.constant 0 : i32
        %dma_wait3A_625 = tpu.memref_slice %arg24[%dma_wait3A_623, %dma_wait3A_624] : memref<10240x64xf32, #tpu.memory_space<vmem_shared>> -> memref<10240x64xf32, #tpu.memory_space<vmem_shared>>
        tpu.wait_indirect_dma semaphore(%arg20 : memref<!tpu.dma_semaphore, #tpu.memory_space<semaphore_mem>>) src(%arg12 : memref<128x64xf32, #tpu.memory_space<vmem>>) dst(%dma_wait3A_625 : memref<10240x64xf32, #tpu.memory_space<vmem_shared>>)
      } else {
      }
      %add3A_534 = arith.constant 2 : i32
      %add3A_535 = arith.addi %add3A_519, %add3A_534 : i32
      %lt3A = arith.constant 20 : i32
      %lt3A_536 = arith.cmpi slt, %add3A_535, %lt3A : i32
      %convert_element_type3A_537 = arith.extui %lt3A_536 : i1 to i32
      %cond3A_538 = arith.constant 0 : i32
      %cond3A_539 = arith.cmpi ne, %convert_element_type3A_537, %cond3A_538 : i32
      scf.if %cond3A_539 {
        %add3A_619 = arith.constant 2 : i32
        %add3A_620 = arith.addi %add3A_519, %add3A_619 : i32
        %dma_start3A_621 = arith.constant 0 : i32
        %dma_start3A_622 = tpu.memref_slice %arg6[%add3A_620, %dma_start3A_621] : memref<20x128xi32, #tpu.memory_space<vmem>> -> memref<1x128xi32, #tpu.memory_space<vmem>>
        %dma_start3A_623 = tpu.memref_squeeze %dma_start3A_622 : memref<1x128xi32, #tpu.memory_space<vmem>> -> memref<128xi32, #tpu.memory_space<vmem>>
        %dma_start3A_624 = arith.constant 0 : i32
        %dma_start3A_625 = arith.constant 0 : i32
        %dma_start3A_626 = tpu.memref_slice %arg23[%dma_start3A_624, %dma_start3A_625] : memref<10240x64xf32, #tpu.memory_space<vmem_shared>> -> memref<10240x64xf32, #tpu.memory_space<vmem_shared>>
        tpu.enqueue_indirect_dma source(%dma_start3A_626 : memref<10240x64xf32, #tpu.memory_space<vmem_shared>>) target(%arg12 : memref<128x64xf32, #tpu.memory_space<vmem>>) offsets(%dma_start3A_623 : memref<128xi32, #tpu.memory_space<vmem>>) semaphore(%arg16 : memref<!tpu.dma_semaphore, #tpu.memory_space<semaphore_mem>>)
      } else {
      }
      %add3A_540 = arith.constant 1 : i32
      %add3A_541 = arith.addi %mul3A_518, %add3A_540 : i32
      %dma_wait3A_542 = arith.constant 0 : i32
      %dma_wait3A_543 = tpu.memref_slice %arg6[%add3A_541, %dma_wait3A_542] : memref<20x128xi32, #tpu.memory_space<vmem>> -> memref<1x128xi32, #tpu.memory_space<vmem>>
      %dma_wait3A_544 = tpu.memref_squeeze %dma_wait3A_543 : memref<1x128xi32, #tpu.memory_space<vmem>> -> memref<128xi32, #tpu.memory_space<vmem>>
      %dma_wait3A_545 = arith.constant 0 : i32
      %dma_wait3A_546 = arith.constant 0 : i32
      %dma_wait3A_547 = tpu.memref_slice %arg23[%dma_wait3A_545, %dma_wait3A_546] : memref<10240x64xf32, #tpu.memory_space<vmem_shared>> -> memref<10240x64xf32, #tpu.memory_space<vmem_shared>>
      tpu.wait_indirect_dma semaphore(%arg15 : memref<!tpu.dma_semaphore, #tpu.memory_space<semaphore_mem>>) src(%dma_wait3A_547 : memref<10240x64xf32, #tpu.memory_space<vmem_shared>>) dst(%arg11 : memref<128x64xf32, #tpu.memory_space<vmem>>)
      %dma_start3A_548 = arith.constant 0 : i32
      %dma_start3A_549 = tpu.memref_slice %arg8[%add3A_541, %dma_start3A_548] : memref<20x128xi32, #tpu.memory_space<vmem>> -> memref<1x128xi32, #tpu.memory_space<vmem>>
      %dma_start3A_550 = tpu.memref_squeeze %dma_start3A_549 : memref<1x128xi32, #tpu.memory_space<vmem>> -> memref<128xi32, #tpu.memory_space<vmem>>
      %dma_start3A_551 = arith.constant 0 : i32
      %dma_start3A_552 = arith.constant 0 : i32
      %dma_start3A_553 = tpu.memref_slice %arg24[%dma_start3A_551, %dma_start3A_552] : memref<10240x64xf32, #tpu.memory_space<vmem_shared>> -> memref<10240x64xf32, #tpu.memory_space<vmem_shared>>
      tpu.enqueue_indirect_dma source(%arg11 : memref<128x64xf32, #tpu.memory_space<vmem>>) target(%dma_start3A_553 : memref<10240x64xf32, #tpu.memory_space<vmem_shared>>) offsets(%dma_start3A_550 : memref<128xi32, #tpu.memory_space<vmem>>) semaphore(%arg19 : memref<!tpu.dma_semaphore, #tpu.memory_space<semaphore_mem>>) {add = true}
      %ge3A_554 = arith.constant 2 : i32
      %ge3A_555 = arith.cmpi sge, %add3A_541, %ge3A_554 : i32
      %convert_element_type3A_556 = arith.extui %ge3A_555 : i1 to i32
      %cond3A_557 = arith.constant 0 : i32
      %cond3A_558 = arith.cmpi ne, %convert_element_type3A_556, %cond3A_557 : i32
      scf.if %cond3A_558 {
        %sub3A = arith.constant 2 : i32
        %sub3A_619 = arith.subi %add3A_541, %sub3A : i32
        %dma_wait3A_620 = arith.constant 0 : i32
        %dma_wait3A_621 = tpu.memref_slice %arg8[%sub3A_619, %dma_wait3A_620] : memref<20x128xi32, #tpu.memory_space<vmem>> -> memref<1x128xi32, #tpu.memory_space<vmem>>
        %dma_wait3A_622 = tpu.memref_squeeze %dma_wait3A_621 : memref<1x128xi32, #tpu.memory_space<vmem>> -> memref<128xi32, #tpu.memory_space<vmem>>
        %dma_wait3A_623 = arith.constant 0 : i32
        %dma_wait3A_624 = arith.constant 0 : i32
        %dma_wait3A_625 = tpu.memref_slice %arg24[%dma_wait3A_623, %dma_wait3A_624] : memref<10240x64xf32, #tpu.memory_space<vmem_shared>> -> memref<10240x64xf32, #tpu.memory_space<vmem_shared>>
        tpu.wait_indirect_dma semaphore(%arg21 : memref<!tpu.dma_semaphore, #tpu.memory_space<semaphore_mem>>) src(%arg13 : memref<128x64xf32, #tpu.memory_space<vmem>>) dst(%dma_wait3A_625 : memref<10240x64xf32, #tpu.memory_space<vmem_shared>>)
      } else {
      }
      %add3A_559 = arith.constant 2 : i32
      %add3A_560 = arith.addi %add3A_541, %add3A_559 : i32
      %lt3A_561 = arith.constant 20 : i32
      %lt3A_562 = arith.cmpi slt, %add3A_560, %lt3A_561 : i32
      %convert_element_type3A_563 = arith.extui %lt3A_562 : i1 to i32
      %cond3A_564 = arith.constant 0 : i32
      %cond3A_565 = arith.cmpi ne, %convert_element_type3A_563, %cond3A_564 : i32
      scf.if %cond3A_565 {
        %add3A_619 = arith.constant 2 : i32
        %add3A_620 = arith.addi %add3A_541, %add3A_619 : i32
        %dma_start3A_621 = arith.constant 0 : i32
        %dma_start3A_622 = tpu.memref_slice %arg6[%add3A_620, %dma_start3A_621] : memref<20x128xi32, #tpu.memory_space<vmem>> -> memref<1x128xi32, #tpu.memory_space<vmem>>
        %dma_start3A_623 = tpu.memref_squeeze %dma_start3A_622 : memref<1x128xi32, #tpu.memory_space<vmem>> -> memref<128xi32, #tpu.memory_space<vmem>>
        %dma_start3A_624 = arith.constant 0 : i32
        %dma_start3A_625 = arith.constant 0 : i32
        %dma_start3A_626 = tpu.memref_slice %arg23[%dma_start3A_624, %dma_start3A_625] : memref<10240x64xf32, #tpu.memory_space<vmem_shared>> -> memref<10240x64xf32, #tpu.memory_space<vmem_shared>>
        tpu.enqueue_indirect_dma source(%dma_start3A_626 : memref<10240x64xf32, #tpu.memory_space<vmem_shared>>) target(%arg13 : memref<128x64xf32, #tpu.memory_space<vmem>>) offsets(%dma_start3A_623 : memref<128xi32, #tpu.memory_space<vmem>>) semaphore(%arg17 : memref<!tpu.dma_semaphore, #tpu.memory_space<semaphore_mem>>)
      } else {
      }
      %add3A_566 = arith.constant 2 : i32
      %add3A_567 = arith.addi %mul3A_518, %add3A_566 : i32
      %dma_wait3A_568 = arith.constant 0 : i32
      %dma_wait3A_569 = tpu.memref_slice %arg6[%add3A_567, %dma_wait3A_568] : memref<20x128xi32, #tpu.memory_space<vmem>> -> memref<1x128xi32, #tpu.memory_space<vmem>>
      %dma_wait3A_570 = tpu.memref_squeeze %dma_wait3A_569 : memref<1x128xi32, #tpu.memory_space<vmem>> -> memref<128xi32, #tpu.memory_space<vmem>>
      %dma_wait3A_571 = arith.constant 0 : i32
      %dma_wait3A_572 = arith.constant 0 : i32
      %dma_wait3A_573 = tpu.memref_slice %arg23[%dma_wait3A_571, %dma_wait3A_572] : memref<10240x64xf32, #tpu.memory_space<vmem_shared>> -> memref<10240x64xf32, #tpu.memory_space<vmem_shared>>
      tpu.wait_indirect_dma semaphore(%arg16 : memref<!tpu.dma_semaphore, #tpu.memory_space<semaphore_mem>>) src(%dma_wait3A_573 : memref<10240x64xf32, #tpu.memory_space<vmem_shared>>) dst(%arg12 : memref<128x64xf32, #tpu.memory_space<vmem>>)
      %dma_start3A_574 = arith.constant 0 : i32
      %dma_start3A_575 = tpu.memref_slice %arg8[%add3A_567, %dma_start3A_574] : memref<20x128xi32, #tpu.memory_space<vmem>> -> memref<1x128xi32, #tpu.memory_space<vmem>>
      %dma_start3A_576 = tpu.memref_squeeze %dma_start3A_575 : memref<1x128xi32, #tpu.memory_space<vmem>> -> memref<128xi32, #tpu.memory_space<vmem>>
      %dma_start3A_577 = arith.constant 0 : i32
      %dma_start3A_578 = arith.constant 0 : i32
      %dma_start3A_579 = tpu.memref_slice %arg24[%dma_start3A_577, %dma_start3A_578] : memref<10240x64xf32, #tpu.memory_space<vmem_shared>> -> memref<10240x64xf32, #tpu.memory_space<vmem_shared>>
      tpu.enqueue_indirect_dma source(%arg12 : memref<128x64xf32, #tpu.memory_space<vmem>>) target(%dma_start3A_579 : memref<10240x64xf32, #tpu.memory_space<vmem_shared>>) offsets(%dma_start3A_576 : memref<128xi32, #tpu.memory_space<vmem>>) semaphore(%arg20 : memref<!tpu.dma_semaphore, #tpu.memory_space<semaphore_mem>>) {add = true}
      %ge3A_580 = arith.constant 2 : i32
      %ge3A_581 = arith.cmpi sge, %add3A_567, %ge3A_580 : i32
      %convert_element_type3A_582 = arith.extui %ge3A_581 : i1 to i32
      %cond3A_583 = arith.constant 0 : i32
      %cond3A_584 = arith.cmpi ne, %convert_element_type3A_582, %cond3A_583 : i32
      scf.if %cond3A_584 {
        %sub3A = arith.constant 2 : i32
        %sub3A_619 = arith.subi %add3A_567, %sub3A : i32
        %dma_wait3A_620 = arith.constant 0 : i32
        %dma_wait3A_621 = tpu.memref_slice %arg8[%sub3A_619, %dma_wait3A_620] : memref<20x128xi32, #tpu.memory_space<vmem>> -> memref<1x128xi32, #tpu.memory_space<vmem>>
        %dma_wait3A_622 = tpu.memref_squeeze %dma_wait3A_621 : memref<1x128xi32, #tpu.memory_space<vmem>> -> memref<128xi32, #tpu.memory_space<vmem>>
        %dma_wait3A_623 = arith.constant 0 : i32
        %dma_wait3A_624 = arith.constant 0 : i32
        %dma_wait3A_625 = tpu.memref_slice %arg24[%dma_wait3A_623, %dma_wait3A_624] : memref<10240x64xf32, #tpu.memory_space<vmem_shared>> -> memref<10240x64xf32, #tpu.memory_space<vmem_shared>>
        tpu.wait_indirect_dma semaphore(%arg18 : memref<!tpu.dma_semaphore, #tpu.memory_space<semaphore_mem>>) src(%arg10 : memref<128x64xf32, #tpu.memory_space<vmem>>) dst(%dma_wait3A_625 : memref<10240x64xf32, #tpu.memory_space<vmem_shared>>)
      } else {
      }
      %add3A_585 = arith.constant 2 : i32
      %add3A_586 = arith.addi %add3A_567, %add3A_585 : i32
      %lt3A_587 = arith.constant 20 : i32
      %lt3A_588 = arith.cmpi slt, %add3A_586, %lt3A_587 : i32
      %convert_element_type3A_589 = arith.extui %lt3A_588 : i1 to i32
      %cond3A_590 = arith.constant 0 : i32
      %cond3A_591 = arith.cmpi ne, %convert_element_type3A_589, %cond3A_590 : i32
      scf.if %cond3A_591 {
        %add3A_619 = arith.constant 2 : i32
        %add3A_620 = arith.addi %add3A_567, %add3A_619 : i32
        %dma_start3A_621 = arith.constant 0 : i32
        %dma_start3A_622 = tpu.memref_slice %arg6[%add3A_620, %dma_start3A_621] : memref<20x128xi32, #tpu.memory_space<vmem>> -> memref<1x128xi32, #tpu.memory_space<vmem>>
        %dma_start3A_623 = tpu.memref_squeeze %dma_start3A_622 : memref<1x128xi32, #tpu.memory_space<vmem>> -> memref<128xi32, #tpu.memory_space<vmem>>
        %dma_start3A_624 = arith.constant 0 : i32
        %dma_start3A_625 = arith.constant 0 : i32
        %dma_start3A_626 = tpu.memref_slice %arg23[%dma_start3A_624, %dma_start3A_625] : memref<10240x64xf32, #tpu.memory_space<vmem_shared>> -> memref<10240x64xf32, #tpu.memory_space<vmem_shared>>
        tpu.enqueue_indirect_dma source(%dma_start3A_626 : memref<10240x64xf32, #tpu.memory_space<vmem_shared>>) target(%arg10 : memref<128x64xf32, #tpu.memory_space<vmem>>) offsets(%dma_start3A_623 : memref<128xi32, #tpu.memory_space<vmem>>) semaphore(%arg14 : memref<!tpu.dma_semaphore, #tpu.memory_space<semaphore_mem>>)
      } else {
      }
      %add3A_592 = arith.constant 3 : i32
      %add3A_593 = arith.addi %mul3A_518, %add3A_592 : i32
      %dma_wait3A_594 = arith.constant 0 : i32
      %dma_wait3A_595 = tpu.memref_slice %arg6[%add3A_593, %dma_wait3A_594] : memref<20x128xi32, #tpu.memory_space<vmem>> -> memref<1x128xi32, #tpu.memory_space<vmem>>
      %dma_wait3A_596 = tpu.memref_squeeze %dma_wait3A_595 : memref<1x128xi32, #tpu.memory_space<vmem>> -> memref<128xi32, #tpu.memory_space<vmem>>
      %dma_wait3A_597 = arith.constant 0 : i32
      %dma_wait3A_598 = arith.constant 0 : i32
      %dma_wait3A_599 = tpu.memref_slice %arg23[%dma_wait3A_597, %dma_wait3A_598] : memref<10240x64xf32, #tpu.memory_space<vmem_shared>> -> memref<10240x64xf32, #tpu.memory_space<vmem_shared>>
      tpu.wait_indirect_dma semaphore(%arg17 : memref<!tpu.dma_semaphore, #tpu.memory_space<semaphore_mem>>) src(%dma_wait3A_599 : memref<10240x64xf32, #tpu.memory_space<vmem_shared>>) dst(%arg13 : memref<128x64xf32, #tpu.memory_space<vmem>>)
      %dma_start3A_600 = arith.constant 0 : i32
      %dma_start3A_601 = tpu.memref_slice %arg8[%add3A_593, %dma_start3A_600] : memref<20x128xi32, #tpu.memory_space<vmem>> -> memref<1x128xi32, #tpu.memory_space<vmem>>
      %dma_start3A_602 = tpu.memref_squeeze %dma_start3A_601 : memref<1x128xi32, #tpu.memory_space<vmem>> -> memref<128xi32, #tpu.memory_space<vmem>>
      %dma_start3A_603 = arith.constant 0 : i32
      %dma_start3A_604 = arith.constant 0 : i32
      %dma_start3A_605 = tpu.memref_slice %arg24[%dma_start3A_603, %dma_start3A_604] : memref<10240x64xf32, #tpu.memory_space<vmem_shared>> -> memref<10240x64xf32, #tpu.memory_space<vmem_shared>>
      tpu.enqueue_indirect_dma source(%arg13 : memref<128x64xf32, #tpu.memory_space<vmem>>) target(%dma_start3A_605 : memref<10240x64xf32, #tpu.memory_space<vmem_shared>>) offsets(%dma_start3A_602 : memref<128xi32, #tpu.memory_space<vmem>>) semaphore(%arg21 : memref<!tpu.dma_semaphore, #tpu.memory_space<semaphore_mem>>) {add = true}
      %ge3A_606 = arith.constant 2 : i32
      %ge3A_607 = arith.cmpi sge, %add3A_593, %ge3A_606 : i32
      %convert_element_type3A_608 = arith.extui %ge3A_607 : i1 to i32
      %cond3A_609 = arith.constant 0 : i32
      %cond3A_610 = arith.cmpi ne, %convert_element_type3A_608, %cond3A_609 : i32
      scf.if %cond3A_610 {
        %sub3A = arith.constant 2 : i32
        %sub3A_619 = arith.subi %add3A_593, %sub3A : i32
        %dma_wait3A_620 = arith.constant 0 : i32
        %dma_wait3A_621 = tpu.memref_slice %arg8[%sub3A_619, %dma_wait3A_620] : memref<20x128xi32, #tpu.memory_space<vmem>> -> memref<1x128xi32, #tpu.memory_space<vmem>>
        %dma_wait3A_622 = tpu.memref_squeeze %dma_wait3A_621 : memref<1x128xi32, #tpu.memory_space<vmem>> -> memref<128xi32, #tpu.memory_space<vmem>>
        %dma_wait3A_623 = arith.constant 0 : i32
        %dma_wait3A_624 = arith.constant 0 : i32
        %dma_wait3A_625 = tpu.memref_slice %arg24[%dma_wait3A_623, %dma_wait3A_624] : memref<10240x64xf32, #tpu.memory_space<vmem_shared>> -> memref<10240x64xf32, #tpu.memory_space<vmem_shared>>
        tpu.wait_indirect_dma semaphore(%arg19 : memref<!tpu.dma_semaphore, #tpu.memory_space<semaphore_mem>>) src(%arg11 : memref<128x64xf32, #tpu.memory_space<vmem>>) dst(%dma_wait3A_625 : memref<10240x64xf32, #tpu.memory_space<vmem_shared>>)
      } else {
      }
      %add3A_611 = arith.constant 2 : i32
      %add3A_612 = arith.addi %add3A_593, %add3A_611 : i32
      %lt3A_613 = arith.constant 20 : i32
      %lt3A_614 = arith.cmpi slt, %add3A_612, %lt3A_613 : i32
      %convert_element_type3A_615 = arith.extui %lt3A_614 : i1 to i32
      %cond3A_616 = arith.constant 0 : i32
      %cond3A_617 = arith.cmpi ne, %convert_element_type3A_615, %cond3A_616 : i32
      scf.if %cond3A_617 {
        %add3A_619 = arith.constant 2 : i32
        %add3A_620 = arith.addi %add3A_593, %add3A_619 : i32
        %dma_start3A_621 = arith.constant 0 : i32
        %dma_start3A_622 = tpu.memref_slice %arg6[%add3A_620, %dma_start3A_621] : memref<20x128xi32, #tpu.memory_space<vmem>> -> memref<1x128xi32, #tpu.memory_space<vmem>>
        %dma_start3A_623 = tpu.memref_squeeze %dma_start3A_622 : memref<1x128xi32, #tpu.memory_space<vmem>> -> memref<128xi32, #tpu.memory_space<vmem>>
        %dma_start3A_624 = arith.constant 0 : i32
        %dma_start3A_625 = arith.constant 0 : i32
        %dma_start3A_626 = tpu.memref_slice %arg23[%dma_start3A_624, %dma_start3A_625] : memref<10240x64xf32, #tpu.memory_space<vmem_shared>> -> memref<10240x64xf32, #tpu.memory_space<vmem_shared>>
        tpu.enqueue_indirect_dma source(%dma_start3A_626 : memref<10240x64xf32, #tpu.memory_space<vmem_shared>>) target(%arg11 : memref<128x64xf32, #tpu.memory_space<vmem>>) offsets(%dma_start3A_623 : memref<128xi32, #tpu.memory_space<vmem>>) semaphore(%arg15 : memref<!tpu.dma_semaphore, #tpu.memory_space<semaphore_mem>>)
      } else {
      }
      %scan3A_618 = arith.constant 0 : i32
      scf.yield %scan3A_618 : i32
    }
    %scan3A_174 = arith.constant 5 : i32
    %dma_wait3A_175 = arith.constant 18 : i32
    %dma_wait3A_176 = arith.constant 0 : i32
    %dma_wait3A_177 = tpu.memref_slice %arg8[%dma_wait3A_175, %dma_wait3A_176] : memref<20x128xi32, #tpu.memory_space<vmem>> -> memref<1x128xi32, #tpu.memory_space<vmem>>
    %dma_wait3A_178 = tpu.memref_squeeze %dma_wait3A_177 : memref<1x128xi32, #tpu.memory_space<vmem>> -> memref<128xi32, #tpu.memory_space<vmem>>
    %dma_wait3A_179 = arith.constant 0 : i32
    %dma_wait3A_180 = arith.constant 0 : i32
    %dma_wait3A_181 = tpu.memref_slice %arg24[%dma_wait3A_179, %dma_wait3A_180] : memref<10240x64xf32, #tpu.memory_space<vmem_shared>> -> memref<10240x64xf32, #tpu.memory_space<vmem_shared>>
    tpu.wait_indirect_dma semaphore(%arg20 : memref<!tpu.dma_semaphore, #tpu.memory_space<semaphore_mem>>) src(%arg12 : memref<128x64xf32, #tpu.memory_space<vmem>>) dst(%dma_wait3A_181 : memref<10240x64xf32, #tpu.memory_space<vmem_shared>>)
    %dma_wait3A_182 = arith.constant 19 : i32
    %dma_wait3A_183 = arith.constant 0 : i32
    %dma_wait3A_184 = tpu.memref_slice %arg8[%dma_wait3A_182, %dma_wait3A_183] : memref<20x128xi32, #tpu.memory_space<vmem>> -> memref<1x128xi32, #tpu.memory_space<vmem>>
    %dma_wait3A_185 = tpu.memref_squeeze %dma_wait3A_184 : memref<1x128xi32, #tpu.memory_space<vmem>> -> memref<128xi32, #tpu.memory_space<vmem>>
    %dma_wait3A_186 = arith.constant 0 : i32
    %dma_wait3A_187 = arith.constant 0 : i32
    %dma_wait3A_188 = tpu.memref_slice %arg24[%dma_wait3A_186, %dma_wait3A_187] : memref<10240x64xf32, #tpu.memory_space<vmem_shared>> -> memref<10240x64xf32, #tpu.memory_space<vmem_shared>>
    tpu.wait_indirect_dma semaphore(%arg21 : memref<!tpu.dma_semaphore, #tpu.memory_space<semaphore_mem>>) src(%arg13 : memref<128x64xf32, #tpu.memory_space<vmem>>) dst(%dma_wait3A_188 : memref<10240x64xf32, #tpu.memory_space<vmem_shared>>)
    %dma_wait3A_189 = arith.constant 60 : i32
    %dma_wait3A_190 = arith.constant 0 : i32
    %dma_wait3A_191 = tpu.memref_slice %arg3[%arg1, %dma_wait3A_189, %dma_wait3A_190] : memref<16x160x128xi32, #tpu.memory_space<hbm>> -> memref<1x20x128xi32, #tpu.memory_space<hbm>>
    %dma_wait3A_192 = tpu.memref_squeeze %dma_wait3A_191 : memref<1x20x128xi32, #tpu.memory_space<hbm>> -> memref<20x128xi32, #tpu.memory_space<hbm>>
    %dma_wait3A_193 = arith.constant 60 : i32
    %dma_wait3A_194 = arith.constant 0 : i32
    %dma_wait3A_195 = tpu.memref_slice %arg3[%arg1, %dma_wait3A_193, %dma_wait3A_194] : memref<16x160x128xi32, #tpu.memory_space<hbm>> -> memref<1x20x128xi32, #tpu.memory_space<hbm>>
    %dma_wait3A_196 = tpu.memref_squeeze %dma_wait3A_195 : memref<1x20x128xi32, #tpu.memory_space<hbm>> -> memref<20x128xi32, #tpu.memory_space<hbm>>
    tpu.wait_dma2 semaphore(%arg22 : memref<!tpu.dma_semaphore, #tpu.memory_space<semaphore_mem>>) src(%dma_wait3A_196 : memref<20x128xi32, #tpu.memory_space<hbm>>) dst(%arg7 : memref<20x128xi32, #tpu.memory_space<vmem>>)
    %dma_wait3A_197 = arith.constant 60 : i32
    %dma_wait3A_198 = arith.constant 0 : i32
    %dma_wait3A_199 = tpu.memref_slice %arg4[%arg1, %dma_wait3A_197, %dma_wait3A_198] : memref<16x160x128xi32, #tpu.memory_space<hbm>> -> memref<1x20x128xi32, #tpu.memory_space<hbm>>
    %dma_wait3A_200 = tpu.memref_squeeze %dma_wait3A_199 : memref<1x20x128xi32, #tpu.memory_space<hbm>> -> memref<20x128xi32, #tpu.memory_space<hbm>>
    %dma_wait3A_201 = arith.constant 60 : i32
    %dma_wait3A_202 = arith.constant 0 : i32
    %dma_wait3A_203 = tpu.memref_slice %arg4[%arg1, %dma_wait3A_201, %dma_wait3A_202] : memref<16x160x128xi32, #tpu.memory_space<hbm>> -> memref<1x20x128xi32, #tpu.memory_space<hbm>>
    %dma_wait3A_204 = tpu.memref_squeeze %dma_wait3A_203 : memref<1x20x128xi32, #tpu.memory_space<hbm>> -> memref<20x128xi32, #tpu.memory_space<hbm>>
    tpu.wait_dma2 semaphore(%arg22 : memref<!tpu.dma_semaphore, #tpu.memory_space<semaphore_mem>>) src(%dma_wait3A_204 : memref<20x128xi32, #tpu.memory_space<hbm>>) dst(%arg9 : memref<20x128xi32, #tpu.memory_space<vmem>>)
    %dma_start3A_205 = arith.constant 80 : i32
    %dma_start3A_206 = arith.constant 0 : i32
    %dma_start3A_207 = tpu.memref_slice %arg3[%arg1, %dma_start3A_205, %dma_start3A_206] : memref<16x160x128xi32, #tpu.memory_space<hbm>> -> memref<1x20x128xi32, #tpu.memory_space<hbm>>
    %dma_start3A_208 = tpu.memref_squeeze %dma_start3A_207 : memref<1x20x128xi32, #tpu.memory_space<hbm>> -> memref<20x128xi32, #tpu.memory_space<hbm>>
    %dma_start3A_209 = arith.constant 80 : i32
    %dma_start3A_210 = arith.constant 0 : i32
    %dma_start3A_211 = tpu.memref_slice %arg3[%arg1, %dma_start3A_209, %dma_start3A_210] : memref<16x160x128xi32, #tpu.memory_space<hbm>> -> memref<1x20x128xi32, #tpu.memory_space<hbm>>
    %dma_start3A_212 = tpu.memref_squeeze %dma_start3A_211 : memref<1x20x128xi32, #tpu.memory_space<hbm>> -> memref<20x128xi32, #tpu.memory_space<hbm>>
    tpu.enqueue_dma source(%dma_start3A_212 : memref<20x128xi32, #tpu.memory_space<hbm>>) target(%arg6 : memref<20x128xi32, #tpu.memory_space<vmem>>) target_semaphore(%arg22 : memref<!tpu.dma_semaphore, #tpu.memory_space<semaphore_mem>>)
    %dma_start3A_213 = arith.constant 80 : i32
    %dma_start3A_214 = arith.constant 0 : i32
    %dma_start3A_215 = tpu.memref_slice %arg4[%arg1, %dma_start3A_213, %dma_start3A_214] : memref<16x160x128xi32, #tpu.memory_space<hbm>> -> memref<1x20x128xi32, #tpu.memory_space<hbm>>
    %dma_start3A_216 = tpu.memref_squeeze %dma_start3A_215 : memref<1x20x128xi32, #tpu.memory_space<hbm>> -> memref<20x128xi32, #tpu.memory_space<hbm>>
    %dma_start3A_217 = arith.constant 80 : i32
    %dma_start3A_218 = arith.constant 0 : i32
    %dma_start3A_219 = tpu.memref_slice %arg4[%arg1, %dma_start3A_217, %dma_start3A_218] : memref<16x160x128xi32, #tpu.memory_space<hbm>> -> memref<1x20x128xi32, #tpu.memory_space<hbm>>
    %dma_start3A_220 = tpu.memref_squeeze %dma_start3A_219 : memref<1x20x128xi32, #tpu.memory_space<hbm>> -> memref<20x128xi32, #tpu.memory_space<hbm>>
    tpu.enqueue_dma source(%dma_start3A_220 : memref<20x128xi32, #tpu.memory_space<hbm>>) target(%arg8 : memref<20x128xi32, #tpu.memory_space<vmem>>) target_semaphore(%arg22 : memref<!tpu.dma_semaphore, #tpu.memory_space<semaphore_mem>>)
    %dma_start3A_221 = arith.constant 0 : i32
    %dma_start3A_222 = arith.constant 0 : i32
    %dma_start3A_223 = tpu.memref_slice %arg7[%dma_start3A_221, %dma_start3A_222] : memref<20x128xi32, #tpu.memory_space<vmem>> -> memref<1x128xi32, #tpu.memory_space<vmem>>
    %dma_start3A_224 = tpu.memref_squeeze %dma_start3A_223 : memref<1x128xi32, #tpu.memory_space<vmem>> -> memref<128xi32, #tpu.memory_space<vmem>>
    %dma_start3A_225 = arith.constant 0 : i32
    %dma_start3A_226 = arith.constant 0 : i32
    %dma_start3A_227 = tpu.memref_slice %arg23[%dma_start3A_225, %dma_start3A_226] : memref<10240x64xf32, #tpu.memory_space<vmem_shared>> -> memref<10240x64xf32, #tpu.memory_space<vmem_shared>>
    tpu.enqueue_indirect_dma source(%dma_start3A_227 : memref<10240x64xf32, #tpu.memory_space<vmem_shared>>) target(%arg10 : memref<128x64xf32, #tpu.memory_space<vmem>>) offsets(%dma_start3A_224 : memref<128xi32, #tpu.memory_space<vmem>>) semaphore(%arg14 : memref<!tpu.dma_semaphore, #tpu.memory_space<semaphore_mem>>)
    %dma_start3A_228 = arith.constant 1 : i32
    %dma_start3A_229 = arith.constant 0 : i32
    %dma_start3A_230 = tpu.memref_slice %arg7[%dma_start3A_228, %dma_start3A_229] : memref<20x128xi32, #tpu.memory_space<vmem>> -> memref<1x128xi32, #tpu.memory_space<vmem>>
    %dma_start3A_231 = tpu.memref_squeeze %dma_start3A_230 : memref<1x128xi32, #tpu.memory_space<vmem>> -> memref<128xi32, #tpu.memory_space<vmem>>
    %dma_start3A_232 = arith.constant 0 : i32
    %dma_start3A_233 = arith.constant 0 : i32
    %dma_start3A_234 = tpu.memref_slice %arg23[%dma_start3A_232, %dma_start3A_233] : memref<10240x64xf32, #tpu.memory_space<vmem_shared>> -> memref<10240x64xf32, #tpu.memory_space<vmem_shared>>
    tpu.enqueue_indirect_dma source(%dma_start3A_234 : memref<10240x64xf32, #tpu.memory_space<vmem_shared>>) target(%arg11 : memref<128x64xf32, #tpu.memory_space<vmem>>) offsets(%dma_start3A_231 : memref<128xi32, #tpu.memory_space<vmem>>) semaphore(%arg15 : memref<!tpu.dma_semaphore, #tpu.memory_space<semaphore_mem>>)
    %scan3A_235 = arith.constant 0 : i32
    %scan3A_236 = arith.constant 0 : i32
    %scan3A_237 = arith.constant 5 : i32
    %scan3A_238 = arith.addi %scan3A_236, %scan3A_237 : i32
    %scan3A_239 = arith.constant 1 : i32
    %scan3A_240 = scf.for %scan3A_516 = %scan3A_236 to %scan3A_238 step %scan3A_239 iter_args(%scan3A_517 = %scan3A_235) -> (i32)  : i32 {
      %mul3A = arith.constant 4 : i32
      %mul3A_518 = arith.muli %scan3A_516, %mul3A : i32
      %add3A = arith.constant 0 : i32
      %add3A_519 = arith.addi %mul3A_518, %add3A : i32
      %dma_wait3A_520 = arith.constant 0 : i32
      %dma_wait3A_521 = tpu.memref_slice %arg7[%add3A_519, %dma_wait3A_520] : memref<20x128xi32, #tpu.memory_space<vmem>> -> memref<1x128xi32, #tpu.memory_space<vmem>>
      %dma_wait3A_522 = tpu.memref_squeeze %dma_wait3A_521 : memref<1x128xi32, #tpu.memory_space<vmem>> -> memref<128xi32, #tpu.memory_space<vmem>>
      %dma_wait3A_523 = arith.constant 0 : i32
      %dma_wait3A_524 = arith.constant 0 : i32
      %dma_wait3A_525 = tpu.memref_slice %arg23[%dma_wait3A_523, %dma_wait3A_524] : memref<10240x64xf32, #tpu.memory_space<vmem_shared>> -> memref<10240x64xf32, #tpu.memory_space<vmem_shared>>
      tpu.wait_indirect_dma semaphore(%arg14 : memref<!tpu.dma_semaphore, #tpu.memory_space<semaphore_mem>>) src(%dma_wait3A_525 : memref<10240x64xf32, #tpu.memory_space<vmem_shared>>) dst(%arg10 : memref<128x64xf32, #tpu.memory_space<vmem>>)
      %dma_start3A_526 = arith.constant 0 : i32
      %dma_start3A_527 = tpu.memref_slice %arg9[%add3A_519, %dma_start3A_526] : memref<20x128xi32, #tpu.memory_space<vmem>> -> memref<1x128xi32, #tpu.memory_space<vmem>>
      %dma_start3A_528 = tpu.memref_squeeze %dma_start3A_527 : memref<1x128xi32, #tpu.memory_space<vmem>> -> memref<128xi32, #tpu.memory_space<vmem>>
      %dma_start3A_529 = arith.constant 0 : i32
      %dma_start3A_530 = arith.constant 0 : i32
      %dma_start3A_531 = tpu.memref_slice %arg24[%dma_start3A_529, %dma_start3A_530] : memref<10240x64xf32, #tpu.memory_space<vmem_shared>> -> memref<10240x64xf32, #tpu.memory_space<vmem_shared>>
      tpu.enqueue_indirect_dma source(%arg10 : memref<128x64xf32, #tpu.memory_space<vmem>>) target(%dma_start3A_531 : memref<10240x64xf32, #tpu.memory_space<vmem_shared>>) offsets(%dma_start3A_528 : memref<128xi32, #tpu.memory_space<vmem>>) semaphore(%arg18 : memref<!tpu.dma_semaphore, #tpu.memory_space<semaphore_mem>>) {add = true}
      %ge3A = arith.constant 2 : i32
      %ge3A_532 = arith.cmpi sge, %add3A_519, %ge3A : i32
      %convert_element_type3A = arith.extui %ge3A_532 : i1 to i32
      %cond3A = arith.constant 0 : i32
      %cond3A_533 = arith.cmpi ne, %convert_element_type3A, %cond3A : i32
      scf.if %cond3A_533 {
        %sub3A = arith.constant 2 : i32
        %sub3A_619 = arith.subi %add3A_519, %sub3A : i32
        %dma_wait3A_620 = arith.constant 0 : i32
        %dma_wait3A_621 = tpu.memref_slice %arg9[%sub3A_619, %dma_wait3A_620] : memref<20x128xi32, #tpu.memory_space<vmem>> -> memref<1x128xi32, #tpu.memory_space<vmem>>
        %dma_wait3A_622 = tpu.memref_squeeze %dma_wait3A_621 : memref<1x128xi32, #tpu.memory_space<vmem>> -> memref<128xi32, #tpu.memory_space<vmem>>
        %dma_wait3A_623 = arith.constant 0 : i32
        %dma_wait3A_624 = arith.constant 0 : i32
        %dma_wait3A_625 = tpu.memref_slice %arg24[%dma_wait3A_623, %dma_wait3A_624] : memref<10240x64xf32, #tpu.memory_space<vmem_shared>> -> memref<10240x64xf32, #tpu.memory_space<vmem_shared>>
        tpu.wait_indirect_dma semaphore(%arg20 : memref<!tpu.dma_semaphore, #tpu.memory_space<semaphore_mem>>) src(%arg12 : memref<128x64xf32, #tpu.memory_space<vmem>>) dst(%dma_wait3A_625 : memref<10240x64xf32, #tpu.memory_space<vmem_shared>>)
      } else {
      }
      %add3A_534 = arith.constant 2 : i32
      %add3A_535 = arith.addi %add3A_519, %add3A_534 : i32
      %lt3A = arith.constant 20 : i32
      %lt3A_536 = arith.cmpi slt, %add3A_535, %lt3A : i32
      %convert_element_type3A_537 = arith.extui %lt3A_536 : i1 to i32
      %cond3A_538 = arith.constant 0 : i32
      %cond3A_539 = arith.cmpi ne, %convert_element_type3A_537, %cond3A_538 : i32
      scf.if %cond3A_539 {
        %add3A_619 = arith.constant 2 : i32
        %add3A_620 = arith.addi %add3A_519, %add3A_619 : i32
        %dma_start3A_621 = arith.constant 0 : i32
        %dma_start3A_622 = tpu.memref_slice %arg7[%add3A_620, %dma_start3A_621] : memref<20x128xi32, #tpu.memory_space<vmem>> -> memref<1x128xi32, #tpu.memory_space<vmem>>
        %dma_start3A_623 = tpu.memref_squeeze %dma_start3A_622 : memref<1x128xi32, #tpu.memory_space<vmem>> -> memref<128xi32, #tpu.memory_space<vmem>>
        %dma_start3A_624 = arith.constant 0 : i32
        %dma_start3A_625 = arith.constant 0 : i32
        %dma_start3A_626 = tpu.memref_slice %arg23[%dma_start3A_624, %dma_start3A_625] : memref<10240x64xf32, #tpu.memory_space<vmem_shared>> -> memref<10240x64xf32, #tpu.memory_space<vmem_shared>>
        tpu.enqueue_indirect_dma source(%dma_start3A_626 : memref<10240x64xf32, #tpu.memory_space<vmem_shared>>) target(%arg12 : memref<128x64xf32, #tpu.memory_space<vmem>>) offsets(%dma_start3A_623 : memref<128xi32, #tpu.memory_space<vmem>>) semaphore(%arg16 : memref<!tpu.dma_semaphore, #tpu.memory_space<semaphore_mem>>)
      } else {
      }
      %add3A_540 = arith.constant 1 : i32
      %add3A_541 = arith.addi %mul3A_518, %add3A_540 : i32
      %dma_wait3A_542 = arith.constant 0 : i32
      %dma_wait3A_543 = tpu.memref_slice %arg7[%add3A_541, %dma_wait3A_542] : memref<20x128xi32, #tpu.memory_space<vmem>> -> memref<1x128xi32, #tpu.memory_space<vmem>>
      %dma_wait3A_544 = tpu.memref_squeeze %dma_wait3A_543 : memref<1x128xi32, #tpu.memory_space<vmem>> -> memref<128xi32, #tpu.memory_space<vmem>>
      %dma_wait3A_545 = arith.constant 0 : i32
      %dma_wait3A_546 = arith.constant 0 : i32
      %dma_wait3A_547 = tpu.memref_slice %arg23[%dma_wait3A_545, %dma_wait3A_546] : memref<10240x64xf32, #tpu.memory_space<vmem_shared>> -> memref<10240x64xf32, #tpu.memory_space<vmem_shared>>
      tpu.wait_indirect_dma semaphore(%arg15 : memref<!tpu.dma_semaphore, #tpu.memory_space<semaphore_mem>>) src(%dma_wait3A_547 : memref<10240x64xf32, #tpu.memory_space<vmem_shared>>) dst(%arg11 : memref<128x64xf32, #tpu.memory_space<vmem>>)
      %dma_start3A_548 = arith.constant 0 : i32
      %dma_start3A_549 = tpu.memref_slice %arg9[%add3A_541, %dma_start3A_548] : memref<20x128xi32, #tpu.memory_space<vmem>> -> memref<1x128xi32, #tpu.memory_space<vmem>>
      %dma_start3A_550 = tpu.memref_squeeze %dma_start3A_549 : memref<1x128xi32, #tpu.memory_space<vmem>> -> memref<128xi32, #tpu.memory_space<vmem>>
      %dma_start3A_551 = arith.constant 0 : i32
      %dma_start3A_552 = arith.constant 0 : i32
      %dma_start3A_553 = tpu.memref_slice %arg24[%dma_start3A_551, %dma_start3A_552] : memref<10240x64xf32, #tpu.memory_space<vmem_shared>> -> memref<10240x64xf32, #tpu.memory_space<vmem_shared>>
      tpu.enqueue_indirect_dma source(%arg11 : memref<128x64xf32, #tpu.memory_space<vmem>>) target(%dma_start3A_553 : memref<10240x64xf32, #tpu.memory_space<vmem_shared>>) offsets(%dma_start3A_550 : memref<128xi32, #tpu.memory_space<vmem>>) semaphore(%arg19 : memref<!tpu.dma_semaphore, #tpu.memory_space<semaphore_mem>>) {add = true}
      %ge3A_554 = arith.constant 2 : i32
      %ge3A_555 = arith.cmpi sge, %add3A_541, %ge3A_554 : i32
      %convert_element_type3A_556 = arith.extui %ge3A_555 : i1 to i32
      %cond3A_557 = arith.constant 0 : i32
      %cond3A_558 = arith.cmpi ne, %convert_element_type3A_556, %cond3A_557 : i32
      scf.if %cond3A_558 {
        %sub3A = arith.constant 2 : i32
        %sub3A_619 = arith.subi %add3A_541, %sub3A : i32
        %dma_wait3A_620 = arith.constant 0 : i32
        %dma_wait3A_621 = tpu.memref_slice %arg9[%sub3A_619, %dma_wait3A_620] : memref<20x128xi32, #tpu.memory_space<vmem>> -> memref<1x128xi32, #tpu.memory_space<vmem>>
        %dma_wait3A_622 = tpu.memref_squeeze %dma_wait3A_621 : memref<1x128xi32, #tpu.memory_space<vmem>> -> memref<128xi32, #tpu.memory_space<vmem>>
        %dma_wait3A_623 = arith.constant 0 : i32
        %dma_wait3A_624 = arith.constant 0 : i32
        %dma_wait3A_625 = tpu.memref_slice %arg24[%dma_wait3A_623, %dma_wait3A_624] : memref<10240x64xf32, #tpu.memory_space<vmem_shared>> -> memref<10240x64xf32, #tpu.memory_space<vmem_shared>>
        tpu.wait_indirect_dma semaphore(%arg21 : memref<!tpu.dma_semaphore, #tpu.memory_space<semaphore_mem>>) src(%arg13 : memref<128x64xf32, #tpu.memory_space<vmem>>) dst(%dma_wait3A_625 : memref<10240x64xf32, #tpu.memory_space<vmem_shared>>)
      } else {
      }
      %add3A_559 = arith.constant 2 : i32
      %add3A_560 = arith.addi %add3A_541, %add3A_559 : i32
      %lt3A_561 = arith.constant 20 : i32
      %lt3A_562 = arith.cmpi slt, %add3A_560, %lt3A_561 : i32
      %convert_element_type3A_563 = arith.extui %lt3A_562 : i1 to i32
      %cond3A_564 = arith.constant 0 : i32
      %cond3A_565 = arith.cmpi ne, %convert_element_type3A_563, %cond3A_564 : i32
      scf.if %cond3A_565 {
        %add3A_619 = arith.constant 2 : i32
        %add3A_620 = arith.addi %add3A_541, %add3A_619 : i32
        %dma_start3A_621 = arith.constant 0 : i32
        %dma_start3A_622 = tpu.memref_slice %arg7[%add3A_620, %dma_start3A_621] : memref<20x128xi32, #tpu.memory_space<vmem>> -> memref<1x128xi32, #tpu.memory_space<vmem>>
        %dma_start3A_623 = tpu.memref_squeeze %dma_start3A_622 : memref<1x128xi32, #tpu.memory_space<vmem>> -> memref<128xi32, #tpu.memory_space<vmem>>
        %dma_start3A_624 = arith.constant 0 : i32
        %dma_start3A_625 = arith.constant 0 : i32
        %dma_start3A_626 = tpu.memref_slice %arg23[%dma_start3A_624, %dma_start3A_625] : memref<10240x64xf32, #tpu.memory_space<vmem_shared>> -> memref<10240x64xf32, #tpu.memory_space<vmem_shared>>
        tpu.enqueue_indirect_dma source(%dma_start3A_626 : memref<10240x64xf32, #tpu.memory_space<vmem_shared>>) target(%arg13 : memref<128x64xf32, #tpu.memory_space<vmem>>) offsets(%dma_start3A_623 : memref<128xi32, #tpu.memory_space<vmem>>) semaphore(%arg17 : memref<!tpu.dma_semaphore, #tpu.memory_space<semaphore_mem>>)
      } else {
      }
      %add3A_566 = arith.constant 2 : i32
      %add3A_567 = arith.addi %mul3A_518, %add3A_566 : i32
      %dma_wait3A_568 = arith.constant 0 : i32
      %dma_wait3A_569 = tpu.memref_slice %arg7[%add3A_567, %dma_wait3A_568] : memref<20x128xi32, #tpu.memory_space<vmem>> -> memref<1x128xi32, #tpu.memory_space<vmem>>
      %dma_wait3A_570 = tpu.memref_squeeze %dma_wait3A_569 : memref<1x128xi32, #tpu.memory_space<vmem>> -> memref<128xi32, #tpu.memory_space<vmem>>
      %dma_wait3A_571 = arith.constant 0 : i32
      %dma_wait3A_572 = arith.constant 0 : i32
      %dma_wait3A_573 = tpu.memref_slice %arg23[%dma_wait3A_571, %dma_wait3A_572] : memref<10240x64xf32, #tpu.memory_space<vmem_shared>> -> memref<10240x64xf32, #tpu.memory_space<vmem_shared>>
      tpu.wait_indirect_dma semaphore(%arg16 : memref<!tpu.dma_semaphore, #tpu.memory_space<semaphore_mem>>) src(%dma_wait3A_573 : memref<10240x64xf32, #tpu.memory_space<vmem_shared>>) dst(%arg12 : memref<128x64xf32, #tpu.memory_space<vmem>>)
      %dma_start3A_574 = arith.constant 0 : i32
      %dma_start3A_575 = tpu.memref_slice %arg9[%add3A_567, %dma_start3A_574] : memref<20x128xi32, #tpu.memory_space<vmem>> -> memref<1x128xi32, #tpu.memory_space<vmem>>
      %dma_start3A_576 = tpu.memref_squeeze %dma_start3A_575 : memref<1x128xi32, #tpu.memory_space<vmem>> -> memref<128xi32, #tpu.memory_space<vmem>>
      %dma_start3A_577 = arith.constant 0 : i32
      %dma_start3A_578 = arith.constant 0 : i32
      %dma_start3A_579 = tpu.memref_slice %arg24[%dma_start3A_577, %dma_start3A_578] : memref<10240x64xf32, #tpu.memory_space<vmem_shared>> -> memref<10240x64xf32, #tpu.memory_space<vmem_shared>>
      tpu.enqueue_indirect_dma source(%arg12 : memref<128x64xf32, #tpu.memory_space<vmem>>) target(%dma_start3A_579 : memref<10240x64xf32, #tpu.memory_space<vmem_shared>>) offsets(%dma_start3A_576 : memref<128xi32, #tpu.memory_space<vmem>>) semaphore(%arg20 : memref<!tpu.dma_semaphore, #tpu.memory_space<semaphore_mem>>) {add = true}
      %ge3A_580 = arith.constant 2 : i32
      %ge3A_581 = arith.cmpi sge, %add3A_567, %ge3A_580 : i32
      %convert_element_type3A_582 = arith.extui %ge3A_581 : i1 to i32
      %cond3A_583 = arith.constant 0 : i32
      %cond3A_584 = arith.cmpi ne, %convert_element_type3A_582, %cond3A_583 : i32
      scf.if %cond3A_584 {
        %sub3A = arith.constant 2 : i32
        %sub3A_619 = arith.subi %add3A_567, %sub3A : i32
        %dma_wait3A_620 = arith.constant 0 : i32
        %dma_wait3A_621 = tpu.memref_slice %arg9[%sub3A_619, %dma_wait3A_620] : memref<20x128xi32, #tpu.memory_space<vmem>> -> memref<1x128xi32, #tpu.memory_space<vmem>>
        %dma_wait3A_622 = tpu.memref_squeeze %dma_wait3A_621 : memref<1x128xi32, #tpu.memory_space<vmem>> -> memref<128xi32, #tpu.memory_space<vmem>>
        %dma_wait3A_623 = arith.constant 0 : i32
        %dma_wait3A_624 = arith.constant 0 : i32
        %dma_wait3A_625 = tpu.memref_slice %arg24[%dma_wait3A_623, %dma_wait3A_624] : memref<10240x64xf32, #tpu.memory_space<vmem_shared>> -> memref<10240x64xf32, #tpu.memory_space<vmem_shared>>
        tpu.wait_indirect_dma semaphore(%arg18 : memref<!tpu.dma_semaphore, #tpu.memory_space<semaphore_mem>>) src(%arg10 : memref<128x64xf32, #tpu.memory_space<vmem>>) dst(%dma_wait3A_625 : memref<10240x64xf32, #tpu.memory_space<vmem_shared>>)
      } else {
      }
      %add3A_585 = arith.constant 2 : i32
      %add3A_586 = arith.addi %add3A_567, %add3A_585 : i32
      %lt3A_587 = arith.constant 20 : i32
      %lt3A_588 = arith.cmpi slt, %add3A_586, %lt3A_587 : i32
      %convert_element_type3A_589 = arith.extui %lt3A_588 : i1 to i32
      %cond3A_590 = arith.constant 0 : i32
      %cond3A_591 = arith.cmpi ne, %convert_element_type3A_589, %cond3A_590 : i32
      scf.if %cond3A_591 {
        %add3A_619 = arith.constant 2 : i32
        %add3A_620 = arith.addi %add3A_567, %add3A_619 : i32
        %dma_start3A_621 = arith.constant 0 : i32
        %dma_start3A_622 = tpu.memref_slice %arg7[%add3A_620, %dma_start3A_621] : memref<20x128xi32, #tpu.memory_space<vmem>> -> memref<1x128xi32, #tpu.memory_space<vmem>>
        %dma_start3A_623 = tpu.memref_squeeze %dma_start3A_622 : memref<1x128xi32, #tpu.memory_space<vmem>> -> memref<128xi32, #tpu.memory_space<vmem>>
        %dma_start3A_624 = arith.constant 0 : i32
        %dma_start3A_625 = arith.constant 0 : i32
        %dma_start3A_626 = tpu.memref_slice %arg23[%dma_start3A_624, %dma_start3A_625] : memref<10240x64xf32, #tpu.memory_space<vmem_shared>> -> memref<10240x64xf32, #tpu.memory_space<vmem_shared>>
        tpu.enqueue_indirect_dma source(%dma_start3A_626 : memref<10240x64xf32, #tpu.memory_space<vmem_shared>>) target(%arg10 : memref<128x64xf32, #tpu.memory_space<vmem>>) offsets(%dma_start3A_623 : memref<128xi32, #tpu.memory_space<vmem>>) semaphore(%arg14 : memref<!tpu.dma_semaphore, #tpu.memory_space<semaphore_mem>>)
      } else {
      }
      %add3A_592 = arith.constant 3 : i32
      %add3A_593 = arith.addi %mul3A_518, %add3A_592 : i32
      %dma_wait3A_594 = arith.constant 0 : i32
      %dma_wait3A_595 = tpu.memref_slice %arg7[%add3A_593, %dma_wait3A_594] : memref<20x128xi32, #tpu.memory_space<vmem>> -> memref<1x128xi32, #tpu.memory_space<vmem>>
      %dma_wait3A_596 = tpu.memref_squeeze %dma_wait3A_595 : memref<1x128xi32, #tpu.memory_space<vmem>> -> memref<128xi32, #tpu.memory_space<vmem>>
      %dma_wait3A_597 = arith.constant 0 : i32
      %dma_wait3A_598 = arith.constant 0 : i32
      %dma_wait3A_599 = tpu.memref_slice %arg23[%dma_wait3A_597, %dma_wait3A_598] : memref<10240x64xf32, #tpu.memory_space<vmem_shared>> -> memref<10240x64xf32, #tpu.memory_space<vmem_shared>>
      tpu.wait_indirect_dma semaphore(%arg17 : memref<!tpu.dma_semaphore, #tpu.memory_space<semaphore_mem>>) src(%dma_wait3A_599 : memref<10240x64xf32, #tpu.memory_space<vmem_shared>>) dst(%arg13 : memref<128x64xf32, #tpu.memory_space<vmem>>)
      %dma_start3A_600 = arith.constant 0 : i32
      %dma_start3A_601 = tpu.memref_slice %arg9[%add3A_593, %dma_start3A_600] : memref<20x128xi32, #tpu.memory_space<vmem>> -> memref<1x128xi32, #tpu.memory_space<vmem>>
      %dma_start3A_602 = tpu.memref_squeeze %dma_start3A_601 : memref<1x128xi32, #tpu.memory_space<vmem>> -> memref<128xi32, #tpu.memory_space<vmem>>
      %dma_start3A_603 = arith.constant 0 : i32
      %dma_start3A_604 = arith.constant 0 : i32
      %dma_start3A_605 = tpu.memref_slice %arg24[%dma_start3A_603, %dma_start3A_604] : memref<10240x64xf32, #tpu.memory_space<vmem_shared>> -> memref<10240x64xf32, #tpu.memory_space<vmem_shared>>
      tpu.enqueue_indirect_dma source(%arg13 : memref<128x64xf32, #tpu.memory_space<vmem>>) target(%dma_start3A_605 : memref<10240x64xf32, #tpu.memory_space<vmem_shared>>) offsets(%dma_start3A_602 : memref<128xi32, #tpu.memory_space<vmem>>) semaphore(%arg21 : memref<!tpu.dma_semaphore, #tpu.memory_space<semaphore_mem>>) {add = true}
      %ge3A_606 = arith.constant 2 : i32
      %ge3A_607 = arith.cmpi sge, %add3A_593, %ge3A_606 : i32
      %convert_element_type3A_608 = arith.extui %ge3A_607 : i1 to i32
      %cond3A_609 = arith.constant 0 : i32
      %cond3A_610 = arith.cmpi ne, %convert_element_type3A_608, %cond3A_609 : i32
      scf.if %cond3A_610 {
        %sub3A = arith.constant 2 : i32
        %sub3A_619 = arith.subi %add3A_593, %sub3A : i32
        %dma_wait3A_620 = arith.constant 0 : i32
        %dma_wait3A_621 = tpu.memref_slice %arg9[%sub3A_619, %dma_wait3A_620] : memref<20x128xi32, #tpu.memory_space<vmem>> -> memref<1x128xi32, #tpu.memory_space<vmem>>
        %dma_wait3A_622 = tpu.memref_squeeze %dma_wait3A_621 : memref<1x128xi32, #tpu.memory_space<vmem>> -> memref<128xi32, #tpu.memory_space<vmem>>
        %dma_wait3A_623 = arith.constant 0 : i32
        %dma_wait3A_624 = arith.constant 0 : i32
        %dma_wait3A_625 = tpu.memref_slice %arg24[%dma_wait3A_623, %dma_wait3A_624] : memref<10240x64xf32, #tpu.memory_space<vmem_shared>> -> memref<10240x64xf32, #tpu.memory_space<vmem_shared>>
        tpu.wait_indirect_dma semaphore(%arg19 : memref<!tpu.dma_semaphore, #tpu.memory_space<semaphore_mem>>) src(%arg11 : memref<128x64xf32, #tpu.memory_space<vmem>>) dst(%dma_wait3A_625 : memref<10240x64xf32, #tpu.memory_space<vmem_shared>>)
      } else {
      }
      %add3A_611 = arith.constant 2 : i32
      %add3A_612 = arith.addi %add3A_593, %add3A_611 : i32
      %lt3A_613 = arith.constant 20 : i32
      %lt3A_614 = arith.cmpi slt, %add3A_612, %lt3A_613 : i32
      %convert_element_type3A_615 = arith.extui %lt3A_614 : i1 to i32
      %cond3A_616 = arith.constant 0 : i32
      %cond3A_617 = arith.cmpi ne, %convert_element_type3A_615, %cond3A_616 : i32
      scf.if %cond3A_617 {
        %add3A_619 = arith.constant 2 : i32
        %add3A_620 = arith.addi %add3A_593, %add3A_619 : i32
        %dma_start3A_621 = arith.constant 0 : i32
        %dma_start3A_622 = tpu.memref_slice %arg7[%add3A_620, %dma_start3A_621] : memref<20x128xi32, #tpu.memory_space<vmem>> -> memref<1x128xi32, #tpu.memory_space<vmem>>
        %dma_start3A_623 = tpu.memref_squeeze %dma_start3A_622 : memref<1x128xi32, #tpu.memory_space<vmem>> -> memref<128xi32, #tpu.memory_space<vmem>>
        %dma_start3A_624 = arith.constant 0 : i32
        %dma_start3A_625 = arith.constant 0 : i32
        %dma_start3A_626 = tpu.memref_slice %arg23[%dma_start3A_624, %dma_start3A_625] : memref<10240x64xf32, #tpu.memory_space<vmem_shared>> -> memref<10240x64xf32, #tpu.memory_space<vmem_shared>>
        tpu.enqueue_indirect_dma source(%dma_start3A_626 : memref<10240x64xf32, #tpu.memory_space<vmem_shared>>) target(%arg11 : memref<128x64xf32, #tpu.memory_space<vmem>>) offsets(%dma_start3A_623 : memref<128xi32, #tpu.memory_space<vmem>>) semaphore(%arg15 : memref<!tpu.dma_semaphore, #tpu.memory_space<semaphore_mem>>)
      } else {
      }
      %scan3A_618 = arith.constant 0 : i32
      scf.yield %scan3A_618 : i32
    }
    %scan3A_241 = arith.constant 5 : i32
    %dma_wait3A_242 = arith.constant 18 : i32
    %dma_wait3A_243 = arith.constant 0 : i32
    %dma_wait3A_244 = tpu.memref_slice %arg9[%dma_wait3A_242, %dma_wait3A_243] : memref<20x128xi32, #tpu.memory_space<vmem>> -> memref<1x128xi32, #tpu.memory_space<vmem>>
    %dma_wait3A_245 = tpu.memref_squeeze %dma_wait3A_244 : memref<1x128xi32, #tpu.memory_space<vmem>> -> memref<128xi32, #tpu.memory_space<vmem>>
    %dma_wait3A_246 = arith.constant 0 : i32
    %dma_wait3A_247 = arith.constant 0 : i32
    %dma_wait3A_248 = tpu.memref_slice %arg24[%dma_wait3A_246, %dma_wait3A_247] : memref<10240x64xf32, #tpu.memory_space<vmem_shared>> -> memref<10240x64xf32, #tpu.memory_space<vmem_shared>>
    tpu.wait_indirect_dma semaphore(%arg20 : memref<!tpu.dma_semaphore, #tpu.memory_space<semaphore_mem>>) src(%arg12 : memref<128x64xf32, #tpu.memory_space<vmem>>) dst(%dma_wait3A_248 : memref<10240x64xf32, #tpu.memory_space<vmem_shared>>)
    %dma_wait3A_249 = arith.constant 19 : i32
    %dma_wait3A_250 = arith.constant 0 : i32
    %dma_wait3A_251 = tpu.memref_slice %arg9[%dma_wait3A_249, %dma_wait3A_250] : memref<20x128xi32, #tpu.memory_space<vmem>> -> memref<1x128xi32, #tpu.memory_space<vmem>>
    %dma_wait3A_252 = tpu.memref_squeeze %dma_wait3A_251 : memref<1x128xi32, #tpu.memory_space<vmem>> -> memref<128xi32, #tpu.memory_space<vmem>>
    %dma_wait3A_253 = arith.constant 0 : i32
    %dma_wait3A_254 = arith.constant 0 : i32
    %dma_wait3A_255 = tpu.memref_slice %arg24[%dma_wait3A_253, %dma_wait3A_254] : memref<10240x64xf32, #tpu.memory_space<vmem_shared>> -> memref<10240x64xf32, #tpu.memory_space<vmem_shared>>
    tpu.wait_indirect_dma semaphore(%arg21 : memref<!tpu.dma_semaphore, #tpu.memory_space<semaphore_mem>>) src(%arg13 : memref<128x64xf32, #tpu.memory_space<vmem>>) dst(%dma_wait3A_255 : memref<10240x64xf32, #tpu.memory_space<vmem_shared>>)
    %dma_wait3A_256 = arith.constant 80 : i32
    %dma_wait3A_257 = arith.constant 0 : i32
    %dma_wait3A_258 = tpu.memref_slice %arg3[%arg1, %dma_wait3A_256, %dma_wait3A_257] : memref<16x160x128xi32, #tpu.memory_space<hbm>> -> memref<1x20x128xi32, #tpu.memory_space<hbm>>
    %dma_wait3A_259 = tpu.memref_squeeze %dma_wait3A_258 : memref<1x20x128xi32, #tpu.memory_space<hbm>> -> memref<20x128xi32, #tpu.memory_space<hbm>>
    %dma_wait3A_260 = arith.constant 80 : i32
    %dma_wait3A_261 = arith.constant 0 : i32
    %dma_wait3A_262 = tpu.memref_slice %arg3[%arg1, %dma_wait3A_260, %dma_wait3A_261] : memref<16x160x128xi32, #tpu.memory_space<hbm>> -> memref<1x20x128xi32, #tpu.memory_space<hbm>>
    %dma_wait3A_263 = tpu.memref_squeeze %dma_wait3A_262 : memref<1x20x128xi32, #tpu.memory_space<hbm>> -> memref<20x128xi32, #tpu.memory_space<hbm>>
    tpu.wait_dma2 semaphore(%arg22 : memref<!tpu.dma_semaphore, #tpu.memory_space<semaphore_mem>>) src(%dma_wait3A_263 : memref<20x128xi32, #tpu.memory_space<hbm>>) dst(%arg6 : memref<20x128xi32, #tpu.memory_space<vmem>>)
    %dma_wait3A_264 = arith.constant 80 : i32
    %dma_wait3A_265 = arith.constant 0 : i32
    %dma_wait3A_266 = tpu.memref_slice %arg4[%arg1, %dma_wait3A_264, %dma_wait3A_265] : memref<16x160x128xi32, #tpu.memory_space<hbm>> -> memref<1x20x128xi32, #tpu.memory_space<hbm>>
    %dma_wait3A_267 = tpu.memref_squeeze %dma_wait3A_266 : memref<1x20x128xi32, #tpu.memory_space<hbm>> -> memref<20x128xi32, #tpu.memory_space<hbm>>
    %dma_wait3A_268 = arith.constant 80 : i32
    %dma_wait3A_269 = arith.constant 0 : i32
    %dma_wait3A_270 = tpu.memref_slice %arg4[%arg1, %dma_wait3A_268, %dma_wait3A_269] : memref<16x160x128xi32, #tpu.memory_space<hbm>> -> memref<1x20x128xi32, #tpu.memory_space<hbm>>
    %dma_wait3A_271 = tpu.memref_squeeze %dma_wait3A_270 : memref<1x20x128xi32, #tpu.memory_space<hbm>> -> memref<20x128xi32, #tpu.memory_space<hbm>>
    tpu.wait_dma2 semaphore(%arg22 : memref<!tpu.dma_semaphore, #tpu.memory_space<semaphore_mem>>) src(%dma_wait3A_271 : memref<20x128xi32, #tpu.memory_space<hbm>>) dst(%arg8 : memref<20x128xi32, #tpu.memory_space<vmem>>)
    %dma_start3A_272 = arith.constant 100 : i32
    %dma_start3A_273 = arith.constant 0 : i32
    %dma_start3A_274 = tpu.memref_slice %arg3[%arg1, %dma_start3A_272, %dma_start3A_273] : memref<16x160x128xi32, #tpu.memory_space<hbm>> -> memref<1x20x128xi32, #tpu.memory_space<hbm>>
    %dma_start3A_275 = tpu.memref_squeeze %dma_start3A_274 : memref<1x20x128xi32, #tpu.memory_space<hbm>> -> memref<20x128xi32, #tpu.memory_space<hbm>>
    %dma_start3A_276 = arith.constant 100 : i32
    %dma_start3A_277 = arith.constant 0 : i32
    %dma_start3A_278 = tpu.memref_slice %arg3[%arg1, %dma_start3A_276, %dma_start3A_277] : memref<16x160x128xi32, #tpu.memory_space<hbm>> -> memref<1x20x128xi32, #tpu.memory_space<hbm>>
    %dma_start3A_279 = tpu.memref_squeeze %dma_start3A_278 : memref<1x20x128xi32, #tpu.memory_space<hbm>> -> memref<20x128xi32, #tpu.memory_space<hbm>>
    tpu.enqueue_dma source(%dma_start3A_279 : memref<20x128xi32, #tpu.memory_space<hbm>>) target(%arg7 : memref<20x128xi32, #tpu.memory_space<vmem>>) target_semaphore(%arg22 : memref<!tpu.dma_semaphore, #tpu.memory_space<semaphore_mem>>)
    %dma_start3A_280 = arith.constant 100 : i32
    %dma_start3A_281 = arith.constant 0 : i32
    %dma_start3A_282 = tpu.memref_slice %arg4[%arg1, %dma_start3A_280, %dma_start3A_281] : memref<16x160x128xi32, #tpu.memory_space<hbm>> -> memref<1x20x128xi32, #tpu.memory_space<hbm>>
    %dma_start3A_283 = tpu.memref_squeeze %dma_start3A_282 : memref<1x20x128xi32, #tpu.memory_space<hbm>> -> memref<20x128xi32, #tpu.memory_space<hbm>>
    %dma_start3A_284 = arith.constant 100 : i32
    %dma_start3A_285 = arith.constant 0 : i32
    %dma_start3A_286 = tpu.memref_slice %arg4[%arg1, %dma_start3A_284, %dma_start3A_285] : memref<16x160x128xi32, #tpu.memory_space<hbm>> -> memref<1x20x128xi32, #tpu.memory_space<hbm>>
    %dma_start3A_287 = tpu.memref_squeeze %dma_start3A_286 : memref<1x20x128xi32, #tpu.memory_space<hbm>> -> memref<20x128xi32, #tpu.memory_space<hbm>>
    tpu.enqueue_dma source(%dma_start3A_287 : memref<20x128xi32, #tpu.memory_space<hbm>>) target(%arg9 : memref<20x128xi32, #tpu.memory_space<vmem>>) target_semaphore(%arg22 : memref<!tpu.dma_semaphore, #tpu.memory_space<semaphore_mem>>)
    %dma_start3A_288 = arith.constant 0 : i32
    %dma_start3A_289 = arith.constant 0 : i32
    %dma_start3A_290 = tpu.memref_slice %arg6[%dma_start3A_288, %dma_start3A_289] : memref<20x128xi32, #tpu.memory_space<vmem>> -> memref<1x128xi32, #tpu.memory_space<vmem>>
    %dma_start3A_291 = tpu.memref_squeeze %dma_start3A_290 : memref<1x128xi32, #tpu.memory_space<vmem>> -> memref<128xi32, #tpu.memory_space<vmem>>
    %dma_start3A_292 = arith.constant 0 : i32
    %dma_start3A_293 = arith.constant 0 : i32
    %dma_start3A_294 = tpu.memref_slice %arg23[%dma_start3A_292, %dma_start3A_293] : memref<10240x64xf32, #tpu.memory_space<vmem_shared>> -> memref<10240x64xf32, #tpu.memory_space<vmem_shared>>
    tpu.enqueue_indirect_dma source(%dma_start3A_294 : memref<10240x64xf32, #tpu.memory_space<vmem_shared>>) target(%arg10 : memref<128x64xf32, #tpu.memory_space<vmem>>) offsets(%dma_start3A_291 : memref<128xi32, #tpu.memory_space<vmem>>) semaphore(%arg14 : memref<!tpu.dma_semaphore, #tpu.memory_space<semaphore_mem>>)
    %dma_start3A_295 = arith.constant 1 : i32
    %dma_start3A_296 = arith.constant 0 : i32
    %dma_start3A_297 = tpu.memref_slice %arg6[%dma_start3A_295, %dma_start3A_296] : memref<20x128xi32, #tpu.memory_space<vmem>> -> memref<1x128xi32, #tpu.memory_space<vmem>>
    %dma_start3A_298 = tpu.memref_squeeze %dma_start3A_297 : memref<1x128xi32, #tpu.memory_space<vmem>> -> memref<128xi32, #tpu.memory_space<vmem>>
    %dma_start3A_299 = arith.constant 0 : i32
    %dma_start3A_300 = arith.constant 0 : i32
    %dma_start3A_301 = tpu.memref_slice %arg23[%dma_start3A_299, %dma_start3A_300] : memref<10240x64xf32, #tpu.memory_space<vmem_shared>> -> memref<10240x64xf32, #tpu.memory_space<vmem_shared>>
    tpu.enqueue_indirect_dma source(%dma_start3A_301 : memref<10240x64xf32, #tpu.memory_space<vmem_shared>>) target(%arg11 : memref<128x64xf32, #tpu.memory_space<vmem>>) offsets(%dma_start3A_298 : memref<128xi32, #tpu.memory_space<vmem>>) semaphore(%arg15 : memref<!tpu.dma_semaphore, #tpu.memory_space<semaphore_mem>>)
    %scan3A_302 = arith.constant 0 : i32
    %scan3A_303 = arith.constant 0 : i32
    %scan3A_304 = arith.constant 5 : i32
    %scan3A_305 = arith.addi %scan3A_303, %scan3A_304 : i32
    %scan3A_306 = arith.constant 1 : i32
    %scan3A_307 = scf.for %scan3A_516 = %scan3A_303 to %scan3A_305 step %scan3A_306 iter_args(%scan3A_517 = %scan3A_302) -> (i32)  : i32 {
      %mul3A = arith.constant 4 : i32
      %mul3A_518 = arith.muli %scan3A_516, %mul3A : i32
      %add3A = arith.constant 0 : i32
      %add3A_519 = arith.addi %mul3A_518, %add3A : i32
      %dma_wait3A_520 = arith.constant 0 : i32
      %dma_wait3A_521 = tpu.memref_slice %arg6[%add3A_519, %dma_wait3A_520] : memref<20x128xi32, #tpu.memory_space<vmem>> -> memref<1x128xi32, #tpu.memory_space<vmem>>
      %dma_wait3A_522 = tpu.memref_squeeze %dma_wait3A_521 : memref<1x128xi32, #tpu.memory_space<vmem>> -> memref<128xi32, #tpu.memory_space<vmem>>
      %dma_wait3A_523 = arith.constant 0 : i32
      %dma_wait3A_524 = arith.constant 0 : i32
      %dma_wait3A_525 = tpu.memref_slice %arg23[%dma_wait3A_523, %dma_wait3A_524] : memref<10240x64xf32, #tpu.memory_space<vmem_shared>> -> memref<10240x64xf32, #tpu.memory_space<vmem_shared>>
      tpu.wait_indirect_dma semaphore(%arg14 : memref<!tpu.dma_semaphore, #tpu.memory_space<semaphore_mem>>) src(%dma_wait3A_525 : memref<10240x64xf32, #tpu.memory_space<vmem_shared>>) dst(%arg10 : memref<128x64xf32, #tpu.memory_space<vmem>>)
      %dma_start3A_526 = arith.constant 0 : i32
      %dma_start3A_527 = tpu.memref_slice %arg8[%add3A_519, %dma_start3A_526] : memref<20x128xi32, #tpu.memory_space<vmem>> -> memref<1x128xi32, #tpu.memory_space<vmem>>
      %dma_start3A_528 = tpu.memref_squeeze %dma_start3A_527 : memref<1x128xi32, #tpu.memory_space<vmem>> -> memref<128xi32, #tpu.memory_space<vmem>>
      %dma_start3A_529 = arith.constant 0 : i32
      %dma_start3A_530 = arith.constant 0 : i32
      %dma_start3A_531 = tpu.memref_slice %arg24[%dma_start3A_529, %dma_start3A_530] : memref<10240x64xf32, #tpu.memory_space<vmem_shared>> -> memref<10240x64xf32, #tpu.memory_space<vmem_shared>>
      tpu.enqueue_indirect_dma source(%arg10 : memref<128x64xf32, #tpu.memory_space<vmem>>) target(%dma_start3A_531 : memref<10240x64xf32, #tpu.memory_space<vmem_shared>>) offsets(%dma_start3A_528 : memref<128xi32, #tpu.memory_space<vmem>>) semaphore(%arg18 : memref<!tpu.dma_semaphore, #tpu.memory_space<semaphore_mem>>) {add = true}
      %ge3A = arith.constant 2 : i32
      %ge3A_532 = arith.cmpi sge, %add3A_519, %ge3A : i32
      %convert_element_type3A = arith.extui %ge3A_532 : i1 to i32
      %cond3A = arith.constant 0 : i32
      %cond3A_533 = arith.cmpi ne, %convert_element_type3A, %cond3A : i32
      scf.if %cond3A_533 {
        %sub3A = arith.constant 2 : i32
        %sub3A_619 = arith.subi %add3A_519, %sub3A : i32
        %dma_wait3A_620 = arith.constant 0 : i32
        %dma_wait3A_621 = tpu.memref_slice %arg8[%sub3A_619, %dma_wait3A_620] : memref<20x128xi32, #tpu.memory_space<vmem>> -> memref<1x128xi32, #tpu.memory_space<vmem>>
        %dma_wait3A_622 = tpu.memref_squeeze %dma_wait3A_621 : memref<1x128xi32, #tpu.memory_space<vmem>> -> memref<128xi32, #tpu.memory_space<vmem>>
        %dma_wait3A_623 = arith.constant 0 : i32
        %dma_wait3A_624 = arith.constant 0 : i32
        %dma_wait3A_625 = tpu.memref_slice %arg24[%dma_wait3A_623, %dma_wait3A_624] : memref<10240x64xf32, #tpu.memory_space<vmem_shared>> -> memref<10240x64xf32, #tpu.memory_space<vmem_shared>>
        tpu.wait_indirect_dma semaphore(%arg20 : memref<!tpu.dma_semaphore, #tpu.memory_space<semaphore_mem>>) src(%arg12 : memref<128x64xf32, #tpu.memory_space<vmem>>) dst(%dma_wait3A_625 : memref<10240x64xf32, #tpu.memory_space<vmem_shared>>)
      } else {
      }
      %add3A_534 = arith.constant 2 : i32
      %add3A_535 = arith.addi %add3A_519, %add3A_534 : i32
      %lt3A = arith.constant 20 : i32
      %lt3A_536 = arith.cmpi slt, %add3A_535, %lt3A : i32
      %convert_element_type3A_537 = arith.extui %lt3A_536 : i1 to i32
      %cond3A_538 = arith.constant 0 : i32
      %cond3A_539 = arith.cmpi ne, %convert_element_type3A_537, %cond3A_538 : i32
      scf.if %cond3A_539 {
        %add3A_619 = arith.constant 2 : i32
        %add3A_620 = arith.addi %add3A_519, %add3A_619 : i32
        %dma_start3A_621 = arith.constant 0 : i32
        %dma_start3A_622 = tpu.memref_slice %arg6[%add3A_620, %dma_start3A_621] : memref<20x128xi32, #tpu.memory_space<vmem>> -> memref<1x128xi32, #tpu.memory_space<vmem>>
        %dma_start3A_623 = tpu.memref_squeeze %dma_start3A_622 : memref<1x128xi32, #tpu.memory_space<vmem>> -> memref<128xi32, #tpu.memory_space<vmem>>
        %dma_start3A_624 = arith.constant 0 : i32
        %dma_start3A_625 = arith.constant 0 : i32
        %dma_start3A_626 = tpu.memref_slice %arg23[%dma_start3A_624, %dma_start3A_625] : memref<10240x64xf32, #tpu.memory_space<vmem_shared>> -> memref<10240x64xf32, #tpu.memory_space<vmem_shared>>
        tpu.enqueue_indirect_dma source(%dma_start3A_626 : memref<10240x64xf32, #tpu.memory_space<vmem_shared>>) target(%arg12 : memref<128x64xf32, #tpu.memory_space<vmem>>) offsets(%dma_start3A_623 : memref<128xi32, #tpu.memory_space<vmem>>) semaphore(%arg16 : memref<!tpu.dma_semaphore, #tpu.memory_space<semaphore_mem>>)
      } else {
      }
      %add3A_540 = arith.constant 1 : i32
      %add3A_541 = arith.addi %mul3A_518, %add3A_540 : i32
      %dma_wait3A_542 = arith.constant 0 : i32
      %dma_wait3A_543 = tpu.memref_slice %arg6[%add3A_541, %dma_wait3A_542] : memref<20x128xi32, #tpu.memory_space<vmem>> -> memref<1x128xi32, #tpu.memory_space<vmem>>
      %dma_wait3A_544 = tpu.memref_squeeze %dma_wait3A_543 : memref<1x128xi32, #tpu.memory_space<vmem>> -> memref<128xi32, #tpu.memory_space<vmem>>
      %dma_wait3A_545 = arith.constant 0 : i32
      %dma_wait3A_546 = arith.constant 0 : i32
      %dma_wait3A_547 = tpu.memref_slice %arg23[%dma_wait3A_545, %dma_wait3A_546] : memref<10240x64xf32, #tpu.memory_space<vmem_shared>> -> memref<10240x64xf32, #tpu.memory_space<vmem_shared>>
      tpu.wait_indirect_dma semaphore(%arg15 : memref<!tpu.dma_semaphore, #tpu.memory_space<semaphore_mem>>) src(%dma_wait3A_547 : memref<10240x64xf32, #tpu.memory_space<vmem_shared>>) dst(%arg11 : memref<128x64xf32, #tpu.memory_space<vmem>>)
      %dma_start3A_548 = arith.constant 0 : i32
      %dma_start3A_549 = tpu.memref_slice %arg8[%add3A_541, %dma_start3A_548] : memref<20x128xi32, #tpu.memory_space<vmem>> -> memref<1x128xi32, #tpu.memory_space<vmem>>
      %dma_start3A_550 = tpu.memref_squeeze %dma_start3A_549 : memref<1x128xi32, #tpu.memory_space<vmem>> -> memref<128xi32, #tpu.memory_space<vmem>>
      %dma_start3A_551 = arith.constant 0 : i32
      %dma_start3A_552 = arith.constant 0 : i32
      %dma_start3A_553 = tpu.memref_slice %arg24[%dma_start3A_551, %dma_start3A_552] : memref<10240x64xf32, #tpu.memory_space<vmem_shared>> -> memref<10240x64xf32, #tpu.memory_space<vmem_shared>>
      tpu.enqueue_indirect_dma source(%arg11 : memref<128x64xf32, #tpu.memory_space<vmem>>) target(%dma_start3A_553 : memref<10240x64xf32, #tpu.memory_space<vmem_shared>>) offsets(%dma_start3A_550 : memref<128xi32, #tpu.memory_space<vmem>>) semaphore(%arg19 : memref<!tpu.dma_semaphore, #tpu.memory_space<semaphore_mem>>) {add = true}
      %ge3A_554 = arith.constant 2 : i32
      %ge3A_555 = arith.cmpi sge, %add3A_541, %ge3A_554 : i32
      %convert_element_type3A_556 = arith.extui %ge3A_555 : i1 to i32
      %cond3A_557 = arith.constant 0 : i32
      %cond3A_558 = arith.cmpi ne, %convert_element_type3A_556, %cond3A_557 : i32
      scf.if %cond3A_558 {
        %sub3A = arith.constant 2 : i32
        %sub3A_619 = arith.subi %add3A_541, %sub3A : i32
        %dma_wait3A_620 = arith.constant 0 : i32
        %dma_wait3A_621 = tpu.memref_slice %arg8[%sub3A_619, %dma_wait3A_620] : memref<20x128xi32, #tpu.memory_space<vmem>> -> memref<1x128xi32, #tpu.memory_space<vmem>>
        %dma_wait3A_622 = tpu.memref_squeeze %dma_wait3A_621 : memref<1x128xi32, #tpu.memory_space<vmem>> -> memref<128xi32, #tpu.memory_space<vmem>>
        %dma_wait3A_623 = arith.constant 0 : i32
        %dma_wait3A_624 = arith.constant 0 : i32
        %dma_wait3A_625 = tpu.memref_slice %arg24[%dma_wait3A_623, %dma_wait3A_624] : memref<10240x64xf32, #tpu.memory_space<vmem_shared>> -> memref<10240x64xf32, #tpu.memory_space<vmem_shared>>
        tpu.wait_indirect_dma semaphore(%arg21 : memref<!tpu.dma_semaphore, #tpu.memory_space<semaphore_mem>>) src(%arg13 : memref<128x64xf32, #tpu.memory_space<vmem>>) dst(%dma_wait3A_625 : memref<10240x64xf32, #tpu.memory_space<vmem_shared>>)
      } else {
      }
      %add3A_559 = arith.constant 2 : i32
      %add3A_560 = arith.addi %add3A_541, %add3A_559 : i32
      %lt3A_561 = arith.constant 20 : i32
      %lt3A_562 = arith.cmpi slt, %add3A_560, %lt3A_561 : i32
      %convert_element_type3A_563 = arith.extui %lt3A_562 : i1 to i32
      %cond3A_564 = arith.constant 0 : i32
      %cond3A_565 = arith.cmpi ne, %convert_element_type3A_563, %cond3A_564 : i32
      scf.if %cond3A_565 {
        %add3A_619 = arith.constant 2 : i32
        %add3A_620 = arith.addi %add3A_541, %add3A_619 : i32
        %dma_start3A_621 = arith.constant 0 : i32
        %dma_start3A_622 = tpu.memref_slice %arg6[%add3A_620, %dma_start3A_621] : memref<20x128xi32, #tpu.memory_space<vmem>> -> memref<1x128xi32, #tpu.memory_space<vmem>>
        %dma_start3A_623 = tpu.memref_squeeze %dma_start3A_622 : memref<1x128xi32, #tpu.memory_space<vmem>> -> memref<128xi32, #tpu.memory_space<vmem>>
        %dma_start3A_624 = arith.constant 0 : i32
        %dma_start3A_625 = arith.constant 0 : i32
        %dma_start3A_626 = tpu.memref_slice %arg23[%dma_start3A_624, %dma_start3A_625] : memref<10240x64xf32, #tpu.memory_space<vmem_shared>> -> memref<10240x64xf32, #tpu.memory_space<vmem_shared>>
        tpu.enqueue_indirect_dma source(%dma_start3A_626 : memref<10240x64xf32, #tpu.memory_space<vmem_shared>>) target(%arg13 : memref<128x64xf32, #tpu.memory_space<vmem>>) offsets(%dma_start3A_623 : memref<128xi32, #tpu.memory_space<vmem>>) semaphore(%arg17 : memref<!tpu.dma_semaphore, #tpu.memory_space<semaphore_mem>>)
      } else {
      }
      %add3A_566 = arith.constant 2 : i32
      %add3A_567 = arith.addi %mul3A_518, %add3A_566 : i32
      %dma_wait3A_568 = arith.constant 0 : i32
      %dma_wait3A_569 = tpu.memref_slice %arg6[%add3A_567, %dma_wait3A_568] : memref<20x128xi32, #tpu.memory_space<vmem>> -> memref<1x128xi32, #tpu.memory_space<vmem>>
      %dma_wait3A_570 = tpu.memref_squeeze %dma_wait3A_569 : memref<1x128xi32, #tpu.memory_space<vmem>> -> memref<128xi32, #tpu.memory_space<vmem>>
      %dma_wait3A_571 = arith.constant 0 : i32
      %dma_wait3A_572 = arith.constant 0 : i32
      %dma_wait3A_573 = tpu.memref_slice %arg23[%dma_wait3A_571, %dma_wait3A_572] : memref<10240x64xf32, #tpu.memory_space<vmem_shared>> -> memref<10240x64xf32, #tpu.memory_space<vmem_shared>>
      tpu.wait_indirect_dma semaphore(%arg16 : memref<!tpu.dma_semaphore, #tpu.memory_space<semaphore_mem>>) src(%dma_wait3A_573 : memref<10240x64xf32, #tpu.memory_space<vmem_shared>>) dst(%arg12 : memref<128x64xf32, #tpu.memory_space<vmem>>)
      %dma_start3A_574 = arith.constant 0 : i32
      %dma_start3A_575 = tpu.memref_slice %arg8[%add3A_567, %dma_start3A_574] : memref<20x128xi32, #tpu.memory_space<vmem>> -> memref<1x128xi32, #tpu.memory_space<vmem>>
      %dma_start3A_576 = tpu.memref_squeeze %dma_start3A_575 : memref<1x128xi32, #tpu.memory_space<vmem>> -> memref<128xi32, #tpu.memory_space<vmem>>
      %dma_start3A_577 = arith.constant 0 : i32
      %dma_start3A_578 = arith.constant 0 : i32
      %dma_start3A_579 = tpu.memref_slice %arg24[%dma_start3A_577, %dma_start3A_578] : memref<10240x64xf32, #tpu.memory_space<vmem_shared>> -> memref<10240x64xf32, #tpu.memory_space<vmem_shared>>
      tpu.enqueue_indirect_dma source(%arg12 : memref<128x64xf32, #tpu.memory_space<vmem>>) target(%dma_start3A_579 : memref<10240x64xf32, #tpu.memory_space<vmem_shared>>) offsets(%dma_start3A_576 : memref<128xi32, #tpu.memory_space<vmem>>) semaphore(%arg20 : memref<!tpu.dma_semaphore, #tpu.memory_space<semaphore_mem>>) {add = true}
      %ge3A_580 = arith.constant 2 : i32
      %ge3A_581 = arith.cmpi sge, %add3A_567, %ge3A_580 : i32
      %convert_element_type3A_582 = arith.extui %ge3A_581 : i1 to i32
      %cond3A_583 = arith.constant 0 : i32
      %cond3A_584 = arith.cmpi ne, %convert_element_type3A_582, %cond3A_583 : i32
      scf.if %cond3A_584 {
        %sub3A = arith.constant 2 : i32
        %sub3A_619 = arith.subi %add3A_567, %sub3A : i32
        %dma_wait3A_620 = arith.constant 0 : i32
        %dma_wait3A_621 = tpu.memref_slice %arg8[%sub3A_619, %dma_wait3A_620] : memref<20x128xi32, #tpu.memory_space<vmem>> -> memref<1x128xi32, #tpu.memory_space<vmem>>
        %dma_wait3A_622 = tpu.memref_squeeze %dma_wait3A_621 : memref<1x128xi32, #tpu.memory_space<vmem>> -> memref<128xi32, #tpu.memory_space<vmem>>
        %dma_wait3A_623 = arith.constant 0 : i32
        %dma_wait3A_624 = arith.constant 0 : i32
        %dma_wait3A_625 = tpu.memref_slice %arg24[%dma_wait3A_623, %dma_wait3A_624] : memref<10240x64xf32, #tpu.memory_space<vmem_shared>> -> memref<10240x64xf32, #tpu.memory_space<vmem_shared>>
        tpu.wait_indirect_dma semaphore(%arg18 : memref<!tpu.dma_semaphore, #tpu.memory_space<semaphore_mem>>) src(%arg10 : memref<128x64xf32, #tpu.memory_space<vmem>>) dst(%dma_wait3A_625 : memref<10240x64xf32, #tpu.memory_space<vmem_shared>>)
      } else {
      }
      %add3A_585 = arith.constant 2 : i32
      %add3A_586 = arith.addi %add3A_567, %add3A_585 : i32
      %lt3A_587 = arith.constant 20 : i32
      %lt3A_588 = arith.cmpi slt, %add3A_586, %lt3A_587 : i32
      %convert_element_type3A_589 = arith.extui %lt3A_588 : i1 to i32
      %cond3A_590 = arith.constant 0 : i32
      %cond3A_591 = arith.cmpi ne, %convert_element_type3A_589, %cond3A_590 : i32
      scf.if %cond3A_591 {
        %add3A_619 = arith.constant 2 : i32
        %add3A_620 = arith.addi %add3A_567, %add3A_619 : i32
        %dma_start3A_621 = arith.constant 0 : i32
        %dma_start3A_622 = tpu.memref_slice %arg6[%add3A_620, %dma_start3A_621] : memref<20x128xi32, #tpu.memory_space<vmem>> -> memref<1x128xi32, #tpu.memory_space<vmem>>
        %dma_start3A_623 = tpu.memref_squeeze %dma_start3A_622 : memref<1x128xi32, #tpu.memory_space<vmem>> -> memref<128xi32, #tpu.memory_space<vmem>>
        %dma_start3A_624 = arith.constant 0 : i32
        %dma_start3A_625 = arith.constant 0 : i32
        %dma_start3A_626 = tpu.memref_slice %arg23[%dma_start3A_624, %dma_start3A_625] : memref<10240x64xf32, #tpu.memory_space<vmem_shared>> -> memref<10240x64xf32, #tpu.memory_space<vmem_shared>>
        tpu.enqueue_indirect_dma source(%dma_start3A_626 : memref<10240x64xf32, #tpu.memory_space<vmem_shared>>) target(%arg10 : memref<128x64xf32, #tpu.memory_space<vmem>>) offsets(%dma_start3A_623 : memref<128xi32, #tpu.memory_space<vmem>>) semaphore(%arg14 : memref<!tpu.dma_semaphore, #tpu.memory_space<semaphore_mem>>)
      } else {
      }
      %add3A_592 = arith.constant 3 : i32
      %add3A_593 = arith.addi %mul3A_518, %add3A_592 : i32
      %dma_wait3A_594 = arith.constant 0 : i32
      %dma_wait3A_595 = tpu.memref_slice %arg6[%add3A_593, %dma_wait3A_594] : memref<20x128xi32, #tpu.memory_space<vmem>> -> memref<1x128xi32, #tpu.memory_space<vmem>>
      %dma_wait3A_596 = tpu.memref_squeeze %dma_wait3A_595 : memref<1x128xi32, #tpu.memory_space<vmem>> -> memref<128xi32, #tpu.memory_space<vmem>>
      %dma_wait3A_597 = arith.constant 0 : i32
      %dma_wait3A_598 = arith.constant 0 : i32
      %dma_wait3A_599 = tpu.memref_slice %arg23[%dma_wait3A_597, %dma_wait3A_598] : memref<10240x64xf32, #tpu.memory_space<vmem_shared>> -> memref<10240x64xf32, #tpu.memory_space<vmem_shared>>
      tpu.wait_indirect_dma semaphore(%arg17 : memref<!tpu.dma_semaphore, #tpu.memory_space<semaphore_mem>>) src(%dma_wait3A_599 : memref<10240x64xf32, #tpu.memory_space<vmem_shared>>) dst(%arg13 : memref<128x64xf32, #tpu.memory_space<vmem>>)
      %dma_start3A_600 = arith.constant 0 : i32
      %dma_start3A_601 = tpu.memref_slice %arg8[%add3A_593, %dma_start3A_600] : memref<20x128xi32, #tpu.memory_space<vmem>> -> memref<1x128xi32, #tpu.memory_space<vmem>>
      %dma_start3A_602 = tpu.memref_squeeze %dma_start3A_601 : memref<1x128xi32, #tpu.memory_space<vmem>> -> memref<128xi32, #tpu.memory_space<vmem>>
      %dma_start3A_603 = arith.constant 0 : i32
      %dma_start3A_604 = arith.constant 0 : i32
      %dma_start3A_605 = tpu.memref_slice %arg24[%dma_start3A_603, %dma_start3A_604] : memref<10240x64xf32, #tpu.memory_space<vmem_shared>> -> memref<10240x64xf32, #tpu.memory_space<vmem_shared>>
      tpu.enqueue_indirect_dma source(%arg13 : memref<128x64xf32, #tpu.memory_space<vmem>>) target(%dma_start3A_605 : memref<10240x64xf32, #tpu.memory_space<vmem_shared>>) offsets(%dma_start3A_602 : memref<128xi32, #tpu.memory_space<vmem>>) semaphore(%arg21 : memref<!tpu.dma_semaphore, #tpu.memory_space<semaphore_mem>>) {add = true}
      %ge3A_606 = arith.constant 2 : i32
      %ge3A_607 = arith.cmpi sge, %add3A_593, %ge3A_606 : i32
      %convert_element_type3A_608 = arith.extui %ge3A_607 : i1 to i32
      %cond3A_609 = arith.constant 0 : i32
      %cond3A_610 = arith.cmpi ne, %convert_element_type3A_608, %cond3A_609 : i32
      scf.if %cond3A_610 {
        %sub3A = arith.constant 2 : i32
        %sub3A_619 = arith.subi %add3A_593, %sub3A : i32
        %dma_wait3A_620 = arith.constant 0 : i32
        %dma_wait3A_621 = tpu.memref_slice %arg8[%sub3A_619, %dma_wait3A_620] : memref<20x128xi32, #tpu.memory_space<vmem>> -> memref<1x128xi32, #tpu.memory_space<vmem>>
        %dma_wait3A_622 = tpu.memref_squeeze %dma_wait3A_621 : memref<1x128xi32, #tpu.memory_space<vmem>> -> memref<128xi32, #tpu.memory_space<vmem>>
        %dma_wait3A_623 = arith.constant 0 : i32
        %dma_wait3A_624 = arith.constant 0 : i32
        %dma_wait3A_625 = tpu.memref_slice %arg24[%dma_wait3A_623, %dma_wait3A_624] : memref<10240x64xf32, #tpu.memory_space<vmem_shared>> -> memref<10240x64xf32, #tpu.memory_space<vmem_shared>>
        tpu.wait_indirect_dma semaphore(%arg19 : memref<!tpu.dma_semaphore, #tpu.memory_space<semaphore_mem>>) src(%arg11 : memref<128x64xf32, #tpu.memory_space<vmem>>) dst(%dma_wait3A_625 : memref<10240x64xf32, #tpu.memory_space<vmem_shared>>)
      } else {
      }
      %add3A_611 = arith.constant 2 : i32
      %add3A_612 = arith.addi %add3A_593, %add3A_611 : i32
      %lt3A_613 = arith.constant 20 : i32
      %lt3A_614 = arith.cmpi slt, %add3A_612, %lt3A_613 : i32
      %convert_element_type3A_615 = arith.extui %lt3A_614 : i1 to i32
      %cond3A_616 = arith.constant 0 : i32
      %cond3A_617 = arith.cmpi ne, %convert_element_type3A_615, %cond3A_616 : i32
      scf.if %cond3A_617 {
        %add3A_619 = arith.constant 2 : i32
        %add3A_620 = arith.addi %add3A_593, %add3A_619 : i32
        %dma_start3A_621 = arith.constant 0 : i32
        %dma_start3A_622 = tpu.memref_slice %arg6[%add3A_620, %dma_start3A_621] : memref<20x128xi32, #tpu.memory_space<vmem>> -> memref<1x128xi32, #tpu.memory_space<vmem>>
        %dma_start3A_623 = tpu.memref_squeeze %dma_start3A_622 : memref<1x128xi32, #tpu.memory_space<vmem>> -> memref<128xi32, #tpu.memory_space<vmem>>
        %dma_start3A_624 = arith.constant 0 : i32
        %dma_start3A_625 = arith.constant 0 : i32
        %dma_start3A_626 = tpu.memref_slice %arg23[%dma_start3A_624, %dma_start3A_625] : memref<10240x64xf32, #tpu.memory_space<vmem_shared>> -> memref<10240x64xf32, #tpu.memory_space<vmem_shared>>
        tpu.enqueue_indirect_dma source(%dma_start3A_626 : memref<10240x64xf32, #tpu.memory_space<vmem_shared>>) target(%arg11 : memref<128x64xf32, #tpu.memory_space<vmem>>) offsets(%dma_start3A_623 : memref<128xi32, #tpu.memory_space<vmem>>) semaphore(%arg15 : memref<!tpu.dma_semaphore, #tpu.memory_space<semaphore_mem>>)
      } else {
      }
      %scan3A_618 = arith.constant 0 : i32
      scf.yield %scan3A_618 : i32
    }
    %scan3A_308 = arith.constant 5 : i32
    %dma_wait3A_309 = arith.constant 18 : i32
    %dma_wait3A_310 = arith.constant 0 : i32
    %dma_wait3A_311 = tpu.memref_slice %arg8[%dma_wait3A_309, %dma_wait3A_310] : memref<20x128xi32, #tpu.memory_space<vmem>> -> memref<1x128xi32, #tpu.memory_space<vmem>>
    %dma_wait3A_312 = tpu.memref_squeeze %dma_wait3A_311 : memref<1x128xi32, #tpu.memory_space<vmem>> -> memref<128xi32, #tpu.memory_space<vmem>>
    %dma_wait3A_313 = arith.constant 0 : i32
    %dma_wait3A_314 = arith.constant 0 : i32
    %dma_wait3A_315 = tpu.memref_slice %arg24[%dma_wait3A_313, %dma_wait3A_314] : memref<10240x64xf32, #tpu.memory_space<vmem_shared>> -> memref<10240x64xf32, #tpu.memory_space<vmem_shared>>
    tpu.wait_indirect_dma semaphore(%arg20 : memref<!tpu.dma_semaphore, #tpu.memory_space<semaphore_mem>>) src(%arg12 : memref<128x64xf32, #tpu.memory_space<vmem>>) dst(%dma_wait3A_315 : memref<10240x64xf32, #tpu.memory_space<vmem_shared>>)
    %dma_wait3A_316 = arith.constant 19 : i32
    %dma_wait3A_317 = arith.constant 0 : i32
    %dma_wait3A_318 = tpu.memref_slice %arg8[%dma_wait3A_316, %dma_wait3A_317] : memref<20x128xi32, #tpu.memory_space<vmem>> -> memref<1x128xi32, #tpu.memory_space<vmem>>
    %dma_wait3A_319 = tpu.memref_squeeze %dma_wait3A_318 : memref<1x128xi32, #tpu.memory_space<vmem>> -> memref<128xi32, #tpu.memory_space<vmem>>
    %dma_wait3A_320 = arith.constant 0 : i32
    %dma_wait3A_321 = arith.constant 0 : i32
    %dma_wait3A_322 = tpu.memref_slice %arg24[%dma_wait3A_320, %dma_wait3A_321] : memref<10240x64xf32, #tpu.memory_space<vmem_shared>> -> memref<10240x64xf32, #tpu.memory_space<vmem_shared>>
    tpu.wait_indirect_dma semaphore(%arg21 : memref<!tpu.dma_semaphore, #tpu.memory_space<semaphore_mem>>) src(%arg13 : memref<128x64xf32, #tpu.memory_space<vmem>>) dst(%dma_wait3A_322 : memref<10240x64xf32, #tpu.memory_space<vmem_shared>>)
    %dma_wait3A_323 = arith.constant 100 : i32
    %dma_wait3A_324 = arith.constant 0 : i32
    %dma_wait3A_325 = tpu.memref_slice %arg3[%arg1, %dma_wait3A_323, %dma_wait3A_324] : memref<16x160x128xi32, #tpu.memory_space<hbm>> -> memref<1x20x128xi32, #tpu.memory_space<hbm>>
    %dma_wait3A_326 = tpu.memref_squeeze %dma_wait3A_325 : memref<1x20x128xi32, #tpu.memory_space<hbm>> -> memref<20x128xi32, #tpu.memory_space<hbm>>
    %dma_wait3A_327 = arith.constant 100 : i32
    %dma_wait3A_328 = arith.constant 0 : i32
    %dma_wait3A_329 = tpu.memref_slice %arg3[%arg1, %dma_wait3A_327, %dma_wait3A_328] : memref<16x160x128xi32, #tpu.memory_space<hbm>> -> memref<1x20x128xi32, #tpu.memory_space<hbm>>
    %dma_wait3A_330 = tpu.memref_squeeze %dma_wait3A_329 : memref<1x20x128xi32, #tpu.memory_space<hbm>> -> memref<20x128xi32, #tpu.memory_space<hbm>>
    tpu.wait_dma2 semaphore(%arg22 : memref<!tpu.dma_semaphore, #tpu.memory_space<semaphore_mem>>) src(%dma_wait3A_330 : memref<20x128xi32, #tpu.memory_space<hbm>>) dst(%arg7 : memref<20x128xi32, #tpu.memory_space<vmem>>)
    %dma_wait3A_331 = arith.constant 100 : i32
    %dma_wait3A_332 = arith.constant 0 : i32
    %dma_wait3A_333 = tpu.memref_slice %arg4[%arg1, %dma_wait3A_331, %dma_wait3A_332] : memref<16x160x128xi32, #tpu.memory_space<hbm>> -> memref<1x20x128xi32, #tpu.memory_space<hbm>>
    %dma_wait3A_334 = tpu.memref_squeeze %dma_wait3A_333 : memref<1x20x128xi32, #tpu.memory_space<hbm>> -> memref<20x128xi32, #tpu.memory_space<hbm>>
    %dma_wait3A_335 = arith.constant 100 : i32
    %dma_wait3A_336 = arith.constant 0 : i32
    %dma_wait3A_337 = tpu.memref_slice %arg4[%arg1, %dma_wait3A_335, %dma_wait3A_336] : memref<16x160x128xi32, #tpu.memory_space<hbm>> -> memref<1x20x128xi32, #tpu.memory_space<hbm>>
    %dma_wait3A_338 = tpu.memref_squeeze %dma_wait3A_337 : memref<1x20x128xi32, #tpu.memory_space<hbm>> -> memref<20x128xi32, #tpu.memory_space<hbm>>
    tpu.wait_dma2 semaphore(%arg22 : memref<!tpu.dma_semaphore, #tpu.memory_space<semaphore_mem>>) src(%dma_wait3A_338 : memref<20x128xi32, #tpu.memory_space<hbm>>) dst(%arg9 : memref<20x128xi32, #tpu.memory_space<vmem>>)
    %dma_start3A_339 = arith.constant 120 : i32
    %dma_start3A_340 = arith.constant 0 : i32
    %dma_start3A_341 = tpu.memref_slice %arg3[%arg1, %dma_start3A_339, %dma_start3A_340] : memref<16x160x128xi32, #tpu.memory_space<hbm>> -> memref<1x20x128xi32, #tpu.memory_space<hbm>>
    %dma_start3A_342 = tpu.memref_squeeze %dma_start3A_341 : memref<1x20x128xi32, #tpu.memory_space<hbm>> -> memref<20x128xi32, #tpu.memory_space<hbm>>
    %dma_start3A_343 = arith.constant 120 : i32
    %dma_start3A_344 = arith.constant 0 : i32
    %dma_start3A_345 = tpu.memref_slice %arg3[%arg1, %dma_start3A_343, %dma_start3A_344] : memref<16x160x128xi32, #tpu.memory_space<hbm>> -> memref<1x20x128xi32, #tpu.memory_space<hbm>>
    %dma_start3A_346 = tpu.memref_squeeze %dma_start3A_345 : memref<1x20x128xi32, #tpu.memory_space<hbm>> -> memref<20x128xi32, #tpu.memory_space<hbm>>
    tpu.enqueue_dma source(%dma_start3A_346 : memref<20x128xi32, #tpu.memory_space<hbm>>) target(%arg6 : memref<20x128xi32, #tpu.memory_space<vmem>>) target_semaphore(%arg22 : memref<!tpu.dma_semaphore, #tpu.memory_space<semaphore_mem>>)
    %dma_start3A_347 = arith.constant 120 : i32
    %dma_start3A_348 = arith.constant 0 : i32
    %dma_start3A_349 = tpu.memref_slice %arg4[%arg1, %dma_start3A_347, %dma_start3A_348] : memref<16x160x128xi32, #tpu.memory_space<hbm>> -> memref<1x20x128xi32, #tpu.memory_space<hbm>>
    %dma_start3A_350 = tpu.memref_squeeze %dma_start3A_349 : memref<1x20x128xi32, #tpu.memory_space<hbm>> -> memref<20x128xi32, #tpu.memory_space<hbm>>
    %dma_start3A_351 = arith.constant 120 : i32
    %dma_start3A_352 = arith.constant 0 : i32
    %dma_start3A_353 = tpu.memref_slice %arg4[%arg1, %dma_start3A_351, %dma_start3A_352] : memref<16x160x128xi32, #tpu.memory_space<hbm>> -> memref<1x20x128xi32, #tpu.memory_space<hbm>>
    %dma_start3A_354 = tpu.memref_squeeze %dma_start3A_353 : memref<1x20x128xi32, #tpu.memory_space<hbm>> -> memref<20x128xi32, #tpu.memory_space<hbm>>
    tpu.enqueue_dma source(%dma_start3A_354 : memref<20x128xi32, #tpu.memory_space<hbm>>) target(%arg8 : memref<20x128xi32, #tpu.memory_space<vmem>>) target_semaphore(%arg22 : memref<!tpu.dma_semaphore, #tpu.memory_space<semaphore_mem>>)
    %dma_start3A_355 = arith.constant 0 : i32
    %dma_start3A_356 = arith.constant 0 : i32
    %dma_start3A_357 = tpu.memref_slice %arg7[%dma_start3A_355, %dma_start3A_356] : memref<20x128xi32, #tpu.memory_space<vmem>> -> memref<1x128xi32, #tpu.memory_space<vmem>>
    %dma_start3A_358 = tpu.memref_squeeze %dma_start3A_357 : memref<1x128xi32, #tpu.memory_space<vmem>> -> memref<128xi32, #tpu.memory_space<vmem>>
    %dma_start3A_359 = arith.constant 0 : i32
    %dma_start3A_360 = arith.constant 0 : i32
    %dma_start3A_361 = tpu.memref_slice %arg23[%dma_start3A_359, %dma_start3A_360] : memref<10240x64xf32, #tpu.memory_space<vmem_shared>> -> memref<10240x64xf32, #tpu.memory_space<vmem_shared>>
    tpu.enqueue_indirect_dma source(%dma_start3A_361 : memref<10240x64xf32, #tpu.memory_space<vmem_shared>>) target(%arg10 : memref<128x64xf32, #tpu.memory_space<vmem>>) offsets(%dma_start3A_358 : memref<128xi32, #tpu.memory_space<vmem>>) semaphore(%arg14 : memref<!tpu.dma_semaphore, #tpu.memory_space<semaphore_mem>>)
    %dma_start3A_362 = arith.constant 1 : i32
    %dma_start3A_363 = arith.constant 0 : i32
    %dma_start3A_364 = tpu.memref_slice %arg7[%dma_start3A_362, %dma_start3A_363] : memref<20x128xi32, #tpu.memory_space<vmem>> -> memref<1x128xi32, #tpu.memory_space<vmem>>
    %dma_start3A_365 = tpu.memref_squeeze %dma_start3A_364 : memref<1x128xi32, #tpu.memory_space<vmem>> -> memref<128xi32, #tpu.memory_space<vmem>>
    %dma_start3A_366 = arith.constant 0 : i32
    %dma_start3A_367 = arith.constant 0 : i32
    %dma_start3A_368 = tpu.memref_slice %arg23[%dma_start3A_366, %dma_start3A_367] : memref<10240x64xf32, #tpu.memory_space<vmem_shared>> -> memref<10240x64xf32, #tpu.memory_space<vmem_shared>>
    tpu.enqueue_indirect_dma source(%dma_start3A_368 : memref<10240x64xf32, #tpu.memory_space<vmem_shared>>) target(%arg11 : memref<128x64xf32, #tpu.memory_space<vmem>>) offsets(%dma_start3A_365 : memref<128xi32, #tpu.memory_space<vmem>>) semaphore(%arg15 : memref<!tpu.dma_semaphore, #tpu.memory_space<semaphore_mem>>)
    %scan3A_369 = arith.constant 0 : i32
    %scan3A_370 = arith.constant 0 : i32
    %scan3A_371 = arith.constant 5 : i32
    %scan3A_372 = arith.addi %scan3A_370, %scan3A_371 : i32
    %scan3A_373 = arith.constant 1 : i32
    %scan3A_374 = scf.for %scan3A_516 = %scan3A_370 to %scan3A_372 step %scan3A_373 iter_args(%scan3A_517 = %scan3A_369) -> (i32)  : i32 {
      %mul3A = arith.constant 4 : i32
      %mul3A_518 = arith.muli %scan3A_516, %mul3A : i32
      %add3A = arith.constant 0 : i32
      %add3A_519 = arith.addi %mul3A_518, %add3A : i32
      %dma_wait3A_520 = arith.constant 0 : i32
      %dma_wait3A_521 = tpu.memref_slice %arg7[%add3A_519, %dma_wait3A_520] : memref<20x128xi32, #tpu.memory_space<vmem>> -> memref<1x128xi32, #tpu.memory_space<vmem>>
      %dma_wait3A_522 = tpu.memref_squeeze %dma_wait3A_521 : memref<1x128xi32, #tpu.memory_space<vmem>> -> memref<128xi32, #tpu.memory_space<vmem>>
      %dma_wait3A_523 = arith.constant 0 : i32
      %dma_wait3A_524 = arith.constant 0 : i32
      %dma_wait3A_525 = tpu.memref_slice %arg23[%dma_wait3A_523, %dma_wait3A_524] : memref<10240x64xf32, #tpu.memory_space<vmem_shared>> -> memref<10240x64xf32, #tpu.memory_space<vmem_shared>>
      tpu.wait_indirect_dma semaphore(%arg14 : memref<!tpu.dma_semaphore, #tpu.memory_space<semaphore_mem>>) src(%dma_wait3A_525 : memref<10240x64xf32, #tpu.memory_space<vmem_shared>>) dst(%arg10 : memref<128x64xf32, #tpu.memory_space<vmem>>)
      %dma_start3A_526 = arith.constant 0 : i32
      %dma_start3A_527 = tpu.memref_slice %arg9[%add3A_519, %dma_start3A_526] : memref<20x128xi32, #tpu.memory_space<vmem>> -> memref<1x128xi32, #tpu.memory_space<vmem>>
      %dma_start3A_528 = tpu.memref_squeeze %dma_start3A_527 : memref<1x128xi32, #tpu.memory_space<vmem>> -> memref<128xi32, #tpu.memory_space<vmem>>
      %dma_start3A_529 = arith.constant 0 : i32
      %dma_start3A_530 = arith.constant 0 : i32
      %dma_start3A_531 = tpu.memref_slice %arg24[%dma_start3A_529, %dma_start3A_530] : memref<10240x64xf32, #tpu.memory_space<vmem_shared>> -> memref<10240x64xf32, #tpu.memory_space<vmem_shared>>
      tpu.enqueue_indirect_dma source(%arg10 : memref<128x64xf32, #tpu.memory_space<vmem>>) target(%dma_start3A_531 : memref<10240x64xf32, #tpu.memory_space<vmem_shared>>) offsets(%dma_start3A_528 : memref<128xi32, #tpu.memory_space<vmem>>) semaphore(%arg18 : memref<!tpu.dma_semaphore, #tpu.memory_space<semaphore_mem>>) {add = true}
      %ge3A = arith.constant 2 : i32
      %ge3A_532 = arith.cmpi sge, %add3A_519, %ge3A : i32
      %convert_element_type3A = arith.extui %ge3A_532 : i1 to i32
      %cond3A = arith.constant 0 : i32
      %cond3A_533 = arith.cmpi ne, %convert_element_type3A, %cond3A : i32
      scf.if %cond3A_533 {
        %sub3A = arith.constant 2 : i32
        %sub3A_619 = arith.subi %add3A_519, %sub3A : i32
        %dma_wait3A_620 = arith.constant 0 : i32
        %dma_wait3A_621 = tpu.memref_slice %arg9[%sub3A_619, %dma_wait3A_620] : memref<20x128xi32, #tpu.memory_space<vmem>> -> memref<1x128xi32, #tpu.memory_space<vmem>>
        %dma_wait3A_622 = tpu.memref_squeeze %dma_wait3A_621 : memref<1x128xi32, #tpu.memory_space<vmem>> -> memref<128xi32, #tpu.memory_space<vmem>>
        %dma_wait3A_623 = arith.constant 0 : i32
        %dma_wait3A_624 = arith.constant 0 : i32
        %dma_wait3A_625 = tpu.memref_slice %arg24[%dma_wait3A_623, %dma_wait3A_624] : memref<10240x64xf32, #tpu.memory_space<vmem_shared>> -> memref<10240x64xf32, #tpu.memory_space<vmem_shared>>
        tpu.wait_indirect_dma semaphore(%arg20 : memref<!tpu.dma_semaphore, #tpu.memory_space<semaphore_mem>>) src(%arg12 : memref<128x64xf32, #tpu.memory_space<vmem>>) dst(%dma_wait3A_625 : memref<10240x64xf32, #tpu.memory_space<vmem_shared>>)
      } else {
      }
      %add3A_534 = arith.constant 2 : i32
      %add3A_535 = arith.addi %add3A_519, %add3A_534 : i32
      %lt3A = arith.constant 20 : i32
      %lt3A_536 = arith.cmpi slt, %add3A_535, %lt3A : i32
      %convert_element_type3A_537 = arith.extui %lt3A_536 : i1 to i32
      %cond3A_538 = arith.constant 0 : i32
      %cond3A_539 = arith.cmpi ne, %convert_element_type3A_537, %cond3A_538 : i32
      scf.if %cond3A_539 {
        %add3A_619 = arith.constant 2 : i32
        %add3A_620 = arith.addi %add3A_519, %add3A_619 : i32
        %dma_start3A_621 = arith.constant 0 : i32
        %dma_start3A_622 = tpu.memref_slice %arg7[%add3A_620, %dma_start3A_621] : memref<20x128xi32, #tpu.memory_space<vmem>> -> memref<1x128xi32, #tpu.memory_space<vmem>>
        %dma_start3A_623 = tpu.memref_squeeze %dma_start3A_622 : memref<1x128xi32, #tpu.memory_space<vmem>> -> memref<128xi32, #tpu.memory_space<vmem>>
        %dma_start3A_624 = arith.constant 0 : i32
        %dma_start3A_625 = arith.constant 0 : i32
        %dma_start3A_626 = tpu.memref_slice %arg23[%dma_start3A_624, %dma_start3A_625] : memref<10240x64xf32, #tpu.memory_space<vmem_shared>> -> memref<10240x64xf32, #tpu.memory_space<vmem_shared>>
        tpu.enqueue_indirect_dma source(%dma_start3A_626 : memref<10240x64xf32, #tpu.memory_space<vmem_shared>>) target(%arg12 : memref<128x64xf32, #tpu.memory_space<vmem>>) offsets(%dma_start3A_623 : memref<128xi32, #tpu.memory_space<vmem>>) semaphore(%arg16 : memref<!tpu.dma_semaphore, #tpu.memory_space<semaphore_mem>>)
      } else {
      }
      %add3A_540 = arith.constant 1 : i32
      %add3A_541 = arith.addi %mul3A_518, %add3A_540 : i32
      %dma_wait3A_542 = arith.constant 0 : i32
      %dma_wait3A_543 = tpu.memref_slice %arg7[%add3A_541, %dma_wait3A_542] : memref<20x128xi32, #tpu.memory_space<vmem>> -> memref<1x128xi32, #tpu.memory_space<vmem>>
      %dma_wait3A_544 = tpu.memref_squeeze %dma_wait3A_543 : memref<1x128xi32, #tpu.memory_space<vmem>> -> memref<128xi32, #tpu.memory_space<vmem>>
      %dma_wait3A_545 = arith.constant 0 : i32
      %dma_wait3A_546 = arith.constant 0 : i32
      %dma_wait3A_547 = tpu.memref_slice %arg23[%dma_wait3A_545, %dma_wait3A_546] : memref<10240x64xf32, #tpu.memory_space<vmem_shared>> -> memref<10240x64xf32, #tpu.memory_space<vmem_shared>>
      tpu.wait_indirect_dma semaphore(%arg15 : memref<!tpu.dma_semaphore, #tpu.memory_space<semaphore_mem>>) src(%dma_wait3A_547 : memref<10240x64xf32, #tpu.memory_space<vmem_shared>>) dst(%arg11 : memref<128x64xf32, #tpu.memory_space<vmem>>)
      %dma_start3A_548 = arith.constant 0 : i32
      %dma_start3A_549 = tpu.memref_slice %arg9[%add3A_541, %dma_start3A_548] : memref<20x128xi32, #tpu.memory_space<vmem>> -> memref<1x128xi32, #tpu.memory_space<vmem>>
      %dma_start3A_550 = tpu.memref_squeeze %dma_start3A_549 : memref<1x128xi32, #tpu.memory_space<vmem>> -> memref<128xi32, #tpu.memory_space<vmem>>
      %dma_start3A_551 = arith.constant 0 : i32
      %dma_start3A_552 = arith.constant 0 : i32
      %dma_start3A_553 = tpu.memref_slice %arg24[%dma_start3A_551, %dma_start3A_552] : memref<10240x64xf32, #tpu.memory_space<vmem_shared>> -> memref<10240x64xf32, #tpu.memory_space<vmem_shared>>
      tpu.enqueue_indirect_dma source(%arg11 : memref<128x64xf32, #tpu.memory_space<vmem>>) target(%dma_start3A_553 : memref<10240x64xf32, #tpu.memory_space<vmem_shared>>) offsets(%dma_start3A_550 : memref<128xi32, #tpu.memory_space<vmem>>) semaphore(%arg19 : memref<!tpu.dma_semaphore, #tpu.memory_space<semaphore_mem>>) {add = true}
      %ge3A_554 = arith.constant 2 : i32
      %ge3A_555 = arith.cmpi sge, %add3A_541, %ge3A_554 : i32
      %convert_element_type3A_556 = arith.extui %ge3A_555 : i1 to i32
      %cond3A_557 = arith.constant 0 : i32
      %cond3A_558 = arith.cmpi ne, %convert_element_type3A_556, %cond3A_557 : i32
      scf.if %cond3A_558 {
        %sub3A = arith.constant 2 : i32
        %sub3A_619 = arith.subi %add3A_541, %sub3A : i32
        %dma_wait3A_620 = arith.constant 0 : i32
        %dma_wait3A_621 = tpu.memref_slice %arg9[%sub3A_619, %dma_wait3A_620] : memref<20x128xi32, #tpu.memory_space<vmem>> -> memref<1x128xi32, #tpu.memory_space<vmem>>
        %dma_wait3A_622 = tpu.memref_squeeze %dma_wait3A_621 : memref<1x128xi32, #tpu.memory_space<vmem>> -> memref<128xi32, #tpu.memory_space<vmem>>
        %dma_wait3A_623 = arith.constant 0 : i32
        %dma_wait3A_624 = arith.constant 0 : i32
        %dma_wait3A_625 = tpu.memref_slice %arg24[%dma_wait3A_623, %dma_wait3A_624] : memref<10240x64xf32, #tpu.memory_space<vmem_shared>> -> memref<10240x64xf32, #tpu.memory_space<vmem_shared>>
        tpu.wait_indirect_dma semaphore(%arg21 : memref<!tpu.dma_semaphore, #tpu.memory_space<semaphore_mem>>) src(%arg13 : memref<128x64xf32, #tpu.memory_space<vmem>>) dst(%dma_wait3A_625 : memref<10240x64xf32, #tpu.memory_space<vmem_shared>>)
      } else {
      }
      %add3A_559 = arith.constant 2 : i32
      %add3A_560 = arith.addi %add3A_541, %add3A_559 : i32
      %lt3A_561 = arith.constant 20 : i32
      %lt3A_562 = arith.cmpi slt, %add3A_560, %lt3A_561 : i32
      %convert_element_type3A_563 = arith.extui %lt3A_562 : i1 to i32
      %cond3A_564 = arith.constant 0 : i32
      %cond3A_565 = arith.cmpi ne, %convert_element_type3A_563, %cond3A_564 : i32
      scf.if %cond3A_565 {
        %add3A_619 = arith.constant 2 : i32
        %add3A_620 = arith.addi %add3A_541, %add3A_619 : i32
        %dma_start3A_621 = arith.constant 0 : i32
        %dma_start3A_622 = tpu.memref_slice %arg7[%add3A_620, %dma_start3A_621] : memref<20x128xi32, #tpu.memory_space<vmem>> -> memref<1x128xi32, #tpu.memory_space<vmem>>
        %dma_start3A_623 = tpu.memref_squeeze %dma_start3A_622 : memref<1x128xi32, #tpu.memory_space<vmem>> -> memref<128xi32, #tpu.memory_space<vmem>>
        %dma_start3A_624 = arith.constant 0 : i32
        %dma_start3A_625 = arith.constant 0 : i32
        %dma_start3A_626 = tpu.memref_slice %arg23[%dma_start3A_624, %dma_start3A_625] : memref<10240x64xf32, #tpu.memory_space<vmem_shared>> -> memref<10240x64xf32, #tpu.memory_space<vmem_shared>>
        tpu.enqueue_indirect_dma source(%dma_start3A_626 : memref<10240x64xf32, #tpu.memory_space<vmem_shared>>) target(%arg13 : memref<128x64xf32, #tpu.memory_space<vmem>>) offsets(%dma_start3A_623 : memref<128xi32, #tpu.memory_space<vmem>>) semaphore(%arg17 : memref<!tpu.dma_semaphore, #tpu.memory_space<semaphore_mem>>)
      } else {
      }
      %add3A_566 = arith.constant 2 : i32
      %add3A_567 = arith.addi %mul3A_518, %add3A_566 : i32
      %dma_wait3A_568 = arith.constant 0 : i32
      %dma_wait3A_569 = tpu.memref_slice %arg7[%add3A_567, %dma_wait3A_568] : memref<20x128xi32, #tpu.memory_space<vmem>> -> memref<1x128xi32, #tpu.memory_space<vmem>>
      %dma_wait3A_570 = tpu.memref_squeeze %dma_wait3A_569 : memref<1x128xi32, #tpu.memory_space<vmem>> -> memref<128xi32, #tpu.memory_space<vmem>>
      %dma_wait3A_571 = arith.constant 0 : i32
      %dma_wait3A_572 = arith.constant 0 : i32
      %dma_wait3A_573 = tpu.memref_slice %arg23[%dma_wait3A_571, %dma_wait3A_572] : memref<10240x64xf32, #tpu.memory_space<vmem_shared>> -> memref<10240x64xf32, #tpu.memory_space<vmem_shared>>
      tpu.wait_indirect_dma semaphore(%arg16 : memref<!tpu.dma_semaphore, #tpu.memory_space<semaphore_mem>>) src(%dma_wait3A_573 : memref<10240x64xf32, #tpu.memory_space<vmem_shared>>) dst(%arg12 : memref<128x64xf32, #tpu.memory_space<vmem>>)
      %dma_start3A_574 = arith.constant 0 : i32
      %dma_start3A_575 = tpu.memref_slice %arg9[%add3A_567, %dma_start3A_574] : memref<20x128xi32, #tpu.memory_space<vmem>> -> memref<1x128xi32, #tpu.memory_space<vmem>>
      %dma_start3A_576 = tpu.memref_squeeze %dma_start3A_575 : memref<1x128xi32, #tpu.memory_space<vmem>> -> memref<128xi32, #tpu.memory_space<vmem>>
      %dma_start3A_577 = arith.constant 0 : i32
      %dma_start3A_578 = arith.constant 0 : i32
      %dma_start3A_579 = tpu.memref_slice %arg24[%dma_start3A_577, %dma_start3A_578] : memref<10240x64xf32, #tpu.memory_space<vmem_shared>> -> memref<10240x64xf32, #tpu.memory_space<vmem_shared>>
      tpu.enqueue_indirect_dma source(%arg12 : memref<128x64xf32, #tpu.memory_space<vmem>>) target(%dma_start3A_579 : memref<10240x64xf32, #tpu.memory_space<vmem_shared>>) offsets(%dma_start3A_576 : memref<128xi32, #tpu.memory_space<vmem>>) semaphore(%arg20 : memref<!tpu.dma_semaphore, #tpu.memory_space<semaphore_mem>>) {add = true}
      %ge3A_580 = arith.constant 2 : i32
      %ge3A_581 = arith.cmpi sge, %add3A_567, %ge3A_580 : i32
      %convert_element_type3A_582 = arith.extui %ge3A_581 : i1 to i32
      %cond3A_583 = arith.constant 0 : i32
      %cond3A_584 = arith.cmpi ne, %convert_element_type3A_582, %cond3A_583 : i32
      scf.if %cond3A_584 {
        %sub3A = arith.constant 2 : i32
        %sub3A_619 = arith.subi %add3A_567, %sub3A : i32
        %dma_wait3A_620 = arith.constant 0 : i32
        %dma_wait3A_621 = tpu.memref_slice %arg9[%sub3A_619, %dma_wait3A_620] : memref<20x128xi32, #tpu.memory_space<vmem>> -> memref<1x128xi32, #tpu.memory_space<vmem>>
        %dma_wait3A_622 = tpu.memref_squeeze %dma_wait3A_621 : memref<1x128xi32, #tpu.memory_space<vmem>> -> memref<128xi32, #tpu.memory_space<vmem>>
        %dma_wait3A_623 = arith.constant 0 : i32
        %dma_wait3A_624 = arith.constant 0 : i32
        %dma_wait3A_625 = tpu.memref_slice %arg24[%dma_wait3A_623, %dma_wait3A_624] : memref<10240x64xf32, #tpu.memory_space<vmem_shared>> -> memref<10240x64xf32, #tpu.memory_space<vmem_shared>>
        tpu.wait_indirect_dma semaphore(%arg18 : memref<!tpu.dma_semaphore, #tpu.memory_space<semaphore_mem>>) src(%arg10 : memref<128x64xf32, #tpu.memory_space<vmem>>) dst(%dma_wait3A_625 : memref<10240x64xf32, #tpu.memory_space<vmem_shared>>)
      } else {
      }
      %add3A_585 = arith.constant 2 : i32
      %add3A_586 = arith.addi %add3A_567, %add3A_585 : i32
      %lt3A_587 = arith.constant 20 : i32
      %lt3A_588 = arith.cmpi slt, %add3A_586, %lt3A_587 : i32
      %convert_element_type3A_589 = arith.extui %lt3A_588 : i1 to i32
      %cond3A_590 = arith.constant 0 : i32
      %cond3A_591 = arith.cmpi ne, %convert_element_type3A_589, %cond3A_590 : i32
      scf.if %cond3A_591 {
        %add3A_619 = arith.constant 2 : i32
        %add3A_620 = arith.addi %add3A_567, %add3A_619 : i32
        %dma_start3A_621 = arith.constant 0 : i32
        %dma_start3A_622 = tpu.memref_slice %arg7[%add3A_620, %dma_start3A_621] : memref<20x128xi32, #tpu.memory_space<vmem>> -> memref<1x128xi32, #tpu.memory_space<vmem>>
        %dma_start3A_623 = tpu.memref_squeeze %dma_start3A_622 : memref<1x128xi32, #tpu.memory_space<vmem>> -> memref<128xi32, #tpu.memory_space<vmem>>
        %dma_start3A_624 = arith.constant 0 : i32
        %dma_start3A_625 = arith.constant 0 : i32
        %dma_start3A_626 = tpu.memref_slice %arg23[%dma_start3A_624, %dma_start3A_625] : memref<10240x64xf32, #tpu.memory_space<vmem_shared>> -> memref<10240x64xf32, #tpu.memory_space<vmem_shared>>
        tpu.enqueue_indirect_dma source(%dma_start3A_626 : memref<10240x64xf32, #tpu.memory_space<vmem_shared>>) target(%arg10 : memref<128x64xf32, #tpu.memory_space<vmem>>) offsets(%dma_start3A_623 : memref<128xi32, #tpu.memory_space<vmem>>) semaphore(%arg14 : memref<!tpu.dma_semaphore, #tpu.memory_space<semaphore_mem>>)
      } else {
      }
      %add3A_592 = arith.constant 3 : i32
      %add3A_593 = arith.addi %mul3A_518, %add3A_592 : i32
      %dma_wait3A_594 = arith.constant 0 : i32
      %dma_wait3A_595 = tpu.memref_slice %arg7[%add3A_593, %dma_wait3A_594] : memref<20x128xi32, #tpu.memory_space<vmem>> -> memref<1x128xi32, #tpu.memory_space<vmem>>
      %dma_wait3A_596 = tpu.memref_squeeze %dma_wait3A_595 : memref<1x128xi32, #tpu.memory_space<vmem>> -> memref<128xi32, #tpu.memory_space<vmem>>
      %dma_wait3A_597 = arith.constant 0 : i32
      %dma_wait3A_598 = arith.constant 0 : i32
      %dma_wait3A_599 = tpu.memref_slice %arg23[%dma_wait3A_597, %dma_wait3A_598] : memref<10240x64xf32, #tpu.memory_space<vmem_shared>> -> memref<10240x64xf32, #tpu.memory_space<vmem_shared>>
      tpu.wait_indirect_dma semaphore(%arg17 : memref<!tpu.dma_semaphore, #tpu.memory_space<semaphore_mem>>) src(%dma_wait3A_599 : memref<10240x64xf32, #tpu.memory_space<vmem_shared>>) dst(%arg13 : memref<128x64xf32, #tpu.memory_space<vmem>>)
      %dma_start3A_600 = arith.constant 0 : i32
      %dma_start3A_601 = tpu.memref_slice %arg9[%add3A_593, %dma_start3A_600] : memref<20x128xi32, #tpu.memory_space<vmem>> -> memref<1x128xi32, #tpu.memory_space<vmem>>
      %dma_start3A_602 = tpu.memref_squeeze %dma_start3A_601 : memref<1x128xi32, #tpu.memory_space<vmem>> -> memref<128xi32, #tpu.memory_space<vmem>>
      %dma_start3A_603 = arith.constant 0 : i32
      %dma_start3A_604 = arith.constant 0 : i32
      %dma_start3A_605 = tpu.memref_slice %arg24[%dma_start3A_603, %dma_start3A_604] : memref<10240x64xf32, #tpu.memory_space<vmem_shared>> -> memref<10240x64xf32, #tpu.memory_space<vmem_shared>>
      tpu.enqueue_indirect_dma source(%arg13 : memref<128x64xf32, #tpu.memory_space<vmem>>) target(%dma_start3A_605 : memref<10240x64xf32, #tpu.memory_space<vmem_shared>>) offsets(%dma_start3A_602 : memref<128xi32, #tpu.memory_space<vmem>>) semaphore(%arg21 : memref<!tpu.dma_semaphore, #tpu.memory_space<semaphore_mem>>) {add = true}
      %ge3A_606 = arith.constant 2 : i32
      %ge3A_607 = arith.cmpi sge, %add3A_593, %ge3A_606 : i32
      %convert_element_type3A_608 = arith.extui %ge3A_607 : i1 to i32
      %cond3A_609 = arith.constant 0 : i32
      %cond3A_610 = arith.cmpi ne, %convert_element_type3A_608, %cond3A_609 : i32
      scf.if %cond3A_610 {
        %sub3A = arith.constant 2 : i32
        %sub3A_619 = arith.subi %add3A_593, %sub3A : i32
        %dma_wait3A_620 = arith.constant 0 : i32
        %dma_wait3A_621 = tpu.memref_slice %arg9[%sub3A_619, %dma_wait3A_620] : memref<20x128xi32, #tpu.memory_space<vmem>> -> memref<1x128xi32, #tpu.memory_space<vmem>>
        %dma_wait3A_622 = tpu.memref_squeeze %dma_wait3A_621 : memref<1x128xi32, #tpu.memory_space<vmem>> -> memref<128xi32, #tpu.memory_space<vmem>>
        %dma_wait3A_623 = arith.constant 0 : i32
        %dma_wait3A_624 = arith.constant 0 : i32
        %dma_wait3A_625 = tpu.memref_slice %arg24[%dma_wait3A_623, %dma_wait3A_624] : memref<10240x64xf32, #tpu.memory_space<vmem_shared>> -> memref<10240x64xf32, #tpu.memory_space<vmem_shared>>
        tpu.wait_indirect_dma semaphore(%arg19 : memref<!tpu.dma_semaphore, #tpu.memory_space<semaphore_mem>>) src(%arg11 : memref<128x64xf32, #tpu.memory_space<vmem>>) dst(%dma_wait3A_625 : memref<10240x64xf32, #tpu.memory_space<vmem_shared>>)
      } else {
      }
      %add3A_611 = arith.constant 2 : i32
      %add3A_612 = arith.addi %add3A_593, %add3A_611 : i32
      %lt3A_613 = arith.constant 20 : i32
      %lt3A_614 = arith.cmpi slt, %add3A_612, %lt3A_613 : i32
      %convert_element_type3A_615 = arith.extui %lt3A_614 : i1 to i32
      %cond3A_616 = arith.constant 0 : i32
      %cond3A_617 = arith.cmpi ne, %convert_element_type3A_615, %cond3A_616 : i32
      scf.if %cond3A_617 {
        %add3A_619 = arith.constant 2 : i32
        %add3A_620 = arith.addi %add3A_593, %add3A_619 : i32
        %dma_start3A_621 = arith.constant 0 : i32
        %dma_start3A_622 = tpu.memref_slice %arg7[%add3A_620, %dma_start3A_621] : memref<20x128xi32, #tpu.memory_space<vmem>> -> memref<1x128xi32, #tpu.memory_space<vmem>>
        %dma_start3A_623 = tpu.memref_squeeze %dma_start3A_622 : memref<1x128xi32, #tpu.memory_space<vmem>> -> memref<128xi32, #tpu.memory_space<vmem>>
        %dma_start3A_624 = arith.constant 0 : i32
        %dma_start3A_625 = arith.constant 0 : i32
        %dma_start3A_626 = tpu.memref_slice %arg23[%dma_start3A_624, %dma_start3A_625] : memref<10240x64xf32, #tpu.memory_space<vmem_shared>> -> memref<10240x64xf32, #tpu.memory_space<vmem_shared>>
        tpu.enqueue_indirect_dma source(%dma_start3A_626 : memref<10240x64xf32, #tpu.memory_space<vmem_shared>>) target(%arg11 : memref<128x64xf32, #tpu.memory_space<vmem>>) offsets(%dma_start3A_623 : memref<128xi32, #tpu.memory_space<vmem>>) semaphore(%arg15 : memref<!tpu.dma_semaphore, #tpu.memory_space<semaphore_mem>>)
      } else {
      }
      %scan3A_618 = arith.constant 0 : i32
      scf.yield %scan3A_618 : i32
    }
    %scan3A_375 = arith.constant 5 : i32
    %dma_wait3A_376 = arith.constant 18 : i32
    %dma_wait3A_377 = arith.constant 0 : i32
    %dma_wait3A_378 = tpu.memref_slice %arg9[%dma_wait3A_376, %dma_wait3A_377] : memref<20x128xi32, #tpu.memory_space<vmem>> -> memref<1x128xi32, #tpu.memory_space<vmem>>
    %dma_wait3A_379 = tpu.memref_squeeze %dma_wait3A_378 : memref<1x128xi32, #tpu.memory_space<vmem>> -> memref<128xi32, #tpu.memory_space<vmem>>
    %dma_wait3A_380 = arith.constant 0 : i32
    %dma_wait3A_381 = arith.constant 0 : i32
    %dma_wait3A_382 = tpu.memref_slice %arg24[%dma_wait3A_380, %dma_wait3A_381] : memref<10240x64xf32, #tpu.memory_space<vmem_shared>> -> memref<10240x64xf32, #tpu.memory_space<vmem_shared>>
    tpu.wait_indirect_dma semaphore(%arg20 : memref<!tpu.dma_semaphore, #tpu.memory_space<semaphore_mem>>) src(%arg12 : memref<128x64xf32, #tpu.memory_space<vmem>>) dst(%dma_wait3A_382 : memref<10240x64xf32, #tpu.memory_space<vmem_shared>>)
    %dma_wait3A_383 = arith.constant 19 : i32
    %dma_wait3A_384 = arith.constant 0 : i32
    %dma_wait3A_385 = tpu.memref_slice %arg9[%dma_wait3A_383, %dma_wait3A_384] : memref<20x128xi32, #tpu.memory_space<vmem>> -> memref<1x128xi32, #tpu.memory_space<vmem>>
    %dma_wait3A_386 = tpu.memref_squeeze %dma_wait3A_385 : memref<1x128xi32, #tpu.memory_space<vmem>> -> memref<128xi32, #tpu.memory_space<vmem>>
    %dma_wait3A_387 = arith.constant 0 : i32
    %dma_wait3A_388 = arith.constant 0 : i32
    %dma_wait3A_389 = tpu.memref_slice %arg24[%dma_wait3A_387, %dma_wait3A_388] : memref<10240x64xf32, #tpu.memory_space<vmem_shared>> -> memref<10240x64xf32, #tpu.memory_space<vmem_shared>>
    tpu.wait_indirect_dma semaphore(%arg21 : memref<!tpu.dma_semaphore, #tpu.memory_space<semaphore_mem>>) src(%arg13 : memref<128x64xf32, #tpu.memory_space<vmem>>) dst(%dma_wait3A_389 : memref<10240x64xf32, #tpu.memory_space<vmem_shared>>)
    %dma_wait3A_390 = arith.constant 120 : i32
    %dma_wait3A_391 = arith.constant 0 : i32
    %dma_wait3A_392 = tpu.memref_slice %arg3[%arg1, %dma_wait3A_390, %dma_wait3A_391] : memref<16x160x128xi32, #tpu.memory_space<hbm>> -> memref<1x20x128xi32, #tpu.memory_space<hbm>>
    %dma_wait3A_393 = tpu.memref_squeeze %dma_wait3A_392 : memref<1x20x128xi32, #tpu.memory_space<hbm>> -> memref<20x128xi32, #tpu.memory_space<hbm>>
    %dma_wait3A_394 = arith.constant 120 : i32
    %dma_wait3A_395 = arith.constant 0 : i32
    %dma_wait3A_396 = tpu.memref_slice %arg3[%arg1, %dma_wait3A_394, %dma_wait3A_395] : memref<16x160x128xi32, #tpu.memory_space<hbm>> -> memref<1x20x128xi32, #tpu.memory_space<hbm>>
    %dma_wait3A_397 = tpu.memref_squeeze %dma_wait3A_396 : memref<1x20x128xi32, #tpu.memory_space<hbm>> -> memref<20x128xi32, #tpu.memory_space<hbm>>
    tpu.wait_dma2 semaphore(%arg22 : memref<!tpu.dma_semaphore, #tpu.memory_space<semaphore_mem>>) src(%dma_wait3A_397 : memref<20x128xi32, #tpu.memory_space<hbm>>) dst(%arg6 : memref<20x128xi32, #tpu.memory_space<vmem>>)
    %dma_wait3A_398 = arith.constant 120 : i32
    %dma_wait3A_399 = arith.constant 0 : i32
    %dma_wait3A_400 = tpu.memref_slice %arg4[%arg1, %dma_wait3A_398, %dma_wait3A_399] : memref<16x160x128xi32, #tpu.memory_space<hbm>> -> memref<1x20x128xi32, #tpu.memory_space<hbm>>
    %dma_wait3A_401 = tpu.memref_squeeze %dma_wait3A_400 : memref<1x20x128xi32, #tpu.memory_space<hbm>> -> memref<20x128xi32, #tpu.memory_space<hbm>>
    %dma_wait3A_402 = arith.constant 120 : i32
    %dma_wait3A_403 = arith.constant 0 : i32
    %dma_wait3A_404 = tpu.memref_slice %arg4[%arg1, %dma_wait3A_402, %dma_wait3A_403] : memref<16x160x128xi32, #tpu.memory_space<hbm>> -> memref<1x20x128xi32, #tpu.memory_space<hbm>>
    %dma_wait3A_405 = tpu.memref_squeeze %dma_wait3A_404 : memref<1x20x128xi32, #tpu.memory_space<hbm>> -> memref<20x128xi32, #tpu.memory_space<hbm>>
    tpu.wait_dma2 semaphore(%arg22 : memref<!tpu.dma_semaphore, #tpu.memory_space<semaphore_mem>>) src(%dma_wait3A_405 : memref<20x128xi32, #tpu.memory_space<hbm>>) dst(%arg8 : memref<20x128xi32, #tpu.memory_space<vmem>>)
    %dma_start3A_406 = arith.constant 140 : i32
    %dma_start3A_407 = arith.constant 0 : i32
    %dma_start3A_408 = tpu.memref_slice %arg3[%arg1, %dma_start3A_406, %dma_start3A_407] : memref<16x160x128xi32, #tpu.memory_space<hbm>> -> memref<1x20x128xi32, #tpu.memory_space<hbm>>
    %dma_start3A_409 = tpu.memref_squeeze %dma_start3A_408 : memref<1x20x128xi32, #tpu.memory_space<hbm>> -> memref<20x128xi32, #tpu.memory_space<hbm>>
    %dma_start3A_410 = arith.constant 140 : i32
    %dma_start3A_411 = arith.constant 0 : i32
    %dma_start3A_412 = tpu.memref_slice %arg3[%arg1, %dma_start3A_410, %dma_start3A_411] : memref<16x160x128xi32, #tpu.memory_space<hbm>> -> memref<1x20x128xi32, #tpu.memory_space<hbm>>
    %dma_start3A_413 = tpu.memref_squeeze %dma_start3A_412 : memref<1x20x128xi32, #tpu.memory_space<hbm>> -> memref<20x128xi32, #tpu.memory_space<hbm>>
    tpu.enqueue_dma source(%dma_start3A_413 : memref<20x128xi32, #tpu.memory_space<hbm>>) target(%arg7 : memref<20x128xi32, #tpu.memory_space<vmem>>) target_semaphore(%arg22 : memref<!tpu.dma_semaphore, #tpu.memory_space<semaphore_mem>>)
    %dma_start3A_414 = arith.constant 140 : i32
    %dma_start3A_415 = arith.constant 0 : i32
    %dma_start3A_416 = tpu.memref_slice %arg4[%arg1, %dma_start3A_414, %dma_start3A_415] : memref<16x160x128xi32, #tpu.memory_space<hbm>> -> memref<1x20x128xi32, #tpu.memory_space<hbm>>
    %dma_start3A_417 = tpu.memref_squeeze %dma_start3A_416 : memref<1x20x128xi32, #tpu.memory_space<hbm>> -> memref<20x128xi32, #tpu.memory_space<hbm>>
    %dma_start3A_418 = arith.constant 140 : i32
    %dma_start3A_419 = arith.constant 0 : i32
    %dma_start3A_420 = tpu.memref_slice %arg4[%arg1, %dma_start3A_418, %dma_start3A_419] : memref<16x160x128xi32, #tpu.memory_space<hbm>> -> memref<1x20x128xi32, #tpu.memory_space<hbm>>
    %dma_start3A_421 = tpu.memref_squeeze %dma_start3A_420 : memref<1x20x128xi32, #tpu.memory_space<hbm>> -> memref<20x128xi32, #tpu.memory_space<hbm>>
    tpu.enqueue_dma source(%dma_start3A_421 : memref<20x128xi32, #tpu.memory_space<hbm>>) target(%arg9 : memref<20x128xi32, #tpu.memory_space<vmem>>) target_semaphore(%arg22 : memref<!tpu.dma_semaphore, #tpu.memory_space<semaphore_mem>>)
    %dma_start3A_422 = arith.constant 0 : i32
    %dma_start3A_423 = arith.constant 0 : i32
    %dma_start3A_424 = tpu.memref_slice %arg6[%dma_start3A_422, %dma_start3A_423] : memref<20x128xi32, #tpu.memory_space<vmem>> -> memref<1x128xi32, #tpu.memory_space<vmem>>
    %dma_start3A_425 = tpu.memref_squeeze %dma_start3A_424 : memref<1x128xi32, #tpu.memory_space<vmem>> -> memref<128xi32, #tpu.memory_space<vmem>>
    %dma_start3A_426 = arith.constant 0 : i32
    %dma_start3A_427 = arith.constant 0 : i32
    %dma_start3A_428 = tpu.memref_slice %arg23[%dma_start3A_426, %dma_start3A_427] : memref<10240x64xf32, #tpu.memory_space<vmem_shared>> -> memref<10240x64xf32, #tpu.memory_space<vmem_shared>>
    tpu.enqueue_indirect_dma source(%dma_start3A_428 : memref<10240x64xf32, #tpu.memory_space<vmem_shared>>) target(%arg10 : memref<128x64xf32, #tpu.memory_space<vmem>>) offsets(%dma_start3A_425 : memref<128xi32, #tpu.memory_space<vmem>>) semaphore(%arg14 : memref<!tpu.dma_semaphore, #tpu.memory_space<semaphore_mem>>)
    %dma_start3A_429 = arith.constant 1 : i32
    %dma_start3A_430 = arith.constant 0 : i32
    %dma_start3A_431 = tpu.memref_slice %arg6[%dma_start3A_429, %dma_start3A_430] : memref<20x128xi32, #tpu.memory_space<vmem>> -> memref<1x128xi32, #tpu.memory_space<vmem>>
    %dma_start3A_432 = tpu.memref_squeeze %dma_start3A_431 : memref<1x128xi32, #tpu.memory_space<vmem>> -> memref<128xi32, #tpu.memory_space<vmem>>
    %dma_start3A_433 = arith.constant 0 : i32
    %dma_start3A_434 = arith.constant 0 : i32
    %dma_start3A_435 = tpu.memref_slice %arg23[%dma_start3A_433, %dma_start3A_434] : memref<10240x64xf32, #tpu.memory_space<vmem_shared>> -> memref<10240x64xf32, #tpu.memory_space<vmem_shared>>
    tpu.enqueue_indirect_dma source(%dma_start3A_435 : memref<10240x64xf32, #tpu.memory_space<vmem_shared>>) target(%arg11 : memref<128x64xf32, #tpu.memory_space<vmem>>) offsets(%dma_start3A_432 : memref<128xi32, #tpu.memory_space<vmem>>) semaphore(%arg15 : memref<!tpu.dma_semaphore, #tpu.memory_space<semaphore_mem>>)
    %scan3A_436 = arith.constant 0 : i32
    %scan3A_437 = arith.constant 0 : i32
    %scan3A_438 = arith.constant 5 : i32
    %scan3A_439 = arith.addi %scan3A_437, %scan3A_438 : i32
    %scan3A_440 = arith.constant 1 : i32
    %scan3A_441 = scf.for %scan3A_516 = %scan3A_437 to %scan3A_439 step %scan3A_440 iter_args(%scan3A_517 = %scan3A_436) -> (i32)  : i32 {
      %mul3A = arith.constant 4 : i32
      %mul3A_518 = arith.muli %scan3A_516, %mul3A : i32
      %add3A = arith.constant 0 : i32
      %add3A_519 = arith.addi %mul3A_518, %add3A : i32
      %dma_wait3A_520 = arith.constant 0 : i32
      %dma_wait3A_521 = tpu.memref_slice %arg6[%add3A_519, %dma_wait3A_520] : memref<20x128xi32, #tpu.memory_space<vmem>> -> memref<1x128xi32, #tpu.memory_space<vmem>>
      %dma_wait3A_522 = tpu.memref_squeeze %dma_wait3A_521 : memref<1x128xi32, #tpu.memory_space<vmem>> -> memref<128xi32, #tpu.memory_space<vmem>>
      %dma_wait3A_523 = arith.constant 0 : i32
      %dma_wait3A_524 = arith.constant 0 : i32
      %dma_wait3A_525 = tpu.memref_slice %arg23[%dma_wait3A_523, %dma_wait3A_524] : memref<10240x64xf32, #tpu.memory_space<vmem_shared>> -> memref<10240x64xf32, #tpu.memory_space<vmem_shared>>
      tpu.wait_indirect_dma semaphore(%arg14 : memref<!tpu.dma_semaphore, #tpu.memory_space<semaphore_mem>>) src(%dma_wait3A_525 : memref<10240x64xf32, #tpu.memory_space<vmem_shared>>) dst(%arg10 : memref<128x64xf32, #tpu.memory_space<vmem>>)
      %dma_start3A_526 = arith.constant 0 : i32
      %dma_start3A_527 = tpu.memref_slice %arg8[%add3A_519, %dma_start3A_526] : memref<20x128xi32, #tpu.memory_space<vmem>> -> memref<1x128xi32, #tpu.memory_space<vmem>>
      %dma_start3A_528 = tpu.memref_squeeze %dma_start3A_527 : memref<1x128xi32, #tpu.memory_space<vmem>> -> memref<128xi32, #tpu.memory_space<vmem>>
      %dma_start3A_529 = arith.constant 0 : i32
      %dma_start3A_530 = arith.constant 0 : i32
      %dma_start3A_531 = tpu.memref_slice %arg24[%dma_start3A_529, %dma_start3A_530] : memref<10240x64xf32, #tpu.memory_space<vmem_shared>> -> memref<10240x64xf32, #tpu.memory_space<vmem_shared>>
      tpu.enqueue_indirect_dma source(%arg10 : memref<128x64xf32, #tpu.memory_space<vmem>>) target(%dma_start3A_531 : memref<10240x64xf32, #tpu.memory_space<vmem_shared>>) offsets(%dma_start3A_528 : memref<128xi32, #tpu.memory_space<vmem>>) semaphore(%arg18 : memref<!tpu.dma_semaphore, #tpu.memory_space<semaphore_mem>>) {add = true}
      %ge3A = arith.constant 2 : i32
      %ge3A_532 = arith.cmpi sge, %add3A_519, %ge3A : i32
      %convert_element_type3A = arith.extui %ge3A_532 : i1 to i32
      %cond3A = arith.constant 0 : i32
      %cond3A_533 = arith.cmpi ne, %convert_element_type3A, %cond3A : i32
      scf.if %cond3A_533 {
        %sub3A = arith.constant 2 : i32
        %sub3A_619 = arith.subi %add3A_519, %sub3A : i32
        %dma_wait3A_620 = arith.constant 0 : i32
        %dma_wait3A_621 = tpu.memref_slice %arg8[%sub3A_619, %dma_wait3A_620] : memref<20x128xi32, #tpu.memory_space<vmem>> -> memref<1x128xi32, #tpu.memory_space<vmem>>
        %dma_wait3A_622 = tpu.memref_squeeze %dma_wait3A_621 : memref<1x128xi32, #tpu.memory_space<vmem>> -> memref<128xi32, #tpu.memory_space<vmem>>
        %dma_wait3A_623 = arith.constant 0 : i32
        %dma_wait3A_624 = arith.constant 0 : i32
        %dma_wait3A_625 = tpu.memref_slice %arg24[%dma_wait3A_623, %dma_wait3A_624] : memref<10240x64xf32, #tpu.memory_space<vmem_shared>> -> memref<10240x64xf32, #tpu.memory_space<vmem_shared>>
        tpu.wait_indirect_dma semaphore(%arg20 : memref<!tpu.dma_semaphore, #tpu.memory_space<semaphore_mem>>) src(%arg12 : memref<128x64xf32, #tpu.memory_space<vmem>>) dst(%dma_wait3A_625 : memref<10240x64xf32, #tpu.memory_space<vmem_shared>>)
      } else {
      }
      %add3A_534 = arith.constant 2 : i32
      %add3A_535 = arith.addi %add3A_519, %add3A_534 : i32
      %lt3A = arith.constant 20 : i32
      %lt3A_536 = arith.cmpi slt, %add3A_535, %lt3A : i32
      %convert_element_type3A_537 = arith.extui %lt3A_536 : i1 to i32
      %cond3A_538 = arith.constant 0 : i32
      %cond3A_539 = arith.cmpi ne, %convert_element_type3A_537, %cond3A_538 : i32
      scf.if %cond3A_539 {
        %add3A_619 = arith.constant 2 : i32
        %add3A_620 = arith.addi %add3A_519, %add3A_619 : i32
        %dma_start3A_621 = arith.constant 0 : i32
        %dma_start3A_622 = tpu.memref_slice %arg6[%add3A_620, %dma_start3A_621] : memref<20x128xi32, #tpu.memory_space<vmem>> -> memref<1x128xi32, #tpu.memory_space<vmem>>
        %dma_start3A_623 = tpu.memref_squeeze %dma_start3A_622 : memref<1x128xi32, #tpu.memory_space<vmem>> -> memref<128xi32, #tpu.memory_space<vmem>>
        %dma_start3A_624 = arith.constant 0 : i32
        %dma_start3A_625 = arith.constant 0 : i32
        %dma_start3A_626 = tpu.memref_slice %arg23[%dma_start3A_624, %dma_start3A_625] : memref<10240x64xf32, #tpu.memory_space<vmem_shared>> -> memref<10240x64xf32, #tpu.memory_space<vmem_shared>>
        tpu.enqueue_indirect_dma source(%dma_start3A_626 : memref<10240x64xf32, #tpu.memory_space<vmem_shared>>) target(%arg12 : memref<128x64xf32, #tpu.memory_space<vmem>>) offsets(%dma_start3A_623 : memref<128xi32, #tpu.memory_space<vmem>>) semaphore(%arg16 : memref<!tpu.dma_semaphore, #tpu.memory_space<semaphore_mem>>)
      } else {
      }
      %add3A_540 = arith.constant 1 : i32
      %add3A_541 = arith.addi %mul3A_518, %add3A_540 : i32
      %dma_wait3A_542 = arith.constant 0 : i32
      %dma_wait3A_543 = tpu.memref_slice %arg6[%add3A_541, %dma_wait3A_542] : memref<20x128xi32, #tpu.memory_space<vmem>> -> memref<1x128xi32, #tpu.memory_space<vmem>>
      %dma_wait3A_544 = tpu.memref_squeeze %dma_wait3A_543 : memref<1x128xi32, #tpu.memory_space<vmem>> -> memref<128xi32, #tpu.memory_space<vmem>>
      %dma_wait3A_545 = arith.constant 0 : i32
      %dma_wait3A_546 = arith.constant 0 : i32
      %dma_wait3A_547 = tpu.memref_slice %arg23[%dma_wait3A_545, %dma_wait3A_546] : memref<10240x64xf32, #tpu.memory_space<vmem_shared>> -> memref<10240x64xf32, #tpu.memory_space<vmem_shared>>
      tpu.wait_indirect_dma semaphore(%arg15 : memref<!tpu.dma_semaphore, #tpu.memory_space<semaphore_mem>>) src(%dma_wait3A_547 : memref<10240x64xf32, #tpu.memory_space<vmem_shared>>) dst(%arg11 : memref<128x64xf32, #tpu.memory_space<vmem>>)
      %dma_start3A_548 = arith.constant 0 : i32
      %dma_start3A_549 = tpu.memref_slice %arg8[%add3A_541, %dma_start3A_548] : memref<20x128xi32, #tpu.memory_space<vmem>> -> memref<1x128xi32, #tpu.memory_space<vmem>>
      %dma_start3A_550 = tpu.memref_squeeze %dma_start3A_549 : memref<1x128xi32, #tpu.memory_space<vmem>> -> memref<128xi32, #tpu.memory_space<vmem>>
      %dma_start3A_551 = arith.constant 0 : i32
      %dma_start3A_552 = arith.constant 0 : i32
      %dma_start3A_553 = tpu.memref_slice %arg24[%dma_start3A_551, %dma_start3A_552] : memref<10240x64xf32, #tpu.memory_space<vmem_shared>> -> memref<10240x64xf32, #tpu.memory_space<vmem_shared>>
      tpu.enqueue_indirect_dma source(%arg11 : memref<128x64xf32, #tpu.memory_space<vmem>>) target(%dma_start3A_553 : memref<10240x64xf32, #tpu.memory_space<vmem_shared>>) offsets(%dma_start3A_550 : memref<128xi32, #tpu.memory_space<vmem>>) semaphore(%arg19 : memref<!tpu.dma_semaphore, #tpu.memory_space<semaphore_mem>>) {add = true}
      %ge3A_554 = arith.constant 2 : i32
      %ge3A_555 = arith.cmpi sge, %add3A_541, %ge3A_554 : i32
      %convert_element_type3A_556 = arith.extui %ge3A_555 : i1 to i32
      %cond3A_557 = arith.constant 0 : i32
      %cond3A_558 = arith.cmpi ne, %convert_element_type3A_556, %cond3A_557 : i32
      scf.if %cond3A_558 {
        %sub3A = arith.constant 2 : i32
        %sub3A_619 = arith.subi %add3A_541, %sub3A : i32
        %dma_wait3A_620 = arith.constant 0 : i32
        %dma_wait3A_621 = tpu.memref_slice %arg8[%sub3A_619, %dma_wait3A_620] : memref<20x128xi32, #tpu.memory_space<vmem>> -> memref<1x128xi32, #tpu.memory_space<vmem>>
        %dma_wait3A_622 = tpu.memref_squeeze %dma_wait3A_621 : memref<1x128xi32, #tpu.memory_space<vmem>> -> memref<128xi32, #tpu.memory_space<vmem>>
        %dma_wait3A_623 = arith.constant 0 : i32
        %dma_wait3A_624 = arith.constant 0 : i32
        %dma_wait3A_625 = tpu.memref_slice %arg24[%dma_wait3A_623, %dma_wait3A_624] : memref<10240x64xf32, #tpu.memory_space<vmem_shared>> -> memref<10240x64xf32, #tpu.memory_space<vmem_shared>>
        tpu.wait_indirect_dma semaphore(%arg21 : memref<!tpu.dma_semaphore, #tpu.memory_space<semaphore_mem>>) src(%arg13 : memref<128x64xf32, #tpu.memory_space<vmem>>) dst(%dma_wait3A_625 : memref<10240x64xf32, #tpu.memory_space<vmem_shared>>)
      } else {
      }
      %add3A_559 = arith.constant 2 : i32
      %add3A_560 = arith.addi %add3A_541, %add3A_559 : i32
      %lt3A_561 = arith.constant 20 : i32
      %lt3A_562 = arith.cmpi slt, %add3A_560, %lt3A_561 : i32
      %convert_element_type3A_563 = arith.extui %lt3A_562 : i1 to i32
      %cond3A_564 = arith.constant 0 : i32
      %cond3A_565 = arith.cmpi ne, %convert_element_type3A_563, %cond3A_564 : i32
      scf.if %cond3A_565 {
        %add3A_619 = arith.constant 2 : i32
        %add3A_620 = arith.addi %add3A_541, %add3A_619 : i32
        %dma_start3A_621 = arith.constant 0 : i32
        %dma_start3A_622 = tpu.memref_slice %arg6[%add3A_620, %dma_start3A_621] : memref<20x128xi32, #tpu.memory_space<vmem>> -> memref<1x128xi32, #tpu.memory_space<vmem>>
        %dma_start3A_623 = tpu.memref_squeeze %dma_start3A_622 : memref<1x128xi32, #tpu.memory_space<vmem>> -> memref<128xi32, #tpu.memory_space<vmem>>
        %dma_start3A_624 = arith.constant 0 : i32
        %dma_start3A_625 = arith.constant 0 : i32
        %dma_start3A_626 = tpu.memref_slice %arg23[%dma_start3A_624, %dma_start3A_625] : memref<10240x64xf32, #tpu.memory_space<vmem_shared>> -> memref<10240x64xf32, #tpu.memory_space<vmem_shared>>
        tpu.enqueue_indirect_dma source(%dma_start3A_626 : memref<10240x64xf32, #tpu.memory_space<vmem_shared>>) target(%arg13 : memref<128x64xf32, #tpu.memory_space<vmem>>) offsets(%dma_start3A_623 : memref<128xi32, #tpu.memory_space<vmem>>) semaphore(%arg17 : memref<!tpu.dma_semaphore, #tpu.memory_space<semaphore_mem>>)
      } else {
      }
      %add3A_566 = arith.constant 2 : i32
      %add3A_567 = arith.addi %mul3A_518, %add3A_566 : i32
      %dma_wait3A_568 = arith.constant 0 : i32
      %dma_wait3A_569 = tpu.memref_slice %arg6[%add3A_567, %dma_wait3A_568] : memref<20x128xi32, #tpu.memory_space<vmem>> -> memref<1x128xi32, #tpu.memory_space<vmem>>
      %dma_wait3A_570 = tpu.memref_squeeze %dma_wait3A_569 : memref<1x128xi32, #tpu.memory_space<vmem>> -> memref<128xi32, #tpu.memory_space<vmem>>
      %dma_wait3A_571 = arith.constant 0 : i32
      %dma_wait3A_572 = arith.constant 0 : i32
      %dma_wait3A_573 = tpu.memref_slice %arg23[%dma_wait3A_571, %dma_wait3A_572] : memref<10240x64xf32, #tpu.memory_space<vmem_shared>> -> memref<10240x64xf32, #tpu.memory_space<vmem_shared>>
      tpu.wait_indirect_dma semaphore(%arg16 : memref<!tpu.dma_semaphore, #tpu.memory_space<semaphore_mem>>) src(%dma_wait3A_573 : memref<10240x64xf32, #tpu.memory_space<vmem_shared>>) dst(%arg12 : memref<128x64xf32, #tpu.memory_space<vmem>>)
      %dma_start3A_574 = arith.constant 0 : i32
      %dma_start3A_575 = tpu.memref_slice %arg8[%add3A_567, %dma_start3A_574] : memref<20x128xi32, #tpu.memory_space<vmem>> -> memref<1x128xi32, #tpu.memory_space<vmem>>
      %dma_start3A_576 = tpu.memref_squeeze %dma_start3A_575 : memref<1x128xi32, #tpu.memory_space<vmem>> -> memref<128xi32, #tpu.memory_space<vmem>>
      %dma_start3A_577 = arith.constant 0 : i32
      %dma_start3A_578 = arith.constant 0 : i32
      %dma_start3A_579 = tpu.memref_slice %arg24[%dma_start3A_577, %dma_start3A_578] : memref<10240x64xf32, #tpu.memory_space<vmem_shared>> -> memref<10240x64xf32, #tpu.memory_space<vmem_shared>>
      tpu.enqueue_indirect_dma source(%arg12 : memref<128x64xf32, #tpu.memory_space<vmem>>) target(%dma_start3A_579 : memref<10240x64xf32, #tpu.memory_space<vmem_shared>>) offsets(%dma_start3A_576 : memref<128xi32, #tpu.memory_space<vmem>>) semaphore(%arg20 : memref<!tpu.dma_semaphore, #tpu.memory_space<semaphore_mem>>) {add = true}
      %ge3A_580 = arith.constant 2 : i32
      %ge3A_581 = arith.cmpi sge, %add3A_567, %ge3A_580 : i32
      %convert_element_type3A_582 = arith.extui %ge3A_581 : i1 to i32
      %cond3A_583 = arith.constant 0 : i32
      %cond3A_584 = arith.cmpi ne, %convert_element_type3A_582, %cond3A_583 : i32
      scf.if %cond3A_584 {
        %sub3A = arith.constant 2 : i32
        %sub3A_619 = arith.subi %add3A_567, %sub3A : i32
        %dma_wait3A_620 = arith.constant 0 : i32
        %dma_wait3A_621 = tpu.memref_slice %arg8[%sub3A_619, %dma_wait3A_620] : memref<20x128xi32, #tpu.memory_space<vmem>> -> memref<1x128xi32, #tpu.memory_space<vmem>>
        %dma_wait3A_622 = tpu.memref_squeeze %dma_wait3A_621 : memref<1x128xi32, #tpu.memory_space<vmem>> -> memref<128xi32, #tpu.memory_space<vmem>>
        %dma_wait3A_623 = arith.constant 0 : i32
        %dma_wait3A_624 = arith.constant 0 : i32
        %dma_wait3A_625 = tpu.memref_slice %arg24[%dma_wait3A_623, %dma_wait3A_624] : memref<10240x64xf32, #tpu.memory_space<vmem_shared>> -> memref<10240x64xf32, #tpu.memory_space<vmem_shared>>
        tpu.wait_indirect_dma semaphore(%arg18 : memref<!tpu.dma_semaphore, #tpu.memory_space<semaphore_mem>>) src(%arg10 : memref<128x64xf32, #tpu.memory_space<vmem>>) dst(%dma_wait3A_625 : memref<10240x64xf32, #tpu.memory_space<vmem_shared>>)
      } else {
      }
      %add3A_585 = arith.constant 2 : i32
      %add3A_586 = arith.addi %add3A_567, %add3A_585 : i32
      %lt3A_587 = arith.constant 20 : i32
      %lt3A_588 = arith.cmpi slt, %add3A_586, %lt3A_587 : i32
      %convert_element_type3A_589 = arith.extui %lt3A_588 : i1 to i32
      %cond3A_590 = arith.constant 0 : i32
      %cond3A_591 = arith.cmpi ne, %convert_element_type3A_589, %cond3A_590 : i32
      scf.if %cond3A_591 {
        %add3A_619 = arith.constant 2 : i32
        %add3A_620 = arith.addi %add3A_567, %add3A_619 : i32
        %dma_start3A_621 = arith.constant 0 : i32
        %dma_start3A_622 = tpu.memref_slice %arg6[%add3A_620, %dma_start3A_621] : memref<20x128xi32, #tpu.memory_space<vmem>> -> memref<1x128xi32, #tpu.memory_space<vmem>>
        %dma_start3A_623 = tpu.memref_squeeze %dma_start3A_622 : memref<1x128xi32, #tpu.memory_space<vmem>> -> memref<128xi32, #tpu.memory_space<vmem>>
        %dma_start3A_624 = arith.constant 0 : i32
        %dma_start3A_625 = arith.constant 0 : i32
        %dma_start3A_626 = tpu.memref_slice %arg23[%dma_start3A_624, %dma_start3A_625] : memref<10240x64xf32, #tpu.memory_space<vmem_shared>> -> memref<10240x64xf32, #tpu.memory_space<vmem_shared>>
        tpu.enqueue_indirect_dma source(%dma_start3A_626 : memref<10240x64xf32, #tpu.memory_space<vmem_shared>>) target(%arg10 : memref<128x64xf32, #tpu.memory_space<vmem>>) offsets(%dma_start3A_623 : memref<128xi32, #tpu.memory_space<vmem>>) semaphore(%arg14 : memref<!tpu.dma_semaphore, #tpu.memory_space<semaphore_mem>>)
      } else {
      }
      %add3A_592 = arith.constant 3 : i32
      %add3A_593 = arith.addi %mul3A_518, %add3A_592 : i32
      %dma_wait3A_594 = arith.constant 0 : i32
      %dma_wait3A_595 = tpu.memref_slice %arg6[%add3A_593, %dma_wait3A_594] : memref<20x128xi32, #tpu.memory_space<vmem>> -> memref<1x128xi32, #tpu.memory_space<vmem>>
      %dma_wait3A_596 = tpu.memref_squeeze %dma_wait3A_595 : memref<1x128xi32, #tpu.memory_space<vmem>> -> memref<128xi32, #tpu.memory_space<vmem>>
      %dma_wait3A_597 = arith.constant 0 : i32
      %dma_wait3A_598 = arith.constant 0 : i32
      %dma_wait3A_599 = tpu.memref_slice %arg23[%dma_wait3A_597, %dma_wait3A_598] : memref<10240x64xf32, #tpu.memory_space<vmem_shared>> -> memref<10240x64xf32, #tpu.memory_space<vmem_shared>>
      tpu.wait_indirect_dma semaphore(%arg17 : memref<!tpu.dma_semaphore, #tpu.memory_space<semaphore_mem>>) src(%dma_wait3A_599 : memref<10240x64xf32, #tpu.memory_space<vmem_shared>>) dst(%arg13 : memref<128x64xf32, #tpu.memory_space<vmem>>)
      %dma_start3A_600 = arith.constant 0 : i32
      %dma_start3A_601 = tpu.memref_slice %arg8[%add3A_593, %dma_start3A_600] : memref<20x128xi32, #tpu.memory_space<vmem>> -> memref<1x128xi32, #tpu.memory_space<vmem>>
      %dma_start3A_602 = tpu.memref_squeeze %dma_start3A_601 : memref<1x128xi32, #tpu.memory_space<vmem>> -> memref<128xi32, #tpu.memory_space<vmem>>
      %dma_start3A_603 = arith.constant 0 : i32
      %dma_start3A_604 = arith.constant 0 : i32
      %dma_start3A_605 = tpu.memref_slice %arg24[%dma_start3A_603, %dma_start3A_604] : memref<10240x64xf32, #tpu.memory_space<vmem_shared>> -> memref<10240x64xf32, #tpu.memory_space<vmem_shared>>
      tpu.enqueue_indirect_dma source(%arg13 : memref<128x64xf32, #tpu.memory_space<vmem>>) target(%dma_start3A_605 : memref<10240x64xf32, #tpu.memory_space<vmem_shared>>) offsets(%dma_start3A_602 : memref<128xi32, #tpu.memory_space<vmem>>) semaphore(%arg21 : memref<!tpu.dma_semaphore, #tpu.memory_space<semaphore_mem>>) {add = true}
      %ge3A_606 = arith.constant 2 : i32
      %ge3A_607 = arith.cmpi sge, %add3A_593, %ge3A_606 : i32
      %convert_element_type3A_608 = arith.extui %ge3A_607 : i1 to i32
      %cond3A_609 = arith.constant 0 : i32
      %cond3A_610 = arith.cmpi ne, %convert_element_type3A_608, %cond3A_609 : i32
      scf.if %cond3A_610 {
        %sub3A = arith.constant 2 : i32
        %sub3A_619 = arith.subi %add3A_593, %sub3A : i32
        %dma_wait3A_620 = arith.constant 0 : i32
        %dma_wait3A_621 = tpu.memref_slice %arg8[%sub3A_619, %dma_wait3A_620] : memref<20x128xi32, #tpu.memory_space<vmem>> -> memref<1x128xi32, #tpu.memory_space<vmem>>
        %dma_wait3A_622 = tpu.memref_squeeze %dma_wait3A_621 : memref<1x128xi32, #tpu.memory_space<vmem>> -> memref<128xi32, #tpu.memory_space<vmem>>
        %dma_wait3A_623 = arith.constant 0 : i32
        %dma_wait3A_624 = arith.constant 0 : i32
        %dma_wait3A_625 = tpu.memref_slice %arg24[%dma_wait3A_623, %dma_wait3A_624] : memref<10240x64xf32, #tpu.memory_space<vmem_shared>> -> memref<10240x64xf32, #tpu.memory_space<vmem_shared>>
        tpu.wait_indirect_dma semaphore(%arg19 : memref<!tpu.dma_semaphore, #tpu.memory_space<semaphore_mem>>) src(%arg11 : memref<128x64xf32, #tpu.memory_space<vmem>>) dst(%dma_wait3A_625 : memref<10240x64xf32, #tpu.memory_space<vmem_shared>>)
      } else {
      }
      %add3A_611 = arith.constant 2 : i32
      %add3A_612 = arith.addi %add3A_593, %add3A_611 : i32
      %lt3A_613 = arith.constant 20 : i32
      %lt3A_614 = arith.cmpi slt, %add3A_612, %lt3A_613 : i32
      %convert_element_type3A_615 = arith.extui %lt3A_614 : i1 to i32
      %cond3A_616 = arith.constant 0 : i32
      %cond3A_617 = arith.cmpi ne, %convert_element_type3A_615, %cond3A_616 : i32
      scf.if %cond3A_617 {
        %add3A_619 = arith.constant 2 : i32
        %add3A_620 = arith.addi %add3A_593, %add3A_619 : i32
        %dma_start3A_621 = arith.constant 0 : i32
        %dma_start3A_622 = tpu.memref_slice %arg6[%add3A_620, %dma_start3A_621] : memref<20x128xi32, #tpu.memory_space<vmem>> -> memref<1x128xi32, #tpu.memory_space<vmem>>
        %dma_start3A_623 = tpu.memref_squeeze %dma_start3A_622 : memref<1x128xi32, #tpu.memory_space<vmem>> -> memref<128xi32, #tpu.memory_space<vmem>>
        %dma_start3A_624 = arith.constant 0 : i32
        %dma_start3A_625 = arith.constant 0 : i32
        %dma_start3A_626 = tpu.memref_slice %arg23[%dma_start3A_624, %dma_start3A_625] : memref<10240x64xf32, #tpu.memory_space<vmem_shared>> -> memref<10240x64xf32, #tpu.memory_space<vmem_shared>>
        tpu.enqueue_indirect_dma source(%dma_start3A_626 : memref<10240x64xf32, #tpu.memory_space<vmem_shared>>) target(%arg11 : memref<128x64xf32, #tpu.memory_space<vmem>>) offsets(%dma_start3A_623 : memref<128xi32, #tpu.memory_space<vmem>>) semaphore(%arg15 : memref<!tpu.dma_semaphore, #tpu.memory_space<semaphore_mem>>)
      } else {
      }
      %scan3A_618 = arith.constant 0 : i32
      scf.yield %scan3A_618 : i32
    }
    %scan3A_442 = arith.constant 5 : i32
    %dma_wait3A_443 = arith.constant 18 : i32
    %dma_wait3A_444 = arith.constant 0 : i32
    %dma_wait3A_445 = tpu.memref_slice %arg8[%dma_wait3A_443, %dma_wait3A_444] : memref<20x128xi32, #tpu.memory_space<vmem>> -> memref<1x128xi32, #tpu.memory_space<vmem>>
    %dma_wait3A_446 = tpu.memref_squeeze %dma_wait3A_445 : memref<1x128xi32, #tpu.memory_space<vmem>> -> memref<128xi32, #tpu.memory_space<vmem>>
    %dma_wait3A_447 = arith.constant 0 : i32
    %dma_wait3A_448 = arith.constant 0 : i32
    %dma_wait3A_449 = tpu.memref_slice %arg24[%dma_wait3A_447, %dma_wait3A_448] : memref<10240x64xf32, #tpu.memory_space<vmem_shared>> -> memref<10240x64xf32, #tpu.memory_space<vmem_shared>>
    tpu.wait_indirect_dma semaphore(%arg20 : memref<!tpu.dma_semaphore, #tpu.memory_space<semaphore_mem>>) src(%arg12 : memref<128x64xf32, #tpu.memory_space<vmem>>) dst(%dma_wait3A_449 : memref<10240x64xf32, #tpu.memory_space<vmem_shared>>)
    %dma_wait3A_450 = arith.constant 19 : i32
    %dma_wait3A_451 = arith.constant 0 : i32
    %dma_wait3A_452 = tpu.memref_slice %arg8[%dma_wait3A_450, %dma_wait3A_451] : memref<20x128xi32, #tpu.memory_space<vmem>> -> memref<1x128xi32, #tpu.memory_space<vmem>>
    %dma_wait3A_453 = tpu.memref_squeeze %dma_wait3A_452 : memref<1x128xi32, #tpu.memory_space<vmem>> -> memref<128xi32, #tpu.memory_space<vmem>>
    %dma_wait3A_454 = arith.constant 0 : i32
    %dma_wait3A_455 = arith.constant 0 : i32
    %dma_wait3A_456 = tpu.memref_slice %arg24[%dma_wait3A_454, %dma_wait3A_455] : memref<10240x64xf32, #tpu.memory_space<vmem_shared>> -> memref<10240x64xf32, #tpu.memory_space<vmem_shared>>
    tpu.wait_indirect_dma semaphore(%arg21 : memref<!tpu.dma_semaphore, #tpu.memory_space<semaphore_mem>>) src(%arg13 : memref<128x64xf32, #tpu.memory_space<vmem>>) dst(%dma_wait3A_456 : memref<10240x64xf32, #tpu.memory_space<vmem_shared>>)
    %dma_wait3A_457 = arith.constant 140 : i32
    %dma_wait3A_458 = arith.constant 0 : i32
    %dma_wait3A_459 = tpu.memref_slice %arg3[%arg1, %dma_wait3A_457, %dma_wait3A_458] : memref<16x160x128xi32, #tpu.memory_space<hbm>> -> memref<1x20x128xi32, #tpu.memory_space<hbm>>
    %dma_wait3A_460 = tpu.memref_squeeze %dma_wait3A_459 : memref<1x20x128xi32, #tpu.memory_space<hbm>> -> memref<20x128xi32, #tpu.memory_space<hbm>>
    %dma_wait3A_461 = arith.constant 140 : i32
    %dma_wait3A_462 = arith.constant 0 : i32
    %dma_wait3A_463 = tpu.memref_slice %arg3[%arg1, %dma_wait3A_461, %dma_wait3A_462] : memref<16x160x128xi32, #tpu.memory_space<hbm>> -> memref<1x20x128xi32, #tpu.memory_space<hbm>>
    %dma_wait3A_464 = tpu.memref_squeeze %dma_wait3A_463 : memref<1x20x128xi32, #tpu.memory_space<hbm>> -> memref<20x128xi32, #tpu.memory_space<hbm>>
    tpu.wait_dma2 semaphore(%arg22 : memref<!tpu.dma_semaphore, #tpu.memory_space<semaphore_mem>>) src(%dma_wait3A_464 : memref<20x128xi32, #tpu.memory_space<hbm>>) dst(%arg7 : memref<20x128xi32, #tpu.memory_space<vmem>>)
    %dma_wait3A_465 = arith.constant 140 : i32
    %dma_wait3A_466 = arith.constant 0 : i32
    %dma_wait3A_467 = tpu.memref_slice %arg4[%arg1, %dma_wait3A_465, %dma_wait3A_466] : memref<16x160x128xi32, #tpu.memory_space<hbm>> -> memref<1x20x128xi32, #tpu.memory_space<hbm>>
    %dma_wait3A_468 = tpu.memref_squeeze %dma_wait3A_467 : memref<1x20x128xi32, #tpu.memory_space<hbm>> -> memref<20x128xi32, #tpu.memory_space<hbm>>
    %dma_wait3A_469 = arith.constant 140 : i32
    %dma_wait3A_470 = arith.constant 0 : i32
    %dma_wait3A_471 = tpu.memref_slice %arg4[%arg1, %dma_wait3A_469, %dma_wait3A_470] : memref<16x160x128xi32, #tpu.memory_space<hbm>> -> memref<1x20x128xi32, #tpu.memory_space<hbm>>
    %dma_wait3A_472 = tpu.memref_squeeze %dma_wait3A_471 : memref<1x20x128xi32, #tpu.memory_space<hbm>> -> memref<20x128xi32, #tpu.memory_space<hbm>>
    tpu.wait_dma2 semaphore(%arg22 : memref<!tpu.dma_semaphore, #tpu.memory_space<semaphore_mem>>) src(%dma_wait3A_472 : memref<20x128xi32, #tpu.memory_space<hbm>>) dst(%arg9 : memref<20x128xi32, #tpu.memory_space<vmem>>)
    %dma_start3A_473 = arith.constant 0 : i32
    %dma_start3A_474 = arith.constant 0 : i32
    %dma_start3A_475 = tpu.memref_slice %arg7[%dma_start3A_473, %dma_start3A_474] : memref<20x128xi32, #tpu.memory_space<vmem>> -> memref<1x128xi32, #tpu.memory_space<vmem>>
    %dma_start3A_476 = tpu.memref_squeeze %dma_start3A_475 : memref<1x128xi32, #tpu.memory_space<vmem>> -> memref<128xi32, #tpu.memory_space<vmem>>
    %dma_start3A_477 = arith.constant 0 : i32
    %dma_start3A_478 = arith.constant 0 : i32
    %dma_start3A_479 = tpu.memref_slice %arg23[%dma_start3A_477, %dma_start3A_478] : memref<10240x64xf32, #tpu.memory_space<vmem_shared>> -> memref<10240x64xf32, #tpu.memory_space<vmem_shared>>
    tpu.enqueue_indirect_dma source(%dma_start3A_479 : memref<10240x64xf32, #tpu.memory_space<vmem_shared>>) target(%arg10 : memref<128x64xf32, #tpu.memory_space<vmem>>) offsets(%dma_start3A_476 : memref<128xi32, #tpu.memory_space<vmem>>) semaphore(%arg14 : memref<!tpu.dma_semaphore, #tpu.memory_space<semaphore_mem>>)
    %dma_start3A_480 = arith.constant 1 : i32
    %dma_start3A_481 = arith.constant 0 : i32
    %dma_start3A_482 = tpu.memref_slice %arg7[%dma_start3A_480, %dma_start3A_481] : memref<20x128xi32, #tpu.memory_space<vmem>> -> memref<1x128xi32, #tpu.memory_space<vmem>>
    %dma_start3A_483 = tpu.memref_squeeze %dma_start3A_482 : memref<1x128xi32, #tpu.memory_space<vmem>> -> memref<128xi32, #tpu.memory_space<vmem>>
    %dma_start3A_484 = arith.constant 0 : i32
    %dma_start3A_485 = arith.constant 0 : i32
    %dma_start3A_486 = tpu.memref_slice %arg23[%dma_start3A_484, %dma_start3A_485] : memref<10240x64xf32, #tpu.memory_space<vmem_shared>> -> memref<10240x64xf32, #tpu.memory_space<vmem_shared>>
    tpu.enqueue_indirect_dma source(%dma_start3A_486 : memref<10240x64xf32, #tpu.memory_space<vmem_shared>>) target(%arg11 : memref<128x64xf32, #tpu.memory_space<vmem>>) offsets(%dma_start3A_483 : memref<128xi32, #tpu.memory_space<vmem>>) semaphore(%arg15 : memref<!tpu.dma_semaphore, #tpu.memory_space<semaphore_mem>>)
    %scan3A_487 = arith.constant 0 : i32
    %scan3A_488 = arith.constant 0 : i32
    %scan3A_489 = arith.constant 5 : i32
    %scan3A_490 = arith.addi %scan3A_488, %scan3A_489 : i32
    %scan3A_491 = arith.constant 1 : i32
    %scan3A_492 = scf.for %scan3A_516 = %scan3A_488 to %scan3A_490 step %scan3A_491 iter_args(%scan3A_517 = %scan3A_487) -> (i32)  : i32 {
      %mul3A = arith.constant 4 : i32
      %mul3A_518 = arith.muli %scan3A_516, %mul3A : i32
      %add3A = arith.constant 0 : i32
      %add3A_519 = arith.addi %mul3A_518, %add3A : i32
      %dma_wait3A_520 = arith.constant 0 : i32
      %dma_wait3A_521 = tpu.memref_slice %arg7[%add3A_519, %dma_wait3A_520] : memref<20x128xi32, #tpu.memory_space<vmem>> -> memref<1x128xi32, #tpu.memory_space<vmem>>
      %dma_wait3A_522 = tpu.memref_squeeze %dma_wait3A_521 : memref<1x128xi32, #tpu.memory_space<vmem>> -> memref<128xi32, #tpu.memory_space<vmem>>
      %dma_wait3A_523 = arith.constant 0 : i32
      %dma_wait3A_524 = arith.constant 0 : i32
      %dma_wait3A_525 = tpu.memref_slice %arg23[%dma_wait3A_523, %dma_wait3A_524] : memref<10240x64xf32, #tpu.memory_space<vmem_shared>> -> memref<10240x64xf32, #tpu.memory_space<vmem_shared>>
      tpu.wait_indirect_dma semaphore(%arg14 : memref<!tpu.dma_semaphore, #tpu.memory_space<semaphore_mem>>) src(%dma_wait3A_525 : memref<10240x64xf32, #tpu.memory_space<vmem_shared>>) dst(%arg10 : memref<128x64xf32, #tpu.memory_space<vmem>>)
      %dma_start3A_526 = arith.constant 0 : i32
      %dma_start3A_527 = tpu.memref_slice %arg9[%add3A_519, %dma_start3A_526] : memref<20x128xi32, #tpu.memory_space<vmem>> -> memref<1x128xi32, #tpu.memory_space<vmem>>
      %dma_start3A_528 = tpu.memref_squeeze %dma_start3A_527 : memref<1x128xi32, #tpu.memory_space<vmem>> -> memref<128xi32, #tpu.memory_space<vmem>>
      %dma_start3A_529 = arith.constant 0 : i32
      %dma_start3A_530 = arith.constant 0 : i32
      %dma_start3A_531 = tpu.memref_slice %arg24[%dma_start3A_529, %dma_start3A_530] : memref<10240x64xf32, #tpu.memory_space<vmem_shared>> -> memref<10240x64xf32, #tpu.memory_space<vmem_shared>>
      tpu.enqueue_indirect_dma source(%arg10 : memref<128x64xf32, #tpu.memory_space<vmem>>) target(%dma_start3A_531 : memref<10240x64xf32, #tpu.memory_space<vmem_shared>>) offsets(%dma_start3A_528 : memref<128xi32, #tpu.memory_space<vmem>>) semaphore(%arg18 : memref<!tpu.dma_semaphore, #tpu.memory_space<semaphore_mem>>) {add = true}
      %ge3A = arith.constant 2 : i32
      %ge3A_532 = arith.cmpi sge, %add3A_519, %ge3A : i32
      %convert_element_type3A = arith.extui %ge3A_532 : i1 to i32
      %cond3A = arith.constant 0 : i32
      %cond3A_533 = arith.cmpi ne, %convert_element_type3A, %cond3A : i32
      scf.if %cond3A_533 {
        %sub3A = arith.constant 2 : i32
        %sub3A_619 = arith.subi %add3A_519, %sub3A : i32
        %dma_wait3A_620 = arith.constant 0 : i32
        %dma_wait3A_621 = tpu.memref_slice %arg9[%sub3A_619, %dma_wait3A_620] : memref<20x128xi32, #tpu.memory_space<vmem>> -> memref<1x128xi32, #tpu.memory_space<vmem>>
        %dma_wait3A_622 = tpu.memref_squeeze %dma_wait3A_621 : memref<1x128xi32, #tpu.memory_space<vmem>> -> memref<128xi32, #tpu.memory_space<vmem>>
        %dma_wait3A_623 = arith.constant 0 : i32
        %dma_wait3A_624 = arith.constant 0 : i32
        %dma_wait3A_625 = tpu.memref_slice %arg24[%dma_wait3A_623, %dma_wait3A_624] : memref<10240x64xf32, #tpu.memory_space<vmem_shared>> -> memref<10240x64xf32, #tpu.memory_space<vmem_shared>>
        tpu.wait_indirect_dma semaphore(%arg20 : memref<!tpu.dma_semaphore, #tpu.memory_space<semaphore_mem>>) src(%arg12 : memref<128x64xf32, #tpu.memory_space<vmem>>) dst(%dma_wait3A_625 : memref<10240x64xf32, #tpu.memory_space<vmem_shared>>)
      } else {
      }
      %add3A_534 = arith.constant 2 : i32
      %add3A_535 = arith.addi %add3A_519, %add3A_534 : i32
      %lt3A = arith.constant 20 : i32
      %lt3A_536 = arith.cmpi slt, %add3A_535, %lt3A : i32
      %convert_element_type3A_537 = arith.extui %lt3A_536 : i1 to i32
      %cond3A_538 = arith.constant 0 : i32
      %cond3A_539 = arith.cmpi ne, %convert_element_type3A_537, %cond3A_538 : i32
      scf.if %cond3A_539 {
        %add3A_619 = arith.constant 2 : i32
        %add3A_620 = arith.addi %add3A_519, %add3A_619 : i32
        %dma_start3A_621 = arith.constant 0 : i32
        %dma_start3A_622 = tpu.memref_slice %arg7[%add3A_620, %dma_start3A_621] : memref<20x128xi32, #tpu.memory_space<vmem>> -> memref<1x128xi32, #tpu.memory_space<vmem>>
        %dma_start3A_623 = tpu.memref_squeeze %dma_start3A_622 : memref<1x128xi32, #tpu.memory_space<vmem>> -> memref<128xi32, #tpu.memory_space<vmem>>
        %dma_start3A_624 = arith.constant 0 : i32
        %dma_start3A_625 = arith.constant 0 : i32
        %dma_start3A_626 = tpu.memref_slice %arg23[%dma_start3A_624, %dma_start3A_625] : memref<10240x64xf32, #tpu.memory_space<vmem_shared>> -> memref<10240x64xf32, #tpu.memory_space<vmem_shared>>
        tpu.enqueue_indirect_dma source(%dma_start3A_626 : memref<10240x64xf32, #tpu.memory_space<vmem_shared>>) target(%arg12 : memref<128x64xf32, #tpu.memory_space<vmem>>) offsets(%dma_start3A_623 : memref<128xi32, #tpu.memory_space<vmem>>) semaphore(%arg16 : memref<!tpu.dma_semaphore, #tpu.memory_space<semaphore_mem>>)
      } else {
      }
      %add3A_540 = arith.constant 1 : i32
      %add3A_541 = arith.addi %mul3A_518, %add3A_540 : i32
      %dma_wait3A_542 = arith.constant 0 : i32
      %dma_wait3A_543 = tpu.memref_slice %arg7[%add3A_541, %dma_wait3A_542] : memref<20x128xi32, #tpu.memory_space<vmem>> -> memref<1x128xi32, #tpu.memory_space<vmem>>
      %dma_wait3A_544 = tpu.memref_squeeze %dma_wait3A_543 : memref<1x128xi32, #tpu.memory_space<vmem>> -> memref<128xi32, #tpu.memory_space<vmem>>
      %dma_wait3A_545 = arith.constant 0 : i32
      %dma_wait3A_546 = arith.constant 0 : i32
      %dma_wait3A_547 = tpu.memref_slice %arg23[%dma_wait3A_545, %dma_wait3A_546] : memref<10240x64xf32, #tpu.memory_space<vmem_shared>> -> memref<10240x64xf32, #tpu.memory_space<vmem_shared>>
      tpu.wait_indirect_dma semaphore(%arg15 : memref<!tpu.dma_semaphore, #tpu.memory_space<semaphore_mem>>) src(%dma_wait3A_547 : memref<10240x64xf32, #tpu.memory_space<vmem_shared>>) dst(%arg11 : memref<128x64xf32, #tpu.memory_space<vmem>>)
      %dma_start3A_548 = arith.constant 0 : i32
      %dma_start3A_549 = tpu.memref_slice %arg9[%add3A_541, %dma_start3A_548] : memref<20x128xi32, #tpu.memory_space<vmem>> -> memref<1x128xi32, #tpu.memory_space<vmem>>
      %dma_start3A_550 = tpu.memref_squeeze %dma_start3A_549 : memref<1x128xi32, #tpu.memory_space<vmem>> -> memref<128xi32, #tpu.memory_space<vmem>>
      %dma_start3A_551 = arith.constant 0 : i32
      %dma_start3A_552 = arith.constant 0 : i32
      %dma_start3A_553 = tpu.memref_slice %arg24[%dma_start3A_551, %dma_start3A_552] : memref<10240x64xf32, #tpu.memory_space<vmem_shared>> -> memref<10240x64xf32, #tpu.memory_space<vmem_shared>>
      tpu.enqueue_indirect_dma source(%arg11 : memref<128x64xf32, #tpu.memory_space<vmem>>) target(%dma_start3A_553 : memref<10240x64xf32, #tpu.memory_space<vmem_shared>>) offsets(%dma_start3A_550 : memref<128xi32, #tpu.memory_space<vmem>>) semaphore(%arg19 : memref<!tpu.dma_semaphore, #tpu.memory_space<semaphore_mem>>) {add = true}
      %ge3A_554 = arith.constant 2 : i32
      %ge3A_555 = arith.cmpi sge, %add3A_541, %ge3A_554 : i32
      %convert_element_type3A_556 = arith.extui %ge3A_555 : i1 to i32
      %cond3A_557 = arith.constant 0 : i32
      %cond3A_558 = arith.cmpi ne, %convert_element_type3A_556, %cond3A_557 : i32
      scf.if %cond3A_558 {
        %sub3A = arith.constant 2 : i32
        %sub3A_619 = arith.subi %add3A_541, %sub3A : i32
        %dma_wait3A_620 = arith.constant 0 : i32
        %dma_wait3A_621 = tpu.memref_slice %arg9[%sub3A_619, %dma_wait3A_620] : memref<20x128xi32, #tpu.memory_space<vmem>> -> memref<1x128xi32, #tpu.memory_space<vmem>>
        %dma_wait3A_622 = tpu.memref_squeeze %dma_wait3A_621 : memref<1x128xi32, #tpu.memory_space<vmem>> -> memref<128xi32, #tpu.memory_space<vmem>>
        %dma_wait3A_623 = arith.constant 0 : i32
        %dma_wait3A_624 = arith.constant 0 : i32
        %dma_wait3A_625 = tpu.memref_slice %arg24[%dma_wait3A_623, %dma_wait3A_624] : memref<10240x64xf32, #tpu.memory_space<vmem_shared>> -> memref<10240x64xf32, #tpu.memory_space<vmem_shared>>
        tpu.wait_indirect_dma semaphore(%arg21 : memref<!tpu.dma_semaphore, #tpu.memory_space<semaphore_mem>>) src(%arg13 : memref<128x64xf32, #tpu.memory_space<vmem>>) dst(%dma_wait3A_625 : memref<10240x64xf32, #tpu.memory_space<vmem_shared>>)
      } else {
      }
      %add3A_559 = arith.constant 2 : i32
      %add3A_560 = arith.addi %add3A_541, %add3A_559 : i32
      %lt3A_561 = arith.constant 20 : i32
      %lt3A_562 = arith.cmpi slt, %add3A_560, %lt3A_561 : i32
      %convert_element_type3A_563 = arith.extui %lt3A_562 : i1 to i32
      %cond3A_564 = arith.constant 0 : i32
      %cond3A_565 = arith.cmpi ne, %convert_element_type3A_563, %cond3A_564 : i32
      scf.if %cond3A_565 {
        %add3A_619 = arith.constant 2 : i32
        %add3A_620 = arith.addi %add3A_541, %add3A_619 : i32
        %dma_start3A_621 = arith.constant 0 : i32
        %dma_start3A_622 = tpu.memref_slice %arg7[%add3A_620, %dma_start3A_621] : memref<20x128xi32, #tpu.memory_space<vmem>> -> memref<1x128xi32, #tpu.memory_space<vmem>>
        %dma_start3A_623 = tpu.memref_squeeze %dma_start3A_622 : memref<1x128xi32, #tpu.memory_space<vmem>> -> memref<128xi32, #tpu.memory_space<vmem>>
        %dma_start3A_624 = arith.constant 0 : i32
        %dma_start3A_625 = arith.constant 0 : i32
        %dma_start3A_626 = tpu.memref_slice %arg23[%dma_start3A_624, %dma_start3A_625] : memref<10240x64xf32, #tpu.memory_space<vmem_shared>> -> memref<10240x64xf32, #tpu.memory_space<vmem_shared>>
        tpu.enqueue_indirect_dma source(%dma_start3A_626 : memref<10240x64xf32, #tpu.memory_space<vmem_shared>>) target(%arg13 : memref<128x64xf32, #tpu.memory_space<vmem>>) offsets(%dma_start3A_623 : memref<128xi32, #tpu.memory_space<vmem>>) semaphore(%arg17 : memref<!tpu.dma_semaphore, #tpu.memory_space<semaphore_mem>>)
      } else {
      }
      %add3A_566 = arith.constant 2 : i32
      %add3A_567 = arith.addi %mul3A_518, %add3A_566 : i32
      %dma_wait3A_568 = arith.constant 0 : i32
      %dma_wait3A_569 = tpu.memref_slice %arg7[%add3A_567, %dma_wait3A_568] : memref<20x128xi32, #tpu.memory_space<vmem>> -> memref<1x128xi32, #tpu.memory_space<vmem>>
      %dma_wait3A_570 = tpu.memref_squeeze %dma_wait3A_569 : memref<1x128xi32, #tpu.memory_space<vmem>> -> memref<128xi32, #tpu.memory_space<vmem>>
      %dma_wait3A_571 = arith.constant 0 : i32
      %dma_wait3A_572 = arith.constant 0 : i32
      %dma_wait3A_573 = tpu.memref_slice %arg23[%dma_wait3A_571, %dma_wait3A_572] : memref<10240x64xf32, #tpu.memory_space<vmem_shared>> -> memref<10240x64xf32, #tpu.memory_space<vmem_shared>>
      tpu.wait_indirect_dma semaphore(%arg16 : memref<!tpu.dma_semaphore, #tpu.memory_space<semaphore_mem>>) src(%dma_wait3A_573 : memref<10240x64xf32, #tpu.memory_space<vmem_shared>>) dst(%arg12 : memref<128x64xf32, #tpu.memory_space<vmem>>)
      %dma_start3A_574 = arith.constant 0 : i32
      %dma_start3A_575 = tpu.memref_slice %arg9[%add3A_567, %dma_start3A_574] : memref<20x128xi32, #tpu.memory_space<vmem>> -> memref<1x128xi32, #tpu.memory_space<vmem>>
      %dma_start3A_576 = tpu.memref_squeeze %dma_start3A_575 : memref<1x128xi32, #tpu.memory_space<vmem>> -> memref<128xi32, #tpu.memory_space<vmem>>
      %dma_start3A_577 = arith.constant 0 : i32
      %dma_start3A_578 = arith.constant 0 : i32
      %dma_start3A_579 = tpu.memref_slice %arg24[%dma_start3A_577, %dma_start3A_578] : memref<10240x64xf32, #tpu.memory_space<vmem_shared>> -> memref<10240x64xf32, #tpu.memory_space<vmem_shared>>
      tpu.enqueue_indirect_dma source(%arg12 : memref<128x64xf32, #tpu.memory_space<vmem>>) target(%dma_start3A_579 : memref<10240x64xf32, #tpu.memory_space<vmem_shared>>) offsets(%dma_start3A_576 : memref<128xi32, #tpu.memory_space<vmem>>) semaphore(%arg20 : memref<!tpu.dma_semaphore, #tpu.memory_space<semaphore_mem>>) {add = true}
      %ge3A_580 = arith.constant 2 : i32
      %ge3A_581 = arith.cmpi sge, %add3A_567, %ge3A_580 : i32
      %convert_element_type3A_582 = arith.extui %ge3A_581 : i1 to i32
      %cond3A_583 = arith.constant 0 : i32
      %cond3A_584 = arith.cmpi ne, %convert_element_type3A_582, %cond3A_583 : i32
      scf.if %cond3A_584 {
        %sub3A = arith.constant 2 : i32
        %sub3A_619 = arith.subi %add3A_567, %sub3A : i32
        %dma_wait3A_620 = arith.constant 0 : i32
        %dma_wait3A_621 = tpu.memref_slice %arg9[%sub3A_619, %dma_wait3A_620] : memref<20x128xi32, #tpu.memory_space<vmem>> -> memref<1x128xi32, #tpu.memory_space<vmem>>
        %dma_wait3A_622 = tpu.memref_squeeze %dma_wait3A_621 : memref<1x128xi32, #tpu.memory_space<vmem>> -> memref<128xi32, #tpu.memory_space<vmem>>
        %dma_wait3A_623 = arith.constant 0 : i32
        %dma_wait3A_624 = arith.constant 0 : i32
        %dma_wait3A_625 = tpu.memref_slice %arg24[%dma_wait3A_623, %dma_wait3A_624] : memref<10240x64xf32, #tpu.memory_space<vmem_shared>> -> memref<10240x64xf32, #tpu.memory_space<vmem_shared>>
        tpu.wait_indirect_dma semaphore(%arg18 : memref<!tpu.dma_semaphore, #tpu.memory_space<semaphore_mem>>) src(%arg10 : memref<128x64xf32, #tpu.memory_space<vmem>>) dst(%dma_wait3A_625 : memref<10240x64xf32, #tpu.memory_space<vmem_shared>>)
      } else {
      }
      %add3A_585 = arith.constant 2 : i32
      %add3A_586 = arith.addi %add3A_567, %add3A_585 : i32
      %lt3A_587 = arith.constant 20 : i32
      %lt3A_588 = arith.cmpi slt, %add3A_586, %lt3A_587 : i32
      %convert_element_type3A_589 = arith.extui %lt3A_588 : i1 to i32
      %cond3A_590 = arith.constant 0 : i32
      %cond3A_591 = arith.cmpi ne, %convert_element_type3A_589, %cond3A_590 : i32
      scf.if %cond3A_591 {
        %add3A_619 = arith.constant 2 : i32
        %add3A_620 = arith.addi %add3A_567, %add3A_619 : i32
        %dma_start3A_621 = arith.constant 0 : i32
        %dma_start3A_622 = tpu.memref_slice %arg7[%add3A_620, %dma_start3A_621] : memref<20x128xi32, #tpu.memory_space<vmem>> -> memref<1x128xi32, #tpu.memory_space<vmem>>
        %dma_start3A_623 = tpu.memref_squeeze %dma_start3A_622 : memref<1x128xi32, #tpu.memory_space<vmem>> -> memref<128xi32, #tpu.memory_space<vmem>>
        %dma_start3A_624 = arith.constant 0 : i32
        %dma_start3A_625 = arith.constant 0 : i32
        %dma_start3A_626 = tpu.memref_slice %arg23[%dma_start3A_624, %dma_start3A_625] : memref<10240x64xf32, #tpu.memory_space<vmem_shared>> -> memref<10240x64xf32, #tpu.memory_space<vmem_shared>>
        tpu.enqueue_indirect_dma source(%dma_start3A_626 : memref<10240x64xf32, #tpu.memory_space<vmem_shared>>) target(%arg10 : memref<128x64xf32, #tpu.memory_space<vmem>>) offsets(%dma_start3A_623 : memref<128xi32, #tpu.memory_space<vmem>>) semaphore(%arg14 : memref<!tpu.dma_semaphore, #tpu.memory_space<semaphore_mem>>)
      } else {
      }
      %add3A_592 = arith.constant 3 : i32
      %add3A_593 = arith.addi %mul3A_518, %add3A_592 : i32
      %dma_wait3A_594 = arith.constant 0 : i32
      %dma_wait3A_595 = tpu.memref_slice %arg7[%add3A_593, %dma_wait3A_594] : memref<20x128xi32, #tpu.memory_space<vmem>> -> memref<1x128xi32, #tpu.memory_space<vmem>>
      %dma_wait3A_596 = tpu.memref_squeeze %dma_wait3A_595 : memref<1x128xi32, #tpu.memory_space<vmem>> -> memref<128xi32, #tpu.memory_space<vmem>>
      %dma_wait3A_597 = arith.constant 0 : i32
      %dma_wait3A_598 = arith.constant 0 : i32
      %dma_wait3A_599 = tpu.memref_slice %arg23[%dma_wait3A_597, %dma_wait3A_598] : memref<10240x64xf32, #tpu.memory_space<vmem_shared>> -> memref<10240x64xf32, #tpu.memory_space<vmem_shared>>
      tpu.wait_indirect_dma semaphore(%arg17 : memref<!tpu.dma_semaphore, #tpu.memory_space<semaphore_mem>>) src(%dma_wait3A_599 : memref<10240x64xf32, #tpu.memory_space<vmem_shared>>) dst(%arg13 : memref<128x64xf32, #tpu.memory_space<vmem>>)
      %dma_start3A_600 = arith.constant 0 : i32
      %dma_start3A_601 = tpu.memref_slice %arg9[%add3A_593, %dma_start3A_600] : memref<20x128xi32, #tpu.memory_space<vmem>> -> memref<1x128xi32, #tpu.memory_space<vmem>>
      %dma_start3A_602 = tpu.memref_squeeze %dma_start3A_601 : memref<1x128xi32, #tpu.memory_space<vmem>> -> memref<128xi32, #tpu.memory_space<vmem>>
      %dma_start3A_603 = arith.constant 0 : i32
      %dma_start3A_604 = arith.constant 0 : i32
      %dma_start3A_605 = tpu.memref_slice %arg24[%dma_start3A_603, %dma_start3A_604] : memref<10240x64xf32, #tpu.memory_space<vmem_shared>> -> memref<10240x64xf32, #tpu.memory_space<vmem_shared>>
      tpu.enqueue_indirect_dma source(%arg13 : memref<128x64xf32, #tpu.memory_space<vmem>>) target(%dma_start3A_605 : memref<10240x64xf32, #tpu.memory_space<vmem_shared>>) offsets(%dma_start3A_602 : memref<128xi32, #tpu.memory_space<vmem>>) semaphore(%arg21 : memref<!tpu.dma_semaphore, #tpu.memory_space<semaphore_mem>>) {add = true}
      %ge3A_606 = arith.constant 2 : i32
      %ge3A_607 = arith.cmpi sge, %add3A_593, %ge3A_606 : i32
      %convert_element_type3A_608 = arith.extui %ge3A_607 : i1 to i32
      %cond3A_609 = arith.constant 0 : i32
      %cond3A_610 = arith.cmpi ne, %convert_element_type3A_608, %cond3A_609 : i32
      scf.if %cond3A_610 {
        %sub3A = arith.constant 2 : i32
        %sub3A_619 = arith.subi %add3A_593, %sub3A : i32
        %dma_wait3A_620 = arith.constant 0 : i32
        %dma_wait3A_621 = tpu.memref_slice %arg9[%sub3A_619, %dma_wait3A_620] : memref<20x128xi32, #tpu.memory_space<vmem>> -> memref<1x128xi32, #tpu.memory_space<vmem>>
        %dma_wait3A_622 = tpu.memref_squeeze %dma_wait3A_621 : memref<1x128xi32, #tpu.memory_space<vmem>> -> memref<128xi32, #tpu.memory_space<vmem>>
        %dma_wait3A_623 = arith.constant 0 : i32
        %dma_wait3A_624 = arith.constant 0 : i32
        %dma_wait3A_625 = tpu.memref_slice %arg24[%dma_wait3A_623, %dma_wait3A_624] : memref<10240x64xf32, #tpu.memory_space<vmem_shared>> -> memref<10240x64xf32, #tpu.memory_space<vmem_shared>>
        tpu.wait_indirect_dma semaphore(%arg19 : memref<!tpu.dma_semaphore, #tpu.memory_space<semaphore_mem>>) src(%arg11 : memref<128x64xf32, #tpu.memory_space<vmem>>) dst(%dma_wait3A_625 : memref<10240x64xf32, #tpu.memory_space<vmem_shared>>)
      } else {
      }
      %add3A_611 = arith.constant 2 : i32
      %add3A_612 = arith.addi %add3A_593, %add3A_611 : i32
      %lt3A_613 = arith.constant 20 : i32
      %lt3A_614 = arith.cmpi slt, %add3A_612, %lt3A_613 : i32
      %convert_element_type3A_615 = arith.extui %lt3A_614 : i1 to i32
      %cond3A_616 = arith.constant 0 : i32
      %cond3A_617 = arith.cmpi ne, %convert_element_type3A_615, %cond3A_616 : i32
      scf.if %cond3A_617 {
        %add3A_619 = arith.constant 2 : i32
        %add3A_620 = arith.addi %add3A_593, %add3A_619 : i32
        %dma_start3A_621 = arith.constant 0 : i32
        %dma_start3A_622 = tpu.memref_slice %arg7[%add3A_620, %dma_start3A_621] : memref<20x128xi32, #tpu.memory_space<vmem>> -> memref<1x128xi32, #tpu.memory_space<vmem>>
        %dma_start3A_623 = tpu.memref_squeeze %dma_start3A_622 : memref<1x128xi32, #tpu.memory_space<vmem>> -> memref<128xi32, #tpu.memory_space<vmem>>
        %dma_start3A_624 = arith.constant 0 : i32
        %dma_start3A_625 = arith.constant 0 : i32
        %dma_start3A_626 = tpu.memref_slice %arg23[%dma_start3A_624, %dma_start3A_625] : memref<10240x64xf32, #tpu.memory_space<vmem_shared>> -> memref<10240x64xf32, #tpu.memory_space<vmem_shared>>
        tpu.enqueue_indirect_dma source(%dma_start3A_626 : memref<10240x64xf32, #tpu.memory_space<vmem_shared>>) target(%arg11 : memref<128x64xf32, #tpu.memory_space<vmem>>) offsets(%dma_start3A_623 : memref<128xi32, #tpu.memory_space<vmem>>) semaphore(%arg15 : memref<!tpu.dma_semaphore, #tpu.memory_space<semaphore_mem>>)
      } else {
      }
      %scan3A_618 = arith.constant 0 : i32
      scf.yield %scan3A_618 : i32
    }
    %scan3A_493 = arith.constant 5 : i32
    %dma_wait3A_494 = arith.constant 18 : i32
    %dma_wait3A_495 = arith.constant 0 : i32
    %dma_wait3A_496 = tpu.memref_slice %arg9[%dma_wait3A_494, %dma_wait3A_495] : memref<20x128xi32, #tpu.memory_space<vmem>> -> memref<1x128xi32, #tpu.memory_space<vmem>>
    %dma_wait3A_497 = tpu.memref_squeeze %dma_wait3A_496 : memref<1x128xi32, #tpu.memory_space<vmem>> -> memref<128xi32, #tpu.memory_space<vmem>>
    %dma_wait3A_498 = arith.constant 0 : i32
    %dma_wait3A_499 = arith.constant 0 : i32
    %dma_wait3A_500 = tpu.memref_slice %arg24[%dma_wait3A_498, %dma_wait3A_499] : memref<10240x64xf32, #tpu.memory_space<vmem_shared>> -> memref<10240x64xf32, #tpu.memory_space<vmem_shared>>
    tpu.wait_indirect_dma semaphore(%arg20 : memref<!tpu.dma_semaphore, #tpu.memory_space<semaphore_mem>>) src(%arg12 : memref<128x64xf32, #tpu.memory_space<vmem>>) dst(%dma_wait3A_500 : memref<10240x64xf32, #tpu.memory_space<vmem_shared>>)
    %dma_wait3A_501 = arith.constant 19 : i32
    %dma_wait3A_502 = arith.constant 0 : i32
    %dma_wait3A_503 = tpu.memref_slice %arg9[%dma_wait3A_501, %dma_wait3A_502] : memref<20x128xi32, #tpu.memory_space<vmem>> -> memref<1x128xi32, #tpu.memory_space<vmem>>
    %dma_wait3A_504 = tpu.memref_squeeze %dma_wait3A_503 : memref<1x128xi32, #tpu.memory_space<vmem>> -> memref<128xi32, #tpu.memory_space<vmem>>
    %dma_wait3A_505 = arith.constant 0 : i32
    %dma_wait3A_506 = arith.constant 0 : i32
    %dma_wait3A_507 = tpu.memref_slice %arg24[%dma_wait3A_505, %dma_wait3A_506] : memref<10240x64xf32, #tpu.memory_space<vmem_shared>> -> memref<10240x64xf32, #tpu.memory_space<vmem_shared>>
    tpu.wait_indirect_dma semaphore(%arg21 : memref<!tpu.dma_semaphore, #tpu.memory_space<semaphore_mem>>) src(%arg13 : memref<128x64xf32, #tpu.memory_space<vmem>>) dst(%dma_wait3A_507 : memref<10240x64xf32, #tpu.memory_space<vmem_shared>>)
    %barrier3A_508 = arith.constant 0 : index
    tpu.barrier barrier_id(%barrier3A_508)
    %scan3A_509 = arith.constant 0 : i32
    %scan3A_510 = arith.constant 0 : i32
    %scan3A_511 = arith.constant 5 : i32
    %scan3A_512 = arith.addi %scan3A_510, %scan3A_511 : i32
    %scan3A_513 = arith.constant 1 : i32
    %scan3A_514 = scf.for %scan3A_516 = %scan3A_510 to %scan3A_512 step %scan3A_513 iter_args(%scan3A_517 = %scan3A_509) -> (i32)  : i32 {
      %mul3A = arith.constant 640 : i32
      %mul3A_518 = arith.muli %arg1, %mul3A : i32
      %mul3A_519 = arith.constant 128 : i32
      %mul3A_520 = arith.muli %scan3A_516, %mul3A_519 : i32
      %add3A = arith.addi %mul3A_518, %mul3A_520 : i32
      "tpu.region"() ({
        %run_scoped3A = tpu.sem_alloc : memref<!tpu.dma_semaphore, #tpu.memory_space<semaphore_mem>>
        %dma_start3A_522 = arith.constant 0 : i32
        %dma_start3A_523 = tpu.memref_slice %arg24[%add3A, %dma_start3A_522] : memref<10240x64xf32, #tpu.memory_space<vmem_shared>> -> memref<128x64xf32, #tpu.memory_space<vmem_shared>>
        %dma_start3A_524 = arith.constant 0 : i32
        %dma_start3A_525 = tpu.memref_slice %arg24[%add3A, %dma_start3A_524] : memref<10240x64xf32, #tpu.memory_space<vmem_shared>> -> memref<128x64xf32, #tpu.memory_space<vmem_shared>>
        tpu.enqueue_dma source(%dma_start3A_525 : memref<128x64xf32, #tpu.memory_space<vmem_shared>>) target(%arg10 : memref<128x64xf32, #tpu.memory_space<vmem>>) target_semaphore(%run_scoped3A : memref<!tpu.dma_semaphore, #tpu.memory_space<semaphore_mem>>)
        %dma_wait3A_526 = arith.constant 0 : i32
        %dma_wait3A_527 = tpu.memref_slice %arg24[%add3A, %dma_wait3A_526] : memref<10240x64xf32, #tpu.memory_space<vmem_shared>> -> memref<128x64xf32, #tpu.memory_space<vmem_shared>>
        %dma_wait3A_528 = arith.constant 0 : i32
        %dma_wait3A_529 = tpu.memref_slice %arg24[%add3A, %dma_wait3A_528] : memref<10240x64xf32, #tpu.memory_space<vmem_shared>> -> memref<128x64xf32, #tpu.memory_space<vmem_shared>>
        tpu.wait_dma2 semaphore(%run_scoped3A : memref<!tpu.dma_semaphore, #tpu.memory_space<semaphore_mem>>) src(%dma_wait3A_529 : memref<128x64xf32, #tpu.memory_space<vmem_shared>>) dst(%arg10 : memref<128x64xf32, #tpu.memory_space<vmem>>)
        tpu.yield
      }) : () -> ()
      "tpu.region"() ({
        %run_scoped3A = tpu.sem_alloc : memref<!tpu.dma_semaphore, #tpu.memory_space<semaphore_mem>>
        %dma_start3A_522 = arith.constant 0 : i32
        %dma_start3A_523 = tpu.memref_slice %arg5[%arg0, %add3A, %dma_start3A_522] : memref<2x10240x64xf32, #tpu.memory_space<hbm>> -> memref<1x128x64xf32, #tpu.memory_space<hbm>>
        %dma_start3A_524 = tpu.memref_squeeze %dma_start3A_523 : memref<1x128x64xf32, #tpu.memory_space<hbm>> -> memref<128x64xf32, #tpu.memory_space<hbm>>
        %dma_start3A_525 = arith.constant 0 : i32
        %dma_start3A_526 = tpu.memref_slice %arg5[%arg0, %add3A, %dma_start3A_525] : memref<2x10240x64xf32, #tpu.memory_space<hbm>> -> memref<1x128x64xf32, #tpu.memory_space<hbm>>
        %dma_start3A_527 = tpu.memref_squeeze %dma_start3A_526 : memref<1x128x64xf32, #tpu.memory_space<hbm>> -> memref<128x64xf32, #tpu.memory_space<hbm>>
        tpu.enqueue_dma source(%arg10 : memref<128x64xf32, #tpu.memory_space<vmem>>) target(%dma_start3A_527 : memref<128x64xf32, #tpu.memory_space<hbm>>) target_semaphore(%run_scoped3A : memref<!tpu.dma_semaphore, #tpu.memory_space<semaphore_mem>>)
        %dma_wait3A_528 = arith.constant 0 : i32
        %dma_wait3A_529 = tpu.memref_slice %arg5[%arg0, %add3A, %dma_wait3A_528] : memref<2x10240x64xf32, #tpu.memory_space<hbm>> -> memref<1x128x64xf32, #tpu.memory_space<hbm>>
        %dma_wait3A_530 = tpu.memref_squeeze %dma_wait3A_529 : memref<1x128x64xf32, #tpu.memory_space<hbm>> -> memref<128x64xf32, #tpu.memory_space<hbm>>
        %dma_wait3A_531 = arith.constant 0 : i32
        %dma_wait3A_532 = tpu.memref_slice %arg5[%arg0, %add3A, %dma_wait3A_531] : memref<2x10240x64xf32, #tpu.memory_space<hbm>> -> memref<1x128x64xf32, #tpu.memory_space<hbm>>
        %dma_wait3A_533 = tpu.memref_squeeze %dma_wait3A_532 : memref<1x128x64xf32, #tpu.memory_space<hbm>> -> memref<128x64xf32, #tpu.memory_space<hbm>>
        tpu.wait_dma2 semaphore(%run_scoped3A : memref<!tpu.dma_semaphore, #tpu.memory_space<semaphore_mem>>) src(%arg10 : memref<128x64xf32, #tpu.memory_space<vmem>>) dst(%dma_wait3A_533 : memref<128x64xf32, #tpu.memory_space<hbm>>)
        tpu.yield
      }) : () -> ()
      %scan3A_521 = arith.constant 0 : i32
      scf.yield %scan3A_521 : i32
    }
    %scan3A_515 = arith.constant 5 : i32
    return
  }
}

#map = affine_map<(d0, d1) -> (0)>
#map1 = affine_map<(d0, d1) -> (0, 0)>
#map2 = affine_map<(d0, d1) -> (0, 0, 0)>
module attributes {stable_mosaic.version = 14 : i64} {
  func.func @_l2_kernel(%arg0: i32, %arg1: i32, %arg2: memref<10240xf32, #tpu.memory_space<hbm>>, %arg3: memref<32x10240xi32, #tpu.memory_space<hbm>>, %arg4: memref<32x80x128xi32, #tpu.memory_space<hbm>>, %arg5: memref<2x10240xf32, #tpu.memory_space<hbm>>, %arg6: memref<10240xf32, #tpu.memory_space<vmem>>, %arg7: memref<10240xi32, #tpu.memory_space<vmem>>, %arg8: memref<80x128xi32, #tpu.memory_space<vmem>>, %arg9: memref<10240xf32, #tpu.memory_space<vmem>>, %arg10: memref<640xf32, #tpu.memory_space<vmem>>, %arg11: memref<10240xf32, #tpu.memory_space<vmem_shared>>, %arg12: memref<!tpu.dma_semaphore, #tpu.memory_space<semaphore_mem>>) attributes {dimension_semantics = [#tpu.dimension_semantics<core_parallel>, #tpu.dimension_semantics<subcore_parallel>], iteration_bounds = array<i64: 2, 16>, scalar_prefetch = 0 : i64, scratch_operands = 7 : i64, tpu.core_type = #tpu.core_type<sc_vector_subcore>, window_params = [{transform_indices = #map}, {transform_indices = #map1}, {transform_indices = #map2}, {transform_indices = #map1}]} {
    %mul3A = arith.constant 16 : i32
    %mul3A_0 = arith.muli %arg0, %mul3A : i32
    %add3A = arith.addi %mul3A_0, %arg1 : i32
    %scan3A = arith.constant 0 : i32
    %scan3A_1 = arith.constant 0 : i32
    %scan3A_2 = arith.constant 40 : i32
    %scan3A_3 = arith.addi %scan3A_1, %scan3A_2 : i32
    %scan3A_4 = arith.constant 1 : i32
    %scan3A_5 = scf.for %scan3A_28 = %scan3A_1 to %scan3A_3 step %scan3A_4 iter_args(%scan3A_29 = %scan3A) -> (i32)  : i32 {
      %broadcast_in_dim3A = arith.constant 0.000000e+00 : f32
      %broadcast_in_dim3A_30 = vector.broadcast %broadcast_in_dim3A : f32 to vector<16xf32>
      %mul3A_31 = arith.constant 16 : i32
      %mul3A_32 = arith.muli %scan3A_28, %mul3A_31 : i32
      %swap3A = arith.index_cast %mul3A_32 : i32 to index
      %swap3A_33 = tpu.vector_load %arg10[%swap3A] {strides = array<i32>} : memref<640xf32, #tpu.memory_space<vmem>>, vector<16xf32>,
      %swap3A_34 = vector.shape_cast %swap3A_33 : vector<16xf32> to vector<16xf32>
      %swap3A_35 = vector.shape_cast %broadcast_in_dim3A_30 : vector<16xf32> to vector<16xf32>
      tpu.vector_store %arg10[%swap3A], %swap3A_35 {strides = array<i32>} : memref<640xf32, #tpu.memory_space<vmem>>, vector<16xf32>,
      %scan3A_36 = arith.constant 0 : i32
      scf.yield %scan3A_36 : i32
    }
    %scan3A_6 = arith.constant 40 : i32
    %mul3A_7 = arith.constant 640 : i32
    %mul3A_8 = arith.muli %arg1, %mul3A_7 : i32
    "tpu.region"() ({
      %run_scoped3A = tpu.sem_alloc : memref<!tpu.dma_semaphore, #tpu.memory_space<semaphore_mem>>
      %dma_start3A = tpu.memref_slice %arg11[%mul3A_8] : memref<10240xf32, #tpu.memory_space<vmem_shared>> -> memref<640xf32, #tpu.memory_space<vmem_shared>>
      %dma_start3A_28 = tpu.memref_slice %arg11[%mul3A_8] : memref<10240xf32, #tpu.memory_space<vmem_shared>> -> memref<640xf32, #tpu.memory_space<vmem_shared>>
      tpu.enqueue_dma source(%arg10 : memref<640xf32, #tpu.memory_space<vmem>>) target(%dma_start3A_28 : memref<640xf32, #tpu.memory_space<vmem_shared>>) target_semaphore(%run_scoped3A : memref<!tpu.dma_semaphore, #tpu.memory_space<semaphore_mem>>)
      %dma_wait3A = tpu.memref_slice %arg11[%mul3A_8] : memref<10240xf32, #tpu.memory_space<vmem_shared>> -> memref<640xf32, #tpu.memory_space<vmem_shared>>
      %dma_wait3A_29 = tpu.memref_slice %arg11[%mul3A_8] : memref<10240xf32, #tpu.memory_space<vmem_shared>> -> memref<640xf32, #tpu.memory_space<vmem_shared>>
      tpu.wait_dma2 semaphore(%run_scoped3A : memref<!tpu.dma_semaphore, #tpu.memory_space<semaphore_mem>>) src(%arg10 : memref<640xf32, #tpu.memory_space<vmem>>) dst(%dma_wait3A_29 : memref<640xf32, #tpu.memory_space<vmem_shared>>)
      tpu.yield
    }) : () -> ()
    "tpu.region"() ({
      %run_scoped3A = tpu.sem_alloc : memref<!tpu.dma_semaphore, #tpu.memory_space<semaphore_mem>>
      tpu.enqueue_dma source(%arg2 : memref<10240xf32, #tpu.memory_space<hbm>>) target(%arg6 : memref<10240xf32, #tpu.memory_space<vmem>>) target_semaphore(%run_scoped3A : memref<!tpu.dma_semaphore, #tpu.memory_space<semaphore_mem>>)
      tpu.wait_dma2 semaphore(%run_scoped3A : memref<!tpu.dma_semaphore, #tpu.memory_space<semaphore_mem>>) src(%arg2 : memref<10240xf32, #tpu.memory_space<hbm>>) dst(%arg6 : memref<10240xf32, #tpu.memory_space<vmem>>)
      tpu.yield
    }) : () -> ()
    "tpu.region"() ({
      %run_scoped3A = tpu.sem_alloc : memref<!tpu.dma_semaphore, #tpu.memory_space<semaphore_mem>>
      %dma_start3A = arith.constant 0 : i32
      %dma_start3A_28 = tpu.memref_slice %arg3[%add3A, %dma_start3A] : memref<32x10240xi32, #tpu.memory_space<hbm>> -> memref<1x10240xi32, #tpu.memory_space<hbm>>
      %dma_start3A_29 = tpu.memref_squeeze %dma_start3A_28 : memref<1x10240xi32, #tpu.memory_space<hbm>> -> memref<10240xi32, #tpu.memory_space<hbm>>
      %dma_start3A_30 = arith.constant 0 : i32
      %dma_start3A_31 = tpu.memref_slice %arg3[%add3A, %dma_start3A_30] : memref<32x10240xi32, #tpu.memory_space<hbm>> -> memref<1x10240xi32, #tpu.memory_space<hbm>>
      %dma_start3A_32 = tpu.memref_squeeze %dma_start3A_31 : memref<1x10240xi32, #tpu.memory_space<hbm>> -> memref<10240xi32, #tpu.memory_space<hbm>>
      tpu.enqueue_dma source(%dma_start3A_32 : memref<10240xi32, #tpu.memory_space<hbm>>) target(%arg7 : memref<10240xi32, #tpu.memory_space<vmem>>) target_semaphore(%run_scoped3A : memref<!tpu.dma_semaphore, #tpu.memory_space<semaphore_mem>>)
      %dma_wait3A = arith.constant 0 : i32
      %dma_wait3A_33 = tpu.memref_slice %arg3[%add3A, %dma_wait3A] : memref<32x10240xi32, #tpu.memory_space<hbm>> -> memref<1x10240xi32, #tpu.memory_space<hbm>>
      %dma_wait3A_34 = tpu.memref_squeeze %dma_wait3A_33 : memref<1x10240xi32, #tpu.memory_space<hbm>> -> memref<10240xi32, #tpu.memory_space<hbm>>
      %dma_wait3A_35 = arith.constant 0 : i32
      %dma_wait3A_36 = tpu.memref_slice %arg3[%add3A, %dma_wait3A_35] : memref<32x10240xi32, #tpu.memory_space<hbm>> -> memref<1x10240xi32, #tpu.memory_space<hbm>>
      %dma_wait3A_37 = tpu.memref_squeeze %dma_wait3A_36 : memref<1x10240xi32, #tpu.memory_space<hbm>> -> memref<10240xi32, #tpu.memory_space<hbm>>
      tpu.wait_dma2 semaphore(%run_scoped3A : memref<!tpu.dma_semaphore, #tpu.memory_space<semaphore_mem>>) src(%dma_wait3A_37 : memref<10240xi32, #tpu.memory_space<hbm>>) dst(%arg7 : memref<10240xi32, #tpu.memory_space<vmem>>)
      tpu.yield
    }) : () -> ()
    "tpu.region"() ({
      %run_scoped3A = tpu.sem_alloc : memref<!tpu.dma_semaphore, #tpu.memory_space<semaphore_mem>>
      %dma_start3A = arith.constant 0 : i32
      %dma_start3A_28 = arith.constant 0 : i32
      %dma_start3A_29 = tpu.memref_slice %arg4[%add3A, %dma_start3A, %dma_start3A_28] : memref<32x80x128xi32, #tpu.memory_space<hbm>> -> memref<1x80x128xi32, #tpu.memory_space<hbm>>
      %dma_start3A_30 = tpu.memref_squeeze %dma_start3A_29 : memref<1x80x128xi32, #tpu.memory_space<hbm>> -> memref<80x128xi32, #tpu.memory_space<hbm>>
      %dma_start3A_31 = arith.constant 0 : i32
      %dma_start3A_32 = arith.constant 0 : i32
      %dma_start3A_33 = tpu.memref_slice %arg4[%add3A, %dma_start3A_31, %dma_start3A_32] : memref<32x80x128xi32, #tpu.memory_space<hbm>> -> memref<1x80x128xi32, #tpu.memory_space<hbm>>
      %dma_start3A_34 = tpu.memref_squeeze %dma_start3A_33 : memref<1x80x128xi32, #tpu.memory_space<hbm>> -> memref<80x128xi32, #tpu.memory_space<hbm>>
      tpu.enqueue_dma source(%dma_start3A_34 : memref<80x128xi32, #tpu.memory_space<hbm>>) target(%arg8 : memref<80x128xi32, #tpu.memory_space<vmem>>) target_semaphore(%run_scoped3A : memref<!tpu.dma_semaphore, #tpu.memory_space<semaphore_mem>>)
      %dma_wait3A = arith.constant 0 : i32
      %dma_wait3A_35 = arith.constant 0 : i32
      %dma_wait3A_36 = tpu.memref_slice %arg4[%add3A, %dma_wait3A, %dma_wait3A_35] : memref<32x80x128xi32, #tpu.memory_space<hbm>> -> memref<1x80x128xi32, #tpu.memory_space<hbm>>
      %dma_wait3A_37 = tpu.memref_squeeze %dma_wait3A_36 : memref<1x80x128xi32, #tpu.memory_space<hbm>> -> memref<80x128xi32, #tpu.memory_space<hbm>>
      %dma_wait3A_38 = arith.constant 0 : i32
      %dma_wait3A_39 = arith.constant 0 : i32
      %dma_wait3A_40 = tpu.memref_slice %arg4[%add3A, %dma_wait3A_38, %dma_wait3A_39] : memref<32x80x128xi32, #tpu.memory_space<hbm>> -> memref<1x80x128xi32, #tpu.memory_space<hbm>>
      %dma_wait3A_41 = tpu.memref_squeeze %dma_wait3A_40 : memref<1x80x128xi32, #tpu.memory_space<hbm>> -> memref<80x128xi32, #tpu.memory_space<hbm>>
      tpu.wait_dma2 semaphore(%run_scoped3A : memref<!tpu.dma_semaphore, #tpu.memory_space<semaphore_mem>>) src(%dma_wait3A_41 : memref<80x128xi32, #tpu.memory_space<hbm>>) dst(%arg8 : memref<80x128xi32, #tpu.memory_space<vmem>>)
      tpu.yield
    }) : () -> ()
    %scan3A_9 = arith.constant 0 : i32
    %scan3A_10 = arith.constant 0 : i32
    %scan3A_11 = arith.constant 640 : i32
    %scan3A_12 = arith.addi %scan3A_10, %scan3A_11 : i32
    %scan3A_13 = arith.constant 1 : i32
    %scan3A_14 = scf.for %scan3A_28 = %scan3A_10 to %scan3A_12 step %scan3A_13 iter_args(%scan3A_29 = %scan3A_9) -> (i32)  : i32 {
      %mul3A_30 = arith.constant 16 : i32
      %mul3A_31 = arith.muli %scan3A_28, %mul3A_30 : i32
      %get3A = arith.index_cast %mul3A_31 : i32 to index
      %get3A_32 = tpu.vector_load %arg7[%get3A] {strides = array<i32>} : memref<10240xi32, #tpu.memory_space<vmem>>, vector<16xi32>,
      %gather3A = tpu.vector_load_idx %arg6[%get3A_32] : memref<10240xf32, #tpu.memory_space<vmem>>[vector<16xi32>], vector<16xf32>,
      %mul3A_33 = arith.constant 16 : i32
      %mul3A_34 = arith.muli %scan3A_28, %mul3A_33 : i32
      %swap3A = arith.index_cast %mul3A_34 : i32 to index
      %swap3A_35 = tpu.vector_load %arg9[%swap3A] {strides = array<i32>} : memref<10240xf32, #tpu.memory_space<vmem>>, vector<16xf32>,
      tpu.vector_store %arg9[%swap3A], %gather3A {strides = array<i32>} : memref<10240xf32, #tpu.memory_space<vmem>>, vector<16xf32>,
      %scan3A_36 = arith.constant 0 : i32
      scf.yield %scan3A_36 : i32
    }
    %scan3A_15 = arith.constant 640 : i32
    %barrier3A = arith.constant 0 : index
    tpu.barrier barrier_id(%barrier3A)
    %scan3A_16 = arith.constant 0 : i32
    %scan3A_17 = arith.constant 0 : i32
    %scan3A_18 = arith.constant 10 : i32
    %scan3A_19 = arith.addi %scan3A_17, %scan3A_18 : i32
    %scan3A_20 = arith.constant 1 : i32
    %scan3A_21 = scf.for %scan3A_28 = %scan3A_17 to %scan3A_19 step %scan3A_20 iter_args(%scan3A_29 = %scan3A_16) -> (i32)  : i32 {
      %mul3A_30 = arith.constant 8 : i32
      %mul3A_31 = arith.muli %scan3A_28, %mul3A_30 : i32
      %add3A_32 = arith.constant 0 : i32
      %add3A_33 = arith.addi %mul3A_31, %add3A_32 : i32
      %mul3A_34 = arith.constant 128 : i32
      %mul3A_35 = arith.muli %add3A_33, %mul3A_34 : i32
      %dma_start3A = tpu.memref_slice %arg9[%mul3A_35] : memref<10240xf32, #tpu.memory_space<vmem>> -> memref<128xf32, #tpu.memory_space<vmem>>
      %dma_start3A_36 = arith.constant 0 : i32
      %dma_start3A_37 = tpu.memref_slice %arg8[%add3A_33, %dma_start3A_36] : memref<80x128xi32, #tpu.memory_space<vmem>> -> memref<1x128xi32, #tpu.memory_space<vmem>>
      %dma_start3A_38 = tpu.memref_squeeze %dma_start3A_37 : memref<1x128xi32, #tpu.memory_space<vmem>> -> memref<128xi32, #tpu.memory_space<vmem>>
      %dma_start3A_39 = arith.constant 0 : i32
      %dma_start3A_40 = tpu.memref_slice %arg11[%dma_start3A_39] : memref<10240xf32, #tpu.memory_space<vmem_shared>> -> memref<10240xf32, #tpu.memory_space<vmem_shared>>
      tpu.enqueue_indirect_dma source(%dma_start3A : memref<128xf32, #tpu.memory_space<vmem>>) target(%dma_start3A_40 : memref<10240xf32, #tpu.memory_space<vmem_shared>>) offsets(%dma_start3A_38 : memref<128xi32, #tpu.memory_space<vmem>>) semaphore(%arg12 : memref<!tpu.dma_semaphore, #tpu.memory_space<semaphore_mem>>) {add = true}
      %mul3A_41 = arith.constant 8 : i32
      %mul3A_42 = arith.muli %scan3A_28, %mul3A_41 : i32
      %add3A_43 = arith.constant 1 : i32
      %add3A_44 = arith.addi %mul3A_42, %add3A_43 : i32
      %mul3A_45 = arith.constant 128 : i32
      %mul3A_46 = arith.muli %add3A_44, %mul3A_45 : i32
      %dma_start3A_47 = tpu.memref_slice %arg9[%mul3A_46] : memref<10240xf32, #tpu.memory_space<vmem>> -> memref<128xf32, #tpu.memory_space<vmem>>
      %dma_start3A_48 = arith.constant 0 : i32
      %dma_start3A_49 = tpu.memref_slice %arg8[%add3A_44, %dma_start3A_48] : memref<80x128xi32, #tpu.memory_space<vmem>> -> memref<1x128xi32, #tpu.memory_space<vmem>>
      %dma_start3A_50 = tpu.memref_squeeze %dma_start3A_49 : memref<1x128xi32, #tpu.memory_space<vmem>> -> memref<128xi32, #tpu.memory_space<vmem>>
      %dma_start3A_51 = arith.constant 0 : i32
      %dma_start3A_52 = tpu.memref_slice %arg11[%dma_start3A_51] : memref<10240xf32, #tpu.memory_space<vmem_shared>> -> memref<10240xf32, #tpu.memory_space<vmem_shared>>
      tpu.enqueue_indirect_dma source(%dma_start3A_47 : memref<128xf32, #tpu.memory_space<vmem>>) target(%dma_start3A_52 : memref<10240xf32, #tpu.memory_space<vmem_shared>>) offsets(%dma_start3A_50 : memref<128xi32, #tpu.memory_space<vmem>>) semaphore(%arg12 : memref<!tpu.dma_semaphore, #tpu.memory_space<semaphore_mem>>) {add = true}
      %mul3A_53 = arith.constant 8 : i32
      %mul3A_54 = arith.muli %scan3A_28, %mul3A_53 : i32
      %add3A_55 = arith.constant 2 : i32
      %add3A_56 = arith.addi %mul3A_54, %add3A_55 : i32
      %mul3A_57 = arith.constant 128 : i32
      %mul3A_58 = arith.muli %add3A_56, %mul3A_57 : i32
      %dma_start3A_59 = tpu.memref_slice %arg9[%mul3A_58] : memref<10240xf32, #tpu.memory_space<vmem>> -> memref<128xf32, #tpu.memory_space<vmem>>
      %dma_start3A_60 = arith.constant 0 : i32
      %dma_start3A_61 = tpu.memref_slice %arg8[%add3A_56, %dma_start3A_60] : memref<80x128xi32, #tpu.memory_space<vmem>> -> memref<1x128xi32, #tpu.memory_space<vmem>>
      %dma_start3A_62 = tpu.memref_squeeze %dma_start3A_61 : memref<1x128xi32, #tpu.memory_space<vmem>> -> memref<128xi32, #tpu.memory_space<vmem>>
      %dma_start3A_63 = arith.constant 0 : i32
      %dma_start3A_64 = tpu.memref_slice %arg11[%dma_start3A_63] : memref<10240xf32, #tpu.memory_space<vmem_shared>> -> memref<10240xf32, #tpu.memory_space<vmem_shared>>
      tpu.enqueue_indirect_dma source(%dma_start3A_59 : memref<128xf32, #tpu.memory_space<vmem>>) target(%dma_start3A_64 : memref<10240xf32, #tpu.memory_space<vmem_shared>>) offsets(%dma_start3A_62 : memref<128xi32, #tpu.memory_space<vmem>>) semaphore(%arg12 : memref<!tpu.dma_semaphore, #tpu.memory_space<semaphore_mem>>) {add = true}
      %mul3A_65 = arith.constant 8 : i32
      %mul3A_66 = arith.muli %scan3A_28, %mul3A_65 : i32
      %add3A_67 = arith.constant 3 : i32
      %add3A_68 = arith.addi %mul3A_66, %add3A_67 : i32
      %mul3A_69 = arith.constant 128 : i32
      %mul3A_70 = arith.muli %add3A_68, %mul3A_69 : i32
      %dma_start3A_71 = tpu.memref_slice %arg9[%mul3A_70] : memref<10240xf32, #tpu.memory_space<vmem>> -> memref<128xf32, #tpu.memory_space<vmem>>
      %dma_start3A_72 = arith.constant 0 : i32
      %dma_start3A_73 = tpu.memref_slice %arg8[%add3A_68, %dma_start3A_72] : memref<80x128xi32, #tpu.memory_space<vmem>> -> memref<1x128xi32, #tpu.memory_space<vmem>>
      %dma_start3A_74 = tpu.memref_squeeze %dma_start3A_73 : memref<1x128xi32, #tpu.memory_space<vmem>> -> memref<128xi32, #tpu.memory_space<vmem>>
      %dma_start3A_75 = arith.constant 0 : i32
      %dma_start3A_76 = tpu.memref_slice %arg11[%dma_start3A_75] : memref<10240xf32, #tpu.memory_space<vmem_shared>> -> memref<10240xf32, #tpu.memory_space<vmem_shared>>
      tpu.enqueue_indirect_dma source(%dma_start3A_71 : memref<128xf32, #tpu.memory_space<vmem>>) target(%dma_start3A_76 : memref<10240xf32, #tpu.memory_space<vmem_shared>>) offsets(%dma_start3A_74 : memref<128xi32, #tpu.memory_space<vmem>>) semaphore(%arg12 : memref<!tpu.dma_semaphore, #tpu.memory_space<semaphore_mem>>) {add = true}
      %mul3A_77 = arith.constant 8 : i32
      %mul3A_78 = arith.muli %scan3A_28, %mul3A_77 : i32
      %add3A_79 = arith.constant 4 : i32
      %add3A_80 = arith.addi %mul3A_78, %add3A_79 : i32
      %mul3A_81 = arith.constant 128 : i32
      %mul3A_82 = arith.muli %add3A_80, %mul3A_81 : i32
      %dma_start3A_83 = tpu.memref_slice %arg9[%mul3A_82] : memref<10240xf32, #tpu.memory_space<vmem>> -> memref<128xf32, #tpu.memory_space<vmem>>
      %dma_start3A_84 = arith.constant 0 : i32
      %dma_start3A_85 = tpu.memref_slice %arg8[%add3A_80, %dma_start3A_84] : memref<80x128xi32, #tpu.memory_space<vmem>> -> memref<1x128xi32, #tpu.memory_space<vmem>>
      %dma_start3A_86 = tpu.memref_squeeze %dma_start3A_85 : memref<1x128xi32, #tpu.memory_space<vmem>> -> memref<128xi32, #tpu.memory_space<vmem>>
      %dma_start3A_87 = arith.constant 0 : i32
      %dma_start3A_88 = tpu.memref_slice %arg11[%dma_start3A_87] : memref<10240xf32, #tpu.memory_space<vmem_shared>> -> memref<10240xf32, #tpu.memory_space<vmem_shared>>
      tpu.enqueue_indirect_dma source(%dma_start3A_83 : memref<128xf32, #tpu.memory_space<vmem>>) target(%dma_start3A_88 : memref<10240xf32, #tpu.memory_space<vmem_shared>>) offsets(%dma_start3A_86 : memref<128xi32, #tpu.memory_space<vmem>>) semaphore(%arg12 : memref<!tpu.dma_semaphore, #tpu.memory_space<semaphore_mem>>) {add = true}
      %mul3A_89 = arith.constant 8 : i32
      %mul3A_90 = arith.muli %scan3A_28, %mul3A_89 : i32
      %add3A_91 = arith.constant 5 : i32
      %add3A_92 = arith.addi %mul3A_90, %add3A_91 : i32
      %mul3A_93 = arith.constant 128 : i32
      %mul3A_94 = arith.muli %add3A_92, %mul3A_93 : i32
      %dma_start3A_95 = tpu.memref_slice %arg9[%mul3A_94] : memref<10240xf32, #tpu.memory_space<vmem>> -> memref<128xf32, #tpu.memory_space<vmem>>
      %dma_start3A_96 = arith.constant 0 : i32
      %dma_start3A_97 = tpu.memref_slice %arg8[%add3A_92, %dma_start3A_96] : memref<80x128xi32, #tpu.memory_space<vmem>> -> memref<1x128xi32, #tpu.memory_space<vmem>>
      %dma_start3A_98 = tpu.memref_squeeze %dma_start3A_97 : memref<1x128xi32, #tpu.memory_space<vmem>> -> memref<128xi32, #tpu.memory_space<vmem>>
      %dma_start3A_99 = arith.constant 0 : i32
      %dma_start3A_100 = tpu.memref_slice %arg11[%dma_start3A_99] : memref<10240xf32, #tpu.memory_space<vmem_shared>> -> memref<10240xf32, #tpu.memory_space<vmem_shared>>
      tpu.enqueue_indirect_dma source(%dma_start3A_95 : memref<128xf32, #tpu.memory_space<vmem>>) target(%dma_start3A_100 : memref<10240xf32, #tpu.memory_space<vmem_shared>>) offsets(%dma_start3A_98 : memref<128xi32, #tpu.memory_space<vmem>>) semaphore(%arg12 : memref<!tpu.dma_semaphore, #tpu.memory_space<semaphore_mem>>) {add = true}
      %mul3A_101 = arith.constant 8 : i32
      %mul3A_102 = arith.muli %scan3A_28, %mul3A_101 : i32
      %add3A_103 = arith.constant 6 : i32
      %add3A_104 = arith.addi %mul3A_102, %add3A_103 : i32
      %mul3A_105 = arith.constant 128 : i32
      %mul3A_106 = arith.muli %add3A_104, %mul3A_105 : i32
      %dma_start3A_107 = tpu.memref_slice %arg9[%mul3A_106] : memref<10240xf32, #tpu.memory_space<vmem>> -> memref<128xf32, #tpu.memory_space<vmem>>
      %dma_start3A_108 = arith.constant 0 : i32
      %dma_start3A_109 = tpu.memref_slice %arg8[%add3A_104, %dma_start3A_108] : memref<80x128xi32, #tpu.memory_space<vmem>> -> memref<1x128xi32, #tpu.memory_space<vmem>>
      %dma_start3A_110 = tpu.memref_squeeze %dma_start3A_109 : memref<1x128xi32, #tpu.memory_space<vmem>> -> memref<128xi32, #tpu.memory_space<vmem>>
      %dma_start3A_111 = arith.constant 0 : i32
      %dma_start3A_112 = tpu.memref_slice %arg11[%dma_start3A_111] : memref<10240xf32, #tpu.memory_space<vmem_shared>> -> memref<10240xf32, #tpu.memory_space<vmem_shared>>
      tpu.enqueue_indirect_dma source(%dma_start3A_107 : memref<128xf32, #tpu.memory_space<vmem>>) target(%dma_start3A_112 : memref<10240xf32, #tpu.memory_space<vmem_shared>>) offsets(%dma_start3A_110 : memref<128xi32, #tpu.memory_space<vmem>>) semaphore(%arg12 : memref<!tpu.dma_semaphore, #tpu.memory_space<semaphore_mem>>) {add = true}
      %mul3A_113 = arith.constant 8 : i32
      %mul3A_114 = arith.muli %scan3A_28, %mul3A_113 : i32
      %add3A_115 = arith.constant 7 : i32
      %add3A_116 = arith.addi %mul3A_114, %add3A_115 : i32
      %mul3A_117 = arith.constant 128 : i32
      %mul3A_118 = arith.muli %add3A_116, %mul3A_117 : i32
      %dma_start3A_119 = tpu.memref_slice %arg9[%mul3A_118] : memref<10240xf32, #tpu.memory_space<vmem>> -> memref<128xf32, #tpu.memory_space<vmem>>
      %dma_start3A_120 = arith.constant 0 : i32
      %dma_start3A_121 = tpu.memref_slice %arg8[%add3A_116, %dma_start3A_120] : memref<80x128xi32, #tpu.memory_space<vmem>> -> memref<1x128xi32, #tpu.memory_space<vmem>>
      %dma_start3A_122 = tpu.memref_squeeze %dma_start3A_121 : memref<1x128xi32, #tpu.memory_space<vmem>> -> memref<128xi32, #tpu.memory_space<vmem>>
      %dma_start3A_123 = arith.constant 0 : i32
      %dma_start3A_124 = tpu.memref_slice %arg11[%dma_start3A_123] : memref<10240xf32, #tpu.memory_space<vmem_shared>> -> memref<10240xf32, #tpu.memory_space<vmem_shared>>
      tpu.enqueue_indirect_dma source(%dma_start3A_119 : memref<128xf32, #tpu.memory_space<vmem>>) target(%dma_start3A_124 : memref<10240xf32, #tpu.memory_space<vmem_shared>>) offsets(%dma_start3A_122 : memref<128xi32, #tpu.memory_space<vmem>>) semaphore(%arg12 : memref<!tpu.dma_semaphore, #tpu.memory_space<semaphore_mem>>) {add = true}
      %mul3A_125 = arith.constant 8 : i32
      %mul3A_126 = arith.muli %scan3A_28, %mul3A_125 : i32
      %add3A_127 = arith.constant 0 : i32
      %add3A_128 = arith.addi %mul3A_126, %add3A_127 : i32
      %mul3A_129 = arith.constant 128 : i32
      %mul3A_130 = arith.muli %add3A_128, %mul3A_129 : i32
      %dma_wait3A = tpu.memref_slice %arg9[%mul3A_130] : memref<10240xf32, #tpu.memory_space<vmem>> -> memref<128xf32, #tpu.memory_space<vmem>>
      %dma_wait3A_131 = arith.constant 0 : i32
      %dma_wait3A_132 = tpu.memref_slice %arg8[%add3A_128, %dma_wait3A_131] : memref<80x128xi32, #tpu.memory_space<vmem>> -> memref<1x128xi32, #tpu.memory_space<vmem>>
      %dma_wait3A_133 = tpu.memref_squeeze %dma_wait3A_132 : memref<1x128xi32, #tpu.memory_space<vmem>> -> memref<128xi32, #tpu.memory_space<vmem>>
      %dma_wait3A_134 = arith.constant 0 : i32
      %dma_wait3A_135 = tpu.memref_slice %arg11[%dma_wait3A_134] : memref<10240xf32, #tpu.memory_space<vmem_shared>> -> memref<10240xf32, #tpu.memory_space<vmem_shared>>
      tpu.wait_indirect_dma semaphore(%arg12 : memref<!tpu.dma_semaphore, #tpu.memory_space<semaphore_mem>>) src(%dma_wait3A : memref<128xf32, #tpu.memory_space<vmem>>) dst(%dma_wait3A_135 : memref<10240xf32, #tpu.memory_space<vmem_shared>>)
      %mul3A_136 = arith.constant 8 : i32
      %mul3A_137 = arith.muli %scan3A_28, %mul3A_136 : i32
      %add3A_138 = arith.constant 1 : i32
      %add3A_139 = arith.addi %mul3A_137, %add3A_138 : i32
      %mul3A_140 = arith.constant 128 : i32
      %mul3A_141 = arith.muli %add3A_139, %mul3A_140 : i32
      %dma_wait3A_142 = tpu.memref_slice %arg9[%mul3A_141] : memref<10240xf32, #tpu.memory_space<vmem>> -> memref<128xf32, #tpu.memory_space<vmem>>
      %dma_wait3A_143 = arith.constant 0 : i32
      %dma_wait3A_144 = tpu.memref_slice %arg8[%add3A_139, %dma_wait3A_143] : memref<80x128xi32, #tpu.memory_space<vmem>> -> memref<1x128xi32, #tpu.memory_space<vmem>>
      %dma_wait3A_145 = tpu.memref_squeeze %dma_wait3A_144 : memref<1x128xi32, #tpu.memory_space<vmem>> -> memref<128xi32, #tpu.memory_space<vmem>>
      %dma_wait3A_146 = arith.constant 0 : i32
      %dma_wait3A_147 = tpu.memref_slice %arg11[%dma_wait3A_146] : memref<10240xf32, #tpu.memory_space<vmem_shared>> -> memref<10240xf32, #tpu.memory_space<vmem_shared>>
      tpu.wait_indirect_dma semaphore(%arg12 : memref<!tpu.dma_semaphore, #tpu.memory_space<semaphore_mem>>) src(%dma_wait3A_142 : memref<128xf32, #tpu.memory_space<vmem>>) dst(%dma_wait3A_147 : memref<10240xf32, #tpu.memory_space<vmem_shared>>)
      %mul3A_148 = arith.constant 8 : i32
      %mul3A_149 = arith.muli %scan3A_28, %mul3A_148 : i32
      %add3A_150 = arith.constant 2 : i32
      %add3A_151 = arith.addi %mul3A_149, %add3A_150 : i32
      %mul3A_152 = arith.constant 128 : i32
      %mul3A_153 = arith.muli %add3A_151, %mul3A_152 : i32
      %dma_wait3A_154 = tpu.memref_slice %arg9[%mul3A_153] : memref<10240xf32, #tpu.memory_space<vmem>> -> memref<128xf32, #tpu.memory_space<vmem>>
      %dma_wait3A_155 = arith.constant 0 : i32
      %dma_wait3A_156 = tpu.memref_slice %arg8[%add3A_151, %dma_wait3A_155] : memref<80x128xi32, #tpu.memory_space<vmem>> -> memref<1x128xi32, #tpu.memory_space<vmem>>
      %dma_wait3A_157 = tpu.memref_squeeze %dma_wait3A_156 : memref<1x128xi32, #tpu.memory_space<vmem>> -> memref<128xi32, #tpu.memory_space<vmem>>
      %dma_wait3A_158 = arith.constant 0 : i32
      %dma_wait3A_159 = tpu.memref_slice %arg11[%dma_wait3A_158] : memref<10240xf32, #tpu.memory_space<vmem_shared>> -> memref<10240xf32, #tpu.memory_space<vmem_shared>>
      tpu.wait_indirect_dma semaphore(%arg12 : memref<!tpu.dma_semaphore, #tpu.memory_space<semaphore_mem>>) src(%dma_wait3A_154 : memref<128xf32, #tpu.memory_space<vmem>>) dst(%dma_wait3A_159 : memref<10240xf32, #tpu.memory_space<vmem_shared>>)
      %mul3A_160 = arith.constant 8 : i32
      %mul3A_161 = arith.muli %scan3A_28, %mul3A_160 : i32
      %add3A_162 = arith.constant 3 : i32
      %add3A_163 = arith.addi %mul3A_161, %add3A_162 : i32
      %mul3A_164 = arith.constant 128 : i32
      %mul3A_165 = arith.muli %add3A_163, %mul3A_164 : i32
      %dma_wait3A_166 = tpu.memref_slice %arg9[%mul3A_165] : memref<10240xf32, #tpu.memory_space<vmem>> -> memref<128xf32, #tpu.memory_space<vmem>>
      %dma_wait3A_167 = arith.constant 0 : i32
      %dma_wait3A_168 = tpu.memref_slice %arg8[%add3A_163, %dma_wait3A_167] : memref<80x128xi32, #tpu.memory_space<vmem>> -> memref<1x128xi32, #tpu.memory_space<vmem>>
      %dma_wait3A_169 = tpu.memref_squeeze %dma_wait3A_168 : memref<1x128xi32, #tpu.memory_space<vmem>> -> memref<128xi32, #tpu.memory_space<vmem>>
      %dma_wait3A_170 = arith.constant 0 : i32
      %dma_wait3A_171 = tpu.memref_slice %arg11[%dma_wait3A_170] : memref<10240xf32, #tpu.memory_space<vmem_shared>> -> memref<10240xf32, #tpu.memory_space<vmem_shared>>
      tpu.wait_indirect_dma semaphore(%arg12 : memref<!tpu.dma_semaphore, #tpu.memory_space<semaphore_mem>>) src(%dma_wait3A_166 : memref<128xf32, #tpu.memory_space<vmem>>) dst(%dma_wait3A_171 : memref<10240xf32, #tpu.memory_space<vmem_shared>>)
      %mul3A_172 = arith.constant 8 : i32
      %mul3A_173 = arith.muli %scan3A_28, %mul3A_172 : i32
      %add3A_174 = arith.constant 4 : i32
      %add3A_175 = arith.addi %mul3A_173, %add3A_174 : i32
      %mul3A_176 = arith.constant 128 : i32
      %mul3A_177 = arith.muli %add3A_175, %mul3A_176 : i32
      %dma_wait3A_178 = tpu.memref_slice %arg9[%mul3A_177] : memref<10240xf32, #tpu.memory_space<vmem>> -> memref<128xf32, #tpu.memory_space<vmem>>
      %dma_wait3A_179 = arith.constant 0 : i32
      %dma_wait3A_180 = tpu.memref_slice %arg8[%add3A_175, %dma_wait3A_179] : memref<80x128xi32, #tpu.memory_space<vmem>> -> memref<1x128xi32, #tpu.memory_space<vmem>>
      %dma_wait3A_181 = tpu.memref_squeeze %dma_wait3A_180 : memref<1x128xi32, #tpu.memory_space<vmem>> -> memref<128xi32, #tpu.memory_space<vmem>>
      %dma_wait3A_182 = arith.constant 0 : i32
      %dma_wait3A_183 = tpu.memref_slice %arg11[%dma_wait3A_182] : memref<10240xf32, #tpu.memory_space<vmem_shared>> -> memref<10240xf32, #tpu.memory_space<vmem_shared>>
      tpu.wait_indirect_dma semaphore(%arg12 : memref<!tpu.dma_semaphore, #tpu.memory_space<semaphore_mem>>) src(%dma_wait3A_178 : memref<128xf32, #tpu.memory_space<vmem>>) dst(%dma_wait3A_183 : memref<10240xf32, #tpu.memory_space<vmem_shared>>)
      %mul3A_184 = arith.constant 8 : i32
      %mul3A_185 = arith.muli %scan3A_28, %mul3A_184 : i32
      %add3A_186 = arith.constant 5 : i32
      %add3A_187 = arith.addi %mul3A_185, %add3A_186 : i32
      %mul3A_188 = arith.constant 128 : i32
      %mul3A_189 = arith.muli %add3A_187, %mul3A_188 : i32
      %dma_wait3A_190 = tpu.memref_slice %arg9[%mul3A_189] : memref<10240xf32, #tpu.memory_space<vmem>> -> memref<128xf32, #tpu.memory_space<vmem>>
      %dma_wait3A_191 = arith.constant 0 : i32
      %dma_wait3A_192 = tpu.memref_slice %arg8[%add3A_187, %dma_wait3A_191] : memref<80x128xi32, #tpu.memory_space<vmem>> -> memref<1x128xi32, #tpu.memory_space<vmem>>
      %dma_wait3A_193 = tpu.memref_squeeze %dma_wait3A_192 : memref<1x128xi32, #tpu.memory_space<vmem>> -> memref<128xi32, #tpu.memory_space<vmem>>
      %dma_wait3A_194 = arith.constant 0 : i32
      %dma_wait3A_195 = tpu.memref_slice %arg11[%dma_wait3A_194] : memref<10240xf32, #tpu.memory_space<vmem_shared>> -> memref<10240xf32, #tpu.memory_space<vmem_shared>>
      tpu.wait_indirect_dma semaphore(%arg12 : memref<!tpu.dma_semaphore, #tpu.memory_space<semaphore_mem>>) src(%dma_wait3A_190 : memref<128xf32, #tpu.memory_space<vmem>>) dst(%dma_wait3A_195 : memref<10240xf32, #tpu.memory_space<vmem_shared>>)
      %mul3A_196 = arith.constant 8 : i32
      %mul3A_197 = arith.muli %scan3A_28, %mul3A_196 : i32
      %add3A_198 = arith.constant 6 : i32
      %add3A_199 = arith.addi %mul3A_197, %add3A_198 : i32
      %mul3A_200 = arith.constant 128 : i32
      %mul3A_201 = arith.muli %add3A_199, %mul3A_200 : i32
      %dma_wait3A_202 = tpu.memref_slice %arg9[%mul3A_201] : memref<10240xf32, #tpu.memory_space<vmem>> -> memref<128xf32, #tpu.memory_space<vmem>>
      %dma_wait3A_203 = arith.constant 0 : i32
      %dma_wait3A_204 = tpu.memref_slice %arg8[%add3A_199, %dma_wait3A_203] : memref<80x128xi32, #tpu.memory_space<vmem>> -> memref<1x128xi32, #tpu.memory_space<vmem>>
      %dma_wait3A_205 = tpu.memref_squeeze %dma_wait3A_204 : memref<1x128xi32, #tpu.memory_space<vmem>> -> memref<128xi32, #tpu.memory_space<vmem>>
      %dma_wait3A_206 = arith.constant 0 : i32
      %dma_wait3A_207 = tpu.memref_slice %arg11[%dma_wait3A_206] : memref<10240xf32, #tpu.memory_space<vmem_shared>> -> memref<10240xf32, #tpu.memory_space<vmem_shared>>
      tpu.wait_indirect_dma semaphore(%arg12 : memref<!tpu.dma_semaphore, #tpu.memory_space<semaphore_mem>>) src(%dma_wait3A_202 : memref<128xf32, #tpu.memory_space<vmem>>) dst(%dma_wait3A_207 : memref<10240xf32, #tpu.memory_space<vmem_shared>>)
      %mul3A_208 = arith.constant 8 : i32
      %mul3A_209 = arith.muli %scan3A_28, %mul3A_208 : i32
      %add3A_210 = arith.constant 7 : i32
      %add3A_211 = arith.addi %mul3A_209, %add3A_210 : i32
      %mul3A_212 = arith.constant 128 : i32
      %mul3A_213 = arith.muli %add3A_211, %mul3A_212 : i32
      %dma_wait3A_214 = tpu.memref_slice %arg9[%mul3A_213] : memref<10240xf32, #tpu.memory_space<vmem>> -> memref<128xf32, #tpu.memory_space<vmem>>
      %dma_wait3A_215 = arith.constant 0 : i32
      %dma_wait3A_216 = tpu.memref_slice %arg8[%add3A_211, %dma_wait3A_215] : memref<80x128xi32, #tpu.memory_space<vmem>> -> memref<1x128xi32, #tpu.memory_space<vmem>>
      %dma_wait3A_217 = tpu.memref_squeeze %dma_wait3A_216 : memref<1x128xi32, #tpu.memory_space<vmem>> -> memref<128xi32, #tpu.memory_space<vmem>>
      %dma_wait3A_218 = arith.constant 0 : i32
      %dma_wait3A_219 = tpu.memref_slice %arg11[%dma_wait3A_218] : memref<10240xf32, #tpu.memory_space<vmem_shared>> -> memref<10240xf32, #tpu.memory_space<vmem_shared>>
      tpu.wait_indirect_dma semaphore(%arg12 : memref<!tpu.dma_semaphore, #tpu.memory_space<semaphore_mem>>) src(%dma_wait3A_214 : memref<128xf32, #tpu.memory_space<vmem>>) dst(%dma_wait3A_219 : memref<10240xf32, #tpu.memory_space<vmem_shared>>)
      %scan3A_220 = arith.constant 0 : i32
      scf.yield %scan3A_220 : i32
    }
    %scan3A_22 = arith.constant 10 : i32
    %barrier3A_23 = arith.constant 0 : index
    tpu.barrier barrier_id(%barrier3A_23)
    %mul3A_24 = arith.constant 640 : i32
    %mul3A_25 = arith.muli %arg1, %mul3A_24 : i32
    "tpu.region"() ({
      %run_scoped3A = tpu.sem_alloc : memref<!tpu.dma_semaphore, #tpu.memory_space<semaphore_mem>>
      %dma_start3A = tpu.memref_slice %arg11[%mul3A_25] : memref<10240xf32, #tpu.memory_space<vmem_shared>> -> memref<640xf32, #tpu.memory_space<vmem_shared>>
      %dma_start3A_28 = tpu.memref_slice %arg11[%mul3A_25] : memref<10240xf32, #tpu.memory_space<vmem_shared>> -> memref<640xf32, #tpu.memory_space<vmem_shared>>
      tpu.enqueue_dma source(%dma_start3A_28 : memref<640xf32, #tpu.memory_space<vmem_shared>>) target(%arg10 : memref<640xf32, #tpu.memory_space<vmem>>) target_semaphore(%run_scoped3A : memref<!tpu.dma_semaphore, #tpu.memory_space<semaphore_mem>>)
      %dma_wait3A = tpu.memref_slice %arg11[%mul3A_25] : memref<10240xf32, #tpu.memory_space<vmem_shared>> -> memref<640xf32, #tpu.memory_space<vmem_shared>>
      %dma_wait3A_29 = tpu.memref_slice %arg11[%mul3A_25] : memref<10240xf32, #tpu.memory_space<vmem_shared>> -> memref<640xf32, #tpu.memory_space<vmem_shared>>
      tpu.wait_dma2 semaphore(%run_scoped3A : memref<!tpu.dma_semaphore, #tpu.memory_space<semaphore_mem>>) src(%dma_wait3A_29 : memref<640xf32, #tpu.memory_space<vmem_shared>>) dst(%arg10 : memref<640xf32, #tpu.memory_space<vmem>>)
      tpu.yield
    }) : () -> ()
    %mul3A_26 = arith.constant 640 : i32
    %mul3A_27 = arith.muli %arg1, %mul3A_26 : i32
    "tpu.region"() ({
      %run_scoped3A = tpu.sem_alloc : memref<!tpu.dma_semaphore, #tpu.memory_space<semaphore_mem>>
      %dma_start3A = tpu.memref_slice %arg5[%arg0, %mul3A_27] : memref<2x10240xf32, #tpu.memory_space<hbm>> -> memref<1x640xf32, #tpu.memory_space<hbm>>
      %dma_start3A_28 = tpu.memref_squeeze %dma_start3A : memref<1x640xf32, #tpu.memory_space<hbm>> -> memref<640xf32, #tpu.memory_space<hbm>>
      %dma_start3A_29 = tpu.memref_slice %arg5[%arg0, %mul3A_27] : memref<2x10240xf32, #tpu.memory_space<hbm>> -> memref<1x640xf32, #tpu.memory_space<hbm>>
      %dma_start3A_30 = tpu.memref_squeeze %dma_start3A_29 : memref<1x640xf32, #tpu.memory_space<hbm>> -> memref<640xf32, #tpu.memory_space<hbm>>
      tpu.enqueue_dma source(%arg10 : memref<640xf32, #tpu.memory_space<vmem>>) target(%dma_start3A_30 : memref<640xf32, #tpu.memory_space<hbm>>) target_semaphore(%run_scoped3A : memref<!tpu.dma_semaphore, #tpu.memory_space<semaphore_mem>>)
      %dma_wait3A = tpu.memref_slice %arg5[%arg0, %mul3A_27] : memref<2x10240xf32, #tpu.memory_space<hbm>> -> memref<1x640xf32, #tpu.memory_space<hbm>>
      %dma_wait3A_31 = tpu.memref_squeeze %dma_wait3A : memref<1x640xf32, #tpu.memory_space<hbm>> -> memref<640xf32, #tpu.memory_space<hbm>>
      %dma_wait3A_32 = tpu.memref_slice %arg5[%arg0, %mul3A_27] : memref<2x10240xf32, #tpu.memory_space<hbm>> -> memref<1x640xf32, #tpu.memory_space<hbm>>
      %dma_wait3A_33 = tpu.memref_squeeze %dma_wait3A_32 : memref<1x640xf32, #tpu.memory_space<hbm>> -> memref<640xf32, #tpu.memory_space<hbm>>
      tpu.wait_dma2 semaphore(%run_scoped3A : memref<!tpu.dma_semaphore, #tpu.memory_space<semaphore_mem>>) src(%arg10 : memref<640xf32, #tpu.memory_space<vmem>>) dst(%dma_wait3A_33 : memref<640xf32, #tpu.memory_space<hbm>>)
      tpu.yield
    }) : () -> ()
    return
  }
}

module attributes {stable_mosaic.version = 14 : i64} {
  func.func @_mm1_body(%arg0: i32, %arg1: memref<1024x128xf32, #tpu.memory_space<vmem>>, %arg2: memref<128x128xf32, #tpu.memory_space<vmem>>, %arg3: memref<2x1024x1xf32, #tpu.memory_space<vmem>>, %arg4: memref<2x1024x64xf32, #tpu.memory_space<vmem>>, %arg5: memref<1024x1xf32, #tpu.memory_space<vmem>>) attributes {dimension_semantics = [#tpu.dimension_semantics<arbitrary>], iteration_bounds = array<i64: 10>, scalar_prefetch = 0 : i64, scratch_operands = 0 : i64, tpu.core_type = #tpu.core_type<tc>, window_params = [{transform_indices = @transform_0, window_bounds = array<i64: 1024, 128>}, {pipeline_mode = #tpu.pipeline_mode<synchronous>, transform_indices = @transform_1, window_bounds = array<i64: 128, 128>}, {transform_indices = @transform_2, window_bounds = array<i64: 2, 1024, 1>}, {transform_indices = @transform_3, window_bounds = array<i64: 2, 1024, 64>}, {transform_indices = @transform_4, window_bounds = array<i64: 1024, 1>}]} {
    %get3A = arith.constant 0 : index
    %get3A_0 = arith.constant 0 : index
    %get3A_1 = vector.load %arg1[%get3A, %get3A_0] : memref<1024x128xf32, #tpu.memory_space<vmem>>, vector<1024x128xf32>
    %get3A_2 = arith.constant 0 : index
    %get3A_3 = arith.constant 0 : index
    %get3A_4 = vector.load %arg2[%get3A_2, %get3A_3] : memref<128x128xf32, #tpu.memory_space<vmem>>, vector<128x128xf32>
    %dot_general3A = arith.constant dense<0.000000e+00> : vector<1024x128xf32>
    %dot_general3A_5 = tpu.matmul %get3A_1, %get3A_4, %dot_general3A {dimension_numbers = #tpu.dot_dimension_numbers<[1], [0], [0], [1], [0, 0, 1, 1], [], []>, transpose_lhs_hint = false} : vector<1024x128xf32>, vector<128x128xf32>, vector<1024x128xf32> -> vector<1024x128xf32>
    %get3A_6 = arith.constant 0 : index
    %get3A_7 = arith.constant 0 : index
    %get3A_8 = arith.constant 0 : index
    %get3A_9 = vector.load %arg3[%get3A_6, %get3A_7, %get3A_8] : memref<2x1024x1xf32, #tpu.memory_space<vmem>>, vector<1x1024x1xf32>
    %get3A_10 = vector.shape_cast %get3A_9 : vector<1x1024x1xf32> to vector<1024x1xf32>
    %get3A_11 = arith.constant 1 : index
    %get3A_12 = arith.constant 0 : index
    %get3A_13 = arith.constant 0 : index
    %get3A_14 = vector.load %arg3[%get3A_11, %get3A_12, %get3A_13] : memref<2x1024x1xf32, #tpu.memory_space<vmem>>, vector<1x1024x1xf32>
    %get3A_15 = vector.shape_cast %get3A_14 : vector<1x1024x1xf32> to vector<1024x1xf32>
    %add3A = arith.addf %get3A_10, %get3A_15 : vector<1024x1xf32>
    %add3A_16 = arith.constant 1.000000e+00 : f32
    %add3A_17 = vector.broadcast %add3A_16 : f32 to vector<1024x1xf32>
    %add3A_18 = arith.addf %add3A, %add3A_17 : vector<1024x1xf32>
    %rsqrt3A = math.rsqrt %add3A_18 : vector<1024x1xf32>
    %swap3A = arith.constant 0 : index
    %swap3A_19 = arith.constant 0 : index
    %swap3A_20 = vector.load %arg5[%swap3A, %swap3A_19] : memref<1024x1xf32, #tpu.memory_space<vmem>>, vector<1024x1xf32>
    tpu.vector_store %arg5[%swap3A, %swap3A_19], %rsqrt3A {strides = array<i32>} : memref<1024x1xf32, #tpu.memory_space<vmem>>, vector<1024x1xf32>,
    %mul3A = vector.broadcast %rsqrt3A : vector<1024x1xf32> to vector<1024x128xf32>
    %mul3A_21 = arith.mulf %dot_general3A_5, %mul3A : vector<1024x128xf32>
    %slice3A = vector.extract_strided_slice %mul3A_21 {offsets = [0, 0], sizes = [1024, 64], strides = [1, 1]} : vector<1024x128xf32> to vector<1024x64xf32>
    %slice3A_22 = vector.extract_strided_slice %mul3A_21 {offsets = [0, 64], sizes = [1024, 64], strides = [1, 1]} : vector<1024x128xf32> to vector<1024x64xf32>
    %stack3A = vector.shape_cast %slice3A : vector<1024x64xf32> to vector<1x1024x64xf32>
    %stack3A_23 = vector.shape_cast %slice3A_22 : vector<1024x64xf32> to vector<1x1024x64xf32>
    %stack3A_24 = tpu.concatenate %stack3A, %stack3A_23 in 0 : vector<1x1024x64xf32>, vector<1x1024x64xf32> -> vector<2x1024x64xf32>
    %swap3A_25 = arith.constant 0 : index
    %swap3A_26 = arith.constant 0 : index
    %swap3A_27 = arith.constant 0 : index
    %swap3A_28 = vector.load %arg4[%swap3A_25, %swap3A_26, %swap3A_27] : memref<2x1024x64xf32, #tpu.memory_space<vmem>>, vector<2x1024x64xf32>
    tpu.vector_store %arg4[%swap3A_25, %swap3A_26, %swap3A_27], %stack3A_24 {strides = array<i32>} : memref<2x1024x64xf32, #tpu.memory_space<vmem>>, vector<2x1024x64xf32>,
    return
  }
  func.func @transform_0(%arg0: i32) -> (i32, i32) {
    %c0_i32 = arith.constant 0 : i32
    %c0_i32_0 = arith.constant 0 : i32
    return %arg0, %c0_i32 : i32, i32
  }
  func.func @transform_1(%arg0: i32) -> (i32, i32) {
    %c0_i32 = arith.constant 0 : i32
    %c0_i32_0 = arith.constant 0 : i32
    %c0_i32_1 = arith.constant 0 : i32
    return %c0_i32, %c0_i32_0 : i32, i32
  }
  func.func @transform_2(%arg0: i32) -> (i32, i32, i32) {
    %c0_i32 = arith.constant 0 : i32
    %c0_i32_0 = arith.constant 0 : i32
    %c0_i32_1 = arith.constant 0 : i32
    return %c0_i32, %arg0, %c0_i32_0 : i32, i32, i32
  }
  func.func @transform_3(%arg0: i32) -> (i32, i32, i32) {
    %c0_i32 = arith.constant 0 : i32
    %c0_i32_0 = arith.constant 0 : i32
    %c0_i32_1 = arith.constant 0 : i32
    return %c0_i32, %arg0, %c0_i32_0 : i32, i32, i32
  }
  func.func @transform_4(%arg0: i32) -> (i32, i32) {
    %c0_i32 = arith.constant 0 : i32
    %c0_i32_0 = arith.constant 0 : i32
    return %arg0, %c0_i32 : i32, i32
  }
}

module attributes {stable_mosaic.version = 14 : i64} {
  func.func @_mm2_body(%arg0: i32, %arg1: memref<2x1024x64xf32, #tpu.memory_space<vmem>>, %arg2: memref<1024x1xf32, #tpu.memory_space<vmem>>, %arg3: memref<1x128xf32, #tpu.memory_space<vmem>>, %arg4: memref<128x1xf32, #tpu.memory_space<vmem>>, %arg5: memref<1024x1xf32, #tpu.memory_space<vmem>>) attributes {dimension_semantics = [#tpu.dimension_semantics<arbitrary>], iteration_bounds = array<i64: 10>, scalar_prefetch = 0 : i64, scratch_operands = 0 : i64, tpu.core_type = #tpu.core_type<tc>, window_params = [{transform_indices = @transform_0, window_bounds = array<i64: 2, 1024, 64>}, {transform_indices = @transform_1, window_bounds = array<i64: 1024, 1>}, {pipeline_mode = #tpu.pipeline_mode<synchronous>, transform_indices = @transform_2, window_bounds = array<i64: 1, 128>}, {pipeline_mode = #tpu.pipeline_mode<synchronous>, transform_indices = @transform_3, window_bounds = array<i64: 128, 1>}, {transform_indices = @transform_4, window_bounds = array<i64: 1024, 1>}]} {
    %get3A = arith.constant 0 : index
    %get3A_0 = arith.constant 0 : index
    %get3A_1 = arith.constant 0 : index
    %get3A_2 = vector.load %arg1[%get3A, %get3A_0, %get3A_1] : memref<2x1024x64xf32, #tpu.memory_space<vmem>>, vector<2x1024x64xf32>
    %get3A_3 = arith.constant 0 : index
    %get3A_4 = arith.constant 0 : index
    %get3A_5 = vector.load %arg2[%get3A_3, %get3A_4] : memref<1024x1xf32, #tpu.memory_space<vmem>>, vector<1024x1xf32>
    %slice3A = vector.extract_strided_slice %get3A_2 {offsets = [0, 0, 0], sizes = [1, 1024, 64], strides = [1, 1, 1]} : vector<2x1024x64xf32> to vector<1x1024x64xf32>
    %squeeze3A = vector.shape_cast %slice3A : vector<1x1024x64xf32> to vector<1024x64xf32>
    %mul3A = vector.broadcast %get3A_5 : vector<1024x1xf32> to vector<1024x64xf32>
    %mul3A_6 = arith.mulf %squeeze3A, %mul3A : vector<1024x64xf32>
    %get3A_7 = arith.constant 0 : index
    %get3A_8 = arith.constant 0 : index
    %get3A_9 = vector.load %arg3[%get3A_7, %get3A_8] : memref<1x128xf32, #tpu.memory_space<vmem>>, vector<1x64xf32>
    %add3A = vector.broadcast %get3A_9 : vector<1x64xf32> to vector<1024x64xf32>
    %add3A_10 = arith.addf %mul3A_6, %add3A : vector<1024x64xf32>
    %max3A = arith.constant 0.000000e+00 : f32
    %max3A_11 = vector.broadcast %max3A : f32 to vector<1024x64xf32>
    %max3A_12 = arith.maximumf %add3A_10, %max3A_11 : vector<1024x64xf32>
    %slice3A_13 = vector.extract_strided_slice %get3A_2 {offsets = [1, 0, 0], sizes = [1, 1024, 64], strides = [1, 1, 1]} : vector<2x1024x64xf32> to vector<1x1024x64xf32>
    %squeeze3A_14 = vector.shape_cast %slice3A_13 : vector<1x1024x64xf32> to vector<1024x64xf32>
    %mul3A_15 = vector.broadcast %get3A_5 : vector<1024x1xf32> to vector<1024x64xf32>
    %mul3A_16 = arith.mulf %squeeze3A_14, %mul3A_15 : vector<1024x64xf32>
    %get3A_17 = arith.constant 0 : index
    %get3A_18 = arith.constant 64 : index
    %get3A_19 = vector.load %arg3[%get3A_17, %get3A_18] : memref<1x128xf32, #tpu.memory_space<vmem>>, vector<1x64xf32>
    %add3A_20 = vector.broadcast %get3A_19 : vector<1x64xf32> to vector<1024x64xf32>
    %add3A_21 = arith.addf %mul3A_16, %add3A_20 : vector<1024x64xf32>
    %max3A_22 = arith.constant 0.000000e+00 : f32
    %max3A_23 = vector.broadcast %max3A_22 : f32 to vector<1024x64xf32>
    %max3A_24 = arith.maximumf %add3A_21, %max3A_23 : vector<1024x64xf32>
    %get3A_25 = arith.constant 0 : index
    %get3A_26 = arith.constant 0 : index
    %get3A_27 = vector.load %arg4[%get3A_25, %get3A_26] : memref<128x1xf32, #tpu.memory_space<vmem>>, vector<128x1xf32>
    %slice3A_28 = vector.extract_strided_slice %get3A_27 {offsets = [0, 0], sizes = [64, 1], strides = [1, 1]} : vector<128x1xf32> to vector<64x1xf32>
    %dot_general3A = arith.constant dense<0.000000e+00> : vector<1024x1xf32>
    %dot_general3A_29 = tpu.matmul %max3A_12, %slice3A_28, %dot_general3A {dimension_numbers = #tpu.dot_dimension_numbers<[1], [0], [0], [1], [0, 0, 1, 1], [], []>, transpose_lhs_hint = false} : vector<1024x64xf32>, vector<64x1xf32>, vector<1024x1xf32> -> vector<1024x1xf32>
    %slice3A_30 = vector.extract_strided_slice %get3A_27 {offsets = [64, 0], sizes = [64, 1], strides = [1, 1]} : vector<128x1xf32> to vector<64x1xf32>
    %dot_general3A_31 = arith.constant dense<0.000000e+00> : vector<1024x1xf32>
    %dot_general3A_32 = tpu.matmul %max3A_24, %slice3A_30, %dot_general3A_31 {dimension_numbers = #tpu.dot_dimension_numbers<[1], [0], [0], [1], [0, 0, 1, 1], [], []>, transpose_lhs_hint = false} : vector<1024x64xf32>, vector<64x1xf32>, vector<1024x1xf32> -> vector<1024x1xf32>
    %add3A_33 = arith.addf %dot_general3A_29, %dot_general3A_32 : vector<1024x1xf32>
    %mul3A_34 = arith.mulf %add3A_33, %get3A_5 : vector<1024x1xf32>
    %swap3A = arith.constant 0 : index
    %swap3A_35 = arith.constant 0 : index
    %swap3A_36 = vector.load %arg5[%swap3A, %swap3A_35] : memref<1024x1xf32, #tpu.memory_space<vmem>>, vector<1024x1xf32>
    tpu.vector_store %arg5[%swap3A, %swap3A_35], %mul3A_34 {strides = array<i32>} : memref<1024x1xf32, #tpu.memory_space<vmem>>, vector<1024x1xf32>,
    return
  }
  func.func @transform_0(%arg0: i32) -> (i32, i32, i32) {
    %c0_i32 = arith.constant 0 : i32
    %c0_i32_0 = arith.constant 0 : i32
    %c0_i32_1 = arith.constant 0 : i32
    return %c0_i32, %arg0, %c0_i32_0 : i32, i32, i32
  }
  func.func @transform_1(%arg0: i32) -> (i32, i32) {
    %c0_i32 = arith.constant 0 : i32
    %c0_i32_0 = arith.constant 0 : i32
    return %arg0, %c0_i32 : i32, i32
  }
  func.func @transform_2(%arg0: i32) -> (i32, i32) {
    %c0_i32 = arith.constant 0 : i32
    %c0_i32_0 = arith.constant 0 : i32
    %c0_i32_1 = arith.constant 0 : i32
    return %c0_i32, %c0_i32_0 : i32, i32
  }
  func.func @transform_3(%arg0: i32) -> (i32, i32) {
    %c0_i32 = arith.constant 0 : i32
    %c0_i32_0 = arith.constant 0 : i32
    %c0_i32_1 = arith.constant 0 : i32
    return %c0_i32, %c0_i32_0 : i32, i32
  }
  func.func @transform_4(%arg0: i32) -> (i32, i32) {
    %c0_i32 = arith.constant 0 : i32
    %c0_i32_0 = arith.constant 0 : i32
    return %arg0, %c0_i32 : i32, i32
  }
}

</mosaic_0001>

<sc_bundles>
// kernel: kernel.10.cloned.1.call-start
scs
__scs_entry_jumppad:
0x0: {  	(pc) =	sbr.rel $0x88, $3  }
0x1: {  	(tag) =	ssettag $0x0;
	lr =	simm.s32 $0x1  }
0x2: {  	[smem:$0x3F9B] =	sst lr;
	_ =	strace $0xD0000000  }
0x3: {  	_ = 	snop  }
0x4: {  	_ = 	snop  }
0x5: {  	_ = 	snop  }
0x6: {  	_ = 	snop  }
0x7: {  	_ = 	snop  }
__scs_overlays_trampoline_lowered:
0x8: {  	[smem:$0x3FAA] =	sst s0  }
0x9: {  	[smem:$0x3FAB] =	sst s1  }
0xa: {  	[smem:$0x3FAC] =	sst s2  }
0xb: {  	[smem:$0x3FAD] =	sst s3  }
0xc: {  	[smem:$0x3FAE] =	sst s4  }
0xd: {  	[smem:$0x3FAF] =	sst s5  }
0xe: {  	[smem:$0x3FB0] =	sst s6  }
0xf: {  	[smem:$0x3FB1] =	sst s7  }
0x10: {  	[smem:$0x3FB2] =	sst s8  }
0x11: {  	[smem:$0x3FB3] =	sst s9;
	s0 =	simm.s32 @!p0 $0x0  }
0x12: {  	s1 =	sld [smem:$0x3F99];
	s0 =	simm.s32 @p0 $0x1  }
0x13: {  	[smem:$0x3FB4] =	sst s0;
	s0 =	simm.s32 @!p1 $0x0  }
0x14: {  	s2 =	sld [smem:$0x3F98];
	s0 =	simm.s32 @p1 $0x1  }
0x15: {  	[smem:$0x3FB5] =	sst s0;
	s0 =	simm.s32 @!p2 $0x0  }
0x16: {  	s3 =	sld [smem:$0x3FDB];
	s0 =	simm.s32 @p2 $0x1  }
0x17: {  	s4 =	simm.s32 $0x1BF5;
	[smem:$0x3FB7] =	sst s0  }
0x18: {  	s0 =	sld [smem:$0x3F9A];
	_ =	swait.ge [sflag:s4], $0x0  }
0x19: {  	s7 =	sld [smem:$0x3F9B]  }
0x1a: {  	s8 =	sadd.s32 $0xFFFFE003, lr  }
0x1b: {  	s9 =	sadd.s32 $0xFFFFFEF7, lr;
	s5 =	simm.s32 $0xFFFFFFFF;
	p2 =	slt.u32 s8, $0xFFFFF086  }
0x1c: {  	p1 =	slt.u32 s9, $0xF7A;
	s5 =	simm.s32 @!p2 $0x0  }
0x1d: {  	s5 =	simm.s32 @p1 $0x1;
	p0 =	seq.s32 s7, s2  }
0x1e: {  	s7 =	smul.u32 @!p0 $0xF7A, s2;
	p2 =	seq.s32 @!p0 s5, $0x0  }
0x1f: {  	s9 =	smul.u32 $0xF7A, s1;
	s8 =	simm.s32 @!p0 $0x1BF5;
	p2 =	por !p2, p0  }
0x20: {  	[sflag:s8] =	ssyncset.s32 @!p0 $0xFFFFF086;
	s6 =	sadd.s32 @!p0 s3, s7;
	s7 =	simm.s32 @!p0 $0x108  }
0x21: {  	s3 =	sadd.s32 s3, s9;
	s6 =	sadd.s32 @!p0 $0x88, s6;
	s7 =	simm.s32 @p2 $0x1082  }
0x22: {  	[simem:s7], [sflag:s8] =	dma.local @!p0 [hbm:s6], $0xF7A  }
0x23: {  	s9 =	sor.u32 $0xD0000000, s2;
	s6 =	simm.s32 $0x108;
	_ =	swait.ge @!p0 [sflag:s8], $0x0  }
0x24: {  	s3 =	sadd.s32 $0x88, s3;
	s6 =	simm.s32 @!p1 $0x1082;
	[sflag:s4] =	ssyncset.s32 $0xFFFFF086  }
0x25: {  	[simem:s6], [sflag:s4] =	dma.local [hbm:s3], $0xF7A  }
0x26: {  	[smem:$0x3F9B] =	sst s1;
	(tag) =	ssettag s2;
	_ =	strace s9  }
0x27: {  	s1 =	sld [smem:$0x3FAB]  }
0x28: {  	s2 =	sld [smem:$0x3FAC]  }
0x29: {  	s4 =	sld [smem:$0x3FAE]  }
0x2a: {  	p0 =	seq.s32 s5, $0x0;
	s5 =	sld [smem:$0x3FAF]  }
0x2b: {  	s6 =	sld [smem:$0x3FB0]  }
0x2c: {  	s7 =	sld [smem:$0x3FB1]  }
0x2d: {  	s3 =	simm.s32 $0x108;
	s8 =	sld [smem:$0x3FB2]  }
0x2e: {  	s3 =	simm.s32 @!p0 $0x1082;
	s9 =	sld [smem:$0x3FB3]  }
0x2f: {  	lr =	sadd.s32 s0, s3;
	s0 =	sld [smem:$0x3FAA]  }
0x30: {  	s3 =	sld [smem:$0x3FAD]  }
0x31: {  	[smem:$0x3FB6] =	sst s10  }
0x32: {  	s10 =	sld [smem:$0x3FB4];
	_ =	sdelay $0x3  }
0x33: {  	p0 =	seq.s32 s10, $0x1;
	s10 =	sld [smem:$0x3FB6];
	_ =	sdelay $0x3  }
0x34: {  	[smem:$0x3FB6] =	sst s10  }
0x35: {  	s10 =	sld [smem:$0x3FB5];
	_ =	sdelay $0x3  }
0x36: {  	p1 =	seq.s32 s10, $0x1;
	s10 =	sld [smem:$0x3FB6];
	_ =	sdelay $0x3  }
0x37: {  	[smem:$0x3FB6] =	sst s10  }
0x38: {  	s10 =	sld [smem:$0x3FB7]  }
0x39: {  	_ = 	snop;
	(pc) =	sbr.ind lr, $3  }
0x3a: {  	_ = 	snop  }
0x3b: {  	_ = 	snop  }
0x3c: {  	p2 =	seq.s32 s10, $0x1;
	s10 =	sld [smem:$0x3FB6]  }
0x3d: {  	_ =	shalt  }
0x3e: {  	_ =	shalt  }
0x3f: {  	_ =	shalt  }
0x40: {  	_ =	shalt  }
0x41: {  	_ =	shalt  }
0x42: {  	_ =	shalt  }
0x43: {  	_ =	shalt  }
0x44: {  	_ =	shalt  }
0x45: {  	_ =	shalt  }
0x46: {  	_ =	shalt  }
0x47: {  	_ =	shalt  }
0x48: {  	_ =	shalt  }
0x49: {  	_ =	shalt  }
0x4a: {  	_ =	shalt  }
0x4b: {  	_ =	shalt  }
0x4c: {  	_ =	shalt  }
0x4d: {  	_ =	shalt  }
0x4e: {  	_ =	shalt  }
0x4f: {  	_ =	shalt  }
0x50: {  	_ =	shalt  }
0x51: {  	_ =	shalt  }
0x52: {  	_ =	shalt  }
0x53: {  	_ =	shalt  }
0x54: {  	_ =	shalt  }
0x55: {  	_ =	shalt  }
0x56: {  	_ =	shalt  }
0x57: {  	_ =	shalt  }
0x58: {  	_ =	shalt  }
0x59: {  	_ =	shalt  }
0x5a: {  	_ =	shalt  }
0x5b: {  	_ =	shalt  }
0x5c: {  	_ =	shalt  }
0x5d: {  	_ =	shalt  }
0x5e: {  	_ =	shalt  }
0x5f: {  	_ =	shalt  }
0x60: {  	_ =	shalt  }
0x61: {  	_ =	shalt  }
0x62: {  	_ =	shalt  }
0x63: {  	_ =	shalt  }
0x64: {  	_ =	shalt  }
0x65: {  	_ =	shalt  }
0x66: {  	_ =	shalt  }
0x67: {  	_ =	shalt  }
0x68: {  	_ =	shalt  }
0x69: {  	_ =	shalt  }
0x6a: {  	_ =	shalt  }
0x6b: {  	_ =	shalt  }
0x6c: {  	_ =	shalt  }
0x6d: {  	_ =	shalt  }
0x6e: {  	_ =	shalt  }
0x6f: {  	_ =	shalt  }
0x70: {  	_ =	shalt  }
0x71: {  	_ =	shalt  }
0x72: {  	_ =	shalt  }
0x73: {  	_ =	shalt  }
0x74: {  	_ =	shalt  }
0x75: {  	_ =	shalt  }
0x76: {  	_ =	shalt  }
0x77: {  	_ =	shalt  }
0x78: {  	_ =	shalt  }
0x79: {  	_ =	shalt  }
0x7a: {  	_ =	shalt  }
0x7b: {  	_ =	shalt  }
0x7c: {  	_ =	shalt  }
0x7d: {  	_ =	shalt  }
0x7e: {  	_ =	shalt  }
0x7f: {  	_ =	shalt  }
0x80: {  	_ =	shalt  }
0x81: {  	_ =	shalt  }
0x82: {  	_ =	shalt  }
0x83: {  	_ =	shalt  }
0x84: {  	_ =	shalt  }
0x85: {  	_ =	shalt  }
0x86: {  	_ =	shalt  }
0x87: {  	_ =	shalt  }
.Lfunc_end0:
.L_simem_size_0:
called_computation.1_lowered:
.L_overlay_start_0:
0x88: {  	s2 =	sld [smem:$0x3FD9]  }
0x89: {  	s3 =	sld [smem:$0x3FFE];
	_ =	sdelay $0x1  }
0x8a: {  	s1 =	srdreg.scid  }
0x8b: {  	s0 =	sand.u32 $0x1, s1  }
0x8c: {  	s16 =	sshll.u32 s0, $0xA;
	s2 =	sadd.s32 s3, s2  }
0x8d: {  	s2 =	sadd.s32 s2, s16  }
0x8e: {  	[smem:$0x3FC2] =	sst s2  }
0x8f: {  	_ = 	snop  }
0x90: {  	(tm) =	ssettm $0x1  }
0x91: {  	s17 =	sld [smem:$0x3FFB];
	_ =	sdelay $0x3  }
0x92: {  	_ =	strace s17  }
0x93: {  	s2 =	sld [smem:$0x3FFC];
	_ =	sdelay $0x3  }
0x94: {  	_ =	strace s2  }
0x95: {  	s2 =	sld [smem:$0x3FFD];
	_ =	sdelay $0x3  }
0x96: {  	_ =	strace s2  }
0x97: {  	_ =	strace $0x8FFFFFFF  }
0x98: {  	s18 =	sld [smem:$0x3FDB];
	_ =	sdelay $0x1  }
0x99: {  	s19 =	simm.s32 $_scs_section_size  }
0x9a: {  	s4 =	simm.s32 $_size__tile_overlayer_lowered;
	s5 =	simm.s32 $_tile_overlayer_lowered  }
0x9b: {  	s22 =	simm.s32 $0x1BFF;
	s21 =	sshll.u32 s5, $0x1;
	s2 =	sadd.s32 s19, s18  }
0x9c: {  	s6 =	simm.s32 $0x0;
	s20 =	sshll.u32 s4, $0x1;
	s4 =	sadd.s32 s21, s2  }
0x9d: {  	[timem:s6], [sflag:s22] =	dma.local [hbm:s4], s20  }
0x9e: {  	_ =	swait.ge [sflag:s22], s20  }
0x9f: {  	s3 =	ssub.s32 $0x0, s20;
	[sflag:s22] =	ssyncset.done $0x0  }
0xa0: {  	[sflag:s22] =	ssyncadd.s32 s3;
	_ =	sdelay $0x1  }
0xa1: {  	s23 =	simm.s32 $0x1B8B  }
0xa2: {  	_ =	swait.ge [sflag:s23], $0x1  }
0xa3: {  	[sflag:s23] =	ssyncset.done $0x0  }
0xa4: {  	s25 =	simm.s32 $0x1B8E;
	s24 =	sld [smem:$0x3FFE];
	[sflag:s23] =	ssyncadd.s32 $0xFFFFFFFF  }
0xa5: {  	s26 =	simm.s32 $execute0_lowered;
	[smem:$0x3FD2] =	sst s25  }
0xa6: {  	s4 =	sshll.u32 s26, $0x1;
	_ =	strace $0x80000049;
	[dreg:$0x1] =	wrdreg $0xFFFFFFFF  }
0xa7: {  	s28 =	simm.s32 $_size_execute0_lowered;
	s2 =	sadd.s32 s2, s4;
	[dreg:$0x0] =	wrdreg $0x0  }
0xa8: {  	s4 =	sshll.u32 s28, $0x1;
	[dreg:$0x2] =	wrdreg s2  }
0xa9: {  	[dreg:$0x3] =	wrdreg s4  }
0xaa: {  	[dreg:$0x4] =	wrdreg $0xC0  }
0xab: {  	_ =	task [dreg:s6], $0x5FFFF  }
0xac: {  	[dreg:$0x1] =	wrdreg $0xFFFFFFFF  }
0xad: {  	[dreg:$0x0] =	wrdreg $0x60  }
0xae: {  	[dreg:$0x2] =	wrdreg s24  }
0xaf: {  	[dreg:$0x3] =	wrdreg $0xA8000  }
0xb0: {  	[dreg:$0x4] =	wrdreg $0x148000  }
0xb1: {  	[dreg:$0x5] =	wrdreg $0x9  }
0xb2: {  	_ =	task.clear_ibuf [dreg:s6], $0x6FFFF;
	_ =	strace $0x90000049  }
0xb3: {  	s29 =	simm.s32 $0x9;
	_ =	strace $0x8000004B  }
0xb4: {  	_ =	swait.ge [sflag:s29], $0x1  }
0xb5: {  	[sflag:s29] =	ssyncadd.s32 $0xFFFFFFFF  }
0xb6: {  	_ =	strace $0x9000004B  }
0xb7: {  	_ =	sfence  }
0xb8: {  	s30 =	sld [smem:$0x0];
	_ =	sdelay $0x2  }
0xb9: {  	s31 =	sshll.u32 s1, $0xD;
	s1 =	sshrl.u32 s1, $0x2  }
0xba: {  	s3 =	sand.u32 $0x4000, s31;
	s1 =	sadd.s32 s1, s30  }
0xbb: {  	s0 =	sor.u32 s3, s0;
	s1 =	sshll.u32 s1, $0x11  }
0xbc: {  	s0 =	sor.u32 s1, s0  }
0xbd: {  	s0 =	sadd.s32 $0x8F2B, s0  }
0xbe: {  	[sflag:s0] =	ssyncadd.remote.s32 $0x1  }
0xbf: {  	_ =	sfence.sel $0xFFFF  }
0xc0: {  	[dreg:$0x0] =	wrdreg $0xFFFFFFFF;
	(pc) =	sbr.abs _section_cstart, $3  }
0xc1: {  	[dreg:$0x1] =	wrdreg $0xFFFFFFFF  }
0xc2: {  	_ =	task.clear_ibuf [dreg:s6], $0x2FFFF;
	_ =	strace $0x9FFFFFFF  }
0xc3: {  	(tm) =	ssettm $0x7FFFFFFF  }
tec
execute0_lowered:
.L_overlay_start_1:
0x0: {  	(tag) =	ssettag $0x1  }
0x1: {  	s0 =	rddreg [dreg:$0x0]  }
0x2: {  	s2 =	rddreg [dreg:$0x1]  }
0x3: {  	s12 =	stileid.u32;
	s3 =	rddreg [dreg:$0x2]  }
0x4: {  	s4 =	simm.s32 $0x0;
	s10 =	srdreg.scid;
	s1 =	smul.u32 $0x5000, s12  }
0x5: {  	s28 =	simm.s32 $0x5;
	s30 =	simm.s32 $0x4;
	[smem:$0x7FF] =	sst s4  }
0x6: {  	s5 =	sadd.s32 $0xB000, s0;
	s7 =	sadd.s32 $0x600, s0;
	s6 =	sshrl.u32 s1, $0x3  }
0x7: {  	s10 =	sand.u32 $0x1, s10;
	_ =	strace $0x8000004A;
	s1 =	sadd.s32 s5, s6  }
0x8: {  	s18 =	sadd.s32 s7, s6;
	s8 =	sor.u32 $0x140, s6;
	[dreg:$0x4] =	wrdreg s1  }
0x9: {  	s12 =	smul.u32 $0xA000, s12;
	[dreg:$0x5] =	wrdreg s18;
	s19 =	sadd.s32 s5, s8  }
0xa: {  	s9 =	sadd.s32 $0x280, s6;
	s8 =	sadd.s32 s7, s8;
	[dreg:$0x6] =	wrdreg s19  }
0xb: {  	s11 =	smul.u32 $0xA0000, s10;
	s20 =	sadd.s32 s5, s9;
	[dreg:$0x7] =	wrdreg s8  }
0xc: {  	s22 =	sadd.s32 $0x3C0, s6;
	s21 =	sadd.s32 s7, s9;
	[dreg:$0x8] =	wrdreg s20  }
0xd: {  	s10 =	ssub.s32 $0x2, s10;
	s23 =	sadd.s32 s5, s22;
	[dreg:$0x9] =	wrdreg s21  }
0xe: {  	s25 =	sadd.s32 $0x500, s6;
	s24 =	sadd.s32 s7, s22;
	[dreg:$0xa] =	wrdreg s23  }
0xf: {  	s31 =	sadd.s32 $0x640, s6;
	s26 =	sadd.s32 s5, s25;
	[dreg:$0xb] =	wrdreg s24  }
0x10: {  	s15 =	sadd.s32 $0x780, s6;
	s29 =	sadd.s32 s7, s25;
	[dreg:$0xc] =	wrdreg s26  }
0x11: {  	s6 =	sadd.s32 $0x8C0, s6;
	s13 =	sadd.s32 s5, s31;
	[dreg:$0xd] =	wrdreg s29  }
0x12: {  	s1 =	sadd.s32 $0x15000, s0;
	s14 =	sadd.s32 s7, s31;
	[dreg:$0xe] =	wrdreg s13  }
0x13: {  	s16 =	sadd.s32 s5, s15;
	s17 =	sadd.s32 s7, s15;
	[dreg:$0xf] =	wrdreg s14  }
0x14: {  	s5 =	sadd.s32 s5, s6;
	s18 =	sadd.s32 s11, s12;
	[dreg:$0x10] =	wrdreg s16  }
0x15: {  	s9 =	sadd.s32 $0x4000, s12;
	s0 =	sadd.s32 $0x3D000, s0;
	[dreg:$0x11] =	wrdreg s17  }
0x16: {  	[dreg:$0x12] =	wrdreg s5;
	s19 =	sadd.s32 s7, s6;
	s20 =	sshrl.u32 s18, $0x3  }
0x17: {  	s7 =	sadd.s32 $0x2000, s12;
	s23 =	sadd.s32 s12, s2;
	s13 =	sadd.s32 s11, s9  }
0x18: {  	s14 =	sadd.s32 $0x6000, s12;
	s15 =	sadd.s32 s9, s2;
	s16 =	sadd.s32 $0x8000, s12  }
0x19: {  	s18 =	sshrl.u32 s10, $0x1;
	[dreg:$0x13] =	wrdreg s19;
	s21 =	sadd.s32 s1, s20  }
0x1a: {  	s22 =	sadd.s32 s11, s7;
	[dreg:$0x15] =	wrdreg s23;
	s25 =	sadd.s32 s7, s2  }
0x1b: {  	s17 =	sshrl.u32 s13, $0x3;
	s29 =	sadd.s32 s11, s14;
	[dreg:$0x19] =	wrdreg s15  }
0x1c: {  	s11 =	sadd.s32 s11, s16;
	s13 =	sadd.s32 s14, s2;
	[dreg:$0x14] =	wrdreg s21  }
0x1d: {  	s19 =	sadd.s32 s16, s2;
	s10 =	ssub.s32 s10, s18;
	[dreg:$0x17] =	wrdreg s25  }
0x1e: {  	s20 =	sadd.s32 s0, s20;
	s18 =	simm.s32 $0x1;
	[dreg:$0x1b] =	wrdreg s13  }
0x1f: {  	s5 =	sshrl.u32 s22, $0x3;
	s26 =	sadd.s32 s1, s17;
	[dreg:$0x1d] =	wrdreg s19  }
0x20: {  	s8 =	sshrl.u32 s29, $0x3;
	s11 =	sshrl.u32 s11, $0x3;
	[dreg:$0x1e] =	wrdreg s20  }
0x21: {  	s21 =	sadd.s32 s12, s3;
	s13 =	smax.u32 s10, $0x1;
	[dreg:$0x18] =	wrdreg s26  }
0x22: {  	s23 =	sadd.s32 s0, s17;
	s29 =	sadd.s32 s14, s3;
	[smem:$0x7F6] =	sst s21  }
0x23: {  	s12 =	simm.s32 $0xA;
	s17 =	simm.s32 $0x4800;
	[smem:$0x7F8] =	sst s23  }
0x24: {  	s20 =	simm.s32 $0x6800;
	s24 =	sadd.s32 s1, s5;
	[smem:$0x7FB] =	sst s29  }
0x25: {  	s14 =	simm.s32 $0x1400;
	s31 =	sadd.s32 s1, s8;
	[dreg:$0x16] =	wrdreg s24  }
0x26: {  	s1 =	sadd.s32 s1, s11;
	s22 =	sadd.s32 s0, s5;
	[dreg:$0x1a] =	wrdreg s31  }
0x27: {  	s25 =	sadd.s32 s0, s8;
	s26 =	sadd.s32 s9, s3;
	[dreg:$0x1c] =	wrdreg s1  }
0x28: {  	s0 =	sadd.s32 s0, s11;
	s11 =	simm.s32 $0x2800;
	[dreg:$0x1f] =	wrdreg s22  }
0x29: {  	s21 =	simm.s32 $0x2;
	s9 =	simm.s32 $0x8;
	[smem:$0x7F9] =	sst s26  }
0x2a: {  	s5 =	simm.s32 $0x9;
	s24 =	sadd.s32 s7, s3;
	[smem:$0x7FA] =	sst s25  }
0x2b: {  	s31 =	sadd.s32 s16, s3;
	[smem:$0x7FD] =	sst s0;
	s16 =	simm.s32 $0x80  }
0x2c: {  	s25 =	simm.s32 $0x3;
	s1 =	simm.s32 $0x6;
	[smem:$0x7F7] =	sst s24  }
0x2d: {  	s7 =	simm.s32 $0x7;
	[smem:$0x7FC] =	sst s31;
	s24 =	simm.s32 $0x8800  }
.LBB2_1:
0x2e: {  	s10 =	rddreg [dreg:$0x14]  }
0x2f: {  	[tilespmem:s11], [sflag:$0xA] =	stream.linear.gather [hbm4b:s10+s4], $0x2000, $0x38;
	[tilespmem:$0x1E800] =	vst v63  }
0x30: {  	_ =	swait.ge [sflag:s12], $0x2000  }
0x31: {  	[sflag:s12] =	ssyncset.done $0x0  }
0x32: {  	s0 =	rddreg [dreg:$0x15];
	[sflag:s12] =	ssyncadd.s32 $0xFFFFE000  }
0x33: {  	[spmem:s0] =	stream.linear.scatter [tilespmem:s11], [sflag:$0xA], $0x2000, $0x38;
	[tilespmem:$0x1E800] =	vst v63  }
0x34: {  	_ =	swait.ge [sflag:s12], $0x2000  }
0x35: {  	s0 =	sld [smem:$0x7F6]  }
0x36: {  	[sflag:s12] =	ssyncset.done $0x0  }
0x37: {  	[sflag:s12] =	ssyncadd.s32 $0xFFFFE000  }
0x38: {  	[spmem:s0] =	stream.linear.scatter [tilespmem:s11], [sflag:$0xA], $0x2000, $0x38;
	[tilespmem:$0x1E800] =	vst v63  }
0x39: {  	_ =	swait.ge [sflag:s12], $0x2000  }
0x3a: {  	[sflag:s12] =	ssyncset.done $0x0  }
0x3b: {  	s6 =	rddreg [dreg:$0x16];
	[sflag:s12] =	ssyncadd.s32 $0xFFFFE000  }
0x3c: {  	[tilespmem:s11], [sflag:$0xA] =	stream.linear.gather [hbm4b:s6+s4], $0x2000, $0x38;
	[tilespmem:$0x1E800] =	vst v63  }
0x3d: {  	_ =	swait.ge [sflag:s12], $0x2000  }
0x3e: {  	[sflag:s12] =	ssyncset.done $0x0  }
0x3f: {  	s8 =	rddreg [dreg:$0x17];
	[sflag:s12] =	ssyncadd.s32 $0xFFFFE000  }
0x40: {  	[spmem:s8] =	stream.linear.scatter [tilespmem:s11], [sflag:$0xA], $0x2000, $0x38;
	[tilespmem:$0x1E800] =	vst v63  }
0x41: {  	_ =	swait.ge [sflag:s12], $0x2000  }
0x42: {  	s15 =	sld [smem:$0x7F7]  }
0x43: {  	[sflag:s12] =	ssyncset.done $0x0  }
0x44: {  	[sflag:s12] =	ssyncadd.s32 $0xFFFFE000  }
0x45: {  	[spmem:s15] =	stream.linear.scatter [tilespmem:s11], [sflag:$0xA], $0x2000, $0x38;
	[tilespmem:$0x1E800] =	vst v63  }
0x46: {  	_ =	swait.ge [sflag:s12], $0x2000  }
0x47: {  	[sflag:s12] =	ssyncset.done $0x0  }
0x48: {  	s19 =	rddreg [dreg:$0x18];
	[sflag:s12] =	ssyncadd.s32 $0xFFFFE000  }
0x49: {  	[tilespmem:s11], [sflag:$0xA] =	stream.linear.gather [hbm4b:s19+s4], $0x2000, $0x38;
	[tilespmem:$0x1E800] =	vst v63  }
0x4a: {  	_ =	swait.ge [sflag:s12], $0x2000  }
0x4b: {  	[sflag:s12] =	ssyncset.done $0x0  }
0x4c: {  	s22 =	rddreg [dreg:$0x19];
	[sflag:s12] =	ssyncadd.s32 $0xFFFFE000  }
0x4d: {  	[spmem:s22] =	stream.linear.scatter [tilespmem:s11], [sflag:$0xA], $0x2000, $0x38;
	[tilespmem:$0x1E800] =	vst v63  }
0x4e: {  	_ =	swait.ge [sflag:s12], $0x2000  }
0x4f: {  	s23 =	sld [smem:$0x7F9]  }
0x50: {  	[sflag:s12] =	ssyncset.done $0x0  }
0x51: {  	[sflag:s12] =	ssyncadd.s32 $0xFFFFE000  }
0x52: {  	[spmem:s23] =	stream.linear.scatter [tilespmem:s11], [sflag:$0xA], $0x2000, $0x38;
	[tilespmem:$0x1E800] =	vst v63  }
0x53: {  	_ =	swait.ge [sflag:s12], $0x2000  }
0x54: {  	[sflag:s12] =	ssyncset.done $0x0  }
0x55: {  	s26 =	rddreg [dreg:$0x1a];
	[sflag:s12] =	ssyncadd.s32 $0xFFFFE000  }
0x56: {  	[tilespmem:s11], [sflag:$0xA] =	stream.linear.gather [hbm4b:s26+s4], $0x2000, $0x38;
	[tilespmem:$0x1E800] =	vst v63  }
0x57: {  	_ =	swait.ge [sflag:s12], $0x2000  }
0x58: {  	[sflag:s12] =	ssyncset.done $0x0  }
0x59: {  	s29 =	rddreg [dreg:$0x1b];
	[sflag:s12] =	ssyncadd.s32 $0xFFFFE000  }
0x5a: {  	[spmem:s29] =	stream.linear.scatter [tilespmem:s11], [sflag:$0xA], $0x2000, $0x38;
	[tilespmem:$0x1E800] =	vst v63  }
0x5b: {  	_ =	swait.ge [sflag:s12], $0x2000  }
0x5c: {  	s31 =	sld [smem:$0x7FB]  }
0x5d: {  	[sflag:s12] =	ssyncset.done $0x0  }
0x5e: {  	[sflag:s12] =	ssyncadd.s32 $0xFFFFE000  }
0x5f: {  	[spmem:s31] =	stream.linear.scatter [tilespmem:s11], [sflag:$0xA], $0x2000, $0x38;
	[tilespmem:$0x1E800] =	vst v63  }
0x60: {  	_ =	swait.ge [sflag:s12], $0x2000  }
0x61: {  	[sflag:s12] =	ssyncset.done $0x0  }
0x62: {  	s6 =	rddreg [dreg:$0x1c];
	[sflag:s12] =	ssyncadd.s32 $0xFFFFE000  }
0x63: {  	[tilespmem:s11], [sflag:$0xA] =	stream.linear.gather [hbm4b:s6+s4], $0x2000, $0x38;
	[tilespmem:$0x1E800] =	vst v63  }
0x64: {  	_ =	swait.ge [sflag:s12], $0x2000  }
0x65: {  	[sflag:s12] =	ssyncset.done $0x0  }
0x66: {  	s8 =	rddreg [dreg:$0x1d];
	[sflag:s12] =	ssyncadd.s32 $0xFFFFE000  }
0x67: {  	[spmem:s8] =	stream.linear.scatter [tilespmem:s11], [sflag:$0xA], $0x2000, $0x38;
	[tilespmem:$0x1E800] =	vst v63  }
0x68: {  	_ =	swait.ge [sflag:s12], $0x2000  }
0x69: {  	s15 =	sld [smem:$0x7FC]  }
0x6a: {  	[sflag:s12] =	ssyncset.done $0x0  }
0x6b: {  	[sflag:s12] =	ssyncadd.s32 $0xFFFFE000  }
0x6c: {  	[spmem:s15] =	stream.linear.scatter [tilespmem:s11], [sflag:$0xA], $0x2000, $0x38;
	[tilespmem:$0x1E800] =	vst v63  }
0x6d: {  	_ =	swait.ge [sflag:s12], $0x2000  }
0x6e: {  	[sflag:s12] =	ssyncset.done $0x0  }
0x6f: {  	s19 =	rddreg [dreg:$0x4];
	[sflag:s12] =	ssyncadd.s32 $0xFFFFE000  }
0x70: {  	[tilespmem:s4], [sflag:$0xA] =	stream.linear.gather [hbm4b:s19+s4], $0xA00, $0x38;
	[tilespmem:$0x1E800] =	vst v63  }
0x71: {  	_ =	swait.ge [sflag:s12], $0xA00  }
0x72: {  	[sflag:s12] =	ssyncset.done $0x0  }
0x73: {  	s22 =	rddreg [dreg:$0x5];
	[sflag:s12] =	ssyncadd.s32 $0xFFFFF600  }
0x74: {  	[tilespmem:s14], [sflag:$0xA] =	stream.linear.gather [hbm4b:s22+s4], $0xA00, $0x38;
	[tilespmem:$0x1E800] =	vst v63  }
0x75: {  	_ =	swait.ge [sflag:s12], $0xA00  }
0x76: {  	[sflag:s12] =	ssyncset.done $0x0  }
0x77: {  	[sflag:s12] =	ssyncadd.s32 $0xFFFFF600  }
0x78: {  	[bflag:$0x0] =	sbarrier.arrive $0xFFFF  }
0x79: {  	s26 =	simm.s32 $0xA00;
	s23 =	rddreg [dreg:$0x6]  }
0x7a: {  	[tilespmem:s26], [sflag:$0x9] =	stream.linear.gather [hbm4b:s23+s4], $0xA00, $0x38;
	[tilespmem:$0x1E800] =	vst v63  }
0x7b: {  	s29 =	simm.s32 $0x1E00;
	s22 =	rddreg [dreg:$0x7]  }
0x7c: {  	[tilespmem:s29], [sflag:$0x9] =	stream.linear.gather [hbm4b:s22+s4], $0xA00, $0x38;
	[tilespmem:$0x1E800] =	vst v63  }
0x7d: {  	_ = 	snop  }
0x7e: {  	[tilespmem:s11], [sflag:$0x1] =	stream.indirect.gather [spmem:s2], $0x40, s4, s16, $0xb8;
	[tilespmem:$0x1E800] =	vst v63  }
0x7f: {  	_ = 	snop  }
0x80: {  	[tilespmem:s17], [sflag:$0x2] =	stream.indirect.gather [spmem:s2], $0x40, s16, s16, $0xb8;
	[tilespmem:$0x1E800] =	vst v63  }
0x81: {  	_ =	swait.ge [sflag:s18], $0x2000  }
0x82: {  	[sflag:s18] =	ssyncset.done $0x0  }
0x83: {  	[sflag:s18] =	ssyncadd.s32 $0xFFFFE000  }
0x84: {  	[spmem:s3] =	stream.indirect.scatter.add.f32 [tilespmem:s11], [sflag:$0x5], $0x40, s14, s16, $0xb8;
	[tilespmem:$0x1E800] =	vst v63  }
0x85: {  	s31 =	simm.s32 $0x100  }
0x86: {  	[tilespmem:s20], [sflag:$0x3] =	stream.indirect.gather [spmem:s2], $0x40, s31, s16, $0xb8;
	[tilespmem:$0x1E800] =	vst v63  }
0x87: {  	_ =	swait.ge [sflag:s21], $0x2000  }
0x88: {  	[sflag:s21] =	ssyncset.done $0x0  }
0x89: {  	s6 =	simm.s32 $0x1480;
	[sflag:s21] =	ssyncadd.s32 $0xFFFFE000  }
0x8a: {  	[spmem:s3] =	stream.indirect.scatter.add.f32 [tilespmem:s17], [sflag:$0x6], $0x40, s6, s16, $0xb8;
	[tilespmem:$0x1E800] =	vst v63  }
0x8b: {  	s10 =	simm.s32 $0x180  }
0x8c: {  	[tilespmem:s24], [sflag:$0x4] =	stream.indirect.gather [spmem:s2], $0x40, s10, s16, $0xb8;
	[tilespmem:$0x1E800] =	vst v63  }
0x8d: {  	_ =	swait.ge [sflag:s25], $0x2000  }
0x8e: {  	[sflag:s25] =	ssyncset.done $0x0  }
0x8f: {  	s15 =	simm.s32 $0x1500;
	[sflag:s25] =	ssyncadd.s32 $0xFFFFE000  }
0x90: {  	[spmem:s3] =	stream.indirect.scatter.add.f32 [tilespmem:s20], [sflag:$0x7], $0x40, s15, s16, $0xb8;
	[tilespmem:$0x1E800] =	vst v63  }
0x91: {  	_ =	swait.ge [sflag:s28], $0x2000  }
0x92: {  	[sflag:s28] =	ssyncset.done $0x0  }
0x93: {  	s19 =	simm.s32 $0x200;
	[sflag:s28] =	ssyncadd.s32 $0xFFFFE000  }
0x94: {  	[tilespmem:s11], [sflag:$0x1] =	stream.indirect.gather [spmem:s2], $0x40, s19, s16, $0xb8;
	[tilespmem:$0x1E800] =	vst v63  }
0x95: {  	_ =	swait.ge [sflag:s30], $0x2000  }
0x96: {  	[sflag:s30] =	ssyncset.done $0x0  }
0x97: {  	s22 =	simm.s32 $0x1580;
	[sflag:s30] =	ssyncadd.s32 $0xFFFFE000  }
0x98: {  	[spmem:s3] =	stream.indirect.scatter.add.f32 [tilespmem:s24], [sflag:$0x8], $0x40, s22, s16, $0xb8;
	[tilespmem:$0x1E800] =	vst v63  }
0x99: {  	_ =	swait.ge [sflag:s1], $0x2000  }
0x9a: {  	[sflag:s1] =	ssyncset.done $0x0  }
0x9b: {  	s23 =	simm.s32 $0x280;
	[sflag:s1] =	ssyncadd.s32 $0xFFFFE000  }
0x9c: {  	[tilespmem:s17], [sflag:$0x2] =	stream.indirect.gather [spmem:s2], $0x40, s23, s16, $0xb8;
	[tilespmem:$0x1E800] =	vst v63  }
0x9d: {  	_ =	swait.ge [sflag:s18], $0x2000  }
0x9e: {  	[sflag:s18] =	ssyncset.done $0x0  }
0x9f: {  	s26 =	simm.s32 $0x1600;
	[sflag:s18] =	ssyncadd.s32 $0xFFFFE000  }
0xa0: {  	[spmem:s3] =	stream.indirect.scatter.add.f32 [tilespmem:s11], [sflag:$0x5], $0x40, s26, s16, $0xb8;
	[tilespmem:$0x1E800] =	vst v63  }
0xa1: {  	_ =	swait.ge [sflag:s7], $0x2000  }
0xa2: {  	[sflag:s7] =	ssyncset.done $0x0  }
0xa3: {  	s29 =	simm.s32 $0x300;
	[sflag:s7] =	ssyncadd.s32 $0xFFFFE000  }
0xa4: {  	[tilespmem:s20], [sflag:$0x3] =	stream.indirect.gather [spmem:s2], $0x40, s29, s16, $0xb8;
	[tilespmem:$0x1E800] =	vst v63  }
0xa5: {  	_ =	swait.ge [sflag:s21], $0x2000  }
0xa6: {  	[sflag:s21] =	ssyncset.done $0x0  }
0xa7: {  	s31 =	simm.s32 $0x1680;
	[sflag:s21] =	ssyncadd.s32 $0xFFFFE000  }
0xa8: {  	[spmem:s3] =	stream.indirect.scatter.add.f32 [tilespmem:s17], [sflag:$0x6], $0x40, s31, s16, $0xb8;
	[tilespmem:$0x1E800] =	vst v63  }
0xa9: {  	_ =	swait.ge [sflag:s9], $0x2000  }
0xaa: {  	[sflag:s9] =	ssyncset.done $0x0  }
0xab: {  	s6 =	simm.s32 $0x380;
	[sflag:s9] =	ssyncadd.s32 $0xFFFFE000  }
0xac: {  	[tilespmem:s24], [sflag:$0x4] =	stream.indirect.gather [spmem:s2], $0x40, s6, s16, $0xb8;
	[tilespmem:$0x1E800] =	vst v63  }
0xad: {  	_ =	swait.ge [sflag:s25], $0x2000  }
0xae: {  	[sflag:s25] =	ssyncset.done $0x0  }
0xaf: {  	s10 =	simm.s32 $0x1700;
	[sflag:s25] =	ssyncadd.s32 $0xFFFFE000  }
0xb0: {  	[spmem:s3] =	stream.indirect.scatter.add.f32 [tilespmem:s20], [sflag:$0x7], $0x40, s10, s16, $0xb8;
	[tilespmem:$0x1E800] =	vst v63  }
0xb1: {  	_ =	swait.ge [sflag:s28], $0x2000  }
0xb2: {  	[sflag:s28] =	ssyncset.done $0x0  }
0xb3: {  	s15 =	simm.s32 $0x400;
	[sflag:s28] =	ssyncadd.s32 $0xFFFFE000  }
0xb4: {  	[tilespmem:s11], [sflag:$0x1] =	stream.indirect.gather [spmem:s2], $0x40, s15, s16, $0xb8;
	[tilespmem:$0x1E800] =	vst v63  }
0xb5: {  	_ =	swait.ge [sflag:s30], $0x2000  }
0xb6: {  	[sflag:s30] =	ssyncset.done $0x0  }
0xb7: {  	s19 =	simm.s32 $0x1780;
	[sflag:s30] =	ssyncadd.s32 $0xFFFFE000  }
0xb8: {  	[spmem:s3] =	stream.indirect.scatter.add.f32 [tilespmem:s24], [sflag:$0x8], $0x40, s19, s16, $0xb8;
	[tilespmem:$0x1E800] =	vst v63  }
0xb9: {  	_ =	swait.ge [sflag:s1], $0x2000  }
0xba: {  	[sflag:s1] =	ssyncset.done $0x0  }
0xbb: {  	s22 =	simm.s32 $0x480;
	[sflag:s1] =	ssyncadd.s32 $0xFFFFE000  }
0xbc: {  	[tilespmem:s17], [sflag:$0x2] =	stream.indirect.gather [spmem:s2], $0x40, s22, s16, $0xb8;
	[tilespmem:$0x1E800] =	vst v63  }
0xbd: {  	_ =	swait.ge [sflag:s18], $0x2000  }
0xbe: {  	[sflag:s18] =	ssyncset.done $0x0  }
0xbf: {  	s23 =	simm.s32 $0x1800;
	[sflag:s18] =	ssyncadd.s32 $0xFFFFE000  }
0xc0: {  	[spmem:s3] =	stream.indirect.scatter.add.f32 [tilespmem:s11], [sflag:$0x5], $0x40, s23, s16, $0xb8;
	[tilespmem:$0x1E800] =	vst v63  }
0xc1: {  	_ =	swait.ge [sflag:s7], $0x2000  }
0xc2: {  	[sflag:s7] =	ssyncset.done $0x0  }
0xc3: {  	s26 =	simm.s32 $0x500;
	[sflag:s7] =	ssyncadd.s32 $0xFFFFE000  }
0xc4: {  	[tilespmem:s20], [sflag:$0x3] =	stream.indirect.gather [spmem:s2], $0x40, s26, s16, $0xb8;
	[tilespmem:$0x1E800] =	vst v63  }
0xc5: {  	_ =	swait.ge [sflag:s21], $0x2000  }
0xc6: {  	[sflag:s21] =	ssyncset.done $0x0  }
0xc7: {  	s29 =	simm.s32 $0x1880;
	[sflag:s21] =	ssyncadd.s32 $0xFFFFE000  }
0xc8: {  	[spmem:s3] =	stream.indirect.scatter.add.f32 [tilespmem:s17], [sflag:$0x6], $0x40, s29, s16, $0xb8;
	[tilespmem:$0x1E800] =	vst v63  }
0xc9: {  	_ =	swait.ge [sflag:s9], $0x2000  }
0xca: {  	[sflag:s9] =	ssyncset.done $0x0  }
0xcb: {  	s31 =	simm.s32 $0x580;
	[sflag:s9] =	ssyncadd.s32 $0xFFFFE000  }
0xcc: {  	[tilespmem:s24], [sflag:$0x4] =	stream.indirect.gather [spmem:s2], $0x40, s31, s16, $0xb8;
	[tilespmem:$0x1E800] =	vst v63  }
0xcd: {  	_ =	swait.ge [sflag:s25], $0x2000  }
0xce: {  	[sflag:s25] =	ssyncset.done $0x0  }
0xcf: {  	s6 =	simm.s32 $0x1900;
	[sflag:s25] =	ssyncadd.s32 $0xFFFFE000  }
0xd0: {  	[spmem:s3] =	stream.indirect.scatter.add.f32 [tilespmem:s20], [sflag:$0x7], $0x40, s6, s16, $0xb8;
	[tilespmem:$0x1E800] =	vst v63  }
0xd1: {  	_ =	swait.ge [sflag:s28], $0x2000  }
0xd2: {  	[sflag:s28] =	ssyncset.done $0x0  }
0xd3: {  	s10 =	simm.s32 $0x600;
	[sflag:s28] =	ssyncadd.s32 $0xFFFFE000  }
0xd4: {  	[tilespmem:s11], [sflag:$0x1] =	stream.indirect.gather [spmem:s2], $0x40, s10, s16, $0xb8;
	[tilespmem:$0x1E800] =	vst v63  }
0xd5: {  	_ =	swait.ge [sflag:s30], $0x2000  }
0xd6: {  	[sflag:s30] =	ssyncset.done $0x0  }
0xd7: {  	s15 =	simm.s32 $0x1980;
	[sflag:s30] =	ssyncadd.s32 $0xFFFFE000  }
0xd8: {  	[spmem:s3] =	stream.indirect.scatter.add.f32 [tilespmem:s24], [sflag:$0x8], $0x40, s15, s16, $0xb8;
	[tilespmem:$0x1E800] =	vst v63  }
0xd9: {  	_ =	swait.ge [sflag:s1], $0x2000  }
0xda: {  	[sflag:s1] =	ssyncset.done $0x0  }
0xdb: {  	s19 =	simm.s32 $0x680;
	[sflag:s1] =	ssyncadd.s32 $0xFFFFE000  }
0xdc: {  	[tilespmem:s17], [sflag:$0x2] =	stream.indirect.gather [spmem:s2], $0x40, s19, s16, $0xb8;
	[tilespmem:$0x1E800] =	vst v63  }
0xdd: {  	_ =	swait.ge [sflag:s18], $0x2000  }
0xde: {  	[sflag:s18] =	ssyncset.done $0x0  }
0xdf: {  	s22 =	simm.s32 $0x1A00;
	[sflag:s18] =	ssyncadd.s32 $0xFFFFE000  }
0xe0: {  	[spmem:s3] =	stream.indirect.scatter.add.f32 [tilespmem:s11], [sflag:$0x5], $0x40, s22, s16, $0xb8;
	[tilespmem:$0x1E800] =	vst v63  }
0xe1: {  	_ =	swait.ge [sflag:s7], $0x2000  }
0xe2: {  	[sflag:s7] =	ssyncset.done $0x0  }
0xe3: {  	s23 =	simm.s32 $0x700;
	[sflag:s7] =	ssyncadd.s32 $0xFFFFE000  }
0xe4: {  	[tilespmem:s20], [sflag:$0x3] =	stream.indirect.gather [spmem:s2], $0x40, s23, s16, $0xb8;
	[tilespmem:$0x1E800] =	vst v63  }
0xe5: {  	_ =	swait.ge [sflag:s21], $0x2000  }
0xe6: {  	[sflag:s21] =	ssyncset.done $0x0  }
0xe7: {  	s26 =	simm.s32 $0x1A80;
	[sflag:s21] =	ssyncadd.s32 $0xFFFFE000  }
0xe8: {  	[spmem:s3] =	stream.indirect.scatter.add.f32 [tilespmem:s17], [sflag:$0x6], $0x40, s26, s16, $0xb8;
	[tilespmem:$0x1E800] =	vst v63  }
0xe9: {  	_ =	swait.ge [sflag:s9], $0x2000  }
0xea: {  	[sflag:s9] =	ssyncset.done $0x0  }
0xeb: {  	s29 =	simm.s32 $0x780;
	[sflag:s9] =	ssyncadd.s32 $0xFFFFE000  }
0xec: {  	[tilespmem:s24], [sflag:$0x4] =	stream.indirect.gather [spmem:s2], $0x40, s29, s16, $0xb8;
	[tilespmem:$0x1E800] =	vst v63  }
0xed: {  	_ =	swait.ge [sflag:s25], $0x2000  }
0xee: {  	[sflag:s25] =	ssyncset.done $0x0  }
0xef: {  	s31 =	simm.s32 $0x1B00;
	[sflag:s25] =	ssyncadd.s32 $0xFFFFE000  }
0xf0: {  	[spmem:s3] =	stream.indirect.scatter.add.f32 [tilespmem:s20], [sflag:$0x7], $0x40, s31, s16, $0xb8;
	[tilespmem:$0x1E800] =	vst v63  }
0xf1: {  	_ =	swait.ge [sflag:s28], $0x2000  }
0xf2: {  	[sflag:s28] =	ssyncset.done $0x0  }
0xf3: {  	s6 =	simm.s32 $0x800;
	[sflag:s28] =	ssyncadd.s32 $0xFFFFE000  }
0xf4: {  	[tilespmem:s11], [sflag:$0x1] =	stream.indirect.gather [spmem:s2], $0x40, s6, s16, $0xb8;
	[tilespmem:$0x1E800] =	vst v63  }
0xf5: {  	_ =	swait.ge [sflag:s30], $0x2000  }
0xf6: {  	[sflag:s30] =	ssyncset.done $0x0  }
0xf7: {  	s10 =	simm.s32 $0x1B80;
	[sflag:s30] =	ssyncadd.s32 $0xFFFFE000  }
0xf8: {  	[spmem:s3] =	stream.indirect.scatter.add.f32 [tilespmem:s24], [sflag:$0x8], $0x40, s10, s16, $0xb8;
	[tilespmem:$0x1E800] =	vst v63  }
0xf9: {  	_ =	swait.ge [sflag:s1], $0x2000  }
0xfa: {  	[sflag:s1] =	ssyncset.done $0x0  }
0xfb: {  	s15 =	simm.s32 $0x880;
	[sflag:s1] =	ssyncadd.s32 $0xFFFFE000  }
0xfc: {  	[tilespmem:s17], [sflag:$0x2] =	stream.indirect.gather [spmem:s2], $0x40, s15, s16, $0xb8;
	[tilespmem:$0x1E800] =	vst v63  }
0xfd: {  	_ =	swait.ge [sflag:s18], $0x2000  }
0xfe: {  	[sflag:s18] =	ssyncset.done $0x0  }
0xff: {  	s19 =	simm.s32 $0x1C00;
	[sflag:s18] =	ssyncadd.s32 $0xFFFFE000  }
0x100: {  	[spmem:s3] =	stream.indirect.scatter.add.f32 [tilespmem:s11], [sflag:$0x5], $0x40, s19, s16, $0xb8;
	[tilespmem:$0x1E800] =	vst v63  }
0x101: {  	_ =	swait.ge [sflag:s7], $0x2000  }
0x102: {  	[sflag:s7] =	ssyncset.done $0x0  }
0x103: {  	s22 =	simm.s32 $0x900;
	[sflag:s7] =	ssyncadd.s32 $0xFFFFE000  }
0x104: {  	[tilespmem:s20], [sflag:$0x3] =	stream.indirect.gather [spmem:s2], $0x40, s22, s16, $0xb8;
	[tilespmem:$0x1E800] =	vst v63  }
0x105: {  	_ =	swait.ge [sflag:s21], $0x2000  }
0x106: {  	[sflag:s21] =	ssyncset.done $0x0  }
0x107: {  	s23 =	simm.s32 $0x1C80;
	[sflag:s21] =	ssyncadd.s32 $0xFFFFE000  }
0x108: {  	[spmem:s3] =	stream.indirect.scatter.add.f32 [tilespmem:s17], [sflag:$0x6], $0x40, s23, s16, $0xb8;
	[tilespmem:$0x1E800] =	vst v63  }
0x109: {  	_ =	swait.ge [sflag:s9], $0x2000  }
0x10a: {  	[sflag:s9] =	ssyncset.done $0x0  }
0x10b: {  	s26 =	simm.s32 $0x980;
	[sflag:s9] =	ssyncadd.s32 $0xFFFFE000  }
0x10c: {  	[tilespmem:s24], [sflag:$0x4] =	stream.indirect.gather [spmem:s2], $0x40, s26, s16, $0xb8;
	[tilespmem:$0x1E800] =	vst v63  }
0x10d: {  	_ =	swait.ge [sflag:s25], $0x2000  }
0x10e: {  	[sflag:s25] =	ssyncset.done $0x0  }
0x10f: {  	s29 =	simm.s32 $0x1D00;
	[sflag:s25] =	ssyncadd.s32 $0xFFFFE000  }
0x110: {  	[spmem:s3] =	stream.indirect.scatter.add.f32 [tilespmem:s20], [sflag:$0x7], $0x40, s29, s16, $0xb8;
	[tilespmem:$0x1E800] =	vst v63  }
0x111: {  	_ =	swait.ge [sflag:s28], $0x2000  }
0x112: {  	[sflag:s28] =	ssyncset.done $0x0  }
0x113: {  	[sflag:s28] =	ssyncadd.s32 $0xFFFFE000  }
0x114: {  	_ =	swait.ge [sflag:s30], $0x2000  }
0x115: {  	[sflag:s30] =	ssyncset.done $0x0  }
0x116: {  	s31 =	simm.s32 $0x1D80;
	[sflag:s30] =	ssyncadd.s32 $0xFFFFE000  }
0x117: {  	[spmem:s3] =	stream.indirect.scatter.add.f32 [tilespmem:s24], [sflag:$0x8], $0x40, s31, s16, $0xb8;
	[tilespmem:$0x1E800] =	vst v63  }
0x118: {  	_ =	swait.ge [sflag:s1], $0x2000  }
0x119: {  	[sflag:s1] =	ssyncset.done $0x0  }
0x11a: {  	[sflag:s1] =	ssyncadd.s32 $0xFFFFE000  }
0x11b: {  	_ =	swait.ge [sflag:s7], $0x2000  }
0x11c: {  	[sflag:s7] =	ssyncset.done $0x0  }
0x11d: {  	[sflag:s7] =	ssyncadd.s32 $0xFFFFE000  }
0x11e: {  	_ =	swait.ge [sflag:s9], $0x2000  }
0x11f: {  	[sflag:s9] =	ssyncset.done $0x0  }
0x120: {  	[sflag:s9] =	ssyncadd.s32 $0xFFFFE000  }
0x121: {  	_ =	swait.ge [sflag:s5], $0xA00  }
0x122: {  	[sflag:s5] =	ssyncset.done $0x0  }
0x123: {  	[sflag:s5] =	ssyncadd.s32 $0xFFFFF600  }
0x124: {  	_ =	swait.ge [sflag:s5], $0xA00  }
0x125: {  	[sflag:s5] =	ssyncset.done $0x0  }
0x126: {  	s6 =	rddreg [dreg:$0x8];
	[sflag:s5] =	ssyncadd.s32 $0xFFFFF600  }
0x127: {  	[tilespmem:s4], [sflag:$0x9] =	stream.linear.gather [hbm4b:s6+s4], $0xA00, $0x38;
	[tilespmem:$0x1E800] =	vst v63  }
0x128: {  	s15 =	rddreg [dreg:$0x9]  }
0x129: {  	[tilespmem:s14], [sflag:$0x9] =	stream.linear.gather [hbm4b:s15+s4], $0xA00, $0x38;
	[tilespmem:$0x1E800] =	vst v63  }
0x12a: {  	s8 =	simm.s32 $0xA00  }
0x12b: {  	[tilespmem:s11], [sflag:$0x1] =	stream.indirect.gather [spmem:s2], $0x40, s8, s16, $0xb8;
	[tilespmem:$0x1E800] =	vst v63  }
0x12c: {  	s19 =	simm.s32 $0xA80  }
0x12d: {  	[tilespmem:s17], [sflag:$0x2] =	stream.indirect.gather [spmem:s2], $0x40, s19, s16, $0xb8;
	[tilespmem:$0x1E800] =	vst v63  }
0x12e: {  	_ =	swait.ge [sflag:s18], $0x2000  }
0x12f: {  	[sflag:s18] =	ssyncset.done $0x0  }
0x130: {  	s0 =	simm.s32 $0x1E00;
	[sflag:s18] =	ssyncadd.s32 $0xFFFFE000  }
0x131: {  	[spmem:s3] =	stream.indirect.scatter.add.f32 [tilespmem:s11], [sflag:$0x5], $0x40, s0, s16, $0xb8;
	[tilespmem:$0x1E800] =	vst v63  }
0x132: {  	s22 =	simm.s32 $0xB00  }
0x133: {  	[tilespmem:s20], [sflag:$0x3] =	stream.indirect.gather [spmem:s2], $0x40, s22, s16, $0xb8;
	[tilespmem:$0x1E800] =	vst v63  }
0x134: {  	_ =	swait.ge [sflag:s21], $0x2000  }
0x135: {  	[sflag:s21] =	ssyncset.done $0x0  }
0x136: {  	s23 =	simm.s32 $0x1E80;
	[sflag:s21] =	ssyncadd.s32 $0xFFFFE000  }
0x137: {  	[spmem:s3] =	stream.indirect.scatter.add.f32 [tilespmem:s17], [sflag:$0x6], $0x40, s23, s16, $0xb8;
	[tilespmem:$0x1E800] =	vst v63  }
0x138: {  	s26 =	simm.s32 $0xB80  }
0x139: {  	[tilespmem:s24], [sflag:$0x4] =	stream.indirect.gather [spmem:s2], $0x40, s26, s16, $0xb8;
	[tilespmem:$0x1E800] =	vst v63  }
0x13a: {  	_ =	swait.ge [sflag:s25], $0x2000  }
0x13b: {  	[sflag:s25] =	ssyncset.done $0x0  }
0x13c: {  	s29 =	simm.s32 $0x1F00;
	[sflag:s25] =	ssyncadd.s32 $0xFFFFE000  }
0x13d: {  	[spmem:s3] =	stream.indirect.scatter.add.f32 [tilespmem:s20], [sflag:$0x7], $0x40, s29, s16, $0xb8;
	[tilespmem:$0x1E800] =	vst v63  }
0x13e: {  	_ =	swait.ge [sflag:s28], $0x2000  }
0x13f: {  	[sflag:s28] =	ssyncset.done $0x0  }
0x140: {  	s31 =	simm.s32 $0xC00;
	[sflag:s28] =	ssyncadd.s32 $0xFFFFE000  }
0x141: {  	[tilespmem:s11], [sflag:$0x1] =	stream.indirect.gather [spmem:s2], $0x40, s31, s16, $0xb8;
	[tilespmem:$0x1E800] =	vst v63  }
0x142: {  	_ =	swait.ge [sflag:s30], $0x2000  }
0x143: {  	[sflag:s30] =	ssyncset.done $0x0  }
0x144: {  	s6 =	simm.s32 $0x1F80;
	[sflag:s30] =	ssyncadd.s32 $0xFFFFE000  }
0x145: {  	[spmem:s3] =	stream.indirect.scatter.add.f32 [tilespmem:s24], [sflag:$0x8], $0x40, s6, s16, $0xb8;
	[tilespmem:$0x1E800] =	vst v63  }
0x146: {  	_ =	swait.ge [sflag:s1], $0x2000  }
0x147: {  	[sflag:s1] =	ssyncset.done $0x0  }
0x148: {  	s10 =	simm.s32 $0xC80;
	[sflag:s1] =	ssyncadd.s32 $0xFFFFE000  }
0x149: {  	[tilespmem:s17], [sflag:$0x2] =	stream.indirect.gather [spmem:s2], $0x40, s10, s16, $0xb8;
	[tilespmem:$0x1E800] =	vst v63  }
0x14a: {  	_ =	swait.ge [sflag:s18], $0x2000  }
0x14b: {  	[sflag:s18] =	ssyncset.done $0x0  }
0x14c: {  	s15 =	simm.s32 $0x2000;
	[sflag:s18] =	ssyncadd.s32 $0xFFFFE000  }
0x14d: {  	[spmem:s3] =	stream.indirect.scatter.add.f32 [tilespmem:s11], [sflag:$0x5], $0x40, s15, s16, $0xb8;
	[tilespmem:$0x1E800] =	vst v63  }
0x14e: {  	_ =	swait.ge [sflag:s7], $0x2000  }
0x14f: {  	[sflag:s7] =	ssyncset.done $0x0  }
0x150: {  	s19 =	simm.s32 $0xD00;
	[sflag:s7] =	ssyncadd.s32 $0xFFFFE000  }
0x151: {  	[tilespmem:s20], [sflag:$0x3] =	stream.indirect.gather [spmem:s2], $0x40, s19, s16, $0xb8;
	[tilespmem:$0x1E800] =	vst v63  }
0x152: {  	_ =	swait.ge [sflag:s21], $0x2000  }
0x153: {  	[sflag:s21] =	ssyncset.done $0x0  }
0x154: {  	s22 =	simm.s32 $0x2080;
	[sflag:s21] =	ssyncadd.s32 $0xFFFFE000  }
0x155: {  	[spmem:s3] =	stream.indirect.scatter.add.f32 [tilespmem:s17], [sflag:$0x6], $0x40, s22, s16, $0xb8;
	[tilespmem:$0x1E800] =	vst v63  }
0x156: {  	_ =	swait.ge [sflag:s9], $0x2000  }
0x157: {  	[sflag:s9] =	ssyncset.done $0x0  }
0x158: {  	s23 =	simm.s32 $0xD80;
	[sflag:s9] =	ssyncadd.s32 $0xFFFFE000  }
0x159: {  	[tilespmem:s24], [sflag:$0x4] =	stream.indirect.gather [spmem:s2], $0x40, s23, s16, $0xb8;
	[tilespmem:$0x1E800] =	vst v63  }
0x15a: {  	_ =	swait.ge [sflag:s25], $0x2000  }
0x15b: {  	[sflag:s25] =	ssyncset.done $0x0  }
0x15c: {  	s26 =	simm.s32 $0x2100;
	[sflag:s25] =	ssyncadd.s32 $0xFFFFE000  }
0x15d: {  	[spmem:s3] =	stream.indirect.scatter.add.f32 [tilespmem:s20], [sflag:$0x7], $0x40, s26, s16, $0xb8;
	[tilespmem:$0x1E800] =	vst v63  }
0x15e: {  	_ =	swait.ge [sflag:s28], $0x2000  }
0x15f: {  	[sflag:s28] =	ssyncset.done $0x0  }
0x160: {  	s29 =	simm.s32 $0xE00;
	[sflag:s28] =	ssyncadd.s32 $0xFFFFE000  }
0x161: {  	[tilespmem:s11], [sflag:$0x1] =	stream.indirect.gather [spmem:s2], $0x40, s29, s16, $0xb8;
	[tilespmem:$0x1E800] =	vst v63  }
0x162: {  	_ =	swait.ge [sflag:s30], $0x2000  }
0x163: {  	[sflag:s30] =	ssyncset.done $0x0  }
0x164: {  	s31 =	simm.s32 $0x2180;
	[sflag:s30] =	ssyncadd.s32 $0xFFFFE000  }
0x165: {  	[spmem:s3] =	stream.indirect.scatter.add.f32 [tilespmem:s24], [sflag:$0x8], $0x40, s31, s16, $0xb8;
	[tilespmem:$0x1E800] =	vst v63  }
0x166: {  	_ =	swait.ge [sflag:s1], $0x2000  }
0x167: {  	[sflag:s1] =	ssyncset.done $0x0  }
0x168: {  	s6 =	simm.s32 $0xE80;
	[sflag:s1] =	ssyncadd.s32 $0xFFFFE000  }
0x169: {  	[tilespmem:s17], [sflag:$0x2] =	stream.indirect.gather [spmem:s2], $0x40, s6, s16, $0xb8;
	[tilespmem:$0x1E800] =	vst v63  }
0x16a: {  	_ =	swait.ge [sflag:s18], $0x2000  }
0x16b: {  	[sflag:s18] =	ssyncset.done $0x0  }
0x16c: {  	s10 =	simm.s32 $0x2200;
	[sflag:s18] =	ssyncadd.s32 $0xFFFFE000  }
0x16d: {  	[spmem:s3] =	stream.indirect.scatter.add.f32 [tilespmem:s11], [sflag:$0x5], $0x40, s10, s16, $0xb8;
	[tilespmem:$0x1E800] =	vst v63  }
0x16e: {  	_ =	swait.ge [sflag:s7], $0x2000  }
0x16f: {  	[sflag:s7] =	ssyncset.done $0x0  }
0x170: {  	s15 =	simm.s32 $0xF00;
	[sflag:s7] =	ssyncadd.s32 $0xFFFFE000  }
0x171: {  	[tilespmem:s20], [sflag:$0x3] =	stream.indirect.gather [spmem:s2], $0x40, s15, s16, $0xb8;
	[tilespmem:$0x1E800] =	vst v63  }
0x172: {  	_ =	swait.ge [sflag:s21], $0x2000  }
0x173: {  	[sflag:s21] =	ssyncset.done $0x0  }
0x174: {  	s19 =	simm.s32 $0x2280;
	[sflag:s21] =	ssyncadd.s32 $0xFFFFE000  }
0x175: {  	[spmem:s3] =	stream.indirect.scatter.add.f32 [tilespmem:s17], [sflag:$0x6], $0x40, s19, s16, $0xb8;
	[tilespmem:$0x1E800] =	vst v63  }
0x176: {  	_ =	swait.ge [sflag:s9], $0x2000  }
0x177: {  	[sflag:s9] =	ssyncset.done $0x0  }
0x178: {  	s22 =	simm.s32 $0xF80;
	[sflag:s9] =	ssyncadd.s32 $0xFFFFE000  }
0x179: {  	[tilespmem:s24], [sflag:$0x4] =	stream.indirect.gather [spmem:s2], $0x40, s22, s16, $0xb8;
	[tilespmem:$0x1E800] =	vst v63  }
0x17a: {  	_ =	swait.ge [sflag:s25], $0x2000  }
0x17b: {  	[sflag:s25] =	ssyncset.done $0x0  }
0x17c: {  	s23 =	simm.s32 $0x2300;
	[sflag:s25] =	ssyncadd.s32 $0xFFFFE000  }
0x17d: {  	[spmem:s3] =	stream.indirect.scatter.add.f32 [tilespmem:s20], [sflag:$0x7], $0x40, s23, s16, $0xb8;
	[tilespmem:$0x1E800] =	vst v63  }
0x17e: {  	_ =	swait.ge [sflag:s28], $0x2000  }
0x17f: {  	[sflag:s28] =	ssyncset.done $0x0  }
0x180: {  	s26 =	simm.s32 $0x1000;
	[sflag:s28] =	ssyncadd.s32 $0xFFFFE000  }
0x181: {  	[tilespmem:s11], [sflag:$0x1] =	stream.indirect.gather [spmem:s2], $0x40, s26, s16, $0xb8;
	[tilespmem:$0x1E800] =	vst v63  }
0x182: {  	_ =	swait.ge [sflag:s30], $0x2000  }
0x183: {  	[sflag:s30] =	ssyncset.done $0x0  }
0x184: {  	s29 =	simm.s32 $0x2380;
	[sflag:s30] =	ssyncadd.s32 $0xFFFFE000  }
0x185: {  	[spmem:s3] =	stream.indirect.scatter.add.f32 [tilespmem:s24], [sflag:$0x8], $0x40, s29, s16, $0xb8;
	[tilespmem:$0x1E800] =	vst v63  }
0x186: {  	_ =	swait.ge [sflag:s1], $0x2000  }
0x187: {  	[sflag:s1] =	ssyncset.done $0x0  }
0x188: {  	s31 =	simm.s32 $0x1080;
	[sflag:s1] =	ssyncadd.s32 $0xFFFFE000  }
0x189: {  	[tilespmem:s17], [sflag:$0x2] =	stream.indirect.gather [spmem:s2], $0x40, s31, s16, $0xb8;
	[tilespmem:$0x1E800] =	vst v63  }
0x18a: {  	_ =	swait.ge [sflag:s18], $0x2000  }
0x18b: {  	[sflag:s18] =	ssyncset.done $0x0  }
0x18c: {  	s6 =	simm.s32 $0x2400;
	[sflag:s18] =	ssyncadd.s32 $0xFFFFE000  }
0x18d: {  	[spmem:s3] =	stream.indirect.scatter.add.f32 [tilespmem:s11], [sflag:$0x5], $0x40, s6, s16, $0xb8;
	[tilespmem:$0x1E800] =	vst v63  }
0x18e: {  	_ =	swait.ge [sflag:s7], $0x2000  }
0x18f: {  	[sflag:s7] =	ssyncset.done $0x0  }
0x190: {  	s10 =	simm.s32 $0x1100;
	[sflag:s7] =	ssyncadd.s32 $0xFFFFE000  }
0x191: {  	[tilespmem:s20], [sflag:$0x3] =	stream.indirect.gather [spmem:s2], $0x40, s10, s16, $0xb8;
	[tilespmem:$0x1E800] =	vst v63  }
0x192: {  	_ =	swait.ge [sflag:s21], $0x2000  }
0x193: {  	[sflag:s21] =	ssyncset.done $0x0  }
0x194: {  	s15 =	simm.s32 $0x2480;
	[sflag:s21] =	ssyncadd.s32 $0xFFFFE000  }
0x195: {  	[spmem:s3] =	stream.indirect.scatter.add.f32 [tilespmem:s17], [sflag:$0x6], $0x40, s15, s16, $0xb8;
	[tilespmem:$0x1E800] =	vst v63  }
0x196: {  	_ =	swait.ge [sflag:s9], $0x2000  }
0x197: {  	[sflag:s9] =	ssyncset.done $0x0  }
0x198: {  	s19 =	simm.s32 $0x1180;
	[sflag:s9] =	ssyncadd.s32 $0xFFFFE000  }
0x199: {  	[tilespmem:s24], [sflag:$0x4] =	stream.indirect.gather [spmem:s2], $0x40, s19, s16, $0xb8;
	[tilespmem:$0x1E800] =	vst v63  }
0x19a: {  	_ =	swait.ge [sflag:s25], $0x2000  }
0x19b: {  	[sflag:s25] =	ssyncset.done $0x0  }
0x19c: {  	s22 =	simm.s32 $0x2500;
	[sflag:s25] =	ssyncadd.s32 $0xFFFFE000  }
0x19d: {  	[spmem:s3] =	stream.indirect.scatter.add.f32 [tilespmem:s20], [sflag:$0x7], $0x40, s22, s16, $0xb8;
	[tilespmem:$0x1E800] =	vst v63  }
0x19e: {  	_ =	swait.ge [sflag:s28], $0x2000  }
0x19f: {  	[sflag:s28] =	ssyncset.done $0x0  }
0x1a0: {  	s23 =	simm.s32 $0x1200;
	[sflag:s28] =	ssyncadd.s32 $0xFFFFE000  }
0x1a1: {  	[tilespmem:s11], [sflag:$0x1] =	stream.indirect.gather [spmem:s2], $0x40, s23, s16, $0xb8;
	[tilespmem:$0x1E800] =	vst v63  }
0x1a2: {  	_ =	swait.ge [sflag:s30], $0x2000  }
0x1a3: {  	[sflag:s30] =	ssyncset.done $0x0  }
0x1a4: {  	s26 =	simm.s32 $0x2580;
	[sflag:s30] =	ssyncadd.s32 $0xFFFFE000  }
0x1a5: {  	[spmem:s3] =	stream.indirect.scatter.add.f32 [tilespmem:s24], [sflag:$0x8], $0x40, s26, s16, $0xb8;
	[tilespmem:$0x1E800] =	vst v63  }
0x1a6: {  	_ =	swait.ge [sflag:s1], $0x2000  }
0x1a7: {  	[sflag:s1] =	ssyncset.done $0x0  }
0x1a8: {  	s29 =	simm.s32 $0x1280;
	[sflag:s1] =	ssyncadd.s32 $0xFFFFE000  }
0x1a9: {  	[tilespmem:s17], [sflag:$0x2] =	stream.indirect.gather [spmem:s2], $0x40, s29, s16, $0xb8;
	[tilespmem:$0x1E800] =	vst v63  }
0x1aa: {  	_ =	swait.ge [sflag:s18], $0x2000  }
0x1ab: {  	[sflag:s18] =	ssyncset.done $0x0  }
0x1ac: {  	s31 =	simm.s32 $0x2600;
	[sflag:s18] =	ssyncadd.s32 $0xFFFFE000  }
0x1ad: {  	[spmem:s3] =	stream.indirect.scatter.add.f32 [tilespmem:s11], [sflag:$0x5], $0x40, s31, s16, $0xb8;
	[tilespmem:$0x1E800] =	vst v63  }
0x1ae: {  	_ =	swait.ge [sflag:s7], $0x2000  }
0x1af: {  	[sflag:s7] =	ssyncset.done $0x0  }
0x1b0: {  	s6 =	simm.s32 $0x1300;
	[sflag:s7] =	ssyncadd.s32 $0xFFFFE000  }
0x1b1: {  	[tilespmem:s20], [sflag:$0x3] =	stream.indirect.gather [spmem:s2], $0x40, s6, s16, $0xb8;
	[tilespmem:$0x1E800] =	vst v63  }
0x1b2: {  	_ =	swait.ge [sflag:s21], $0x2000  }
0x1b3: {  	[sflag:s21] =	ssyncset.done $0x0  }
0x1b4: {  	s10 =	simm.s32 $0x2680;
	[sflag:s21] =	ssyncadd.s32 $0xFFFFE000  }
0x1b5: {  	[spmem:s3] =	stream.indirect.scatter.add.f32 [tilespmem:s17], [sflag:$0x6], $0x40, s10, s16, $0xb8;
	[tilespmem:$0x1E800] =	vst v63  }
0x1b6: {  	_ =	swait.ge [sflag:s9], $0x2000  }
0x1b7: {  	[sflag:s9] =	ssyncset.done $0x0  }
0x1b8: {  	s15 =	simm.s32 $0x1380;
	[sflag:s9] =	ssyncadd.s32 $0xFFFFE000  }
0x1b9: {  	[tilespmem:s24], [sflag:$0x4] =	stream.indirect.gather [spmem:s2], $0x40, s15, s16, $0xb8;
	[tilespmem:$0x1E800] =	vst v63  }
0x1ba: {  	_ =	swait.ge [sflag:s25], $0x2000  }
0x1bb: {  	[sflag:s25] =	ssyncset.done $0x0  }
0x1bc: {  	s19 =	simm.s32 $0x2700;
	[sflag:s25] =	ssyncadd.s32 $0xFFFFE000  }
0x1bd: {  	[spmem:s3] =	stream.indirect.scatter.add.f32 [tilespmem:s20], [sflag:$0x7], $0x40, s19, s16, $0xb8;
	[tilespmem:$0x1E800] =	vst v63  }
0x1be: {  	_ =	swait.ge [sflag:s28], $0x2000  }
0x1bf: {  	[sflag:s28] =	ssyncset.done $0x0  }
0x1c0: {  	[sflag:s28] =	ssyncadd.s32 $0xFFFFE000  }
0x1c1: {  	_ =	swait.ge [sflag:s30], $0x2000  }
0x1c2: {  	[sflag:s30] =	ssyncset.done $0x0  }
0x1c3: {  	s22 =	simm.s32 $0x2780;
	[sflag:s30] =	ssyncadd.s32 $0xFFFFE000  }
0x1c4: {  	[spmem:s3] =	stream.indirect.scatter.add.f32 [tilespmem:s24], [sflag:$0x8], $0x40, s22, s16, $0xb8;
	[tilespmem:$0x1E800] =	vst v63  }
0x1c5: {  	_ =	swait.ge [sflag:s1], $0x2000  }
0x1c6: {  	[sflag:s1] =	ssyncset.done $0x0  }
0x1c7: {  	[sflag:s1] =	ssyncadd.s32 $0xFFFFE000  }
0x1c8: {  	_ =	swait.ge [sflag:s7], $0x2000  }
0x1c9: {  	[sflag:s7] =	ssyncset.done $0x0  }
0x1ca: {  	[sflag:s7] =	ssyncadd.s32 $0xFFFFE000  }
0x1cb: {  	_ =	swait.ge [sflag:s9], $0x2000  }
0x1cc: {  	[sflag:s9] =	ssyncset.done $0x0  }
0x1cd: {  	[sflag:s9] =	ssyncadd.s32 $0xFFFFE000  }
0x1ce: {  	_ =	swait.ge [sflag:s5], $0xA00  }
0x1cf: {  	[sflag:s5] =	ssyncset.done $0x0  }
0x1d0: {  	[sflag:s5] =	ssyncadd.s32 $0xFFFFF600  }
0x1d1: {  	_ =	swait.ge [sflag:s5], $0xA00  }
0x1d2: {  	[sflag:s5] =	ssyncset.done $0x0  }
0x1d3: {  	s6 =	simm.s32 $0xA00;
	s23 =	rddreg [dreg:$0xa];
	[sflag:s5] =	ssyncadd.s32 $0xFFFFF600  }
0x1d4: {  	[tilespmem:s6], [sflag:$0x9] =	stream.linear.gather [hbm4b:s23+s4], $0xA00, $0x38;
	[tilespmem:$0x1E800] =	vst v63  }
0x1d5: {  	s26 =	rddreg [dreg:$0xb]  }
0x1d6: {  	[tilespmem:s0], [sflag:$0x9] =	stream.linear.gather [hbm4b:s26+s4], $0xA00, $0x38;
	[tilespmem:$0x1E800] =	vst v63  }
0x1d7: {  	_ = 	snop  }
0x1d8: {  	[tilespmem:s11], [sflag:$0x1] =	stream.indirect.gather [spmem:s2], $0x40, s4, s16, $0xb8;
	[tilespmem:$0x1E800] =	vst v63  }
0x1d9: {  	_ = 	snop  }
0x1da: {  	[tilespmem:s17], [sflag:$0x2] =	stream.indirect.gather [spmem:s2], $0x40, s16, s16, $0xb8;
	[tilespmem:$0x1E800] =	vst v63  }
0x1db: {  	_ =	swait.ge [sflag:s18], $0x2000  }
0x1dc: {  	[sflag:s18] =	ssyncset.done $0x0  }
0x1dd: {  	[sflag:s18] =	ssyncadd.s32 $0xFFFFE000  }
0x1de: {  	[spmem:s3] =	stream.indirect.scatter.add.f32 [tilespmem:s11], [sflag:$0x5], $0x40, s14, s16, $0xb8;
	[tilespmem:$0x1E800] =	vst v63  }
0x1df: {  	s29 =	simm.s32 $0x100  }
0x1e0: {  	[tilespmem:s20], [sflag:$0x3] =	stream.indirect.gather [spmem:s2], $0x40, s29, s16, $0xb8;
	[tilespmem:$0x1E800] =	vst v63  }
0x1e1: {  	_ =	swait.ge [sflag:s21], $0x2000  }
0x1e2: {  	[sflag:s21] =	ssyncset.done $0x0  }
0x1e3: {  	s31 =	simm.s32 $0x1480;
	[sflag:s21] =	ssyncadd.s32 $0xFFFFE000  }
0x1e4: {  	[spmem:s3] =	stream.indirect.scatter.add.f32 [tilespmem:s17], [sflag:$0x6], $0x40, s31, s16, $0xb8;
	[tilespmem:$0x1E800] =	vst v63  }
0x1e5: {  	s0 =	simm.s32 $0x180  }
0x1e6: {  	[tilespmem:s24], [sflag:$0x4] =	stream.indirect.gather [spmem:s2], $0x40, s0, s16, $0xb8;
	[tilespmem:$0x1E800] =	vst v63  }
0x1e7: {  	_ =	swait.ge [sflag:s25], $0x2000  }
0x1e8: {  	[sflag:s25] =	ssyncset.done $0x0  }
0x1e9: {  	s19 =	simm.s32 $0x1500;
	[sflag:s25] =	ssyncadd.s32 $0xFFFFE000  }
0x1ea: {  	[spmem:s3] =	stream.indirect.scatter.add.f32 [tilespmem:s20], [sflag:$0x7], $0x40, s19, s16, $0xb8;
	[tilespmem:$0x1E800] =	vst v63  }
0x1eb: {  	_ =	swait.ge [sflag:s28], $0x2000  }
0x1ec: {  	[sflag:s28] =	ssyncset.done $0x0  }
0x1ed: {  	s23 =	simm.s32 $0x200;
	[sflag:s28] =	ssyncadd.s32 $0xFFFFE000  }
0x1ee: {  	[tilespmem:s11], [sflag:$0x1] =	stream.indirect.gather [spmem:s2], $0x40, s23, s16, $0xb8;
	[tilespmem:$0x1E800] =	vst v63  }
0x1ef: {  	_ =	swait.ge [sflag:s30], $0x2000  }
0x1f0: {  	[sflag:s30] =	ssyncset.done $0x0  }
0x1f1: {  	s26 =	simm.s32 $0x1580;
	[sflag:s30] =	ssyncadd.s32 $0xFFFFE000  }
0x1f2: {  	[spmem:s3] =	stream.indirect.scatter.add.f32 [tilespmem:s24], [sflag:$0x8], $0x40, s26, s16, $0xb8;
	[tilespmem:$0x1E800] =	vst v63  }
0x1f3: {  	_ =	swait.ge [sflag:s1], $0x2000  }
0x1f4: {  	[sflag:s1] =	ssyncset.done $0x0  }
0x1f5: {  	s29 =	simm.s32 $0x280;
	[sflag:s1] =	ssyncadd.s32 $0xFFFFE000  }
0x1f6: {  	[tilespmem:s17], [sflag:$0x2] =	stream.indirect.gather [spmem:s2], $0x40, s29, s16, $0xb8;
	[tilespmem:$0x1E800] =	vst v63  }
0x1f7: {  	_ =	swait.ge [sflag:s18], $0x2000  }
0x1f8: {  	[sflag:s18] =	ssyncset.done $0x0  }
0x1f9: {  	s31 =	simm.s32 $0x1600;
	[sflag:s18] =	ssyncadd.s32 $0xFFFFE000  }
0x1fa: {  	[spmem:s3] =	stream.indirect.scatter.add.f32 [tilespmem:s11], [sflag:$0x5], $0x40, s31, s16, $0xb8;
	[tilespmem:$0x1E800] =	vst v63  }
0x1fb: {  	_ =	swait.ge [sflag:s7], $0x2000  }
0x1fc: {  	[sflag:s7] =	ssyncset.done $0x0  }
0x1fd: {  	s10 =	simm.s32 $0x300;
	[sflag:s7] =	ssyncadd.s32 $0xFFFFE000  }
0x1fe: {  	[tilespmem:s20], [sflag:$0x3] =	stream.indirect.gather [spmem:s2], $0x40, s10, s16, $0xb8;
	[tilespmem:$0x1E800] =	vst v63  }
0x1ff: {  	_ =	swait.ge [sflag:s21], $0x2000  }
0x200: {  	[sflag:s21] =	ssyncset.done $0x0  }
0x201: {  	s15 =	simm.s32 $0x1680;
	[sflag:s21] =	ssyncadd.s32 $0xFFFFE000  }
0x202: {  	[spmem:s3] =	stream.indirect.scatter.add.f32 [tilespmem:s17], [sflag:$0x6], $0x40, s15, s16, $0xb8;
	[tilespmem:$0x1E800] =	vst v63  }
0x203: {  	_ =	swait.ge [sflag:s9], $0x2000  }
0x204: {  	[sflag:s9] =	ssyncset.done $0x0  }
0x205: {  	s22 =	simm.s32 $0x380;
	[sflag:s9] =	ssyncadd.s32 $0xFFFFE000  }
0x206: {  	[tilespmem:s24], [sflag:$0x4] =	stream.indirect.gather [spmem:s2], $0x40, s22, s16, $0xb8;
	[tilespmem:$0x1E800] =	vst v63  }
0x207: {  	_ =	swait.ge [sflag:s25], $0x2000  }
0x208: {  	[sflag:s25] =	ssyncset.done $0x0  }
0x209: {  	s0 =	simm.s32 $0x1700;
	[sflag:s25] =	ssyncadd.s32 $0xFFFFE000  }
0x20a: {  	[spmem:s3] =	stream.indirect.scatter.add.f32 [tilespmem:s20], [sflag:$0x7], $0x40, s0, s16, $0xb8;
	[tilespmem:$0x1E800] =	vst v63  }
0x20b: {  	_ =	swait.ge [sflag:s28], $0x2000  }
0x20c: {  	[sflag:s28] =	ssyncset.done $0x0  }
0x20d: {  	s15 =	simm.s32 $0x400;
	[sflag:s28] =	ssyncadd.s32 $0xFFFFE000  }
0x20e: {  	[tilespmem:s11], [sflag:$0x1] =	stream.indirect.gather [spmem:s2], $0x40, s15, s16, $0xb8;
	[tilespmem:$0x1E800] =	vst v63  }
0x20f: {  	_ =	swait.ge [sflag:s30], $0x2000  }
0x210: {  	[sflag:s30] =	ssyncset.done $0x0  }
0x211: {  	s22 =	simm.s32 $0x1780;
	[sflag:s30] =	ssyncadd.s32 $0xFFFFE000  }
0x212: {  	[spmem:s3] =	stream.indirect.scatter.add.f32 [tilespmem:s24], [sflag:$0x8], $0x40, s22, s16, $0xb8;
	[tilespmem:$0x1E800] =	vst v63  }
0x213: {  	_ =	swait.ge [sflag:s1], $0x2000  }
0x214: {  	[sflag:s1] =	ssyncset.done $0x0  }
0x215: {  	s0 =	simm.s32 $0x480;
	[sflag:s1] =	ssyncadd.s32 $0xFFFFE000  }
0x216: {  	[tilespmem:s17], [sflag:$0x2] =	stream.indirect.gather [spmem:s2], $0x40, s0, s16, $0xb8;
	[tilespmem:$0x1E800] =	vst v63  }
0x217: {  	_ =	swait.ge [sflag:s18], $0x2000  }
0x218: {  	[sflag:s18] =	ssyncset.done $0x0  }
0x219: {  	s15 =	simm.s32 $0x1800;
	[sflag:s18] =	ssyncadd.s32 $0xFFFFE000  }
0x21a: {  	[spmem:s3] =	stream.indirect.scatter.add.f32 [tilespmem:s11], [sflag:$0x5], $0x40, s15, s16, $0xb8;
	[tilespmem:$0x1E800] =	vst v63  }
0x21b: {  	_ =	swait.ge [sflag:s7], $0x2000  }
0x21c: {  	[sflag:s7] =	ssyncset.done $0x0  }
0x21d: {  	s22 =	simm.s32 $0x500;
	[sflag:s7] =	ssyncadd.s32 $0xFFFFE000  }
0x21e: {  	[tilespmem:s20], [sflag:$0x3] =	stream.indirect.gather [spmem:s2], $0x40, s22, s16, $0xb8;
	[tilespmem:$0x1E800] =	vst v63  }
0x21f: {  	_ =	swait.ge [sflag:s21], $0x2000  }
0x220: {  	[sflag:s21] =	ssyncset.done $0x0  }
0x221: {  	s0 =	simm.s32 $0x1880;
	[sflag:s21] =	ssyncadd.s32 $0xFFFFE000  }
0x222: {  	[spmem:s3] =	stream.indirect.scatter.add.f32 [tilespmem:s17], [sflag:$0x6], $0x40, s0, s16, $0xb8;
	[tilespmem:$0x1E800] =	vst v63  }
0x223: {  	_ =	swait.ge [sflag:s9], $0x2000  }
0x224: {  	[sflag:s9] =	ssyncset.done $0x0  }
0x225: {  	s15 =	simm.s32 $0x580;
	[sflag:s9] =	ssyncadd.s32 $0xFFFFE000  }
0x226: {  	[tilespmem:s24], [sflag:$0x4] =	stream.indirect.gather [spmem:s2], $0x40, s15, s16, $0xb8;
	[tilespmem:$0x1E800] =	vst v63  }
0x227: {  	_ =	swait.ge [sflag:s25], $0x2000  }
0x228: {  	[sflag:s25] =	ssyncset.done $0x0  }
0x229: {  	s22 =	simm.s32 $0x1900;
	[sflag:s25] =	ssyncadd.s32 $0xFFFFE000  }
0x22a: {  	[spmem:s3] =	stream.indirect.scatter.add.f32 [tilespmem:s20], [sflag:$0x7], $0x40, s22, s16, $0xb8;
	[tilespmem:$0x1E800] =	vst v63  }
0x22b: {  	_ =	swait.ge [sflag:s28], $0x2000  }
0x22c: {  	[sflag:s28] =	ssyncset.done $0x0  }
0x22d: {  	s0 =	simm.s32 $0x600;
	[sflag:s28] =	ssyncadd.s32 $0xFFFFE000  }
0x22e: {  	[tilespmem:s11], [sflag:$0x1] =	stream.indirect.gather [spmem:s2], $0x40, s0, s16, $0xb8;
	[tilespmem:$0x1E800] =	vst v63  }
0x22f: {  	_ =	swait.ge [sflag:s30], $0x2000  }
0x230: {  	[sflag:s30] =	ssyncset.done $0x0  }
0x231: {  	s15 =	simm.s32 $0x1980;
	[sflag:s30] =	ssyncadd.s32 $0xFFFFE000  }
0x232: {  	[spmem:s3] =	stream.indirect.scatter.add.f32 [tilespmem:s24], [sflag:$0x8], $0x40, s15, s16, $0xb8;
	[tilespmem:$0x1E800] =	vst v63  }
0x233: {  	_ =	swait.ge [sflag:s1], $0x2000  }
0x234: {  	[sflag:s1] =	ssyncset.done $0x0  }
0x235: {  	s22 =	simm.s32 $0x680;
	[sflag:s1] =	ssyncadd.s32 $0xFFFFE000  }
0x236: {  	[tilespmem:s17], [sflag:$0x2] =	stream.indirect.gather [spmem:s2], $0x40, s22, s16, $0xb8;
	[tilespmem:$0x1E800] =	vst v63  }
0x237: {  	_ =	swait.ge [sflag:s18], $0x2000  }
0x238: {  	[sflag:s18] =	ssyncset.done $0x0  }
0x239: {  	s0 =	simm.s32 $0x1A00;
	[sflag:s18] =	ssyncadd.s32 $0xFFFFE000  }
0x23a: {  	[spmem:s3] =	stream.indirect.scatter.add.f32 [tilespmem:s11], [sflag:$0x5], $0x40, s0, s16, $0xb8;
	[tilespmem:$0x1E800] =	vst v63  }
0x23b: {  	_ =	swait.ge [sflag:s7], $0x2000  }
0x23c: {  	[sflag:s7] =	ssyncset.done $0x0  }
0x23d: {  	s15 =	simm.s32 $0x700;
	[sflag:s7] =	ssyncadd.s32 $0xFFFFE000  }
0x23e: {  	[tilespmem:s20], [sflag:$0x3] =	stream.indirect.gather [spmem:s2], $0x40, s15, s16, $0xb8;
	[tilespmem:$0x1E800] =	vst v63  }
0x23f: {  	_ =	swait.ge [sflag:s21], $0x2000  }
0x240: {  	[sflag:s21] =	ssyncset.done $0x0  }
0x241: {  	s22 =	simm.s32 $0x1A80;
	[sflag:s21] =	ssyncadd.s32 $0xFFFFE000  }
0x242: {  	[spmem:s3] =	stream.indirect.scatter.add.f32 [tilespmem:s17], [sflag:$0x6], $0x40, s22, s16, $0xb8;
	[tilespmem:$0x1E800] =	vst v63  }
0x243: {  	_ =	swait.ge [sflag:s9], $0x2000  }
0x244: {  	[sflag:s9] =	ssyncset.done $0x0  }
0x245: {  	s0 =	simm.s32 $0x780;
	[sflag:s9] =	ssyncadd.s32 $0xFFFFE000  }
0x246: {  	[tilespmem:s24], [sflag:$0x4] =	stream.indirect.gather [spmem:s2], $0x40, s0, s16, $0xb8;
	[tilespmem:$0x1E800] =	vst v63  }
0x247: {  	_ =	swait.ge [sflag:s25], $0x2000  }
0x248: {  	[sflag:s25] =	ssyncset.done $0x0  }
0x249: {  	s15 =	simm.s32 $0x1B00;
	[sflag:s25] =	ssyncadd.s32 $0xFFFFE000  }
0x24a: {  	[spmem:s3] =	stream.indirect.scatter.add.f32 [tilespmem:s20], [sflag:$0x7], $0x40, s15, s16, $0xb8;
	[tilespmem:$0x1E800] =	vst v63  }
0x24b: {  	_ =	swait.ge [sflag:s28], $0x2000  }
0x24c: {  	[sflag:s28] =	ssyncset.done $0x0  }
0x24d: {  	s22 =	simm.s32 $0x800;
	[sflag:s28] =	ssyncadd.s32 $0xFFFFE000  }
0x24e: {  	[tilespmem:s11], [sflag:$0x1] =	stream.indirect.gather [spmem:s2], $0x40, s22, s16, $0xb8;
	[tilespmem:$0x1E800] =	vst v63  }
0x24f: {  	_ =	swait.ge [sflag:s30], $0x2000  }
0x250: {  	[sflag:s30] =	ssyncset.done $0x0  }
0x251: {  	s0 =	simm.s32 $0x1B80;
	[sflag:s30] =	ssyncadd.s32 $0xFFFFE000  }
0x252: {  	[spmem:s3] =	stream.indirect.scatter.add.f32 [tilespmem:s24], [sflag:$0x8], $0x40, s0, s16, $0xb8;
	[tilespmem:$0x1E800] =	vst v63  }
0x253: {  	_ =	swait.ge [sflag:s1], $0x2000  }
0x254: {  	[sflag:s1] =	ssyncset.done $0x0  }
0x255: {  	s15 =	simm.s32 $0x880;
	[sflag:s1] =	ssyncadd.s32 $0xFFFFE000  }
0x256: {  	[tilespmem:s17], [sflag:$0x2] =	stream.indirect.gather [spmem:s2], $0x40, s15, s16, $0xb8;
	[tilespmem:$0x1E800] =	vst v63  }
0x257: {  	_ =	swait.ge [sflag:s18], $0x2000  }
0x258: {  	[sflag:s18] =	ssyncset.done $0x0  }
0x259: {  	s22 =	simm.s32 $0x1C00;
	[sflag:s18] =	ssyncadd.s32 $0xFFFFE000  }
0x25a: {  	[spmem:s3] =	stream.indirect.scatter.add.f32 [tilespmem:s11], [sflag:$0x5], $0x40, s22, s16, $0xb8;
	[tilespmem:$0x1E800] =	vst v63  }
0x25b: {  	_ =	swait.ge [sflag:s7], $0x2000  }
0x25c: {  	[sflag:s7] =	ssyncset.done $0x0  }
0x25d: {  	s0 =	simm.s32 $0x900;
	[sflag:s7] =	ssyncadd.s32 $0xFFFFE000  }
0x25e: {  	[tilespmem:s20], [sflag:$0x3] =	stream.indirect.gather [spmem:s2], $0x40, s0, s16, $0xb8;
	[tilespmem:$0x1E800] =	vst v63  }
0x25f: {  	_ =	swait.ge [sflag:s21], $0x2000  }
0x260: {  	[sflag:s21] =	ssyncset.done $0x0  }
0x261: {  	s15 =	simm.s32 $0x1C80;
	[sflag:s21] =	ssyncadd.s32 $0xFFFFE000  }
0x262: {  	[spmem:s3] =	stream.indirect.scatter.add.f32 [tilespmem:s17], [sflag:$0x6], $0x40, s15, s16, $0xb8;
	[tilespmem:$0x1E800] =	vst v63  }
0x263: {  	_ =	swait.ge [sflag:s9], $0x2000  }
0x264: {  	[sflag:s9] =	ssyncset.done $0x0  }
0x265: {  	s22 =	simm.s32 $0x980;
	[sflag:s9] =	ssyncadd.s32 $0xFFFFE000  }
0x266: {  	[tilespmem:s24], [sflag:$0x4] =	stream.indirect.gather [spmem:s2], $0x40, s22, s16, $0xb8;
	[tilespmem:$0x1E800] =	vst v63  }
0x267: {  	_ =	swait.ge [sflag:s25], $0x2000  }
0x268: {  	[sflag:s25] =	ssyncset.done $0x0  }
0x269: {  	s0 =	simm.s32 $0x1D00;
	[sflag:s25] =	ssyncadd.s32 $0xFFFFE000  }
0x26a: {  	[spmem:s3] =	stream.indirect.scatter.add.f32 [tilespmem:s20], [sflag:$0x7], $0x40, s0, s16, $0xb8;
	[tilespmem:$0x1E800] =	vst v63  }
0x26b: {  	_ =	swait.ge [sflag:s28], $0x2000  }
0x26c: {  	[sflag:s28] =	ssyncset.done $0x0  }
0x26d: {  	[sflag:s28] =	ssyncadd.s32 $0xFFFFE000  }
0x26e: {  	_ =	swait.ge [sflag:s30], $0x2000  }
0x26f: {  	[sflag:s30] =	ssyncset.done $0x0  }
0x270: {  	s15 =	simm.s32 $0x1D80;
	[sflag:s30] =	ssyncadd.s32 $0xFFFFE000  }
0x271: {  	[spmem:s3] =	stream.indirect.scatter.add.f32 [tilespmem:s24], [sflag:$0x8], $0x40, s15, s16, $0xb8;
	[tilespmem:$0x1E800] =	vst v63  }
0x272: {  	_ =	swait.ge [sflag:s1], $0x2000  }
0x273: {  	[sflag:s1] =	ssyncset.done $0x0  }
0x274: {  	[sflag:s1] =	ssyncadd.s32 $0xFFFFE000  }
0x275: {  	_ =	swait.ge [sflag:s7], $0x2000  }
0x276: {  	[sflag:s7] =	ssyncset.done $0x0  }
0x277: {  	[sflag:s7] =	ssyncadd.s32 $0xFFFFE000  }
0x278: {  	_ =	swait.ge [sflag:s9], $0x2000  }
0x279: {  	[sflag:s9] =	ssyncset.done $0x0  }
0x27a: {  	[sflag:s9] =	ssyncadd.s32 $0xFFFFE000  }
0x27b: {  	_ =	swait.ge [sflag:s5], $0xA00  }
0x27c: {  	[sflag:s5] =	ssyncset.done $0x0  }
0x27d: {  	[sflag:s5] =	ssyncadd.s32 $0xFFFFF600  }
0x27e: {  	_ =	swait.ge [sflag:s5], $0xA00  }
0x27f: {  	[sflag:s5] =	ssyncset.done $0x0  }
0x280: {  	s22 =	rddreg [dreg:$0xc];
	[sflag:s5] =	ssyncadd.s32 $0xFFFFF600  }
0x281: {  	[tilespmem:s4], [sflag:$0x9] =	stream.linear.gather [hbm4b:s22+s4], $0xA00, $0x38;
	[tilespmem:$0x1E800] =	vst v63  }
0x282: {  	s0 =	rddreg [dreg:$0xd]  }
0x283: {  	[tilespmem:s14], [sflag:$0x9] =	stream.linear.gather [hbm4b:s0+s4], $0xA00, $0x38;
	[tilespmem:$0x1E800] =	vst v63  }
0x284: {  	_ = 	snop  }
0x285: {  	[tilespmem:s11], [sflag:$0x1] =	stream.indirect.gather [spmem:s2], $0x40, s6, s16, $0xb8;
	[tilespmem:$0x1E800] =	vst v63  }
0x286: {  	s15 =	simm.s32 $0xA80  }
0x287: {  	[tilespmem:s17], [sflag:$0x2] =	stream.indirect.gather [spmem:s2], $0x40, s15, s16, $0xb8;
	[tilespmem:$0x1E800] =	vst v63  }
0x288: {  	_ =	swait.ge [sflag:s18], $0x2000  }
0x289: {  	[sflag:s18] =	ssyncset.done $0x0  }
0x28a: {  	s8 =	simm.s32 $0x1E00;
	[sflag:s18] =	ssyncadd.s32 $0xFFFFE000  }
0x28b: {  	[spmem:s3] =	stream.indirect.scatter.add.f32 [tilespmem:s11], [sflag:$0x5], $0x40, s8, s16, $0xb8;
	[tilespmem:$0x1E800] =	vst v63  }
0x28c: {  	s10 =	simm.s32 $0xB00  }
0x28d: {  	[tilespmem:s20], [sflag:$0x3] =	stream.indirect.gather [spmem:s2], $0x40, s10, s16, $0xb8;
	[tilespmem:$0x1E800] =	vst v63  }
0x28e: {  	_ =	swait.ge [sflag:s21], $0x2000  }
0x28f: {  	[sflag:s21] =	ssyncset.done $0x0  }
0x290: {  	s22 =	simm.s32 $0x1E80;
	[sflag:s21] =	ssyncadd.s32 $0xFFFFE000  }
0x291: {  	[spmem:s3] =	stream.indirect.scatter.add.f32 [tilespmem:s17], [sflag:$0x6], $0x40, s22, s16, $0xb8;
	[tilespmem:$0x1E800] =	vst v63  }
0x292: {  	s10 =	simm.s32 $0xB80  }
0x293: {  	[tilespmem:s24], [sflag:$0x4] =	stream.indirect.gather [spmem:s2], $0x40, s10, s16, $0xb8;
	[tilespmem:$0x1E800] =	vst v63  }
0x294: {  	_ =	swait.ge [sflag:s25], $0x2000  }
0x295: {  	[sflag:s25] =	ssyncset.done $0x0  }
0x296: {  	s22 =	simm.s32 $0x1F00;
	[sflag:s25] =	ssyncadd.s32 $0xFFFFE000  }
0x297: {  	[spmem:s3] =	stream.indirect.scatter.add.f32 [tilespmem:s20], [sflag:$0x7], $0x40, s22, s16, $0xb8;
	[tilespmem:$0x1E800] =	vst v63  }
0x298: {  	_ =	swait.ge [sflag:s28], $0x2000  }
0x299: {  	[sflag:s28] =	ssyncset.done $0x0  }
0x29a: {  	s10 =	simm.s32 $0xC00;
	[sflag:s28] =	ssyncadd.s32 $0xFFFFE000  }
0x29b: {  	[tilespmem:s11], [sflag:$0x1] =	stream.indirect.gather [spmem:s2], $0x40, s10, s16, $0xb8;
	[tilespmem:$0x1E800] =	vst v63  }
0x29c: {  	_ =	swait.ge [sflag:s30], $0x2000  }
0x29d: {  	[sflag:s30] =	ssyncset.done $0x0  }
0x29e: {  	s22 =	simm.s32 $0x1F80;
	[sflag:s30] =	ssyncadd.s32 $0xFFFFE000  }
0x29f: {  	[spmem:s3] =	stream.indirect.scatter.add.f32 [tilespmem:s24], [sflag:$0x8], $0x40, s22, s16, $0xb8;
	[tilespmem:$0x1E800] =	vst v63  }
0x2a0: {  	_ =	swait.ge [sflag:s1], $0x2000  }
0x2a1: {  	[sflag:s1] =	ssyncset.done $0x0  }
0x2a2: {  	s10 =	simm.s32 $0xC80;
	[sflag:s1] =	ssyncadd.s32 $0xFFFFE000  }
0x2a3: {  	[tilespmem:s17], [sflag:$0x2] =	stream.indirect.gather [spmem:s2], $0x40, s10, s16, $0xb8;
	[tilespmem:$0x1E800] =	vst v63  }
0x2a4: {  	_ =	swait.ge [sflag:s18], $0x2000  }
0x2a5: {  	[sflag:s18] =	ssyncset.done $0x0  }
0x2a6: {  	s22 =	simm.s32 $0x2000;
	[sflag:s18] =	ssyncadd.s32 $0xFFFFE000  }
0x2a7: {  	[spmem:s3] =	stream.indirect.scatter.add.f32 [tilespmem:s11], [sflag:$0x5], $0x40, s22, s16, $0xb8;
	[tilespmem:$0x1E800] =	vst v63  }
0x2a8: {  	_ =	swait.ge [sflag:s7], $0x2000  }
0x2a9: {  	[sflag:s7] =	ssyncset.done $0x0  }
0x2aa: {  	s10 =	simm.s32 $0xD00;
	[sflag:s7] =	ssyncadd.s32 $0xFFFFE000  }
0x2ab: {  	[tilespmem:s20], [sflag:$0x3] =	stream.indirect.gather [spmem:s2], $0x40, s10, s16, $0xb8;
	[tilespmem:$0x1E800] =	vst v63  }
0x2ac: {  	_ =	swait.ge [sflag:s21], $0x2000  }
0x2ad: {  	[sflag:s21] =	ssyncset.done $0x0  }
0x2ae: {  	s22 =	simm.s32 $0x2080;
	[sflag:s21] =	ssyncadd.s32 $0xFFFFE000  }
0x2af: {  	[spmem:s3] =	stream.indirect.scatter.add.f32 [tilespmem:s17], [sflag:$0x6], $0x40, s22, s16, $0xb8;
	[tilespmem:$0x1E800] =	vst v63  }
0x2b0: {  	_ =	swait.ge [sflag:s9], $0x2000  }
0x2b1: {  	[sflag:s9] =	ssyncset.done $0x0  }
0x2b2: {  	s10 =	simm.s32 $0xD80;
	[sflag:s9] =	ssyncadd.s32 $0xFFFFE000  }
0x2b3: {  	[tilespmem:s24], [sflag:$0x4] =	stream.indirect.gather [spmem:s2], $0x40, s10, s16, $0xb8;
	[tilespmem:$0x1E800] =	vst v63  }
0x2b4: {  	_ =	swait.ge [sflag:s25], $0x2000  }
0x2b5: {  	[sflag:s25] =	ssyncset.done $0x0  }
0x2b6: {  	s22 =	simm.s32 $0x2100;
	[sflag:s25] =	ssyncadd.s32 $0xFFFFE000  }
0x2b7: {  	[spmem:s3] =	stream.indirect.scatter.add.f32 [tilespmem:s20], [sflag:$0x7], $0x40, s22, s16, $0xb8;
	[tilespmem:$0x1E800] =	vst v63  }
0x2b8: {  	_ =	swait.ge [sflag:s28], $0x2000  }
0x2b9: {  	[sflag:s28] =	ssyncset.done $0x0  }
0x2ba: {  	s10 =	simm.s32 $0xE00;
	[sflag:s28] =	ssyncadd.s32 $0xFFFFE000  }
0x2bb: {  	[tilespmem:s11], [sflag:$0x1] =	stream.indirect.gather [spmem:s2], $0x40, s10, s16, $0xb8;
	[tilespmem:$0x1E800] =	vst v63  }
0x2bc: {  	_ =	swait.ge [sflag:s30], $0x2000  }
0x2bd: {  	[sflag:s30] =	ssyncset.done $0x0  }
0x2be: {  	s22 =	simm.s32 $0x2180;
	[sflag:s30] =	ssyncadd.s32 $0xFFFFE000  }
0x2bf: {  	[spmem:s3] =	stream.indirect.scatter.add.f32 [tilespmem:s24], [sflag:$0x8], $0x40, s22, s16, $0xb8;
	[tilespmem:$0x1E800] =	vst v63  }
0x2c0: {  	_ =	swait.ge [sflag:s1], $0x2000  }
0x2c1: {  	[sflag:s1] =	ssyncset.done $0x0  }
0x2c2: {  	s10 =	simm.s32 $0xE80;
	[sflag:s1] =	ssyncadd.s32 $0xFFFFE000  }
0x2c3: {  	[tilespmem:s17], [sflag:$0x2] =	stream.indirect.gather [spmem:s2], $0x40, s10, s16, $0xb8;
	[tilespmem:$0x1E800] =	vst v63  }
0x2c4: {  	_ =	swait.ge [sflag:s18], $0x2000  }
0x2c5: {  	[sflag:s18] =	ssyncset.done $0x0  }
0x2c6: {  	s22 =	simm.s32 $0x2200;
	[sflag:s18] =	ssyncadd.s32 $0xFFFFE000  }
0x2c7: {  	[spmem:s3] =	stream.indirect.scatter.add.f32 [tilespmem:s11], [sflag:$0x5], $0x40, s22, s16, $0xb8;
	[tilespmem:$0x1E800] =	vst v63  }
0x2c8: {  	_ =	swait.ge [sflag:s7], $0x2000  }
0x2c9: {  	[sflag:s7] =	ssyncset.done $0x0  }
0x2ca: {  	s10 =	simm.s32 $0xF00;
	[sflag:s7] =	ssyncadd.s32 $0xFFFFE000  }
0x2cb: {  	[tilespmem:s20], [sflag:$0x3] =	stream.indirect.gather [spmem:s2], $0x40, s10, s16, $0xb8;
	[tilespmem:$0x1E800] =	vst v63  }
0x2cc: {  	_ =	swait.ge [sflag:s21], $0x2000  }
0x2cd: {  	[sflag:s21] =	ssyncset.done $0x0  }
0x2ce: {  	s22 =	simm.s32 $0x2280;
	[sflag:s21] =	ssyncadd.s32 $0xFFFFE000  }
0x2cf: {  	[spmem:s3] =	stream.indirect.scatter.add.f32 [tilespmem:s17], [sflag:$0x6], $0x40, s22, s16, $0xb8;
	[tilespmem:$0x1E800] =	vst v63  }
0x2d0: {  	_ =	swait.ge [sflag:s9], $0x2000  }
0x2d1: {  	[sflag:s9] =	ssyncset.done $0x0  }
0x2d2: {  	s10 =	simm.s32 $0xF80;
	[sflag:s9] =	ssyncadd.s32 $0xFFFFE000  }
0x2d3: {  	[tilespmem:s24], [sflag:$0x4] =	stream.indirect.gather [spmem:s2], $0x40, s10, s16, $0xb8;
	[tilespmem:$0x1E800] =	vst v63  }
0x2d4: {  	_ =	swait.ge [sflag:s25], $0x2000  }
0x2d5: {  	[sflag:s25] =	ssyncset.done $0x0  }
0x2d6: {  	s22 =	simm.s32 $0x2300;
	[sflag:s25] =	ssyncadd.s32 $0xFFFFE000  }
0x2d7: {  	[spmem:s3] =	stream.indirect.scatter.add.f32 [tilespmem:s20], [sflag:$0x7], $0x40, s22, s16, $0xb8;
	[tilespmem:$0x1E800] =	vst v63  }
0x2d8: {  	_ =	swait.ge [sflag:s28], $0x2000  }
0x2d9: {  	[sflag:s28] =	ssyncset.done $0x0  }
0x2da: {  	s10 =	simm.s32 $0x1000;
	[sflag:s28] =	ssyncadd.s32 $0xFFFFE000  }
0x2db: {  	[tilespmem:s11], [sflag:$0x1] =	stream.indirect.gather [spmem:s2], $0x40, s10, s16, $0xb8;
	[tilespmem:$0x1E800] =	vst v63  }
0x2dc: {  	_ =	swait.ge [sflag:s30], $0x2000  }
0x2dd: {  	[sflag:s30] =	ssyncset.done $0x0  }
0x2de: {  	s22 =	simm.s32 $0x2380;
	[sflag:s30] =	ssyncadd.s32 $0xFFFFE000  }
0x2df: {  	[spmem:s3] =	stream.indirect.scatter.add.f32 [tilespmem:s24], [sflag:$0x8], $0x40, s22, s16, $0xb8;
	[tilespmem:$0x1E800] =	vst v63  }
0x2e0: {  	_ =	swait.ge [sflag:s1], $0x2000  }
0x2e1: {  	[sflag:s1] =	ssyncset.done $0x0  }
0x2e2: {  	s10 =	simm.s32 $0x1080;
	[sflag:s1] =	ssyncadd.s32 $0xFFFFE000  }
0x2e3: {  	[tilespmem:s17], [sflag:$0x2] =	stream.indirect.gather [spmem:s2], $0x40, s10, s16, $0xb8;
	[tilespmem:$0x1E800] =	vst v63  }
0x2e4: {  	_ =	swait.ge [sflag:s18], $0x2000  }
0x2e5: {  	[sflag:s18] =	ssyncset.done $0x0  }
0x2e6: {  	s22 =	simm.s32 $0x2400;
	[sflag:s18] =	ssyncadd.s32 $0xFFFFE000  }
0x2e7: {  	[spmem:s3] =	stream.indirect.scatter.add.f32 [tilespmem:s11], [sflag:$0x5], $0x40, s22, s16, $0xb8;
	[tilespmem:$0x1E800] =	vst v63  }
0x2e8: {  	_ =	swait.ge [sflag:s7], $0x2000  }
0x2e9: {  	[sflag:s7] =	ssyncset.done $0x0  }
0x2ea: {  	s10 =	simm.s32 $0x1100;
	[sflag:s7] =	ssyncadd.s32 $0xFFFFE000  }
0x2eb: {  	[tilespmem:s20], [sflag:$0x3] =	stream.indirect.gather [spmem:s2], $0x40, s10, s16, $0xb8;
	[tilespmem:$0x1E800] =	vst v63  }
0x2ec: {  	_ =	swait.ge [sflag:s21], $0x2000  }
0x2ed: {  	[sflag:s21] =	ssyncset.done $0x0  }
0x2ee: {  	s22 =	simm.s32 $0x2480;
	[sflag:s21] =	ssyncadd.s32 $0xFFFFE000  }
0x2ef: {  	[spmem:s3] =	stream.indirect.scatter.add.f32 [tilespmem:s17], [sflag:$0x6], $0x40, s22, s16, $0xb8;
	[tilespmem:$0x1E800] =	vst v63  }
0x2f0: {  	_ =	swait.ge [sflag:s9], $0x2000  }
0x2f1: {  	[sflag:s9] =	ssyncset.done $0x0  }
0x2f2: {  	s10 =	simm.s32 $0x1180;
	[sflag:s9] =	ssyncadd.s32 $0xFFFFE000  }
0x2f3: {  	[tilespmem:s24], [sflag:$0x4] =	stream.indirect.gather [spmem:s2], $0x40, s10, s16, $0xb8;
	[tilespmem:$0x1E800] =	vst v63  }
0x2f4: {  	_ =	swait.ge [sflag:s25], $0x2000  }
0x2f5: {  	[sflag:s25] =	ssyncset.done $0x0  }
0x2f6: {  	s22 =	simm.s32 $0x2500;
	[sflag:s25] =	ssyncadd.s32 $0xFFFFE000  }
0x2f7: {  	[spmem:s3] =	stream.indirect.scatter.add.f32 [tilespmem:s20], [sflag:$0x7], $0x40, s22, s16, $0xb8;
	[tilespmem:$0x1E800] =	vst v63  }
0x2f8: {  	_ =	swait.ge [sflag:s28], $0x2000  }
0x2f9: {  	[sflag:s28] =	ssyncset.done $0x0  }
0x2fa: {  	s10 =	simm.s32 $0x1200;
	[sflag:s28] =	ssyncadd.s32 $0xFFFFE000  }
0x2fb: {  	[tilespmem:s11], [sflag:$0x1] =	stream.indirect.gather [spmem:s2], $0x40, s10, s16, $0xb8;
	[tilespmem:$0x1E800] =	vst v63  }
0x2fc: {  	_ =	swait.ge [sflag:s30], $0x2000  }
0x2fd: {  	[sflag:s30] =	ssyncset.done $0x0  }
0x2fe: {  	s22 =	simm.s32 $0x2580;
	[sflag:s30] =	ssyncadd.s32 $0xFFFFE000  }
0x2ff: {  	[spmem:s3] =	stream.indirect.scatter.add.f32 [tilespmem:s24], [sflag:$0x8], $0x40, s22, s16, $0xb8;
	[tilespmem:$0x1E800] =	vst v63  }
0x300: {  	_ =	swait.ge [sflag:s1], $0x2000  }
0x301: {  	[sflag:s1] =	ssyncset.done $0x0  }
0x302: {  	s10 =	simm.s32 $0x1280;
	[sflag:s1] =	ssyncadd.s32 $0xFFFFE000  }
0x303: {  	[tilespmem:s17], [sflag:$0x2] =	stream.indirect.gather [spmem:s2], $0x40, s10, s16, $0xb8;
	[tilespmem:$0x1E800] =	vst v63  }
0x304: {  	_ =	swait.ge [sflag:s18], $0x2000  }
0x305: {  	[sflag:s18] =	ssyncset.done $0x0  }
0x306: {  	s22 =	simm.s32 $0x2600;
	[sflag:s18] =	ssyncadd.s32 $0xFFFFE000  }
0x307: {  	[spmem:s3] =	stream.indirect.scatter.add.f32 [tilespmem:s11], [sflag:$0x5], $0x40, s22, s16, $0xb8;
	[tilespmem:$0x1E800] =	vst v63  }
0x308: {  	_ =	swait.ge [sflag:s7], $0x2000  }
0x309: {  	[sflag:s7] =	ssyncset.done $0x0  }
0x30a: {  	s10 =	simm.s32 $0x1300;
	[sflag:s7] =	ssyncadd.s32 $0xFFFFE000  }
0x30b: {  	[tilespmem:s20], [sflag:$0x3] =	stream.indirect.gather [spmem:s2], $0x40, s10, s16, $0xb8;
	[tilespmem:$0x1E800] =	vst v63  }
0x30c: {  	_ =	swait.ge [sflag:s21], $0x2000  }
0x30d: {  	[sflag:s21] =	ssyncset.done $0x0  }
0x30e: {  	s22 =	simm.s32 $0x2680;
	[sflag:s21] =	ssyncadd.s32 $0xFFFFE000  }
0x30f: {  	[spmem:s3] =	stream.indirect.scatter.add.f32 [tilespmem:s17], [sflag:$0x6], $0x40, s22, s16, $0xb8;
	[tilespmem:$0x1E800] =	vst v63  }
0x310: {  	_ =	swait.ge [sflag:s9], $0x2000  }
0x311: {  	[sflag:s9] =	ssyncset.done $0x0  }
0x312: {  	s10 =	simm.s32 $0x1380;
	[sflag:s9] =	ssyncadd.s32 $0xFFFFE000  }
0x313: {  	[tilespmem:s24], [sflag:$0x4] =	stream.indirect.gather [spmem:s2], $0x40, s10, s16, $0xb8;
	[tilespmem:$0x1E800] =	vst v63  }
0x314: {  	_ =	swait.ge [sflag:s25], $0x2000  }
0x315: {  	[sflag:s25] =	ssyncset.done $0x0  }
0x316: {  	s22 =	simm.s32 $0x2700;
	[sflag:s25] =	ssyncadd.s32 $0xFFFFE000  }
0x317: {  	[spmem:s3] =	stream.indirect.scatter.add.f32 [tilespmem:s20], [sflag:$0x7], $0x40, s22, s16, $0xb8;
	[tilespmem:$0x1E800] =	vst v63  }
0x318: {  	_ =	swait.ge [sflag:s28], $0x2000  }
0x319: {  	[sflag:s28] =	ssyncset.done $0x0  }
0x31a: {  	[sflag:s28] =	ssyncadd.s32 $0xFFFFE000  }
0x31b: {  	_ =	swait.ge [sflag:s30], $0x2000  }
0x31c: {  	[sflag:s30] =	ssyncset.done $0x0  }
0x31d: {  	s10 =	simm.s32 $0x2780;
	[sflag:s30] =	ssyncadd.s32 $0xFFFFE000  }
0x31e: {  	[spmem:s3] =	stream.indirect.scatter.add.f32 [tilespmem:s24], [sflag:$0x8], $0x40, s10, s16, $0xb8;
	[tilespmem:$0x1E800] =	vst v63  }
0x31f: {  	_ =	swait.ge [sflag:s1], $0x2000  }
0x320: {  	[sflag:s1] =	ssyncset.done $0x0  }
0x321: {  	[sflag:s1] =	ssyncadd.s32 $0xFFFFE000  }
0x322: {  	_ =	swait.ge [sflag:s7], $0x2000  }
0x323: {  	[sflag:s7] =	ssyncset.done $0x0  }
0x324: {  	[sflag:s7] =	ssyncadd.s32 $0xFFFFE000  }
0x325: {  	_ =	swait.ge [sflag:s9], $0x2000  }
0x326: {  	[sflag:s9] =	ssyncset.done $0x0  }
0x327: {  	[sflag:s9] =	ssyncadd.s32 $0xFFFFE000  }
0x328: {  	_ =	swait.ge [sflag:s5], $0xA00  }
0x329: {  	[sflag:s5] =	ssyncset.done $0x0  }
0x32a: {  	[sflag:s5] =	ssyncadd.s32 $0xFFFFF600  }
0x32b: {  	_ =	swait.ge [sflag:s5], $0xA00  }
0x32c: {  	[sflag:s5] =	ssyncset.done $0x0  }
0x32d: {  	s0 =	simm.s32 $0xA00;
	s22 =	rddreg [dreg:$0xe];
	[sflag:s5] =	ssyncadd.s32 $0xFFFFF600  }
0x32e: {  	[tilespmem:s0], [sflag:$0x9] =	stream.linear.gather [hbm4b:s22+s4], $0xA00, $0x38;
	[tilespmem:$0x1E800] =	vst v63  }
0x32f: {  	s6 =	rddreg [dreg:$0xf]  }
0x330: {  	[tilespmem:s8], [sflag:$0x9] =	stream.linear.gather [hbm4b:s6+s4], $0xA00, $0x38;
	[tilespmem:$0x1E800] =	vst v63  }
0x331: {  	_ = 	snop  }
0x332: {  	[tilespmem:s11], [sflag:$0x1] =	stream.indirect.gather [spmem:s2], $0x40, s4, s16, $0xb8;
	[tilespmem:$0x1E800] =	vst v63  }
0x333: {  	_ = 	snop  }
0x334: {  	[tilespmem:s17], [sflag:$0x2] =	stream.indirect.gather [spmem:s2], $0x40, s16, s16, $0xb8;
	[tilespmem:$0x1E800] =	vst v63  }
0x335: {  	_ =	swait.ge [sflag:s18], $0x2000  }
0x336: {  	[sflag:s18] =	ssyncset.done $0x0  }
0x337: {  	[sflag:s18] =	ssyncadd.s32 $0xFFFFE000  }
0x338: {  	[spmem:s3] =	stream.indirect.scatter.add.f32 [tilespmem:s11], [sflag:$0x5], $0x40, s14, s16, $0xb8;
	[tilespmem:$0x1E800] =	vst v63  }
0x339: {  	s8 =	simm.s32 $0x100  }
0x33a: {  	[tilespmem:s20], [sflag:$0x3] =	stream.indirect.gather [spmem:s2], $0x40, s8, s16, $0xb8;
	[tilespmem:$0x1E800] =	vst v63  }
0x33b: {  	_ =	swait.ge [sflag:s21], $0x2000  }
0x33c: {  	[sflag:s21] =	ssyncset.done $0x0  }
0x33d: {  	s10 =	simm.s32 $0x1480;
	[sflag:s21] =	ssyncadd.s32 $0xFFFFE000  }
0x33e: {  	[spmem:s3] =	stream.indirect.scatter.add.f32 [tilespmem:s17], [sflag:$0x6], $0x40, s10, s16, $0xb8;
	[tilespmem:$0x1E800] =	vst v63  }
0x33f: {  	s22 =	simm.s32 $0x180  }
0x340: {  	[tilespmem:s24], [sflag:$0x4] =	stream.indirect.gather [spmem:s2], $0x40, s22, s16, $0xb8;
	[tilespmem:$0x1E800] =	vst v63  }
0x341: {  	_ =	swait.ge [sflag:s25], $0x2000  }
0x342: {  	[sflag:s25] =	ssyncset.done $0x0  }
0x343: {  	[sflag:s25] =	ssyncadd.s32 $0xFFFFE000  }
0x344: {  	[spmem:s3] =	stream.indirect.scatter.add.f32 [tilespmem:s20], [sflag:$0x7], $0x40, s19, s16, $0xb8;
	[tilespmem:$0x1E800] =	vst v63  }
0x345: {  	_ =	swait.ge [sflag:s28], $0x2000  }
0x346: {  	[sflag:s28] =	ssyncset.done $0x0  }
0x347: {  	[sflag:s28] =	ssyncadd.s32 $0xFFFFE000  }
0x348: {  	[tilespmem:s11], [sflag:$0x1] =	stream.indirect.gather [spmem:s2], $0x40, s23, s16, $0xb8;
	[tilespmem:$0x1E800] =	vst v63  }
0x349: {  	_ =	swait.ge [sflag:s30], $0x2000  }
0x34a: {  	[sflag:s30] =	ssyncset.done $0x0  }
0x34b: {  	[sflag:s30] =	ssyncadd.s32 $0xFFFFE000  }
0x34c: {  	[spmem:s3] =	stream.indirect.scatter.add.f32 [tilespmem:s24], [sflag:$0x8], $0x40, s26, s16, $0xb8;
	[tilespmem:$0x1E800] =	vst v63  }
0x34d: {  	_ =	swait.ge [sflag:s1], $0x2000  }
0x34e: {  	[sflag:s1] =	ssyncset.done $0x0  }
0x34f: {  	[sflag:s1] =	ssyncadd.s32 $0xFFFFE000  }
0x350: {  	[tilespmem:s17], [sflag:$0x2] =	stream.indirect.gather [spmem:s2], $0x40, s29, s16, $0xb8;
	[tilespmem:$0x1E800] =	vst v63  }
0x351: {  	_ =	swait.ge [sflag:s18], $0x2000  }
0x352: {  	[sflag:s18] =	ssyncset.done $0x0  }
0x353: {  	[sflag:s18] =	ssyncadd.s32 $0xFFFFE000  }
0x354: {  	[spmem:s3] =	stream.indirect.scatter.add.f32 [tilespmem:s11], [sflag:$0x5], $0x40, s31, s16, $0xb8;
	[tilespmem:$0x1E800] =	vst v63  }
0x355: {  	_ =	swait.ge [sflag:s7], $0x2000  }
0x356: {  	[sflag:s7] =	ssyncset.done $0x0  }
0x357: {  	s31 =	simm.s32 $0x300;
	[sflag:s7] =	ssyncadd.s32 $0xFFFFE000  }
0x358: {  	[tilespmem:s20], [sflag:$0x3] =	stream.indirect.gather [spmem:s2], $0x40, s31, s16, $0xb8;
	[tilespmem:$0x1E800] =	vst v63  }
0x359: {  	_ =	swait.ge [sflag:s21], $0x2000  }
0x35a: {  	[sflag:s21] =	ssyncset.done $0x0  }
0x35b: {  	s0 =	simm.s32 $0x1680;
	[sflag:s21] =	ssyncadd.s32 $0xFFFFE000  }
0x35c: {  	[spmem:s3] =	stream.indirect.scatter.add.f32 [tilespmem:s17], [sflag:$0x6], $0x40, s0, s16, $0xb8;
	[tilespmem:$0x1E800] =	vst v63  }
0x35d: {  	_ =	swait.ge [sflag:s9], $0x2000  }
0x35e: {  	[sflag:s9] =	ssyncset.done $0x0  }
0x35f: {  	s6 =	simm.s32 $0x380;
	[sflag:s9] =	ssyncadd.s32 $0xFFFFE000  }
0x360: {  	[tilespmem:s24], [sflag:$0x4] =	stream.indirect.gather [spmem:s2], $0x40, s6, s16, $0xb8;
	[tilespmem:$0x1E800] =	vst v63  }
0x361: {  	_ =	swait.ge [sflag:s25], $0x2000  }
0x362: {  	[sflag:s25] =	ssyncset.done $0x0  }
0x363: {  	s8 =	simm.s32 $0x1700;
	[sflag:s25] =	ssyncadd.s32 $0xFFFFE000  }
0x364: {  	[spmem:s3] =	stream.indirect.scatter.add.f32 [tilespmem:s20], [sflag:$0x7], $0x40, s8, s16, $0xb8;
	[tilespmem:$0x1E800] =	vst v63  }
0x365: {  	_ =	swait.ge [sflag:s28], $0x2000  }
0x366: {  	[sflag:s28] =	ssyncset.done $0x0  }
0x367: {  	s19 =	simm.s32 $0x400;
	[sflag:s28] =	ssyncadd.s32 $0xFFFFE000  }
0x368: {  	[tilespmem:s11], [sflag:$0x1] =	stream.indirect.gather [spmem:s2], $0x40, s19, s16, $0xb8;
	[tilespmem:$0x1E800] =	vst v63  }
0x369: {  	_ =	swait.ge [sflag:s30], $0x2000  }
0x36a: {  	[sflag:s30] =	ssyncset.done $0x0  }
0x36b: {  	s22 =	simm.s32 $0x1780;
	[sflag:s30] =	ssyncadd.s32 $0xFFFFE000  }
0x36c: {  	[spmem:s3] =	stream.indirect.scatter.add.f32 [tilespmem:s24], [sflag:$0x8], $0x40, s22, s16, $0xb8;
	[tilespmem:$0x1E800] =	vst v63  }
0x36d: {  	_ =	swait.ge [sflag:s1], $0x2000  }
0x36e: {  	[sflag:s1] =	ssyncset.done $0x0  }
0x36f: {  	s23 =	simm.s32 $0x480;
	[sflag:s1] =	ssyncadd.s32 $0xFFFFE000  }
0x370: {  	[tilespmem:s17], [sflag:$0x2] =	stream.indirect.gather [spmem:s2], $0x40, s23, s16, $0xb8;
	[tilespmem:$0x1E800] =	vst v63  }
0x371: {  	_ =	swait.ge [sflag:s18], $0x2000  }
0x372: {  	[sflag:s18] =	ssyncset.done $0x0  }
0x373: {  	s26 =	simm.s32 $0x1800;
	[sflag:s18] =	ssyncadd.s32 $0xFFFFE000  }
0x374: {  	[spmem:s3] =	stream.indirect.scatter.add.f32 [tilespmem:s11], [sflag:$0x5], $0x40, s26, s16, $0xb8;
	[tilespmem:$0x1E800] =	vst v63  }
0x375: {  	_ =	swait.ge [sflag:s7], $0x2000  }
0x376: {  	[sflag:s7] =	ssyncset.done $0x0  }
0x377: {  	s29 =	simm.s32 $0x500;
	[sflag:s7] =	ssyncadd.s32 $0xFFFFE000  }
0x378: {  	[tilespmem:s20], [sflag:$0x3] =	stream.indirect.gather [spmem:s2], $0x40, s29, s16, $0xb8;
	[tilespmem:$0x1E800] =	vst v63  }
0x379: {  	_ =	swait.ge [sflag:s21], $0x2000  }
0x37a: {  	[sflag:s21] =	ssyncset.done $0x0  }
0x37b: {  	s31 =	simm.s32 $0x1880;
	[sflag:s21] =	ssyncadd.s32 $0xFFFFE000  }
0x37c: {  	[spmem:s3] =	stream.indirect.scatter.add.f32 [tilespmem:s17], [sflag:$0x6], $0x40, s31, s16, $0xb8;
	[tilespmem:$0x1E800] =	vst v63  }
0x37d: {  	_ =	swait.ge [sflag:s9], $0x2000  }
0x37e: {  	[sflag:s9] =	ssyncset.done $0x0  }
0x37f: {  	s0 =	simm.s32 $0x580;
	[sflag:s9] =	ssyncadd.s32 $0xFFFFE000  }
0x380: {  	[tilespmem:s24], [sflag:$0x4] =	stream.indirect.gather [spmem:s2], $0x40, s0, s16, $0xb8;
	[tilespmem:$0x1E800] =	vst v63  }
0x381: {  	_ =	swait.ge [sflag:s25], $0x2000  }
0x382: {  	[sflag:s25] =	ssyncset.done $0x0  }
0x383: {  	s6 =	simm.s32 $0x1900;
	[sflag:s25] =	ssyncadd.s32 $0xFFFFE000  }
0x384: {  	[spmem:s3] =	stream.indirect.scatter.add.f32 [tilespmem:s20], [sflag:$0x7], $0x40, s6, s16, $0xb8;
	[tilespmem:$0x1E800] =	vst v63  }
0x385: {  	_ =	swait.ge [sflag:s28], $0x2000  }
0x386: {  	[sflag:s28] =	ssyncset.done $0x0  }
0x387: {  	s8 =	simm.s32 $0x600;
	[sflag:s28] =	ssyncadd.s32 $0xFFFFE000  }
0x388: {  	[tilespmem:s11], [sflag:$0x1] =	stream.indirect.gather [spmem:s2], $0x40, s8, s16, $0xb8;
	[tilespmem:$0x1E800] =	vst v63  }
0x389: {  	_ =	swait.ge [sflag:s30], $0x2000  }
0x38a: {  	[sflag:s30] =	ssyncset.done $0x0  }
0x38b: {  	s19 =	simm.s32 $0x1980;
	[sflag:s30] =	ssyncadd.s32 $0xFFFFE000  }
0x38c: {  	[spmem:s3] =	stream.indirect.scatter.add.f32 [tilespmem:s24], [sflag:$0x8], $0x40, s19, s16, $0xb8;
	[tilespmem:$0x1E800] =	vst v63  }
0x38d: {  	_ =	swait.ge [sflag:s1], $0x2000  }
0x38e: {  	[sflag:s1] =	ssyncset.done $0x0  }
0x38f: {  	s22 =	simm.s32 $0x680;
	[sflag:s1] =	ssyncadd.s32 $0xFFFFE000  }
0x390: {  	[tilespmem:s17], [sflag:$0x2] =	stream.indirect.gather [spmem:s2], $0x40, s22, s16, $0xb8;
	[tilespmem:$0x1E800] =	vst v63  }
0x391: {  	_ =	swait.ge [sflag:s18], $0x2000  }
0x392: {  	[sflag:s18] =	ssyncset.done $0x0  }
0x393: {  	s23 =	simm.s32 $0x1A00;
	[sflag:s18] =	ssyncadd.s32 $0xFFFFE000  }
0x394: {  	[spmem:s3] =	stream.indirect.scatter.add.f32 [tilespmem:s11], [sflag:$0x5], $0x40, s23, s16, $0xb8;
	[tilespmem:$0x1E800] =	vst v63  }
0x395: {  	_ =	swait.ge [sflag:s7], $0x2000  }
0x396: {  	[sflag:s7] =	ssyncset.done $0x0  }
0x397: {  	s26 =	simm.s32 $0x700;
	[sflag:s7] =	ssyncadd.s32 $0xFFFFE000  }
0x398: {  	[tilespmem:s20], [sflag:$0x3] =	stream.indirect.gather [spmem:s2], $0x40, s26, s16, $0xb8;
	[tilespmem:$0x1E800] =	vst v63  }
0x399: {  	_ =	swait.ge [sflag:s21], $0x2000  }
0x39a: {  	[sflag:s21] =	ssyncset.done $0x0  }
0x39b: {  	s29 =	simm.s32 $0x1A80;
	[sflag:s21] =	ssyncadd.s32 $0xFFFFE000  }
0x39c: {  	[spmem:s3] =	stream.indirect.scatter.add.f32 [tilespmem:s17], [sflag:$0x6], $0x40, s29, s16, $0xb8;
	[tilespmem:$0x1E800] =	vst v63  }
0x39d: {  	_ =	swait.ge [sflag:s9], $0x2000  }
0x39e: {  	[sflag:s9] =	ssyncset.done $0x0  }
0x39f: {  	s31 =	simm.s32 $0x780;
	[sflag:s9] =	ssyncadd.s32 $0xFFFFE000  }
0x3a0: {  	[tilespmem:s24], [sflag:$0x4] =	stream.indirect.gather [spmem:s2], $0x40, s31, s16, $0xb8;
	[tilespmem:$0x1E800] =	vst v63  }
0x3a1: {  	_ =	swait.ge [sflag:s25], $0x2000  }
0x3a2: {  	[sflag:s25] =	ssyncset.done $0x0  }
0x3a3: {  	s0 =	simm.s32 $0x1B00;
	[sflag:s25] =	ssyncadd.s32 $0xFFFFE000  }
0x3a4: {  	[spmem:s3] =	stream.indirect.scatter.add.f32 [tilespmem:s20], [sflag:$0x7], $0x40, s0, s16, $0xb8;
	[tilespmem:$0x1E800] =	vst v63  }
0x3a5: {  	_ =	swait.ge [sflag:s28], $0x2000  }
0x3a6: {  	[sflag:s28] =	ssyncset.done $0x0  }
0x3a7: {  	s6 =	simm.s32 $0x800;
	[sflag:s28] =	ssyncadd.s32 $0xFFFFE000  }
0x3a8: {  	[tilespmem:s11], [sflag:$0x1] =	stream.indirect.gather [spmem:s2], $0x40, s6, s16, $0xb8;
	[tilespmem:$0x1E800] =	vst v63  }
0x3a9: {  	_ =	swait.ge [sflag:s30], $0x2000  }
0x3aa: {  	[sflag:s30] =	ssyncset.done $0x0  }
0x3ab: {  	s8 =	simm.s32 $0x1B80;
	[sflag:s30] =	ssyncadd.s32 $0xFFFFE000  }
0x3ac: {  	[spmem:s3] =	stream.indirect.scatter.add.f32 [tilespmem:s24], [sflag:$0x8], $0x40, s8, s16, $0xb8;
	[tilespmem:$0x1E800] =	vst v63  }
0x3ad: {  	_ =	swait.ge [sflag:s1], $0x2000  }
0x3ae: {  	[sflag:s1] =	ssyncset.done $0x0  }
0x3af: {  	s19 =	simm.s32 $0x880;
	[sflag:s1] =	ssyncadd.s32 $0xFFFFE000  }
0x3b0: {  	[tilespmem:s17], [sflag:$0x2] =	stream.indirect.gather [spmem:s2], $0x40, s19, s16, $0xb8;
	[tilespmem:$0x1E800] =	vst v63  }
0x3b1: {  	_ =	swait.ge [sflag:s18], $0x2000  }
0x3b2: {  	[sflag:s18] =	ssyncset.done $0x0  }
0x3b3: {  	s22 =	simm.s32 $0x1C00;
	[sflag:s18] =	ssyncadd.s32 $0xFFFFE000  }
0x3b4: {  	[spmem:s3] =	stream.indirect.scatter.add.f32 [tilespmem:s11], [sflag:$0x5], $0x40, s22, s16, $0xb8;
	[tilespmem:$0x1E800] =	vst v63  }
0x3b5: {  	_ =	swait.ge [sflag:s7], $0x2000  }
0x3b6: {  	[sflag:s7] =	ssyncset.done $0x0  }
0x3b7: {  	s23 =	simm.s32 $0x900;
	[sflag:s7] =	ssyncadd.s32 $0xFFFFE000  }
0x3b8: {  	[tilespmem:s20], [sflag:$0x3] =	stream.indirect.gather [spmem:s2], $0x40, s23, s16, $0xb8;
	[tilespmem:$0x1E800] =	vst v63  }
0x3b9: {  	_ =	swait.ge [sflag:s21], $0x2000  }
0x3ba: {  	[sflag:s21] =	ssyncset.done $0x0  }
0x3bb: {  	s26 =	simm.s32 $0x1C80;
	[sflag:s21] =	ssyncadd.s32 $0xFFFFE000  }
0x3bc: {  	[spmem:s3] =	stream.indirect.scatter.add.f32 [tilespmem:s17], [sflag:$0x6], $0x40, s26, s16, $0xb8;
	[tilespmem:$0x1E800] =	vst v63  }
0x3bd: {  	_ =	swait.ge [sflag:s9], $0x2000  }
0x3be: {  	[sflag:s9] =	ssyncset.done $0x0  }
0x3bf: {  	s29 =	simm.s32 $0x980;
	[sflag:s9] =	ssyncadd.s32 $0xFFFFE000  }
0x3c0: {  	[tilespmem:s24], [sflag:$0x4] =	stream.indirect.gather [spmem:s2], $0x40, s29, s16, $0xb8;
	[tilespmem:$0x1E800] =	vst v63  }
0x3c1: {  	_ =	swait.ge [sflag:s25], $0x2000  }
0x3c2: {  	[sflag:s25] =	ssyncset.done $0x0  }
0x3c3: {  	s31 =	simm.s32 $0x1D00;
	[sflag:s25] =	ssyncadd.s32 $0xFFFFE000  }
0x3c4: {  	[spmem:s3] =	stream.indirect.scatter.add.f32 [tilespmem:s20], [sflag:$0x7], $0x40, s31, s16, $0xb8;
	[tilespmem:$0x1E800] =	vst v63  }
0x3c5: {  	_ =	swait.ge [sflag:s28], $0x2000  }
0x3c6: {  	[sflag:s28] =	ssyncset.done $0x0  }
0x3c7: {  	[sflag:s28] =	ssyncadd.s32 $0xFFFFE000  }
0x3c8: {  	_ =	swait.ge [sflag:s30], $0x2000  }
0x3c9: {  	[sflag:s30] =	ssyncset.done $0x0  }
0x3ca: {  	s0 =	simm.s32 $0x1D80;
	[sflag:s30] =	ssyncadd.s32 $0xFFFFE000  }
0x3cb: {  	[spmem:s3] =	stream.indirect.scatter.add.f32 [tilespmem:s24], [sflag:$0x8], $0x40, s0, s16, $0xb8;
	[tilespmem:$0x1E800] =	vst v63  }
0x3cc: {  	_ =	swait.ge [sflag:s1], $0x2000  }
0x3cd: {  	[sflag:s1] =	ssyncset.done $0x0  }
0x3ce: {  	[sflag:s1] =	ssyncadd.s32 $0xFFFFE000  }
0x3cf: {  	_ =	swait.ge [sflag:s7], $0x2000  }
0x3d0: {  	[sflag:s7] =	ssyncset.done $0x0  }
0x3d1: {  	[sflag:s7] =	ssyncadd.s32 $0xFFFFE000  }
0x3d2: {  	_ =	swait.ge [sflag:s9], $0x2000  }
0x3d3: {  	[sflag:s9] =	ssyncset.done $0x0  }
0x3d4: {  	[sflag:s9] =	ssyncadd.s32 $0xFFFFE000  }
0x3d5: {  	_ =	swait.ge [sflag:s5], $0xA00  }
0x3d6: {  	[sflag:s5] =	ssyncset.done $0x0  }
0x3d7: {  	[sflag:s5] =	ssyncadd.s32 $0xFFFFF600  }
0x3d8: {  	_ =	swait.ge [sflag:s5], $0xA00  }
0x3d9: {  	[sflag:s5] =	ssyncset.done $0x0  }
0x3da: {  	s6 =	rddreg [dreg:$0x10];
	[sflag:s5] =	ssyncadd.s32 $0xFFFFF600  }
0x3db: {  	[tilespmem:s4], [sflag:$0x9] =	stream.linear.gather [hbm4b:s6+s4], $0xA00, $0x38;
	[tilespmem:$0x1E800] =	vst v63  }
0x3dc: {  	s8 =	rddreg [dreg:$0x11]  }
0x3dd: {  	[tilespmem:s14], [sflag:$0x9] =	stream.linear.gather [hbm4b:s8+s4], $0xA00, $0x38;
	[tilespmem:$0x1E800] =	vst v63  }
0x3de: {  	s8 =	simm.s32 $0xA00  }
0x3df: {  	[tilespmem:s11], [sflag:$0x1] =	stream.indirect.gather [spmem:s2], $0x40, s8, s16, $0xb8;
	[tilespmem:$0x1E800] =	vst v63  }
0x3e0: {  	_ = 	snop  }
0x3e1: {  	[tilespmem:s17], [sflag:$0x2] =	stream.indirect.gather [spmem:s2], $0x40, s15, s16, $0xb8;
	[tilespmem:$0x1E800] =	vst v63  }
0x3e2: {  	_ =	swait.ge [sflag:s18], $0x2000  }
0x3e3: {  	[sflag:s18] =	ssyncset.done $0x0  }
0x3e4: {  	s6 =	simm.s32 $0x1E00;
	[sflag:s18] =	ssyncadd.s32 $0xFFFFE000  }
0x3e5: {  	[spmem:s3] =	stream.indirect.scatter.add.f32 [tilespmem:s11], [sflag:$0x5], $0x40, s6, s16, $0xb8;
	[tilespmem:$0x1E800] =	vst v63  }
0x3e6: {  	s15 =	simm.s32 $0xB00  }
0x3e7: {  	[tilespmem:s20], [sflag:$0x3] =	stream.indirect.gather [spmem:s2], $0x40, s15, s16, $0xb8;
	[tilespmem:$0x1E800] =	vst v63  }
0x3e8: {  	_ =	swait.ge [sflag:s21], $0x2000  }
0x3e9: {  	[sflag:s21] =	ssyncset.done $0x0  }
0x3ea: {  	s19 =	simm.s32 $0x1E80;
	[sflag:s21] =	ssyncadd.s32 $0xFFFFE000  }
0x3eb: {  	[spmem:s3] =	stream.indirect.scatter.add.f32 [tilespmem:s17], [sflag:$0x6], $0x40, s19, s16, $0xb8;
	[tilespmem:$0x1E800] =	vst v63  }
0x3ec: {  	s22 =	simm.s32 $0xB80  }
0x3ed: {  	[tilespmem:s24], [sflag:$0x4] =	stream.indirect.gather [spmem:s2], $0x40, s22, s16, $0xb8;
	[tilespmem:$0x1E800] =	vst v63  }
0x3ee: {  	_ =	swait.ge [sflag:s25], $0x2000  }
0x3ef: {  	[sflag:s25] =	ssyncset.done $0x0  }
0x3f0: {  	s23 =	simm.s32 $0x1F00;
	[sflag:s25] =	ssyncadd.s32 $0xFFFFE000  }
0x3f1: {  	[spmem:s3] =	stream.indirect.scatter.add.f32 [tilespmem:s20], [sflag:$0x7], $0x40, s23, s16, $0xb8;
	[tilespmem:$0x1E800] =	vst v63  }
0x3f2: {  	_ =	swait.ge [sflag:s28], $0x2000  }
0x3f3: {  	[sflag:s28] =	ssyncset.done $0x0  }
0x3f4: {  	s26 =	simm.s32 $0xC00;
	[sflag:s28] =	ssyncadd.s32 $0xFFFFE000  }
0x3f5: {  	[tilespmem:s11], [sflag:$0x1] =	stream.indirect.gather [spmem:s2], $0x40, s26, s16, $0xb8;
	[tilespmem:$0x1E800] =	vst v63  }
0x3f6: {  	_ =	swait.ge [sflag:s30], $0x2000  }
0x3f7: {  	[sflag:s30] =	ssyncset.done $0x0  }
0x3f8: {  	s29 =	simm.s32 $0x1F80;
	[sflag:s30] =	ssyncadd.s32 $0xFFFFE000  }
0x3f9: {  	[spmem:s3] =	stream.indirect.scatter.add.f32 [tilespmem:s24], [sflag:$0x8], $0x40, s29, s16, $0xb8;
	[tilespmem:$0x1E800] =	vst v63  }
0x3fa: {  	_ =	swait.ge [sflag:s1], $0x2000  }
0x3fb: {  	[sflag:s1] =	ssyncset.done $0x0  }
0x3fc: {  	s31 =	simm.s32 $0xC80;
	[sflag:s1] =	ssyncadd.s32 $0xFFFFE000  }
0x3fd: {  	[tilespmem:s17], [sflag:$0x2] =	stream.indirect.gather [spmem:s2], $0x40, s31, s16, $0xb8;
	[tilespmem:$0x1E800] =	vst v63  }
0x3fe: {  	_ =	swait.ge [sflag:s18], $0x2000  }
0x3ff: {  	[sflag:s18] =	ssyncset.done $0x0  }
0x400: {  	s0 =	simm.s32 $0x2000;
	[sflag:s18] =	ssyncadd.s32 $0xFFFFE000  }
0x401: {  	[spmem:s3] =	stream.indirect.scatter.add.f32 [tilespmem:s11], [sflag:$0x5], $0x40, s0, s16, $0xb8;
	[tilespmem:$0x1E800] =	vst v63  }
0x402: {  	_ =	swait.ge [sflag:s7], $0x2000  }
0x403: {  	[sflag:s7] =	ssyncset.done $0x0  }
0x404: {  	s22 =	simm.s32 $0xD00;
	[sflag:s7] =	ssyncadd.s32 $0xFFFFE000  }
0x405: {  	[tilespmem:s20], [sflag:$0x3] =	stream.indirect.gather [spmem:s2], $0x40, s22, s16, $0xb8;
	[tilespmem:$0x1E800] =	vst v63  }
0x406: {  	_ =	swait.ge [sflag:s21], $0x2000  }
0x407: {  	[sflag:s21] =	ssyncset.done $0x0  }
0x408: {  	s0 =	simm.s32 $0x2080;
	[sflag:s21] =	ssyncadd.s32 $0xFFFFE000  }
0x409: {  	[spmem:s3] =	stream.indirect.scatter.add.f32 [tilespmem:s17], [sflag:$0x6], $0x40, s0, s16, $0xb8;
	[tilespmem:$0x1E800] =	vst v63  }
0x40a: {  	_ =	swait.ge [sflag:s9], $0x2000  }
0x40b: {  	[sflag:s9] =	ssyncset.done $0x0  }
0x40c: {  	s22 =	simm.s32 $0xD80;
	[sflag:s9] =	ssyncadd.s32 $0xFFFFE000  }
0x40d: {  	[tilespmem:s24], [sflag:$0x4] =	stream.indirect.gather [spmem:s2], $0x40, s22, s16, $0xb8;
	[tilespmem:$0x1E800] =	vst v63  }
0x40e: {  	_ =	swait.ge [sflag:s25], $0x2000  }
0x40f: {  	[sflag:s25] =	ssyncset.done $0x0  }
0x410: {  	s0 =	simm.s32 $0x2100;
	[sflag:s25] =	ssyncadd.s32 $0xFFFFE000  }
0x411: {  	[spmem:s3] =	stream.indirect.scatter.add.f32 [tilespmem:s20], [sflag:$0x7], $0x40, s0, s16, $0xb8;
	[tilespmem:$0x1E800] =	vst v63  }
0x412: {  	_ =	swait.ge [sflag:s28], $0x2000  }
0x413: {  	[sflag:s28] =	ssyncset.done $0x0  }
0x414: {  	s22 =	simm.s32 $0xE00;
	[sflag:s28] =	ssyncadd.s32 $0xFFFFE000  }
0x415: {  	[tilespmem:s11], [sflag:$0x1] =	stream.indirect.gather [spmem:s2], $0x40, s22, s16, $0xb8;
	[tilespmem:$0x1E800] =	vst v63  }
0x416: {  	_ =	swait.ge [sflag:s30], $0x2000  }
0x417: {  	[sflag:s30] =	ssyncset.done $0x0  }
0x418: {  	s0 =	simm.s32 $0x2180;
	[sflag:s30] =	ssyncadd.s32 $0xFFFFE000  }
0x419: {  	[spmem:s3] =	stream.indirect.scatter.add.f32 [tilespmem:s24], [sflag:$0x8], $0x40, s0, s16, $0xb8;
	[tilespmem:$0x1E800] =	vst v63  }
0x41a: {  	_ =	swait.ge [sflag:s1], $0x2000  }
0x41b: {  	[sflag:s1] =	ssyncset.done $0x0  }
0x41c: {  	s22 =	simm.s32 $0xE80;
	[sflag:s1] =	ssyncadd.s32 $0xFFFFE000  }
0x41d: {  	[tilespmem:s17], [sflag:$0x2] =	stream.indirect.gather [spmem:s2], $0x40, s22, s16, $0xb8;
	[tilespmem:$0x1E800] =	vst v63  }
0x41e: {  	_ =	swait.ge [sflag:s18], $0x2000  }
0x41f: {  	[sflag:s18] =	ssyncset.done $0x0  }
0x420: {  	s0 =	simm.s32 $0x2200;
	[sflag:s18] =	ssyncadd.s32 $0xFFFFE000  }
0x421: {  	[spmem:s3] =	stream.indirect.scatter.add.f32 [tilespmem:s11], [sflag:$0x5], $0x40, s0, s16, $0xb8;
	[tilespmem:$0x1E800] =	vst v63  }
0x422: {  	_ =	swait.ge [sflag:s7], $0x2000  }
0x423: {  	[sflag:s7] =	ssyncset.done $0x0  }
0x424: {  	s22 =	simm.s32 $0xF00;
	[sflag:s7] =	ssyncadd.s32 $0xFFFFE000  }
0x425: {  	[tilespmem:s20], [sflag:$0x3] =	stream.indirect.gather [spmem:s2], $0x40, s22, s16, $0xb8;
	[tilespmem:$0x1E800] =	vst v63  }
0x426: {  	_ =	swait.ge [sflag:s21], $0x2000  }
0x427: {  	[sflag:s21] =	ssyncset.done $0x0  }
0x428: {  	s0 =	simm.s32 $0x2280;
	[sflag:s21] =	ssyncadd.s32 $0xFFFFE000  }
0x429: {  	[spmem:s3] =	stream.indirect.scatter.add.f32 [tilespmem:s17], [sflag:$0x6], $0x40, s0, s16, $0xb8;
	[tilespmem:$0x1E800] =	vst v63  }
0x42a: {  	_ =	swait.ge [sflag:s9], $0x2000  }
0x42b: {  	[sflag:s9] =	ssyncset.done $0x0  }
0x42c: {  	s22 =	simm.s32 $0xF80;
	[sflag:s9] =	ssyncadd.s32 $0xFFFFE000  }
0x42d: {  	[tilespmem:s24], [sflag:$0x4] =	stream.indirect.gather [spmem:s2], $0x40, s22, s16, $0xb8;
	[tilespmem:$0x1E800] =	vst v63  }
0x42e: {  	_ =	swait.ge [sflag:s25], $0x2000  }
0x42f: {  	[sflag:s25] =	ssyncset.done $0x0  }
0x430: {  	s0 =	simm.s32 $0x2300;
	[sflag:s25] =	ssyncadd.s32 $0xFFFFE000  }
0x431: {  	[spmem:s3] =	stream.indirect.scatter.add.f32 [tilespmem:s20], [sflag:$0x7], $0x40, s0, s16, $0xb8;
	[tilespmem:$0x1E800] =	vst v63  }
0x432: {  	_ =	swait.ge [sflag:s28], $0x2000  }
0x433: {  	[sflag:s28] =	ssyncset.done $0x0  }
0x434: {  	s22 =	simm.s32 $0x1000;
	[sflag:s28] =	ssyncadd.s32 $0xFFFFE000  }
0x435: {  	[tilespmem:s11], [sflag:$0x1] =	stream.indirect.gather [spmem:s2], $0x40, s22, s16, $0xb8;
	[tilespmem:$0x1E800] =	vst v63  }
0x436: {  	_ =	swait.ge [sflag:s30], $0x2000  }
0x437: {  	[sflag:s30] =	ssyncset.done $0x0  }
0x438: {  	s0 =	simm.s32 $0x2380;
	[sflag:s30] =	ssyncadd.s32 $0xFFFFE000  }
0x439: {  	[spmem:s3] =	stream.indirect.scatter.add.f32 [tilespmem:s24], [sflag:$0x8], $0x40, s0, s16, $0xb8;
	[tilespmem:$0x1E800] =	vst v63  }
0x43a: {  	_ =	swait.ge [sflag:s1], $0x2000  }
0x43b: {  	[sflag:s1] =	ssyncset.done $0x0  }
0x43c: {  	s22 =	simm.s32 $0x1080;
	[sflag:s1] =	ssyncadd.s32 $0xFFFFE000  }
0x43d: {  	[tilespmem:s17], [sflag:$0x2] =	stream.indirect.gather [spmem:s2], $0x40, s22, s16, $0xb8;
	[tilespmem:$0x1E800] =	vst v63  }
0x43e: {  	_ =	swait.ge [sflag:s18], $0x2000  }
0x43f: {  	[sflag:s18] =	ssyncset.done $0x0  }
0x440: {  	s0 =	simm.s32 $0x2400;
	[sflag:s18] =	ssyncadd.s32 $0xFFFFE000  }
0x441: {  	[spmem:s3] =	stream.indirect.scatter.add.f32 [tilespmem:s11], [sflag:$0x5], $0x40, s0, s16, $0xb8;
	[tilespmem:$0x1E800] =	vst v63  }
0x442: {  	_ =	swait.ge [sflag:s7], $0x2000  }
0x443: {  	[sflag:s7] =	ssyncset.done $0x0  }
0x444: {  	s22 =	simm.s32 $0x1100;
	[sflag:s7] =	ssyncadd.s32 $0xFFFFE000  }
0x445: {  	[tilespmem:s20], [sflag:$0x3] =	stream.indirect.gather [spmem:s2], $0x40, s22, s16, $0xb8;
	[tilespmem:$0x1E800] =	vst v63  }
0x446: {  	_ =	swait.ge [sflag:s21], $0x2000  }
0x447: {  	[sflag:s21] =	ssyncset.done $0x0  }
0x448: {  	s0 =	simm.s32 $0x2480;
	[sflag:s21] =	ssyncadd.s32 $0xFFFFE000  }
0x449: {  	[spmem:s3] =	stream.indirect.scatter.add.f32 [tilespmem:s17], [sflag:$0x6], $0x40, s0, s16, $0xb8;
	[tilespmem:$0x1E800] =	vst v63  }
0x44a: {  	_ =	swait.ge [sflag:s9], $0x2000  }
0x44b: {  	[sflag:s9] =	ssyncset.done $0x0  }
0x44c: {  	s22 =	simm.s32 $0x1180;
	[sflag:s9] =	ssyncadd.s32 $0xFFFFE000  }
0x44d: {  	[tilespmem:s24], [sflag:$0x4] =	stream.indirect.gather [spmem:s2], $0x40, s22, s16, $0xb8;
	[tilespmem:$0x1E800] =	vst v63  }
0x44e: {  	_ =	swait.ge [sflag:s25], $0x2000  }
0x44f: {  	[sflag:s25] =	ssyncset.done $0x0  }
0x450: {  	s0 =	simm.s32 $0x2500;
	[sflag:s25] =	ssyncadd.s32 $0xFFFFE000  }
0x451: {  	[spmem:s3] =	stream.indirect.scatter.add.f32 [tilespmem:s20], [sflag:$0x7], $0x40, s0, s16, $0xb8;
	[tilespmem:$0x1E800] =	vst v63  }
0x452: {  	_ =	swait.ge [sflag:s28], $0x2000  }
0x453: {  	[sflag:s28] =	ssyncset.done $0x0  }
0x454: {  	s22 =	simm.s32 $0x1200;
	[sflag:s28] =	ssyncadd.s32 $0xFFFFE000  }
0x455: {  	[tilespmem:s11], [sflag:$0x1] =	stream.indirect.gather [spmem:s2], $0x40, s22, s16, $0xb8;
	[tilespmem:$0x1E800] =	vst v63  }
0x456: {  	_ =	swait.ge [sflag:s30], $0x2000  }
0x457: {  	[sflag:s30] =	ssyncset.done $0x0  }
0x458: {  	s0 =	simm.s32 $0x2580;
	[sflag:s30] =	ssyncadd.s32 $0xFFFFE000  }
0x459: {  	[spmem:s3] =	stream.indirect.scatter.add.f32 [tilespmem:s24], [sflag:$0x8], $0x40, s0, s16, $0xb8;
	[tilespmem:$0x1E800] =	vst v63  }
0x45a: {  	_ =	swait.ge [sflag:s1], $0x2000  }
0x45b: {  	[sflag:s1] =	ssyncset.done $0x0  }
0x45c: {  	s22 =	simm.s32 $0x1280;
	[sflag:s1] =	ssyncadd.s32 $0xFFFFE000  }
0x45d: {  	[tilespmem:s17], [sflag:$0x2] =	stream.indirect.gather [spmem:s2], $0x40, s22, s16, $0xb8;
	[tilespmem:$0x1E800] =	vst v63  }
0x45e: {  	_ =	swait.ge [sflag:s18], $0x2000  }
0x45f: {  	[sflag:s18] =	ssyncset.done $0x0  }
0x460: {  	s0 =	simm.s32 $0x2600;
	[sflag:s18] =	ssyncadd.s32 $0xFFFFE000  }
0x461: {  	[spmem:s3] =	stream.indirect.scatter.add.f32 [tilespmem:s11], [sflag:$0x5], $0x40, s0, s16, $0xb8;
	[tilespmem:$0x1E800] =	vst v63  }
0x462: {  	_ =	swait.ge [sflag:s7], $0x2000  }
0x463: {  	[sflag:s7] =	ssyncset.done $0x0  }
0x464: {  	s22 =	simm.s32 $0x1300;
	[sflag:s7] =	ssyncadd.s32 $0xFFFFE000  }
0x465: {  	[tilespmem:s20], [sflag:$0x3] =	stream.indirect.gather [spmem:s2], $0x40, s22, s16, $0xb8;
	[tilespmem:$0x1E800] =	vst v63  }
0x466: {  	_ =	swait.ge [sflag:s21], $0x2000  }
0x467: {  	[sflag:s21] =	ssyncset.done $0x0  }
0x468: {  	s0 =	simm.s32 $0x2680;
	[sflag:s21] =	ssyncadd.s32 $0xFFFFE000  }
0x469: {  	[spmem:s3] =	stream.indirect.scatter.add.f32 [tilespmem:s17], [sflag:$0x6], $0x40, s0, s16, $0xb8;
	[tilespmem:$0x1E800] =	vst v63  }
0x46a: {  	_ =	swait.ge [sflag:s9], $0x2000  }
0x46b: {  	[sflag:s9] =	ssyncset.done $0x0  }
0x46c: {  	s22 =	simm.s32 $0x1380;
	[sflag:s9] =	ssyncadd.s32 $0xFFFFE000  }
0x46d: {  	[tilespmem:s24], [sflag:$0x4] =	stream.indirect.gather [spmem:s2], $0x40, s22, s16, $0xb8;
	[tilespmem:$0x1E800] =	vst v63  }
0x46e: {  	_ =	swait.ge [sflag:s25], $0x2000  }
0x46f: {  	[sflag:s25] =	ssyncset.done $0x0  }
0x470: {  	s0 =	simm.s32 $0x2700;
	[sflag:s25] =	ssyncadd.s32 $0xFFFFE000  }
0x471: {  	[spmem:s3] =	stream.indirect.scatter.add.f32 [tilespmem:s20], [sflag:$0x7], $0x40, s0, s16, $0xb8;
	[tilespmem:$0x1E800] =	vst v63  }
0x472: {  	_ =	swait.ge [sflag:s28], $0x2000  }
0x473: {  	[sflag:s28] =	ssyncset.done $0x0  }
0x474: {  	[sflag:s28] =	ssyncadd.s32 $0xFFFFE000  }
0x475: {  	_ =	swait.ge [sflag:s30], $0x2000  }
0x476: {  	[sflag:s30] =	ssyncset.done $0x0  }
0x477: {  	s0 =	simm.s32 $0x2780;
	[sflag:s30] =	ssyncadd.s32 $0xFFFFE000  }
0x478: {  	[spmem:s3] =	stream.indirect.scatter.add.f32 [tilespmem:s24], [sflag:$0x8], $0x40, s0, s16, $0xb8;
	[tilespmem:$0x1E800] =	vst v63  }
0x479: {  	_ =	swait.ge [sflag:s1], $0x2000  }
0x47a: {  	[sflag:s1] =	ssyncset.done $0x0  }
0x47b: {  	[sflag:s1] =	ssyncadd.s32 $0xFFFFE000  }
0x47c: {  	_ =	swait.ge [sflag:s7], $0x2000  }
0x47d: {  	[sflag:s7] =	ssyncset.done $0x0  }
0x47e: {  	[sflag:s7] =	ssyncadd.s32 $0xFFFFE000  }
0x47f: {  	_ =	swait.ge [sflag:s9], $0x2000  }
0x480: {  	[sflag:s9] =	ssyncset.done $0x0  }
0x481: {  	[sflag:s9] =	ssyncadd.s32 $0xFFFFE000  }
0x482: {  	_ =	swait.ge [sflag:s5], $0xA00  }
0x483: {  	[sflag:s5] =	ssyncset.done $0x0  }
0x484: {  	[sflag:s5] =	ssyncadd.s32 $0xFFFFF600  }
0x485: {  	_ =	swait.ge [sflag:s5], $0xA00  }
0x486: {  	[sflag:s5] =	ssyncset.done $0x0  }
0x487: {  	s10 =	rddreg [dreg:$0x12];
	[sflag:s5] =	ssyncadd.s32 $0xFFFFF600  }
0x488: {  	[tilespmem:s8], [sflag:$0x9] =	stream.linear.gather [hbm4b:s10+s4], $0xA00, $0x38;
	[tilespmem:$0x1E800] =	vst v63  }
0x489: {  	s22 =	rddreg [dreg:$0x13]  }
0x48a: {  	[tilespmem:s6], [sflag:$0x9] =	stream.linear.gather [hbm4b:s22+s4], $0xA00, $0x38;
	[tilespmem:$0x1E800] =	vst v63  }
0x48b: {  	_ = 	snop  }
0x48c: {  	[tilespmem:s11], [sflag:$0x1] =	stream.indirect.gather [spmem:s2], $0x40, s4, s16, $0xb8;
	[tilespmem:$0x1E800] =	vst v63  }
0x48d: {  	_ = 	snop  }
0x48e: {  	[tilespmem:s17], [sflag:$0x2] =	stream.indirect.gather [spmem:s2], $0x40, s16, s16, $0xb8;
	[tilespmem:$0x1E800] =	vst v63  }
0x48f: {  	_ =	swait.ge [sflag:s18], $0x2000  }
0x490: {  	[sflag:s18] =	ssyncset.done $0x0  }
0x491: {  	[sflag:s18] =	ssyncadd.s32 $0xFFFFE000  }
0x492: {  	[spmem:s3] =	stream.indirect.scatter.add.f32 [tilespmem:s11], [sflag:$0x5], $0x40, s14, s16, $0xb8;
	[tilespmem:$0x1E800] =	vst v63  }
0x493: {  	s22 =	simm.s32 $0x100  }
0x494: {  	[tilespmem:s20], [sflag:$0x3] =	stream.indirect.gather [spmem:s2], $0x40, s22, s16, $0xb8;
	[tilespmem:$0x1E800] =	vst v63  }
0x495: {  	_ =	swait.ge [sflag:s21], $0x2000  }
0x496: {  	[sflag:s21] =	ssyncset.done $0x0  }
0x497: {  	s22 =	simm.s32 $0x1480;
	[sflag:s21] =	ssyncadd.s32 $0xFFFFE000  }
0x498: {  	[spmem:s3] =	stream.indirect.scatter.add.f32 [tilespmem:s17], [sflag:$0x6], $0x40, s22, s16, $0xb8;
	[tilespmem:$0x1E800] =	vst v63  }
0x499: {  	s22 =	simm.s32 $0x180  }
0x49a: {  	[tilespmem:s24], [sflag:$0x4] =	stream.indirect.gather [spmem:s2], $0x40, s22, s16, $0xb8;
	[tilespmem:$0x1E800] =	vst v63  }
0x49b: {  	_ =	swait.ge [sflag:s25], $0x2000  }
0x49c: {  	[sflag:s25] =	ssyncset.done $0x0  }
0x49d: {  	s22 =	simm.s32 $0x1500;
	[sflag:s25] =	ssyncadd.s32 $0xFFFFE000  }
0x49e: {  	[spmem:s3] =	stream.indirect.scatter.add.f32 [tilespmem:s20], [sflag:$0x7], $0x40, s22, s16, $0xb8;
	[tilespmem:$0x1E800] =	vst v63  }
0x49f: {  	_ =	swait.ge [sflag:s28], $0x2000  }
0x4a0: {  	[sflag:s28] =	ssyncset.done $0x0  }
0x4a1: {  	s22 =	simm.s32 $0x200;
	[sflag:s28] =	ssyncadd.s32 $0xFFFFE000  }
0x4a2: {  	[tilespmem:s11], [sflag:$0x1] =	stream.indirect.gather [spmem:s2], $0x40, s22, s16, $0xb8;
	[tilespmem:$0x1E800] =	vst v63  }
0x4a3: {  	_ =	swait.ge [sflag:s30], $0x2000  }
0x4a4: {  	[sflag:s30] =	ssyncset.done $0x0  }
0x4a5: {  	s22 =	simm.s32 $0x1580;
	[sflag:s30] =	ssyncadd.s32 $0xFFFFE000  }
0x4a6: {  	[spmem:s3] =	stream.indirect.scatter.add.f32 [tilespmem:s24], [sflag:$0x8], $0x40, s22, s16, $0xb8;
	[tilespmem:$0x1E800] =	vst v63  }
0x4a7: {  	_ =	swait.ge [sflag:s1], $0x2000  }
0x4a8: {  	[sflag:s1] =	ssyncset.done $0x0  }
0x4a9: {  	s22 =	simm.s32 $0x280;
	[sflag:s1] =	ssyncadd.s32 $0xFFFFE000  }
0x4aa: {  	[tilespmem:s17], [sflag:$0x2] =	stream.indirect.gather [spmem:s2], $0x40, s22, s16, $0xb8;
	[tilespmem:$0x1E800] =	vst v63  }
0x4ab: {  	_ =	swait.ge [sflag:s18], $0x2000  }
0x4ac: {  	[sflag:s18] =	ssyncset.done $0x0  }
0x4ad: {  	s22 =	simm.s32 $0x1600;
	[sflag:s18] =	ssyncadd.s32 $0xFFFFE000  }
0x4ae: {  	[spmem:s3] =	stream.indirect.scatter.add.f32 [tilespmem:s11], [sflag:$0x5], $0x40, s22, s16, $0xb8;
	[tilespmem:$0x1E800] =	vst v63  }
0x4af: {  	_ =	swait.ge [sflag:s7], $0x2000  }
0x4b0: {  	[sflag:s7] =	ssyncset.done $0x0  }
0x4b1: {  	s22 =	simm.s32 $0x300;
	[sflag:s7] =	ssyncadd.s32 $0xFFFFE000  }
0x4b2: {  	[tilespmem:s20], [sflag:$0x3] =	stream.indirect.gather [spmem:s2], $0x40, s22, s16, $0xb8;
	[tilespmem:$0x1E800] =	vst v63  }
0x4b3: {  	_ =	swait.ge [sflag:s21], $0x2000  }
0x4b4: {  	[sflag:s21] =	ssyncset.done $0x0  }
0x4b5: {  	s22 =	simm.s32 $0x1680;
	[sflag:s21] =	ssyncadd.s32 $0xFFFFE000  }
0x4b6: {  	[spmem:s3] =	stream.indirect.scatter.add.f32 [tilespmem:s17], [sflag:$0x6], $0x40, s22, s16, $0xb8;
	[tilespmem:$0x1E800] =	vst v63  }
0x4b7: {  	_ =	swait.ge [sflag:s9], $0x2000  }
0x4b8: {  	[sflag:s9] =	ssyncset.done $0x0  }
0x4b9: {  	s22 =	simm.s32 $0x380;
	[sflag:s9] =	ssyncadd.s32 $0xFFFFE000  }
0x4ba: {  	[tilespmem:s24], [sflag:$0x4] =	stream.indirect.gather [spmem:s2], $0x40, s22, s16, $0xb8;
	[tilespmem:$0x1E800] =	vst v63  }
0x4bb: {  	_ =	swait.ge [sflag:s25], $0x2000  }
0x4bc: {  	[sflag:s25] =	ssyncset.done $0x0  }
0x4bd: {  	s22 =	simm.s32 $0x1700;
	[sflag:s25] =	ssyncadd.s32 $0xFFFFE000  }
0x4be: {  	[spmem:s3] =	stream.indirect.scatter.add.f32 [tilespmem:s20], [sflag:$0x7], $0x40, s22, s16, $0xb8;
	[tilespmem:$0x1E800] =	vst v63  }
0x4bf: {  	_ =	swait.ge [sflag:s28], $0x2000  }
0x4c0: {  	[sflag:s28] =	ssyncset.done $0x0  }
0x4c1: {  	s22 =	simm.s32 $0x400;
	[sflag:s28] =	ssyncadd.s32 $0xFFFFE000  }
0x4c2: {  	[tilespmem:s11], [sflag:$0x1] =	stream.indirect.gather [spmem:s2], $0x40, s22, s16, $0xb8;
	[tilespmem:$0x1E800] =	vst v63  }
0x4c3: {  	_ =	swait.ge [sflag:s30], $0x2000  }
0x4c4: {  	[sflag:s30] =	ssyncset.done $0x0  }
0x4c5: {  	s22 =	simm.s32 $0x1780;
	[sflag:s30] =	ssyncadd.s32 $0xFFFFE000  }
0x4c6: {  	[spmem:s3] =	stream.indirect.scatter.add.f32 [tilespmem:s24], [sflag:$0x8], $0x40, s22, s16, $0xb8;
	[tilespmem:$0x1E800] =	vst v63  }
0x4c7: {  	_ =	swait.ge [sflag:s1], $0x2000  }
0x4c8: {  	[sflag:s1] =	ssyncset.done $0x0  }
0x4c9: {  	s22 =	simm.s32 $0x480;
	[sflag:s1] =	ssyncadd.s32 $0xFFFFE000  }
0x4ca: {  	[tilespmem:s17], [sflag:$0x2] =	stream.indirect.gather [spmem:s2], $0x40, s22, s16, $0xb8;
	[tilespmem:$0x1E800] =	vst v63  }
0x4cb: {  	_ =	swait.ge [sflag:s18], $0x2000  }
0x4cc: {  	[sflag:s18] =	ssyncset.done $0x0  }
0x4cd: {  	s22 =	simm.s32 $0x1800;
	[sflag:s18] =	ssyncadd.s32 $0xFFFFE000  }
0x4ce: {  	[spmem:s3] =	stream.indirect.scatter.add.f32 [tilespmem:s11], [sflag:$0x5], $0x40, s22, s16, $0xb8;
	[tilespmem:$0x1E800] =	vst v63  }
0x4cf: {  	_ =	swait.ge [sflag:s7], $0x2000  }
0x4d0: {  	[sflag:s7] =	ssyncset.done $0x0  }
0x4d1: {  	s22 =	simm.s32 $0x500;
	[sflag:s7] =	ssyncadd.s32 $0xFFFFE000  }
0x4d2: {  	[tilespmem:s20], [sflag:$0x3] =	stream.indirect.gather [spmem:s2], $0x40, s22, s16, $0xb8;
	[tilespmem:$0x1E800] =	vst v63  }
0x4d3: {  	_ =	swait.ge [sflag:s21], $0x2000  }
0x4d4: {  	[sflag:s21] =	ssyncset.done $0x0  }
0x4d5: {  	s22 =	simm.s32 $0x1880;
	[sflag:s21] =	ssyncadd.s32 $0xFFFFE000  }
0x4d6: {  	[spmem:s3] =	stream.indirect.scatter.add.f32 [tilespmem:s17], [sflag:$0x6], $0x40, s22, s16, $0xb8;
	[tilespmem:$0x1E800] =	vst v63  }
0x4d7: {  	_ =	swait.ge [sflag:s9], $0x2000  }
0x4d8: {  	[sflag:s9] =	ssyncset.done $0x0  }
0x4d9: {  	s22 =	simm.s32 $0x580;
	[sflag:s9] =	ssyncadd.s32 $0xFFFFE000  }
0x4da: {  	[tilespmem:s24], [sflag:$0x4] =	stream.indirect.gather [spmem:s2], $0x40, s22, s16, $0xb8;
	[tilespmem:$0x1E800] =	vst v63  }
0x4db: {  	_ =	swait.ge [sflag:s25], $0x2000  }
0x4dc: {  	[sflag:s25] =	ssyncset.done $0x0  }
0x4dd: {  	s22 =	simm.s32 $0x1900;
	[sflag:s25] =	ssyncadd.s32 $0xFFFFE000  }
0x4de: {  	[spmem:s3] =	stream.indirect.scatter.add.f32 [tilespmem:s20], [sflag:$0x7], $0x40, s22, s16, $0xb8;
	[tilespmem:$0x1E800] =	vst v63  }
0x4df: {  	_ =	swait.ge [sflag:s28], $0x2000  }
0x4e0: {  	[sflag:s28] =	ssyncset.done $0x0  }
0x4e1: {  	s22 =	simm.s32 $0x600;
	[sflag:s28] =	ssyncadd.s32 $0xFFFFE000  }
0x4e2: {  	[tilespmem:s11], [sflag:$0x1] =	stream.indirect.gather [spmem:s2], $0x40, s22, s16, $0xb8;
	[tilespmem:$0x1E800] =	vst v63  }
0x4e3: {  	_ =	swait.ge [sflag:s30], $0x2000  }
0x4e4: {  	[sflag:s30] =	ssyncset.done $0x0  }
0x4e5: {  	s22 =	simm.s32 $0x1980;
	[sflag:s30] =	ssyncadd.s32 $0xFFFFE000  }
0x4e6: {  	[spmem:s3] =	stream.indirect.scatter.add.f32 [tilespmem:s24], [sflag:$0x8], $0x40, s22, s16, $0xb8;
	[tilespmem:$0x1E800] =	vst v63  }
0x4e7: {  	_ =	swait.ge [sflag:s1], $0x2000  }
0x4e8: {  	[sflag:s1] =	ssyncset.done $0x0  }
0x4e9: {  	s22 =	simm.s32 $0x680;
	[sflag:s1] =	ssyncadd.s32 $0xFFFFE000  }
0x4ea: {  	[tilespmem:s17], [sflag:$0x2] =	stream.indirect.gather [spmem:s2], $0x40, s22, s16, $0xb8;
	[tilespmem:$0x1E800] =	vst v63  }
0x4eb: {  	_ =	swait.ge [sflag:s18], $0x2000  }
0x4ec: {  	[sflag:s18] =	ssyncset.done $0x0  }
0x4ed: {  	s22 =	simm.s32 $0x1A00;
	[sflag:s18] =	ssyncadd.s32 $0xFFFFE000  }
0x4ee: {  	[spmem:s3] =	stream.indirect.scatter.add.f32 [tilespmem:s11], [sflag:$0x5], $0x40, s22, s16, $0xb8;
	[tilespmem:$0x1E800] =	vst v63  }
0x4ef: {  	_ =	swait.ge [sflag:s7], $0x2000  }
0x4f0: {  	[sflag:s7] =	ssyncset.done $0x0  }
0x4f1: {  	s22 =	simm.s32 $0x700;
	[sflag:s7] =	ssyncadd.s32 $0xFFFFE000  }
0x4f2: {  	[tilespmem:s20], [sflag:$0x3] =	stream.indirect.gather [spmem:s2], $0x40, s22, s16, $0xb8;
	[tilespmem:$0x1E800] =	vst v63  }
0x4f3: {  	_ =	swait.ge [sflag:s21], $0x2000  }
0x4f4: {  	[sflag:s21] =	ssyncset.done $0x0  }
0x4f5: {  	s22 =	simm.s32 $0x1A80;
	[sflag:s21] =	ssyncadd.s32 $0xFFFFE000  }
0x4f6: {  	[spmem:s3] =	stream.indirect.scatter.add.f32 [tilespmem:s17], [sflag:$0x6], $0x40, s22, s16, $0xb8;
	[tilespmem:$0x1E800] =	vst v63  }
0x4f7: {  	_ =	swait.ge [sflag:s9], $0x2000  }
0x4f8: {  	[sflag:s9] =	ssyncset.done $0x0  }
0x4f9: {  	s22 =	simm.s32 $0x780;
	[sflag:s9] =	ssyncadd.s32 $0xFFFFE000  }
0x4fa: {  	[tilespmem:s24], [sflag:$0x4] =	stream.indirect.gather [spmem:s2], $0x40, s22, s16, $0xb8;
	[tilespmem:$0x1E800] =	vst v63  }
0x4fb: {  	_ =	swait.ge [sflag:s25], $0x2000  }
0x4fc: {  	[sflag:s25] =	ssyncset.done $0x0  }
0x4fd: {  	s22 =	simm.s32 $0x1B00;
	[sflag:s25] =	ssyncadd.s32 $0xFFFFE000  }
0x4fe: {  	[spmem:s3] =	stream.indirect.scatter.add.f32 [tilespmem:s20], [sflag:$0x7], $0x40, s22, s16, $0xb8;
	[tilespmem:$0x1E800] =	vst v63  }
0x4ff: {  	_ =	swait.ge [sflag:s28], $0x2000  }
0x500: {  	[sflag:s28] =	ssyncset.done $0x0  }
0x501: {  	s22 =	simm.s32 $0x800;
	[sflag:s28] =	ssyncadd.s32 $0xFFFFE000  }
0x502: {  	[tilespmem:s11], [sflag:$0x1] =	stream.indirect.gather [spmem:s2], $0x40, s22, s16, $0xb8;
	[tilespmem:$0x1E800] =	vst v63  }
0x503: {  	_ =	swait.ge [sflag:s30], $0x2000  }
0x504: {  	[sflag:s30] =	ssyncset.done $0x0  }
0x505: {  	s22 =	simm.s32 $0x1B80;
	[sflag:s30] =	ssyncadd.s32 $0xFFFFE000  }
0x506: {  	[spmem:s3] =	stream.indirect.scatter.add.f32 [tilespmem:s24], [sflag:$0x8], $0x40, s22, s16, $0xb8;
	[tilespmem:$0x1E800] =	vst v63  }
0x507: {  	_ =	swait.ge [sflag:s1], $0x2000  }
0x508: {  	[sflag:s1] =	ssyncset.done $0x0  }
0x509: {  	s22 =	simm.s32 $0x880;
	[sflag:s1] =	ssyncadd.s32 $0xFFFFE000  }
0x50a: {  	[tilespmem:s17], [sflag:$0x2] =	stream.indirect.gather [spmem:s2], $0x40, s22, s16, $0xb8;
	[tilespmem:$0x1E800] =	vst v63  }
0x50b: {  	_ =	swait.ge [sflag:s18], $0x2000  }
0x50c: {  	[sflag:s18] =	ssyncset.done $0x0  }
0x50d: {  	s22 =	simm.s32 $0x1C00;
	[sflag:s18] =	ssyncadd.s32 $0xFFFFE000  }
0x50e: {  	[spmem:s3] =	stream.indirect.scatter.add.f32 [tilespmem:s11], [sflag:$0x5], $0x40, s22, s16, $0xb8;
	[tilespmem:$0x1E800] =	vst v63  }
0x50f: {  	_ =	swait.ge [sflag:s7], $0x2000  }
0x510: {  	[sflag:s7] =	ssyncset.done $0x0  }
0x511: {  	s22 =	simm.s32 $0x900;
	[sflag:s7] =	ssyncadd.s32 $0xFFFFE000  }
0x512: {  	[tilespmem:s20], [sflag:$0x3] =	stream.indirect.gather [spmem:s2], $0x40, s22, s16, $0xb8;
	[tilespmem:$0x1E800] =	vst v63  }
0x513: {  	_ =	swait.ge [sflag:s21], $0x2000  }
0x514: {  	[sflag:s21] =	ssyncset.done $0x0  }
0x515: {  	s22 =	simm.s32 $0x1C80;
	[sflag:s21] =	ssyncadd.s32 $0xFFFFE000  }
0x516: {  	[spmem:s3] =	stream.indirect.scatter.add.f32 [tilespmem:s17], [sflag:$0x6], $0x40, s22, s16, $0xb8;
	[tilespmem:$0x1E800] =	vst v63  }
0x517: {  	_ =	swait.ge [sflag:s9], $0x2000  }
0x518: {  	[sflag:s9] =	ssyncset.done $0x0  }
0x519: {  	s22 =	simm.s32 $0x980;
	[sflag:s9] =	ssyncadd.s32 $0xFFFFE000  }
0x51a: {  	[tilespmem:s24], [sflag:$0x4] =	stream.indirect.gather [spmem:s2], $0x40, s22, s16, $0xb8;
	[tilespmem:$0x1E800] =	vst v63  }
0x51b: {  	_ =	swait.ge [sflag:s25], $0x2000  }
0x51c: {  	[sflag:s25] =	ssyncset.done $0x0  }
0x51d: {  	s22 =	simm.s32 $0x1D00;
	[sflag:s25] =	ssyncadd.s32 $0xFFFFE000  }
0x51e: {  	[spmem:s3] =	stream.indirect.scatter.add.f32 [tilespmem:s20], [sflag:$0x7], $0x40, s22, s16, $0xb8;
	[tilespmem:$0x1E800] =	vst v63  }
0x51f: {  	_ =	swait.ge [sflag:s28], $0x2000  }
0x520: {  	[sflag:s28] =	ssyncset.done $0x0  }
0x521: {  	[sflag:s28] =	ssyncadd.s32 $0xFFFFE000  }
0x522: {  	_ =	swait.ge [sflag:s30], $0x2000  }
0x523: {  	[sflag:s30] =	ssyncset.done $0x0  }
0x524: {  	s22 =	simm.s32 $0x1D80;
	[sflag:s30] =	ssyncadd.s32 $0xFFFFE000  }
0x525: {  	[spmem:s3] =	stream.indirect.scatter.add.f32 [tilespmem:s24], [sflag:$0x8], $0x40, s22, s16, $0xb8;
	[tilespmem:$0x1E800] =	vst v63  }
0x526: {  	_ =	swait.ge [sflag:s1], $0x2000  }
0x527: {  	[sflag:s1] =	ssyncset.done $0x0  }
0x528: {  	[sflag:s1] =	ssyncadd.s32 $0xFFFFE000  }
0x529: {  	_ =	swait.ge [sflag:s7], $0x2000  }
0x52a: {  	[sflag:s7] =	ssyncset.done $0x0  }
0x52b: {  	[sflag:s7] =	ssyncadd.s32 $0xFFFFE000  }
0x52c: {  	_ =	swait.ge [sflag:s9], $0x2000  }
0x52d: {  	[sflag:s9] =	ssyncset.done $0x0  }
0x52e: {  	[sflag:s9] =	ssyncadd.s32 $0xFFFFE000  }
0x52f: {  	_ =	swait.ge [sflag:s5], $0xA00  }
0x530: {  	[sflag:s5] =	ssyncset.done $0x0  }
0x531: {  	[sflag:s5] =	ssyncadd.s32 $0xFFFFF600  }
0x532: {  	_ =	swait.ge [sflag:s5], $0xA00  }
0x533: {  	[sflag:s5] =	ssyncset.done $0x0  }
0x534: {  	s8 =	simm.s32 $0xA00;
	[sflag:s5] =	ssyncadd.s32 $0xFFFFF600  }
0x535: {  	[tilespmem:s11], [sflag:$0x1] =	stream.indirect.gather [spmem:s2], $0x40, s8, s16, $0xb8;
	[tilespmem:$0x1E800] =	vst v63  }
0x536: {  	s8 =	simm.s32 $0xA80  }
0x537: {  	[tilespmem:s17], [sflag:$0x2] =	stream.indirect.gather [spmem:s2], $0x40, s8, s16, $0xb8;
	[tilespmem:$0x1E800] =	vst v63  }
0x538: {  	_ =	swait.ge [sflag:s18], $0x2000  }
0x539: {  	[sflag:s18] =	ssyncset.done $0x0  }
0x53a: {  	s10 =	simm.s32 $0x1E00;
	[sflag:s18] =	ssyncadd.s32 $0xFFFFE000  }
0x53b: {  	[spmem:s3] =	stream.indirect.scatter.add.f32 [tilespmem:s11], [sflag:$0x5], $0x40, s10, s16, $0xb8;
	[tilespmem:$0x1E800] =	vst v63  }
0x53c: {  	s10 =	simm.s32 $0xB00  }
0x53d: {  	[tilespmem:s20], [sflag:$0x3] =	stream.indirect.gather [spmem:s2], $0x40, s10, s16, $0xb8;
	[tilespmem:$0x1E800] =	vst v63  }
0x53e: {  	_ =	swait.ge [sflag:s21], $0x2000  }
0x53f: {  	[sflag:s21] =	ssyncset.done $0x0  }
0x540: {  	s22 =	simm.s32 $0x1E80;
	[sflag:s21] =	ssyncadd.s32 $0xFFFFE000  }
0x541: {  	[spmem:s3] =	stream.indirect.scatter.add.f32 [tilespmem:s17], [sflag:$0x6], $0x40, s22, s16, $0xb8;
	[tilespmem:$0x1E800] =	vst v63  }
0x542: {  	s15 =	simm.s32 $0xB80  }
0x543: {  	[tilespmem:s24], [sflag:$0x4] =	stream.indirect.gather [spmem:s2], $0x40, s15, s16, $0xb8;
	[tilespmem:$0x1E800] =	vst v63  }
0x544: {  	_ =	swait.ge [sflag:s25], $0x2000  }
0x545: {  	[sflag:s25] =	ssyncset.done $0x0  }
0x546: {  	s19 =	simm.s32 $0x1F00;
	[sflag:s25] =	ssyncadd.s32 $0xFFFFE000  }
0x547: {  	[spmem:s3] =	stream.indirect.scatter.add.f32 [tilespmem:s20], [sflag:$0x7], $0x40, s19, s16, $0xb8;
	[tilespmem:$0x1E800] =	vst v63  }
0x548: {  	_ =	swait.ge [sflag:s28], $0x2000  }
0x549: {  	[sflag:s28] =	ssyncset.done $0x0  }
0x54a: {  	s23 =	simm.s32 $0xC00;
	[sflag:s28] =	ssyncadd.s32 $0xFFFFE000  }
0x54b: {  	[tilespmem:s11], [sflag:$0x1] =	stream.indirect.gather [spmem:s2], $0x40, s23, s16, $0xb8;
	[tilespmem:$0x1E800] =	vst v63  }
0x54c: {  	_ =	swait.ge [sflag:s30], $0x2000  }
0x54d: {  	[sflag:s30] =	ssyncset.done $0x0  }
0x54e: {  	s26 =	simm.s32 $0x1F80;
	[sflag:s30] =	ssyncadd.s32 $0xFFFFE000  }
0x54f: {  	[spmem:s3] =	stream.indirect.scatter.add.f32 [tilespmem:s24], [sflag:$0x8], $0x40, s26, s16, $0xb8;
	[tilespmem:$0x1E800] =	vst v63  }
0x550: {  	_ =	swait.ge [sflag:s1], $0x2000  }
0x551: {  	[sflag:s1] =	ssyncset.done $0x0  }
0x552: {  	s29 =	simm.s32 $0xC80;
	[sflag:s1] =	ssyncadd.s32 $0xFFFFE000  }
0x553: {  	[tilespmem:s17], [sflag:$0x2] =	stream.indirect.gather [spmem:s2], $0x40, s29, s16, $0xb8;
	[tilespmem:$0x1E800] =	vst v63  }
0x554: {  	_ =	swait.ge [sflag:s18], $0x2000  }
0x555: {  	[sflag:s18] =	ssyncset.done $0x0  }
0x556: {  	s31 =	simm.s32 $0x2000;
	[sflag:s18] =	ssyncadd.s32 $0xFFFFE000  }
0x557: {  	[spmem:s3] =	stream.indirect.scatter.add.f32 [tilespmem:s11], [sflag:$0x5], $0x40, s31, s16, $0xb8;
	[tilespmem:$0x1E800] =	vst v63  }
0x558: {  	_ =	swait.ge [sflag:s7], $0x2000  }
0x559: {  	[sflag:s7] =	ssyncset.done $0x0  }
0x55a: {  	s31 =	simm.s32 $0xD00;
	[sflag:s7] =	ssyncadd.s32 $0xFFFFE000  }
0x55b: {  	[tilespmem:s20], [sflag:$0x3] =	stream.indirect.gather [spmem:s2], $0x40, s31, s16, $0xb8;
	[tilespmem:$0x1E800] =	vst v63  }
0x55c: {  	_ =	swait.ge [sflag:s21], $0x2000  }
0x55d: {  	[sflag:s21] =	ssyncset.done $0x0  }
0x55e: {  	s8 =	simm.s32 $0x2080;
	[sflag:s21] =	ssyncadd.s32 $0xFFFFE000  }
0x55f: {  	[spmem:s3] =	stream.indirect.scatter.add.f32 [tilespmem:s17], [sflag:$0x6], $0x40, s8, s16, $0xb8;
	[tilespmem:$0x1E800] =	vst v63  }
0x560: {  	_ =	swait.ge [sflag:s9], $0x2000  }
0x561: {  	[sflag:s9] =	ssyncset.done $0x0  }
0x562: {  	s10 =	simm.s32 $0xD80;
	[sflag:s9] =	ssyncadd.s32 $0xFFFFE000  }
0x563: {  	[tilespmem:s24], [sflag:$0x4] =	stream.indirect.gather [spmem:s2], $0x40, s10, s16, $0xb8;
	[tilespmem:$0x1E800] =	vst v63  }
0x564: {  	_ =	swait.ge [sflag:s25], $0x2000  }
0x565: {  	[sflag:s25] =	ssyncset.done $0x0  }
0x566: {  	s15 =	simm.s32 $0x2100;
	[sflag:s25] =	ssyncadd.s32 $0xFFFFE000  }
0x567: {  	[spmem:s3] =	stream.indirect.scatter.add.f32 [tilespmem:s20], [sflag:$0x7], $0x40, s15, s16, $0xb8;
	[tilespmem:$0x1E800] =	vst v63  }
0x568: {  	_ =	swait.ge [sflag:s28], $0x2000  }
0x569: {  	[sflag:s28] =	ssyncset.done $0x0  }
0x56a: {  	s19 =	simm.s32 $0xE00;
	[sflag:s28] =	ssyncadd.s32 $0xFFFFE000  }
0x56b: {  	[tilespmem:s11], [sflag:$0x1] =	stream.indirect.gather [spmem:s2], $0x40, s19, s16, $0xb8;
	[tilespmem:$0x1E800] =	vst v63  }
0x56c: {  	_ =	swait.ge [sflag:s30], $0x2000  }
0x56d: {  	[sflag:s30] =	ssyncset.done $0x0  }
0x56e: {  	s22 =	simm.s32 $0x2180;
	[sflag:s30] =	ssyncadd.s32 $0xFFFFE000  }
0x56f: {  	[spmem:s3] =	stream.indirect.scatter.add.f32 [tilespmem:s24], [sflag:$0x8], $0x40, s22, s16, $0xb8;
	[tilespmem:$0x1E800] =	vst v63  }
0x570: {  	_ =	swait.ge [sflag:s1], $0x2000  }
0x571: {  	[sflag:s1] =	ssyncset.done $0x0  }
0x572: {  	s23 =	simm.s32 $0xE80;
	[sflag:s1] =	ssyncadd.s32 $0xFFFFE000  }
0x573: {  	[tilespmem:s17], [sflag:$0x2] =	stream.indirect.gather [spmem:s2], $0x40, s23, s16, $0xb8;
	[tilespmem:$0x1E800] =	vst v63  }
0x574: {  	_ =	swait.ge [sflag:s18], $0x2000  }
0x575: {  	[sflag:s18] =	ssyncset.done $0x0  }
0x576: {  	s26 =	simm.s32 $0x2200;
	[sflag:s18] =	ssyncadd.s32 $0xFFFFE000  }
0x577: {  	[spmem:s3] =	stream.indirect.scatter.add.f32 [tilespmem:s11], [sflag:$0x5], $0x40, s26, s16, $0xb8;
	[tilespmem:$0x1E800] =	vst v63  }
0x578: {  	_ =	swait.ge [sflag:s7], $0x2000  }
0x579: {  	[sflag:s7] =	ssyncset.done $0x0  }
0x57a: {  	s29 =	simm.s32 $0xF00;
	[sflag:s7] =	ssyncadd.s32 $0xFFFFE000  }
0x57b: {  	[tilespmem:s20], [sflag:$0x3] =	stream.indirect.gather [spmem:s2], $0x40, s29, s16, $0xb8;
	[tilespmem:$0x1E800] =	vst v63  }
0x57c: {  	_ =	swait.ge [sflag:s21], $0x2000  }
0x57d: {  	[sflag:s21] =	ssyncset.done $0x0  }
0x57e: {  	s31 =	simm.s32 $0x2280;
	[sflag:s21] =	ssyncadd.s32 $0xFFFFE000  }
0x57f: {  	[spmem:s3] =	stream.indirect.scatter.add.f32 [tilespmem:s17], [sflag:$0x6], $0x40, s31, s16, $0xb8;
	[tilespmem:$0x1E800] =	vst v63  }
0x580: {  	_ =	swait.ge [sflag:s9], $0x2000  }
0x581: {  	[sflag:s9] =	ssyncset.done $0x0  }
0x582: {  	s8 =	simm.s32 $0xF80;
	[sflag:s9] =	ssyncadd.s32 $0xFFFFE000  }
0x583: {  	[tilespmem:s24], [sflag:$0x4] =	stream.indirect.gather [spmem:s2], $0x40, s8, s16, $0xb8;
	[tilespmem:$0x1E800] =	vst v63  }
0x584: {  	_ =	swait.ge [sflag:s25], $0x2000  }
0x585: {  	[sflag:s25] =	ssyncset.done $0x0  }
0x586: {  	s10 =	simm.s32 $0x2300;
	[sflag:s25] =	ssyncadd.s32 $0xFFFFE000  }
0x587: {  	[spmem:s3] =	stream.indirect.scatter.add.f32 [tilespmem:s20], [sflag:$0x7], $0x40, s10, s16, $0xb8;
	[tilespmem:$0x1E800] =	vst v63  }
0x588: {  	_ =	swait.ge [sflag:s28], $0x2000  }
0x589: {  	[sflag:s28] =	ssyncset.done $0x0  }
0x58a: {  	s15 =	simm.s32 $0x1000;
	[sflag:s28] =	ssyncadd.s32 $0xFFFFE000  }
0x58b: {  	[tilespmem:s11], [sflag:$0x1] =	stream.indirect.gather [spmem:s2], $0x40, s15, s16, $0xb8;
	[tilespmem:$0x1E800] =	vst v63  }
0x58c: {  	_ =	swait.ge [sflag:s30], $0x2000  }
0x58d: {  	[sflag:s30] =	ssyncset.done $0x0  }
0x58e: {  	s19 =	simm.s32 $0x2380;
	[sflag:s30] =	ssyncadd.s32 $0xFFFFE000  }
0x58f: {  	[spmem:s3] =	stream.indirect.scatter.add.f32 [tilespmem:s24], [sflag:$0x8], $0x40, s19, s16, $0xb8;
	[tilespmem:$0x1E800] =	vst v63  }
0x590: {  	_ =	swait.ge [sflag:s1], $0x2000  }
0x591: {  	[sflag:s1] =	ssyncset.done $0x0  }
0x592: {  	s22 =	simm.s32 $0x1080;
	[sflag:s1] =	ssyncadd.s32 $0xFFFFE000  }
0x593: {  	[tilespmem:s17], [sflag:$0x2] =	stream.indirect.gather [spmem:s2], $0x40, s22, s16, $0xb8;
	[tilespmem:$0x1E800] =	vst v63  }
0x594: {  	_ =	swait.ge [sflag:s18], $0x2000  }
0x595: {  	[sflag:s18] =	ssyncset.done $0x0  }
0x596: {  	s23 =	simm.s32 $0x2400;
	[sflag:s18] =	ssyncadd.s32 $0xFFFFE000  }
0x597: {  	[spmem:s3] =	stream.indirect.scatter.add.f32 [tilespmem:s11], [sflag:$0x5], $0x40, s23, s16, $0xb8;
	[tilespmem:$0x1E800] =	vst v63  }
0x598: {  	_ =	swait.ge [sflag:s7], $0x2000  }
0x599: {  	[sflag:s7] =	ssyncset.done $0x0  }
0x59a: {  	s26 =	simm.s32 $0x1100;
	[sflag:s7] =	ssyncadd.s32 $0xFFFFE000  }
0x59b: {  	[tilespmem:s20], [sflag:$0x3] =	stream.indirect.gather [spmem:s2], $0x40, s26, s16, $0xb8;
	[tilespmem:$0x1E800] =	vst v63  }
0x59c: {  	_ =	swait.ge [sflag:s21], $0x2000  }
0x59d: {  	[sflag:s21] =	ssyncset.done $0x0  }
0x59e: {  	s29 =	simm.s32 $0x2480;
	[sflag:s21] =	ssyncadd.s32 $0xFFFFE000  }
0x59f: {  	[spmem:s3] =	stream.indirect.scatter.add.f32 [tilespmem:s17], [sflag:$0x6], $0x40, s29, s16, $0xb8;
	[tilespmem:$0x1E800] =	vst v63  }
0x5a0: {  	_ =	swait.ge [sflag:s9], $0x2000  }
0x5a1: {  	[sflag:s9] =	ssyncset.done $0x0  }
0x5a2: {  	s31 =	simm.s32 $0x1180;
	[sflag:s9] =	ssyncadd.s32 $0xFFFFE000  }
0x5a3: {  	[tilespmem:s24], [sflag:$0x4] =	stream.indirect.gather [spmem:s2], $0x40, s31, s16, $0xb8;
	[tilespmem:$0x1E800] =	vst v63  }
0x5a4: {  	_ =	swait.ge [sflag:s25], $0x2000  }
0x5a5: {  	[sflag:s25] =	ssyncset.done $0x0  }
0x5a6: {  	s8 =	simm.s32 $0x2500;
	[sflag:s25] =	ssyncadd.s32 $0xFFFFE000  }
0x5a7: {  	[spmem:s3] =	stream.indirect.scatter.add.f32 [tilespmem:s20], [sflag:$0x7], $0x40, s8, s16, $0xb8;
	[tilespmem:$0x1E800] =	vst v63  }
0x5a8: {  	_ =	swait.ge [sflag:s28], $0x2000  }
0x5a9: {  	[sflag:s28] =	ssyncset.done $0x0  }
0x5aa: {  	s10 =	simm.s32 $0x1200;
	[sflag:s28] =	ssyncadd.s32 $0xFFFFE000  }
0x5ab: {  	[tilespmem:s11], [sflag:$0x1] =	stream.indirect.gather [spmem:s2], $0x40, s10, s16, $0xb8;
	[tilespmem:$0x1E800] =	vst v63  }
0x5ac: {  	_ =	swait.ge [sflag:s30], $0x2000  }
0x5ad: {  	[sflag:s30] =	ssyncset.done $0x0  }
0x5ae: {  	s15 =	simm.s32 $0x2580;
	[sflag:s30] =	ssyncadd.s32 $0xFFFFE000  }
0x5af: {  	[spmem:s3] =	stream.indirect.scatter.add.f32 [tilespmem:s24], [sflag:$0x8], $0x40, s15, s16, $0xb8;
	[tilespmem:$0x1E800] =	vst v63  }
0x5b0: {  	_ =	swait.ge [sflag:s1], $0x2000  }
0x5b1: {  	[sflag:s1] =	ssyncset.done $0x0  }
0x5b2: {  	s19 =	simm.s32 $0x1280;
	[sflag:s1] =	ssyncadd.s32 $0xFFFFE000  }
0x5b3: {  	[tilespmem:s17], [sflag:$0x2] =	stream.indirect.gather [spmem:s2], $0x40, s19, s16, $0xb8;
	[tilespmem:$0x1E800] =	vst v63  }
0x5b4: {  	_ =	swait.ge [sflag:s18], $0x2000  }
0x5b5: {  	[sflag:s18] =	ssyncset.done $0x0  }
0x5b6: {  	s22 =	simm.s32 $0x2600;
	[sflag:s18] =	ssyncadd.s32 $0xFFFFE000  }
0x5b7: {  	[spmem:s3] =	stream.indirect.scatter.add.f32 [tilespmem:s11], [sflag:$0x5], $0x40, s22, s16, $0xb8;
	[tilespmem:$0x1E800] =	vst v63  }
0x5b8: {  	_ =	swait.ge [sflag:s7], $0x2000  }
0x5b9: {  	[sflag:s7] =	ssyncset.done $0x0  }
0x5ba: {  	s23 =	simm.s32 $0x1300;
	[sflag:s7] =	ssyncadd.s32 $0xFFFFE000  }
0x5bb: {  	[tilespmem:s20], [sflag:$0x3] =	stream.indirect.gather [spmem:s2], $0x40, s23, s16, $0xb8;
	[tilespmem:$0x1E800] =	vst v63  }
0x5bc: {  	_ =	swait.ge [sflag:s21], $0x2000  }
0x5bd: {  	[sflag:s21] =	ssyncset.done $0x0  }
0x5be: {  	s26 =	simm.s32 $0x2680;
	[sflag:s21] =	ssyncadd.s32 $0xFFFFE000  }
0x5bf: {  	[spmem:s3] =	stream.indirect.scatter.add.f32 [tilespmem:s17], [sflag:$0x6], $0x40, s26, s16, $0xb8;
	[tilespmem:$0x1E800] =	vst v63  }
0x5c0: {  	_ =	swait.ge [sflag:s9], $0x2000  }
0x5c1: {  	[sflag:s9] =	ssyncset.done $0x0  }
0x5c2: {  	s29 =	simm.s32 $0x1380;
	[sflag:s9] =	ssyncadd.s32 $0xFFFFE000  }
0x5c3: {  	[tilespmem:s24], [sflag:$0x4] =	stream.indirect.gather [spmem:s2], $0x40, s29, s16, $0xb8;
	[tilespmem:$0x1E800] =	vst v63  }
0x5c4: {  	_ =	swait.ge [sflag:s25], $0x2000  }
0x5c5: {  	[sflag:s25] =	ssyncset.done $0x0  }
0x5c6: {  	s31 =	simm.s32 $0x2700;
	[sflag:s25] =	ssyncadd.s32 $0xFFFFE000  }
0x5c7: {  	[spmem:s3] =	stream.indirect.scatter.add.f32 [tilespmem:s20], [sflag:$0x7], $0x40, s31, s16, $0xb8;
	[tilespmem:$0x1E800] =	vst v63  }
0x5c8: {  	_ =	swait.ge [sflag:s28], $0x2000  }
0x5c9: {  	[sflag:s28] =	ssyncset.done $0x0  }
0x5ca: {  	[sflag:s28] =	ssyncadd.s32 $0xFFFFE000  }
0x5cb: {  	_ =	swait.ge [sflag:s30], $0x2000  }
0x5cc: {  	[sflag:s30] =	ssyncset.done $0x0  }
0x5cd: {  	[sflag:s30] =	ssyncadd.s32 $0xFFFFE000  }
0x5ce: {  	[spmem:s3] =	stream.indirect.scatter.add.f32 [tilespmem:s24], [sflag:$0x8], $0x40, s0, s16, $0xb8;
	[tilespmem:$0x1E800] =	vst v63  }
0x5cf: {  	_ =	swait.ge [sflag:s1], $0x2000  }
0x5d0: {  	[sflag:s1] =	ssyncset.done $0x0  }
0x5d1: {  	[sflag:s1] =	ssyncadd.s32 $0xFFFFE000  }
0x5d2: {  	_ =	swait.ge [sflag:s7], $0x2000  }
0x5d3: {  	[sflag:s7] =	ssyncset.done $0x0  }
0x5d4: {  	[sflag:s7] =	ssyncadd.s32 $0xFFFFE000  }
0x5d5: {  	_ =	swait.ge [sflag:s9], $0x2000  }
0x5d6: {  	[sflag:s9] =	ssyncset.done $0x0  }
0x5d7: {  	[sflag:s9] =	ssyncadd.s32 $0xFFFFE000  }
0x5d8: {  	[bflag:$0x0] =	sbarrier.arrive $0xFFFF  }
0x5d9: {  	s6 =	sld [smem:$0x7F6];
	_ =	sdelay $0x2  }
0x5da: {  	[tilespmem:s11], [sflag:$0xA] =	stream.linear.gather [spmem:s6], $0x2000, $0x38;
	[tilespmem:$0x1E800] =	vst v63  }
0x5db: {  	_ =	swait.ge [sflag:s12], $0x2000  }
0x5dc: {  	[sflag:s12] =	ssyncset.done $0x0  }
0x5dd: {  	s8 =	rddreg [dreg:$0x1e];
	[sflag:s12] =	ssyncadd.s32 $0xFFFFE000  }
0x5de: {  	[hbm4b:s8+s4] =	stream.linear.scatter [tilespmem:s11], [sflag:$0xA], $0x2000, $0x38;
	[tilespmem:$0x1E800] =	vst v63  }
0x5df: {  	_ =	swait.ge [sflag:s12], $0x2000  }
0x5e0: {  	s10 =	sld [smem:$0x7F7]  }
0x5e1: {  	[sflag:s12] =	ssyncset.done $0x0  }
0x5e2: {  	[sflag:s12] =	ssyncadd.s32 $0xFFFFE000  }
0x5e3: {  	[tilespmem:s11], [sflag:$0xA] =	stream.linear.gather [spmem:s10], $0x2000, $0x38;
	[tilespmem:$0x1E800] =	vst v63  }
0x5e4: {  	_ =	swait.ge [sflag:s12], $0x2000  }
0x5e5: {  	[sflag:s12] =	ssyncset.done $0x0  }
0x5e6: {  	s15 =	rddreg [dreg:$0x1f];
	[sflag:s12] =	ssyncadd.s32 $0xFFFFE000  }
0x5e7: {  	[hbm4b:s15+s4] =	stream.linear.scatter [tilespmem:s11], [sflag:$0xA], $0x2000, $0x38;
	[tilespmem:$0x1E800] =	vst v63  }
0x5e8: {  	_ =	swait.ge [sflag:s12], $0x2000  }
0x5e9: {  	s19 =	sld [smem:$0x7F9]  }
0x5ea: {  	[sflag:s12] =	ssyncset.done $0x0  }
0x5eb: {  	[sflag:s12] =	ssyncadd.s32 $0xFFFFE000  }
0x5ec: {  	[tilespmem:s11], [sflag:$0xA] =	stream.linear.gather [spmem:s19], $0x2000, $0x38;
	[tilespmem:$0x1E800] =	vst v63  }
0x5ed: {  	_ =	swait.ge [sflag:s12], $0x2000  }
0x5ee: {  	s22 =	sld [smem:$0x7F8]  }
0x5ef: {  	[sflag:s12] =	ssyncset.done $0x0  }
0x5f0: {  	[sflag:s12] =	ssyncadd.s32 $0xFFFFE000  }
0x5f1: {  	[hbm4b:s22+s4] =	stream.linear.scatter [tilespmem:s11], [sflag:$0xA], $0x2000, $0x38;
	[tilespmem:$0x1E800] =	vst v63  }
0x5f2: {  	_ =	swait.ge [sflag:s12], $0x2000  }
0x5f3: {  	s23 =	sld [smem:$0x7FB]  }
0x5f4: {  	[sflag:s12] =	ssyncset.done $0x0  }
0x5f5: {  	[sflag:s12] =	ssyncadd.s32 $0xFFFFE000  }
0x5f6: {  	[tilespmem:s11], [sflag:$0xA] =	stream.linear.gather [spmem:s23], $0x2000, $0x38;
	[tilespmem:$0x1E800] =	vst v63  }
0x5f7: {  	_ =	swait.ge [sflag:s12], $0x2000  }
0x5f8: {  	s26 =	sld [smem:$0x7FA]  }
0x5f9: {  	[sflag:s12] =	ssyncset.done $0x0  }
0x5fa: {  	[sflag:s12] =	ssyncadd.s32 $0xFFFFE000  }
0x5fb: {  	[hbm4b:s26+s4] =	stream.linear.scatter [tilespmem:s11], [sflag:$0xA], $0x2000, $0x38;
	[tilespmem:$0x1E800] =	vst v63  }
0x5fc: {  	_ =	swait.ge [sflag:s12], $0x2000  }
0x5fd: {  	s29 =	sld [smem:$0x7FC]  }
0x5fe: {  	[sflag:s12] =	ssyncset.done $0x0  }
0x5ff: {  	[sflag:s12] =	ssyncadd.s32 $0xFFFFE000  }
0x600: {  	[tilespmem:s11], [sflag:$0xA] =	stream.linear.gather [spmem:s29], $0x2000, $0x38;
	[tilespmem:$0x1E800] =	vst v63  }
0x601: {  	_ =	swait.ge [sflag:s12], $0x2000  }
0x602: {  	s31 =	sld [smem:$0x7FD]  }
0x603: {  	p0 =	sne.s32 s13, $0x1;
	[sflag:s12] =	ssyncset.done $0x0  }
.Ltmp0:
0x604: {  	[sflag:s12] =	ssyncadd.s32 $0xFFFFE000;
	(pc) =	sbr.rel @p0 .LBB2_1-.Ltmp0, $4  }
0x605: {  	[hbm4b:s31+s4] =	stream.linear.scatter [tilespmem:s11], [sflag:$0xA], $0x2000, $0x38;
	[tilespmem:$0x1E800] =	vst v63  }
0x606: {  	_ =	swait.ge [sflag:s12], $0x2000  }
0x607: {  	[sflag:s12] =	ssyncset.done $0x0  }
0x608: {  	s13 =	sadd.s32 $0xFFFFFFFF, s13;
	[sflag:s12] =	ssyncadd.s32 $0xFFFFE000  }
0x609: {  	_ =	sfence.sel $0x180000  }
0x60a: {  	[bflag:$0x0] =	sbarrier.arrive $0xFFFF  }
0x60b: {  	_ =	strace $0x9000004A  }
0x60c: {  	s0 =	stileid.u32;
	[bflag:$0x2] =	sbarrier.arrive $0xFFFF  }
0x60d: {  	p0 =	sne.s32 s0, $0x0;
	s0 =	rddreg [dreg:$0x3]  }
0x60e: {  	s0 =	sadd.s32 @!p0 $0x100000, s0  }
0x60f: {  	[sflag:s0] =	ssyncadd.tile.s32 @!p0 $0x1;
	_ =	shalt  }
.Lfunc_end2:
_tile_overlayer_lowered:
.L_overlay_start_2:
0x610: {  	(tag) =	ssettag $0x2  }
0x611: {  	s0 =	rddreg [dreg:$0x0];
	s2 =	stileid.u32  }
0x612: {  	s1 =	rddreg [dreg:$0x1];
	p0 =	sne.s32 s2, $0x0  }
0x613: {  	s3 =	rddreg [dreg:$0x2];
	[bflag:$0x3] =	sbarrier.arrive $0xFFFF;
	s2 =	simm.s32 @!p0 $0x1C0A  }
0x614: {  	[timem:s3], [sflag:s2] =	dma.local @!p0 [hbm:s0], s1  }
0x615: {  	s0 =	simm.s32 @!p0 $0xA  }
0x616: {  	_ =	swait.ge @!p0 [sflag:s0], s1  }
0x617: {  	s1 =	ssub.s32 @!p0 $0x0, s1;
	[sflag:s0] =	ssyncset.done @!p0 $0x0  }
0x618: {  	[sflag:s0] =	ssyncadd.s32 @!p0 s1  }
0x619: {  	[bflag:$0x3] =	sbarrier.arrive $0xFFFF  }
0x61a: {  	_ =	shalt  }

// kernel: kernel.13.cloned.1.call-start
scs
__scs_entry_jumppad:
0x0: {  	(pc) =	sbr.rel $0x88, $3  }
0x1: {  	(tag) =	ssettag $0x0;
	lr =	simm.s32 $0x1  }
0x2: {  	[smem:$0x3F9B] =	sst lr;
	_ =	strace $0xD0000000  }
0x3: {  	_ = 	snop  }
0x4: {  	_ = 	snop  }
0x5: {  	_ = 	snop  }
0x6: {  	_ = 	snop  }
0x7: {  	_ = 	snop  }
__scs_overlays_trampoline_lowered:
0x8: {  	[smem:$0x3FAA] =	sst s0  }
0x9: {  	[smem:$0x3FAB] =	sst s1  }
0xa: {  	[smem:$0x3FAC] =	sst s2  }
0xb: {  	[smem:$0x3FAD] =	sst s3  }
0xc: {  	[smem:$0x3FAE] =	sst s4  }
0xd: {  	[smem:$0x3FAF] =	sst s5  }
0xe: {  	[smem:$0x3FB0] =	sst s6  }
0xf: {  	[smem:$0x3FB1] =	sst s7  }
0x10: {  	[smem:$0x3FB2] =	sst s8  }
0x11: {  	[smem:$0x3FB3] =	sst s9;
	s0 =	simm.s32 @!p0 $0x0  }
0x12: {  	s1 =	sld [smem:$0x3F99];
	s0 =	simm.s32 @p0 $0x1  }
0x13: {  	[smem:$0x3FB4] =	sst s0;
	s0 =	simm.s32 @!p1 $0x0  }
0x14: {  	s2 =	sld [smem:$0x3F98];
	s0 =	simm.s32 @p1 $0x1  }
0x15: {  	[smem:$0x3FB5] =	sst s0;
	s0 =	simm.s32 @!p2 $0x0  }
0x16: {  	s3 =	sld [smem:$0x3FDB];
	s0 =	simm.s32 @p2 $0x1  }
0x17: {  	s4 =	simm.s32 $0x1BF5;
	[smem:$0x3FB7] =	sst s0  }
0x18: {  	s0 =	sld [smem:$0x3F9A];
	_ =	swait.ge [sflag:s4], $0x0  }
0x19: {  	s7 =	sld [smem:$0x3F9B]  }
0x1a: {  	s8 =	sadd.s32 $0xFFFFE003, lr  }
0x1b: {  	s9 =	sadd.s32 $0xFFFFFEF7, lr;
	s5 =	simm.s32 $0xFFFFFFFF;
	p2 =	slt.u32 s8, $0xFFFFF086  }
0x1c: {  	p1 =	slt.u32 s9, $0xF7A;
	s5 =	simm.s32 @!p2 $0x0  }
0x1d: {  	s5 =	simm.s32 @p1 $0x1;
	p0 =	seq.s32 s7, s2  }
0x1e: {  	s7 =	smul.u32 @!p0 $0xF7A, s2;
	p2 =	seq.s32 @!p0 s5, $0x0  }
0x1f: {  	s9 =	smul.u32 $0xF7A, s1;
	s8 =	simm.s32 @!p0 $0x1BF5;
	p2 =	por !p2, p0  }
0x20: {  	[sflag:s8] =	ssyncset.s32 @!p0 $0xFFFFF086;
	s6 =	sadd.s32 @!p0 s3, s7;
	s7 =	simm.s32 @!p0 $0x108  }
0x21: {  	s3 =	sadd.s32 s3, s9;
	s6 =	sadd.s32 @!p0 $0x88, s6;
	s7 =	simm.s32 @p2 $0x1082  }
0x22: {  	[simem:s7], [sflag:s8] =	dma.local @!p0 [hbm:s6], $0xF7A  }
0x23: {  	s9 =	sor.u32 $0xD0000000, s2;
	s6 =	simm.s32 $0x108;
	_ =	swait.ge @!p0 [sflag:s8], $0x0  }
0x24: {  	s3 =	sadd.s32 $0x88, s3;
	s6 =	simm.s32 @!p1 $0x1082;
	[sflag:s4] =	ssyncset.s32 $0xFFFFF086  }
0x25: {  	[simem:s6], [sflag:s4] =	dma.local [hbm:s3], $0xF7A  }
0x26: {  	[smem:$0x3F9B] =	sst s1;
	(tag) =	ssettag s2;
	_ =	strace s9  }
0x27: {  	s1 =	sld [smem:$0x3FAB]  }
0x28: {  	s2 =	sld [smem:$0x3FAC]  }
0x29: {  	s4 =	sld [smem:$0x3FAE]  }
0x2a: {  	p0 =	seq.s32 s5, $0x0;
	s5 =	sld [smem:$0x3FAF]  }
0x2b: {  	s6 =	sld [smem:$0x3FB0]  }
0x2c: {  	s7 =	sld [smem:$0x3FB1]  }
0x2d: {  	s3 =	simm.s32 $0x108;
	s8 =	sld [smem:$0x3FB2]  }
0x2e: {  	s3 =	simm.s32 @!p0 $0x1082;
	s9 =	sld [smem:$0x3FB3]  }
0x2f: {  	lr =	sadd.s32 s0, s3;
	s0 =	sld [smem:$0x3FAA]  }
0x30: {  	s3 =	sld [smem:$0x3FAD]  }
0x31: {  	[smem:$0x3FB6] =	sst s10  }
0x32: {  	s10 =	sld [smem:$0x3FB4];
	_ =	sdelay $0x3  }
0x33: {  	p0 =	seq.s32 s10, $0x1;
	s10 =	sld [smem:$0x3FB6];
	_ =	sdelay $0x3  }
0x34: {  	[smem:$0x3FB6] =	sst s10  }
0x35: {  	s10 =	sld [smem:$0x3FB5];
	_ =	sdelay $0x3  }
0x36: {  	p1 =	seq.s32 s10, $0x1;
	s10 =	sld [smem:$0x3FB6];
	_ =	sdelay $0x3  }
0x37: {  	[smem:$0x3FB6] =	sst s10  }
0x38: {  	s10 =	sld [smem:$0x3FB7]  }
0x39: {  	_ = 	snop;
	(pc) =	sbr.ind lr, $3  }
0x3a: {  	_ = 	snop  }
0x3b: {  	_ = 	snop  }
0x3c: {  	p2 =	seq.s32 s10, $0x1;
	s10 =	sld [smem:$0x3FB6]  }
0x3d: {  	_ =	shalt  }
0x3e: {  	_ =	shalt  }
0x3f: {  	_ =	shalt  }
0x40: {  	_ =	shalt  }
0x41: {  	_ =	shalt  }
0x42: {  	_ =	shalt  }
0x43: {  	_ =	shalt  }
0x44: {  	_ =	shalt  }
0x45: {  	_ =	shalt  }
0x46: {  	_ =	shalt  }
0x47: {  	_ =	shalt  }
0x48: {  	_ =	shalt  }
0x49: {  	_ =	shalt  }
0x4a: {  	_ =	shalt  }
0x4b: {  	_ =	shalt  }
0x4c: {  	_ =	shalt  }
0x4d: {  	_ =	shalt  }
0x4e: {  	_ =	shalt  }
0x4f: {  	_ =	shalt  }
0x50: {  	_ =	shalt  }
0x51: {  	_ =	shalt  }
0x52: {  	_ =	shalt  }
0x53: {  	_ =	shalt  }
0x54: {  	_ =	shalt  }
0x55: {  	_ =	shalt  }
0x56: {  	_ =	shalt  }
0x57: {  	_ =	shalt  }
0x58: {  	_ =	shalt  }
0x59: {  	_ =	shalt  }
0x5a: {  	_ =	shalt  }
0x5b: {  	_ =	shalt  }
0x5c: {  	_ =	shalt  }
0x5d: {  	_ =	shalt  }
0x5e: {  	_ =	shalt  }
0x5f: {  	_ =	shalt  }
0x60: {  	_ =	shalt  }
0x61: {  	_ =	shalt  }
0x62: {  	_ =	shalt  }
0x63: {  	_ =	shalt  }
0x64: {  	_ =	shalt  }
0x65: {  	_ =	shalt  }
0x66: {  	_ =	shalt  }
0x67: {  	_ =	shalt  }
0x68: {  	_ =	shalt  }
0x69: {  	_ =	shalt  }
0x6a: {  	_ =	shalt  }
0x6b: {  	_ =	shalt  }
0x6c: {  	_ =	shalt  }
0x6d: {  	_ =	shalt  }
0x6e: {  	_ =	shalt  }
0x6f: {  	_ =	shalt  }
0x70: {  	_ =	shalt  }
0x71: {  	_ =	shalt  }
0x72: {  	_ =	shalt  }
0x73: {  	_ =	shalt  }
0x74: {  	_ =	shalt  }
0x75: {  	_ =	shalt  }
0x76: {  	_ =	shalt  }
0x77: {  	_ =	shalt  }
0x78: {  	_ =	shalt  }
0x79: {  	_ =	shalt  }
0x7a: {  	_ =	shalt  }
0x7b: {  	_ =	shalt  }
0x7c: {  	_ =	shalt  }
0x7d: {  	_ =	shalt  }
0x7e: {  	_ =	shalt  }
0x7f: {  	_ =	shalt  }
0x80: {  	_ =	shalt  }
0x81: {  	_ =	shalt  }
0x82: {  	_ =	shalt  }
0x83: {  	_ =	shalt  }
0x84: {  	_ =	shalt  }
0x85: {  	_ =	shalt  }
0x86: {  	_ =	shalt  }
0x87: {  	_ =	shalt  }
.Lfunc_end0:
.L_simem_size_0:
called_computation.2_lowered:
.L_overlay_start_0:
0x88: {  	s2 =	sld [smem:$0x3FD9]  }
0x89: {  	s3 =	sld [smem:$0x3FFE];
	_ =	sdelay $0x1  }
0x8a: {  	s1 =	srdreg.scid  }
0x8b: {  	s0 =	sand.u32 $0x1, s1  }
0x8c: {  	s17 =	sshll.u32 s0, $0xA;
	s2 =	sadd.s32 s3, s2  }
0x8d: {  	s2 =	sadd.s32 s2, s17  }
0x8e: {  	[smem:$0x3FC2] =	sst s2  }
0x8f: {  	_ = 	snop  }
0x90: {  	s2 =	sld [smem:$0x3FD0];
	(tm) =	ssettm $0x1  }
0x91: {  	s18 =	sld [smem:$0x3FFB];
	_ =	sdelay $0x3  }
0x92: {  	_ =	strace s18  }
0x93: {  	s3 =	sld [smem:$0x3FFC];
	_ =	sdelay $0x3  }
0x94: {  	_ =	strace s3  }
0x95: {  	s3 =	sld [smem:$0x3FFD];
	_ =	sdelay $0x3  }
0x96: {  	_ =	strace s3  }
0x97: {  	_ =	strace $0x8FFFFFFF  }
0x98: {  	s19 =	sld [smem:$0x3FDB];
	_ =	sdelay $0x1  }
0x99: {  	s4 =	simm.s32 $_scs_section_size  }
0x9a: {  	s5 =	simm.s32 $_size__tile_overlayer_lowered;
	s6 =	simm.s32 $_tile_overlayer_lowered  }
0x9b: {  	s22 =	simm.s32 $0x1BFF;
	s21 =	sshll.u32 s6, $0x1;
	s3 =	sadd.s32 s4, s19  }
0x9c: {  	s7 =	simm.s32 $0x0;
	s20 =	sshll.u32 s5, $0x1;
	s5 =	sadd.s32 s21, s3  }
0x9d: {  	[timem:s7], [sflag:s22] =	dma.local [hbm:s5], s20  }
0x9e: {  	_ =	swait.ge [sflag:s22], s20  }
0x9f: {  	s4 =	ssub.s32 $0x0, s20;
	[sflag:s22] =	ssyncset.done $0x0  }
0xa0: {  	[sflag:s22] =	ssyncadd.s32 s4;
	_ =	sdelay $0x1  }
0xa1: {  	s23 =	simm.s32 $0x1B8B  }
0xa2: {  	_ =	swait.ge [sflag:s23], $0x1  }
0xa3: {  	[sflag:s23] =	ssyncset.done $0x0  }
0xa4: {  	s25 =	simm.s32 $0x1B8E;
	s24 =	sld [smem:$0x3FFE];
	[sflag:s23] =	ssyncadd.s32 $0xFFFFFFFF  }
0xa5: {  	s26 =	simm.s32 $execute0_lowered;
	[smem:$0x3FD2] =	sst s25  }
0xa6: {  	s5 =	sshll.u32 s26, $0x1;
	_ =	strace $0x8000004C;
	[dreg:$0x1] =	wrdreg $0xFFFFFFFF  }
0xa7: {  	s28 =	simm.s32 $_size_execute0_lowered;
	s3 =	sadd.s32 s3, s5;
	[dreg:$0x0] =	wrdreg $0x0  }
0xa8: {  	s5 =	sshll.u32 s28, $0x1;
	[dreg:$0x2] =	wrdreg s3  }
0xa9: {  	[dreg:$0x3] =	wrdreg s5  }
0xaa: {  	[dreg:$0x4] =	wrdreg $0xC0  }
0xab: {  	_ =	task [dreg:s7], $0x5FFFF  }
0xac: {  	[dreg:$0x1] =	wrdreg $0xFFFFFFFF  }
0xad: {  	[dreg:$0x0] =	wrdreg $0x60  }
0xae: {  	[dreg:$0x2] =	wrdreg s2  }
0xaf: {  	[dreg:$0x3] =	wrdreg s24  }
0xb0: {  	[dreg:$0x4] =	wrdreg $0xA2800  }
0xb1: {  	[dreg:$0x5] =	wrdreg $0x9  }
0xb2: {  	_ =	task.clear_ibuf [dreg:s7], $0x6FFFF;
	_ =	strace $0x9000004C  }
0xb3: {  	s29 =	simm.s32 $0x9;
	_ =	strace $0x8000004E  }
0xb4: {  	_ =	swait.ge [sflag:s29], $0x1  }
0xb5: {  	[sflag:s29] =	ssyncadd.s32 $0xFFFFFFFF  }
0xb6: {  	_ =	strace $0x9000004E  }
0xb7: {  	_ =	sfence  }
0xb8: {  	s30 =	sld [smem:$0x0];
	_ =	sdelay $0x2  }
0xb9: {  	s31 =	sshll.u32 s1, $0xD;
	s1 =	sshrl.u32 s1, $0x2  }
0xba: {  	s3 =	sand.u32 $0x4000, s31;
	s1 =	sadd.s32 s1, s30  }
0xbb: {  	s0 =	sor.u32 s3, s0;
	s1 =	sshll.u32 s1, $0x11  }
0xbc: {  	s0 =	sor.u32 s1, s0  }
0xbd: {  	s0 =	sadd.s32 $0x8F2B, s0  }
0xbe: {  	[sflag:s0] =	ssyncadd.remote.s32 $0x1  }
0xbf: {  	_ =	sfence.sel $0xFFFF  }
0xc0: {  	[dreg:$0x0] =	wrdreg $0xFFFFFFFF;
	(pc) =	sbr.abs _section_cstart, $3  }
0xc1: {  	[dreg:$0x1] =	wrdreg $0xFFFFFFFF  }
0xc2: {  	_ =	task.clear_ibuf [dreg:s7], $0x2FFFF;
	_ =	strace $0x9FFFFFFF  }
0xc3: {  	(tm) =	ssettm $0x7FFFFFFF  }
tec
execute0_lowered:
.L_overlay_start_1:
0x0: {  	(tag) =	ssettag $0x1  }
0x1: {  	s1 =	rddreg [dreg:$0x0]  }
0x2: {  	s0 =	srdreg.scid;
	s6 =	rddreg [dreg:$0x1]  }
0x3: {  	s3 =	rddreg [dreg:$0x2];
	s4 =	simm.s32 $0x0;
	s12 =	simm.s32 $0x80  }
0x4: {  	s13 =	simm.s32 $0x400;
	s14 =	simm.s32 $0x2800;
	s15 =	simm.s32 $0x5000  }
0x5: {  	s16 =	simm.s32 $0x1;
	s17 =	simm.s32 $0x100;
	s18 =	simm.s32 $0x0  }
0x6: {  	s5 =	sand.u32 $0x1, s0;
	s0 =	stileid.u32;
	[smem:$0x7FF] =	sst s4  }
0x7: {  	s2 =	sshll.u32 s5, $0x4;
	s9 =	sshll.u32 s0, $0x7;
	s29 =	smul.u32 $0x500, s0  }
0x8: {  	s10 =	sshll.u32 s5, $0x7;
	s30 =	smul.u32 $0xA00, s0;
	s7 =	sor.u32 s0, s2  }
0x9: {  	s5 =	ssub.s32 $0x2, s5;
	s8 =	sshrl.u32 s7, $0x3;
	s7 =	smul.u32 $0x500, s7  }
0xa: {  	s2 =	rddreg [dreg:$0x3];
	s31 =	sshrl.u32 s5, $0x1;
	s8 =	smul.u32 $0x14000, s8  }
0xb: {  	s9 =	sand.u32 $0x380, s9;
	_ =	strace $0x8000004D;
	s11 =	ssub.s32 s5, s31  }
0xc: {  	s7 =	sadd.s32 s7, s6;
	s8 =	sor.u32 s9, s8;
	s9 =	sor.u32 s10, s29  }
0xd: {  	s10 =	sshrl.u32 s30, $0x2;
	s7 =	sadd.s32 $0x600, s7;
	s8 =	sshrl.u32 s8, $0x3  }
0xe: {  	s9 =	sshrl.u32 s9, $0x3;
	s5 =	sadd.s32 s10, s3;
	s8 =	sadd.s32 s8, s6  }
0xf: {  	s10 =	simm.s32 $0xA000;
	s9 =	sadd.s32 s9, s6;
	s6 =	sadd.s32 $0x65000, s8  }
0x10: {  	v0 =	vimm.f32 $0.0e+00;
	s8 =	sadd.s32 $0xA600, s9;
	s9 =	smax.u32 s11, $0x1;
	s11 =	simm.s32 $0x2  }
.LBB2_1:
0x11: {  	[tilespmem:$0xA000] =	vst v0  }
0x12: {  	[tilespmem:$0xA010] =	vst v0  }
0x13: {  	[tilespmem:$0xA020] =	vst v0  }
0x14: {  	[tilespmem:$0xA030] =	vst v0  }
0x15: {  	[tilespmem:$0xA040] =	vst v0  }
0x16: {  	[tilespmem:$0xA050] =	vst v0  }
0x17: {  	[tilespmem:$0xA060] =	vst v0  }
0x18: {  	[tilespmem:$0xA070] =	vst v0  }
0x19: {  	[tilespmem:$0xA080] =	vst v0  }
0x1a: {  	[tilespmem:$0xA090] =	vst v0  }
0x1b: {  	[tilespmem:$0xA0A0] =	vst v0  }
0x1c: {  	[tilespmem:$0xA0B0] =	vst v0  }
0x1d: {  	[tilespmem:$0xA0C0] =	vst v0  }
0x1e: {  	[tilespmem:$0xA0D0] =	vst v0  }
0x1f: {  	[tilespmem:$0xA0E0] =	vst v0  }
0x20: {  	[tilespmem:$0xA0F0] =	vst v0  }
0x21: {  	[tilespmem:$0xA100] =	vst v0  }
0x22: {  	[tilespmem:$0xA110] =	vst v0  }
0x23: {  	[tilespmem:$0xA120] =	vst v0  }
0x24: {  	[tilespmem:$0xA130] =	vst v0  }
0x25: {  	[tilespmem:$0xA140] =	vst v0  }
0x26: {  	[tilespmem:$0xA150] =	vst v0  }
0x27: {  	[tilespmem:$0xA160] =	vst v0  }
0x28: {  	[tilespmem:$0xA170] =	vst v0  }
0x29: {  	[tilespmem:$0xA180] =	vst v0  }
0x2a: {  	[tilespmem:$0xA190] =	vst v0  }
0x2b: {  	[tilespmem:$0xA1A0] =	vst v0  }
0x2c: {  	[tilespmem:$0xA1B0] =	vst v0  }
0x2d: {  	[tilespmem:$0xA1C0] =	vst v0  }
0x2e: {  	[tilespmem:$0xA1D0] =	vst v0  }
0x2f: {  	[tilespmem:$0xA1E0] =	vst v0  }
0x30: {  	[tilespmem:$0xA1F0] =	vst v0  }
0x31: {  	[tilespmem:$0xA200] =	vst v0  }
0x32: {  	[tilespmem:$0xA210] =	vst v0  }
0x33: {  	[tilespmem:$0xA220] =	vst v0  }
0x34: {  	[tilespmem:$0xA230] =	vst v0  }
0x35: {  	[tilespmem:$0xA240] =	vst v0  }
0x36: {  	[tilespmem:$0xA250] =	vst v0  }
0x37: {  	[tilespmem:$0xA260] =	vst v0  }
0x38: {  	[tilespmem:$0xA270] =	vst v0  }
0x39: {  	[spmem:s5] =	stream.linear.scatter [tilespmem:s10], [sflag:$0x2], $0x280, $0x38;
	[tilespmem:$0xA500] =	vst v63  }
0x3a: {  	_ =	swait.ge [sflag:s11], $0x280  }
0x3b: {  	[sflag:s11] =	ssyncset.done $0x0  }
0x3c: {  	[sflag:s11] =	ssyncadd.s32 $0xFFFFFD80  }
0x3d: {  	[tilespmem:s4], [sflag:$0x2] =	stream.linear.gather [hbm4b:s1+s4], $0x2800, $0x38;
	[tilespmem:$0xA500] =	vst v63  }
0x3e: {  	_ =	swait.ge [sflag:s11], $0x2800  }
0x3f: {  	[sflag:s11] =	ssyncset.done $0x0  }
0x40: {  	[sflag:s11] =	ssyncadd.s32 $0xFFFFD800  }
0x41: {  	[tilespmem:s14], [sflag:$0x2] =	stream.strided.gather [hbm4b:s6+s12], $0x2800, s13, s12, $0x38;
	[tilespmem:$0xA500] =	vst v63  }
0x42: {  	_ =	swait.ge [sflag:s11], $0x2800  }
0x43: {  	[sflag:s11] =	ssyncset.done $0x0  }
0x44: {  	[sflag:s11] =	ssyncadd.s32 $0xFFFFD800  }
0x45: {  	[tilespmem:s15], [sflag:$0x2] =	stream.linear.gather [hbm4b:s7+s4], $0x2800, $0x38;
	[tilespmem:$0xA500] =	vst v63  }
0x46: {  	_ =	swait.ge [sflag:s11], $0x2800  }
0x47: {  	[sflag:s11] =	ssyncset.done $0x0  }
0x48: {  	s19 =	simm.s32 $0x0;
	[sflag:s11] =	ssyncadd.s32 $0xFFFFD800  }
0x49: {  	v1 =	vld [tilespmem:s19+$0x2800];
	_ =	sdelay $0x7  }
0x4a: {  	s20 =	simm.s32 $0x10;
	s21 =	simm.s32 $0x80;
	v1 =	vld.idx.msk [tilespmem:v1+s4+$0x0], $0xffff  }
.LBB2_2:
0x4b: {  	p0 =	sne.s32 s21, $0x9FC0;
	v2 =	vld [tilespmem:s20+$0x2800];
	_ =	sdelay $0x3  }
.Ltmp0:
0x4c: {  	(pc) =	sbr.rel @p0 .LBB2_2-.Ltmp0, $2  }
0x4d: {  	[tilespmem:s19+$0x7800] =	vst v1;
	s19 =	smov.u32 s20;
	_ =	sdelay $0x2  }
0x4e: {  	s20 =	sshra.s32 s21, $0x2;
	s21 =	sadd.s32 $0x40, s21;
	v1 =	vld.idx.msk [tilespmem:v2+s4+$0x0], $0xffff  }
0x4f: {  	v2 =	vld [tilespmem:s20+$0x2800];
	_ =	sdelay $0x6  }
0x50: {  	[tilespmem:s19+$0x7800] =	vst v1  }
0x51: {  	v1 =	vld.idx.msk [tilespmem:v2+s4+$0x0], $0xffff;
	_ =	sdelay $0x4  }
0x52: {  	[tilespmem:s20+$0x7800] =	vst v1  }
0x53: {  	s25 =	simm.s32 $0x7800;
	s26 =	simm.s32 $0x5000;
	[bflag:$0x0] =	sbarrier.arrive $0xFFFF  }
0x54: {  	[spmem:s3] =	stream.indirect.scatter.add.f32 [tilespmem:s25], [sflag:$0x1], $0x1, s26, s12, $0xb8;
	[tilespmem:$0xA500] =	vst v63  }
0x55: {  	s28 =	simm.s32 $0x7880;
	s29 =	simm.s32 $0x5080  }
0x56: {  	[spmem:s3] =	stream.indirect.scatter.add.f32 [tilespmem:s28], [sflag:$0x1], $0x1, s29, s12, $0xb8;
	[tilespmem:$0xA500] =	vst v63  }
0x57: {  	s30 =	simm.s32 $0x7900;
	s31 =	simm.s32 $0x5100  }
0x58: {  	[spmem:s3] =	stream.indirect.scatter.add.f32 [tilespmem:s30], [sflag:$0x1], $0x1, s31, s12, $0xb8;
	[tilespmem:$0xA500] =	vst v63  }
0x59: {  	s21 =	simm.s32 $0x7980;
	s22 =	simm.s32 $0x5180  }
0x5a: {  	[spmem:s3] =	stream.indirect.scatter.add.f32 [tilespmem:s21], [sflag:$0x1], $0x1, s22, s12, $0xb8;
	[tilespmem:$0xA500] =	vst v63  }
0x5b: {  	s23 =	simm.s32 $0x7A00;
	s24 =	simm.s32 $0x5200  }
0x5c: {  	[spmem:s3] =	stream.indirect.scatter.add.f32 [tilespmem:s23], [sflag:$0x1], $0x1, s24, s12, $0xb8;
	[tilespmem:$0xA500] =	vst v63  }
0x5d: {  	s25 =	simm.s32 $0x7A80;
	s26 =	simm.s32 $0x5280  }
0x5e: {  	[spmem:s3] =	stream.indirect.scatter.add.f32 [tilespmem:s25], [sflag:$0x1], $0x1, s26, s12, $0xb8;
	[tilespmem:$0xA500] =	vst v63  }
0x5f: {  	s28 =	simm.s32 $0x7B00;
	s29 =	simm.s32 $0x5300  }
0x60: {  	[spmem:s3] =	stream.indirect.scatter.add.f32 [tilespmem:s28], [sflag:$0x1], $0x1, s29, s12, $0xb8;
	[tilespmem:$0xA500] =	vst v63  }
0x61: {  	s30 =	simm.s32 $0x7B80;
	s31 =	simm.s32 $0x5380  }
0x62: {  	[spmem:s3] =	stream.indirect.scatter.add.f32 [tilespmem:s30], [sflag:$0x1], $0x1, s31, s12, $0xb8;
	[tilespmem:$0xA500] =	vst v63  }
0x63: {  	_ =	swait.ge [sflag:s16], $0x80  }
0x64: {  	[sflag:s16] =	ssyncset.done $0x0  }
0x65: {  	[sflag:s16] =	ssyncadd.s32 $0xFFFFFF80  }
0x66: {  	_ =	swait.ge [sflag:s16], $0x80  }
0x67: {  	[sflag:s16] =	ssyncset.done $0x0  }
0x68: {  	[sflag:s16] =	ssyncadd.s32 $0xFFFFFF80  }
0x69: {  	_ =	swait.ge [sflag:s16], $0x80  }
0x6a: {  	[sflag:s16] =	ssyncset.done $0x0  }
0x6b: {  	[sflag:s16] =	ssyncadd.s32 $0xFFFFFF80  }
0x6c: {  	_ =	swait.ge [sflag:s16], $0x80  }
0x6d: {  	[sflag:s16] =	ssyncset.done $0x0  }
0x6e: {  	[sflag:s16] =	ssyncadd.s32 $0xFFFFFF80  }
0x6f: {  	_ =	swait.ge [sflag:s16], $0x80  }
0x70: {  	[sflag:s16] =	ssyncset.done $0x0  }
0x71: {  	[sflag:s16] =	ssyncadd.s32 $0xFFFFFF80  }
0x72: {  	_ =	swait.ge [sflag:s16], $0x80  }
0x73: {  	[sflag:s16] =	ssyncset.done $0x0  }
0x74: {  	[sflag:s16] =	ssyncadd.s32 $0xFFFFFF80  }
0x75: {  	_ =	swait.ge [sflag:s16], $0x80  }
0x76: {  	[sflag:s16] =	ssyncset.done $0x0  }
0x77: {  	[sflag:s16] =	ssyncadd.s32 $0xFFFFFF80  }
0x78: {  	_ =	swait.ge [sflag:s16], $0x80  }
0x79: {  	s22 =	simm.s32 $0x2000;
	s21 =	simm.s32 $0x400;
	[sflag:s16] =	ssyncset.done $0x0  }
.LBB2_4:
0x7a: {  	s20 =	sadd.s32 $0x7800, s21  }
0x7b: {  	s23 =	sadd.s32 $0x5000, s21;
	[sflag:s16] =	ssyncadd.s32 $0xFFFFFF80;
	s19 =	smov.u32 s22  }
0x7c: {  	[spmem:s3] =	stream.indirect.scatter.add.f32 [tilespmem:s20], [sflag:$0x1], $0x1, s23, s12, $0xb8;
	[tilespmem:$0xA500] =	vst v63  }
0x7d: {  	s24 =	sadd.s32 $0x5080, s21;
	s20 =	sadd.s32 $0x1000, s22;
	s23 =	sadd.s32 $0x7880, s21  }
0x7e: {  	[spmem:s3] =	stream.indirect.scatter.add.f32 [tilespmem:s23], [sflag:$0x1], $0x1, s24, s12, $0xb8;
	[tilespmem:$0xA500] =	vst v63  }
0x7f: {  	p0 =	sne.s32 s22, $0x9000;
	s22 =	sadd.s32 $0x7900, s21;
	s23 =	sadd.s32 $0x5100, s21  }
0x80: {  	[spmem:s3] =	stream.indirect.scatter.add.f32 [tilespmem:s22], [sflag:$0x1], $0x1, s23, s12, $0xb8;
	[tilespmem:$0xA500] =	vst v63  }
0x81: {  	s22 =	sadd.s32 $0x7980, s21;
	s23 =	sadd.s32 $0x5180, s21  }
0x82: {  	[spmem:s3] =	stream.indirect.scatter.add.f32 [tilespmem:s22], [sflag:$0x1], $0x1, s23, s12, $0xb8;
	[tilespmem:$0xA500] =	vst v63  }
0x83: {  	s22 =	sadd.s32 $0x7A00, s21;
	s23 =	sadd.s32 $0x5200, s21  }
0x84: {  	[spmem:s3] =	stream.indirect.scatter.add.f32 [tilespmem:s22], [sflag:$0x1], $0x1, s23, s12, $0xb8;
	[tilespmem:$0xA500] =	vst v63  }
0x85: {  	s22 =	sadd.s32 $0x7A80, s21;
	s23 =	sadd.s32 $0x5280, s21  }
0x86: {  	[spmem:s3] =	stream.indirect.scatter.add.f32 [tilespmem:s22], [sflag:$0x1], $0x1, s23, s12, $0xb8;
	[tilespmem:$0xA500] =	vst v63  }
0x87: {  	s22 =	sadd.s32 $0x7B00, s21;
	s23 =	sadd.s32 $0x5300, s21  }
0x88: {  	[spmem:s3] =	stream.indirect.scatter.add.f32 [tilespmem:s22], [sflag:$0x1], $0x1, s23, s12, $0xb8;
	[tilespmem:$0xA500] =	vst v63  }
0x89: {  	s22 =	sadd.s32 $0x7B80, s21;
	s21 =	sadd.s32 $0x5380, s21  }
0x8a: {  	[spmem:s3] =	stream.indirect.scatter.add.f32 [tilespmem:s22], [sflag:$0x1], $0x1, s21, s12, $0xb8;
	[tilespmem:$0xA500] =	vst v63  }
0x8b: {  	_ =	swait.ge [sflag:s16], $0x80  }
0x8c: {  	[sflag:s16] =	ssyncset.done $0x0  }
0x8d: {  	[sflag:s16] =	ssyncadd.s32 $0xFFFFFF80  }
0x8e: {  	_ =	swait.ge [sflag:s16], $0x80  }
0x8f: {  	[sflag:s16] =	ssyncset.done $0x0  }
0x90: {  	[sflag:s16] =	ssyncadd.s32 $0xFFFFFF80  }
0x91: {  	_ =	swait.ge [sflag:s16], $0x80  }
0x92: {  	[sflag:s16] =	ssyncset.done $0x0  }
0x93: {  	[sflag:s16] =	ssyncadd.s32 $0xFFFFFF80  }
0x94: {  	_ =	swait.ge [sflag:s16], $0x80  }
0x95: {  	[sflag:s16] =	ssyncset.done $0x0  }
0x96: {  	[sflag:s16] =	ssyncadd.s32 $0xFFFFFF80  }
0x97: {  	_ =	swait.ge [sflag:s16], $0x80  }
0x98: {  	[sflag:s16] =	ssyncset.done $0x0  }
0x99: {  	[sflag:s16] =	ssyncadd.s32 $0xFFFFFF80  }
0x9a: {  	_ =	swait.ge [sflag:s16], $0x80  }
0x9b: {  	[sflag:s16] =	ssyncset.done $0x0  }
0x9c: {  	[sflag:s16] =	ssyncadd.s32 $0xFFFFFF80  }
.Ltmp1:
0x9d: {  	_ =	swait.ge [sflag:s16], $0x80;
	(pc) =	sbr.rel @p0 .LBB2_4-.Ltmp1, $4  }
0x9e: {  	[sflag:s16] =	ssyncset.done $0x0  }
0x9f: {  	[sflag:s16] =	ssyncadd.s32 $0xFFFFFF80  }
0xa0: {  	_ =	swait.ge [sflag:s16], $0x80  }
0xa1: {  	s21 =	sshra.s32 s19, $0x2;
	s22 =	smov.u32 s20;
	[sflag:s16] =	ssyncset.done $0x0  }
0xa2: {  	s19 =	sadd.s32 $0x7800, s21;
	s20 =	sadd.s32 $0x5000, s21;
	[sflag:s16] =	ssyncadd.s32 $0xFFFFFF80  }
0xa3: {  	[spmem:s3] =	stream.indirect.scatter.add.f32 [tilespmem:s19], [sflag:$0x1], $0x1, s20, s12, $0xb8;
	[tilespmem:$0xA500] =	vst v63  }
0xa4: {  	s28 =	sadd.s32 $0x7880, s21;
	s29 =	sadd.s32 $0x5080, s21  }
0xa5: {  	[spmem:s3] =	stream.indirect.scatter.add.f32 [tilespmem:s28], [sflag:$0x1], $0x1, s29, s12, $0xb8;
	[tilespmem:$0xA500] =	vst v63  }
0xa6: {  	s30 =	sadd.s32 $0x7900, s21;
	s31 =	sadd.s32 $0x5100, s21  }
0xa7: {  	[spmem:s3] =	stream.indirect.scatter.add.f32 [tilespmem:s30], [sflag:$0x1], $0x1, s31, s12, $0xb8;
	[tilespmem:$0xA500] =	vst v63  }
0xa8: {  	s22 =	sadd.s32 $0x5180, s21;
	s20 =	sadd.s32 $0x7980, s21  }
0xa9: {  	[spmem:s3] =	stream.indirect.scatter.add.f32 [tilespmem:s20], [sflag:$0x1], $0x1, s22, s12, $0xb8;
	[tilespmem:$0xA500] =	vst v63  }
0xaa: {  	s23 =	sadd.s32 $0x7A00, s21;
	s24 =	sadd.s32 $0x5200, s21  }
0xab: {  	[spmem:s3] =	stream.indirect.scatter.add.f32 [tilespmem:s23], [sflag:$0x1], $0x1, s24, s12, $0xb8;
	[tilespmem:$0xA500] =	vst v63  }
0xac: {  	s25 =	sadd.s32 $0x7A80, s21;
	s26 =	sadd.s32 $0x5280, s21  }
0xad: {  	[spmem:s3] =	stream.indirect.scatter.add.f32 [tilespmem:s25], [sflag:$0x1], $0x1, s26, s12, $0xb8;
	[tilespmem:$0xA500] =	vst v63  }
0xae: {  	s28 =	sadd.s32 $0x7B00, s21;
	s29 =	sadd.s32 $0x5300, s21  }
0xaf: {  	[spmem:s3] =	stream.indirect.scatter.add.f32 [tilespmem:s28], [sflag:$0x1], $0x1, s29, s12, $0xb8;
	[tilespmem:$0xA500] =	vst v63  }
0xb0: {  	s30 =	sadd.s32 $0x7B80, s21;
	s31 =	sadd.s32 $0x5380, s21  }
0xb1: {  	[spmem:s3] =	stream.indirect.scatter.add.f32 [tilespmem:s30], [sflag:$0x1], $0x1, s31, s12, $0xb8;
	[tilespmem:$0xA500] =	vst v63  }
0xb2: {  	_ =	swait.ge [sflag:s16], $0x80  }
0xb3: {  	[sflag:s16] =	ssyncset.done $0x0  }
0xb4: {  	[sflag:s16] =	ssyncadd.s32 $0xFFFFFF80  }
0xb5: {  	_ =	swait.ge [sflag:s16], $0x80  }
0xb6: {  	[sflag:s16] =	ssyncset.done $0x0  }
0xb7: {  	[sflag:s16] =	ssyncadd.s32 $0xFFFFFF80  }
0xb8: {  	_ =	swait.ge [sflag:s16], $0x80  }
0xb9: {  	[sflag:s16] =	ssyncset.done $0x0  }
0xba: {  	[sflag:s16] =	ssyncadd.s32 $0xFFFFFF80  }
0xbb: {  	_ =	swait.ge [sflag:s16], $0x80  }
0xbc: {  	[sflag:s16] =	ssyncset.done $0x0  }
0xbd: {  	[sflag:s16] =	ssyncadd.s32 $0xFFFFFF80  }
0xbe: {  	_ =	swait.ge [sflag:s16], $0x80  }
0xbf: {  	[sflag:s16] =	ssyncset.done $0x0  }
0xc0: {  	[sflag:s16] =	ssyncadd.s32 $0xFFFFFF80  }
0xc1: {  	_ =	swait.ge [sflag:s16], $0x80  }
0xc2: {  	[sflag:s16] =	ssyncset.done $0x0  }
0xc3: {  	[sflag:s16] =	ssyncadd.s32 $0xFFFFFF80  }
0xc4: {  	_ =	swait.ge [sflag:s16], $0x80  }
0xc5: {  	[sflag:s16] =	ssyncset.done $0x0  }
0xc6: {  	[sflag:s16] =	ssyncadd.s32 $0xFFFFFF80  }
0xc7: {  	_ =	swait.ge [sflag:s16], $0x80  }
0xc8: {  	[sflag:s16] =	ssyncset.done $0x0  }
0xc9: {  	[sflag:s16] =	ssyncadd.s32 $0xFFFFFF80  }
0xca: {  	[bflag:$0x0] =	sbarrier.arrive $0xFFFF  }
0xcb: {  	[tilespmem:s10], [sflag:$0x2] =	stream.linear.gather [spmem:s5], $0x280, $0x38;
	[tilespmem:$0xA500] =	vst v63  }
0xcc: {  	s18 =	sadd.s32 $0x1, s18;
	_ =	swait.ge [sflag:s11], $0x280  }
0xcd: {  	p0 =	sne.s32 s18, s9;
	[sflag:s11] =	ssyncset.done $0x0  }
.Ltmp2:
0xce: {  	[sflag:s11] =	ssyncadd.s32 $0xFFFFFD80;
	(pc) =	sbr.rel @p0 .LBB2_1-.Ltmp2, $4  }
0xcf: {  	[hbm4b:s8+s12] =	stream.strided.scatter [tilespmem:s10], [sflag:$0x2], $0x280, s17, s12, $0x38;
	[tilespmem:$0xA500] =	vst v63  }
0xd0: {  	_ =	swait.ge [sflag:s11], $0x280  }
0xd1: {  	[sflag:s11] =	ssyncset.done $0x0  }
0xd2: {  	[sflag:s11] =	ssyncadd.s32 $0xFFFFFD80  }
0xd3: {  	_ =	sfence.sel $0x180000  }
0xd4: {  	[bflag:$0x0] =	sbarrier.arrive $0xFFFF  }
0xd5: {  	p0 =	sne.s32 s0, $0x0;
	_ =	strace $0x9000004D  }
0xd6: {  	s0 =	sadd.s32 @!p0 $0x100000, s2;
	[bflag:$0x2] =	sbarrier.arrive $0xFFFF  }
0xd7: {  	[sflag:s0] =	ssyncadd.tile.s32 @!p0 $0x1;
	_ =	shalt  }
.Lfunc_end2:
_tile_overlayer_lowered:
.L_overlay_start_2:
0xd8: {  	(tag) =	ssettag $0x2  }
0xd9: {  	s0 =	rddreg [dreg:$0x0];
	s2 =	stileid.u32  }
0xda: {  	s1 =	rddreg [dreg:$0x1];
	p0 =	sne.s32 s2, $0x0  }
0xdb: {  	s3 =	rddreg [dreg:$0x2];
	[bflag:$0x3] =	sbarrier.arrive $0xFFFF;
	s2 =	simm.s32 @!p0 $0x1C02  }
0xdc: {  	[timem:s3], [sflag:s2] =	dma.local @!p0 [hbm:s0], s1  }
0xdd: {  	s0 =	simm.s32 @!p0 $0x2  }
0xde: {  	_ =	swait.ge @!p0 [sflag:s0], s1  }
0xdf: {  	s1 =	ssub.s32 @!p0 $0x0, s1;
	[sflag:s0] =	ssyncset.done @!p0 $0x0  }
0xe0: {  	[sflag:s0] =	ssyncadd.s32 @!p0 s1  }
0xe1: {  	[bflag:$0x3] =	sbarrier.arrive $0xFFFF  }
0xe2: {  	_ =	shalt  }

// kernel: kernel.7.cloned.1.call-start
scs
__scs_entry_jumppad:
0x0: {  	(pc) =	sbr.rel $0x88, $3  }
0x1: {  	(tag) =	ssettag $0x0;
	lr =	simm.s32 $0x1  }
0x2: {  	[smem:$0x3F9B] =	sst lr;
	_ =	strace $0xD0000000  }
0x3: {  	_ = 	snop  }
0x4: {  	_ = 	snop  }
0x5: {  	_ = 	snop  }
0x6: {  	_ = 	snop  }
0x7: {  	_ = 	snop  }
__scs_overlays_trampoline_lowered:
0x8: {  	[smem:$0x3FAA] =	sst s0  }
0x9: {  	[smem:$0x3FAB] =	sst s1  }
0xa: {  	[smem:$0x3FAC] =	sst s2  }
0xb: {  	[smem:$0x3FAD] =	sst s3  }
0xc: {  	[smem:$0x3FAE] =	sst s4  }
0xd: {  	[smem:$0x3FAF] =	sst s5  }
0xe: {  	[smem:$0x3FB0] =	sst s6  }
0xf: {  	[smem:$0x3FB1] =	sst s7  }
0x10: {  	[smem:$0x3FB2] =	sst s8  }
0x11: {  	[smem:$0x3FB3] =	sst s9;
	s0 =	simm.s32 @!p0 $0x0  }
0x12: {  	s1 =	sld [smem:$0x3F99];
	s0 =	simm.s32 @p0 $0x1  }
0x13: {  	[smem:$0x3FB4] =	sst s0;
	s0 =	simm.s32 @!p1 $0x0  }
0x14: {  	s2 =	sld [smem:$0x3F98];
	s0 =	simm.s32 @p1 $0x1  }
0x15: {  	[smem:$0x3FB5] =	sst s0;
	s0 =	simm.s32 @!p2 $0x0  }
0x16: {  	s3 =	sld [smem:$0x3FDB];
	s0 =	simm.s32 @p2 $0x1  }
0x17: {  	s4 =	simm.s32 $0x1BF5;
	[smem:$0x3FB7] =	sst s0  }
0x18: {  	s0 =	sld [smem:$0x3F9A];
	_ =	swait.ge [sflag:s4], $0x0  }
0x19: {  	s7 =	sld [smem:$0x3F9B]  }
0x1a: {  	s8 =	sadd.s32 $0xFFFFE003, lr  }
0x1b: {  	s9 =	sadd.s32 $0xFFFFFEF7, lr;
	s5 =	simm.s32 $0xFFFFFFFF;
	p2 =	slt.u32 s8, $0xFFFFF086  }
0x1c: {  	p1 =	slt.u32 s9, $0xF7A;
	s5 =	simm.s32 @!p2 $0x0  }
0x1d: {  	s5 =	simm.s32 @p1 $0x1;
	p0 =	seq.s32 s7, s2  }
0x1e: {  	s7 =	smul.u32 @!p0 $0xF7A, s2;
	p2 =	seq.s32 @!p0 s5, $0x0  }
0x1f: {  	s9 =	smul.u32 $0xF7A, s1;
	s8 =	simm.s32 @!p0 $0x1BF5;
	p2 =	por !p2, p0  }
0x20: {  	[sflag:s8] =	ssyncset.s32 @!p0 $0xFFFFF086;
	s6 =	sadd.s32 @!p0 s3, s7;
	s7 =	simm.s32 @!p0 $0x108  }
0x21: {  	s3 =	sadd.s32 s3, s9;
	s6 =	sadd.s32 @!p0 $0x88, s6;
	s7 =	simm.s32 @p2 $0x1082  }
0x22: {  	[simem:s7], [sflag:s8] =	dma.local @!p0 [hbm:s6], $0xF7A  }
0x23: {  	s9 =	sor.u32 $0xD0000000, s2;
	s6 =	simm.s32 $0x108;
	_ =	swait.ge @!p0 [sflag:s8], $0x0  }
0x24: {  	s3 =	sadd.s32 $0x88, s3;
	s6 =	simm.s32 @!p1 $0x1082;
	[sflag:s4] =	ssyncset.s32 $0xFFFFF086  }
0x25: {  	[simem:s6], [sflag:s4] =	dma.local [hbm:s3], $0xF7A  }
0x26: {  	[smem:$0x3F9B] =	sst s1;
	(tag) =	ssettag s2;
	_ =	strace s9  }
0x27: {  	s1 =	sld [smem:$0x3FAB]  }
0x28: {  	s2 =	sld [smem:$0x3FAC]  }
0x29: {  	s4 =	sld [smem:$0x3FAE]  }
0x2a: {  	p0 =	seq.s32 s5, $0x0;
	s5 =	sld [smem:$0x3FAF]  }
0x2b: {  	s6 =	sld [smem:$0x3FB0]  }
0x2c: {  	s7 =	sld [smem:$0x3FB1]  }
0x2d: {  	s3 =	simm.s32 $0x108;
	s8 =	sld [smem:$0x3FB2]  }
0x2e: {  	s3 =	simm.s32 @!p0 $0x1082;
	s9 =	sld [smem:$0x3FB3]  }
0x2f: {  	lr =	sadd.s32 s0, s3;
	s0 =	sld [smem:$0x3FAA]  }
0x30: {  	s3 =	sld [smem:$0x3FAD]  }
0x31: {  	[smem:$0x3FB6] =	sst s10  }
0x32: {  	s10 =	sld [smem:$0x3FB4];
	_ =	sdelay $0x3  }
0x33: {  	p0 =	seq.s32 s10, $0x1;
	s10 =	sld [smem:$0x3FB6];
	_ =	sdelay $0x3  }
0x34: {  	[smem:$0x3FB6] =	sst s10  }
0x35: {  	s10 =	sld [smem:$0x3FB5];
	_ =	sdelay $0x3  }
0x36: {  	p1 =	seq.s32 s10, $0x1;
	s10 =	sld [smem:$0x3FB6];
	_ =	sdelay $0x3  }
0x37: {  	[smem:$0x3FB6] =	sst s10  }
0x38: {  	s10 =	sld [smem:$0x3FB7]  }
0x39: {  	_ = 	snop;
	(pc) =	sbr.ind lr, $3  }
0x3a: {  	_ = 	snop  }
0x3b: {  	_ = 	snop  }
0x3c: {  	p2 =	seq.s32 s10, $0x1;
	s10 =	sld [smem:$0x3FB6]  }
0x3d: {  	_ =	shalt  }
0x3e: {  	_ =	shalt  }
0x3f: {  	_ =	shalt  }
0x40: {  	_ =	shalt  }
0x41: {  	_ =	shalt  }
0x42: {  	_ =	shalt  }
0x43: {  	_ =	shalt  }
0x44: {  	_ =	shalt  }
0x45: {  	_ =	shalt  }
0x46: {  	_ =	shalt  }
0x47: {  	_ =	shalt  }
0x48: {  	_ =	shalt  }
0x49: {  	_ =	shalt  }
0x4a: {  	_ =	shalt  }
0x4b: {  	_ =	shalt  }
0x4c: {  	_ =	shalt  }
0x4d: {  	_ =	shalt  }
0x4e: {  	_ =	shalt  }
0x4f: {  	_ =	shalt  }
0x50: {  	_ =	shalt  }
0x51: {  	_ =	shalt  }
0x52: {  	_ =	shalt  }
0x53: {  	_ =	shalt  }
0x54: {  	_ =	shalt  }
0x55: {  	_ =	shalt  }
0x56: {  	_ =	shalt  }
0x57: {  	_ =	shalt  }
0x58: {  	_ =	shalt  }
0x59: {  	_ =	shalt  }
0x5a: {  	_ =	shalt  }
0x5b: {  	_ =	shalt  }
0x5c: {  	_ =	shalt  }
0x5d: {  	_ =	shalt  }
0x5e: {  	_ =	shalt  }
0x5f: {  	_ =	shalt  }
0x60: {  	_ =	shalt  }
0x61: {  	_ =	shalt  }
0x62: {  	_ =	shalt  }
0x63: {  	_ =	shalt  }
0x64: {  	_ =	shalt  }
0x65: {  	_ =	shalt  }
0x66: {  	_ =	shalt  }
0x67: {  	_ =	shalt  }
0x68: {  	_ =	shalt  }
0x69: {  	_ =	shalt  }
0x6a: {  	_ =	shalt  }
0x6b: {  	_ =	shalt  }
0x6c: {  	_ =	shalt  }
0x6d: {  	_ =	shalt  }
0x6e: {  	_ =	shalt  }
0x6f: {  	_ =	shalt  }
0x70: {  	_ =	shalt  }
0x71: {  	_ =	shalt  }
0x72: {  	_ =	shalt  }
0x73: {  	_ =	shalt  }
0x74: {  	_ =	shalt  }
0x75: {  	_ =	shalt  }
0x76: {  	_ =	shalt  }
0x77: {  	_ =	shalt  }
0x78: {  	_ =	shalt  }
0x79: {  	_ =	shalt  }
0x7a: {  	_ =	shalt  }
0x7b: {  	_ =	shalt  }
0x7c: {  	_ =	shalt  }
0x7d: {  	_ =	shalt  }
0x7e: {  	_ =	shalt  }
0x7f: {  	_ =	shalt  }
0x80: {  	_ =	shalt  }
0x81: {  	_ =	shalt  }
0x82: {  	_ =	shalt  }
0x83: {  	_ =	shalt  }
0x84: {  	_ =	shalt  }
0x85: {  	_ =	shalt  }
0x86: {  	_ =	shalt  }
0x87: {  	_ =	shalt  }
.Lfunc_end0:
.L_simem_size_0:
called_computation_lowered:
.L_overlay_start_0:
0x88: {  	s2 =	sld [smem:$0x3FD9]  }
0x89: {  	s3 =	sld [smem:$0x3FFE];
	_ =	sdelay $0x1  }
0x8a: {  	s1 =	srdreg.scid  }
0x8b: {  	s0 =	sand.u32 $0x1, s1  }
0x8c: {  	s16 =	sshll.u32 s0, $0xA;
	s2 =	sadd.s32 s3, s2  }
0x8d: {  	s2 =	sadd.s32 s2, s16  }
0x8e: {  	[smem:$0x3FC2] =	sst s2  }
0x8f: {  	_ = 	snop  }
0x90: {  	(tm) =	ssettm $0x1  }
0x91: {  	s17 =	sld [smem:$0x3FFB];
	_ =	sdelay $0x3  }
0x92: {  	_ =	strace s17  }
0x93: {  	s2 =	sld [smem:$0x3FFC];
	_ =	sdelay $0x3  }
0x94: {  	_ =	strace s2  }
0x95: {  	s2 =	sld [smem:$0x3FFD];
	_ =	sdelay $0x3  }
0x96: {  	_ =	strace s2  }
0x97: {  	_ =	strace $0x8FFFFFFF  }
0x98: {  	s18 =	sld [smem:$0x3FDB];
	_ =	sdelay $0x1  }
0x99: {  	s19 =	simm.s32 $_scs_section_size  }
0x9a: {  	s4 =	simm.s32 $_size__tile_overlayer_lowered;
	s5 =	simm.s32 $_tile_overlayer_lowered  }
0x9b: {  	s22 =	simm.s32 $0x1BFF;
	s21 =	sshll.u32 s5, $0x1;
	s2 =	sadd.s32 s19, s18  }
0x9c: {  	s6 =	simm.s32 $0x0;
	s20 =	sshll.u32 s4, $0x1;
	s4 =	sadd.s32 s21, s2  }
0x9d: {  	[timem:s6], [sflag:s22] =	dma.local [hbm:s4], s20  }
0x9e: {  	_ =	swait.ge [sflag:s22], s20  }
0x9f: {  	s3 =	ssub.s32 $0x0, s20;
	[sflag:s22] =	ssyncset.done $0x0  }
0xa0: {  	[sflag:s22] =	ssyncadd.s32 s3;
	_ =	sdelay $0x1  }
0xa1: {  	s23 =	simm.s32 $0x1B8B  }
0xa2: {  	_ =	swait.ge [sflag:s23], $0x1  }
0xa3: {  	[sflag:s23] =	ssyncset.done $0x0  }
0xa4: {  	s25 =	simm.s32 $0x1B8E;
	s24 =	sld [smem:$0x3FFE];
	[sflag:s23] =	ssyncadd.s32 $0xFFFFFFFF  }
0xa5: {  	s26 =	simm.s32 $execute0_lowered;
	[smem:$0x3FD2] =	sst s25  }
0xa6: {  	s4 =	sshll.u32 s26, $0x1;
	_ =	strace $0x80000046;
	[dreg:$0x1] =	wrdreg $0xFFFFFFFF  }
0xa7: {  	s28 =	simm.s32 $_size_execute0_lowered;
	s2 =	sadd.s32 s2, s4;
	[dreg:$0x0] =	wrdreg $0x0  }
0xa8: {  	s4 =	sshll.u32 s28, $0x1;
	[dreg:$0x2] =	wrdreg s2  }
0xa9: {  	[dreg:$0x3] =	wrdreg s4  }
0xaa: {  	[dreg:$0x4] =	wrdreg $0xC0  }
0xab: {  	_ =	task [dreg:s6], $0x5FFFF  }
0xac: {  	[dreg:$0x1] =	wrdreg $0xFFFFFFFF  }
0xad: {  	[dreg:$0x0] =	wrdreg $0x60  }
0xae: {  	[dreg:$0x2] =	wrdreg s24  }
0xaf: {  	[dreg:$0x3] =	wrdreg $0x2B000  }
0xb0: {  	[dreg:$0x4] =	wrdreg $0x9  }
0xb1: {  	_ =	task.clear_ibuf [dreg:s6], $0x5FFFF;
	_ =	strace $0x90000046  }
0xb2: {  	s29 =	simm.s32 $0x9;
	_ =	strace $0x80000048  }
0xb3: {  	_ =	swait.ge [sflag:s29], $0x1  }
0xb4: {  	[sflag:s29] =	ssyncadd.s32 $0xFFFFFFFF  }
0xb5: {  	_ =	strace $0x90000048  }
0xb6: {  	_ =	sfence  }
0xb7: {  	s30 =	sld [smem:$0x0];
	_ =	sdelay $0x2  }
0xb8: {  	s31 =	sshll.u32 s1, $0xD;
	s1 =	sshrl.u32 s1, $0x2  }
0xb9: {  	s3 =	sand.u32 $0x4000, s31;
	s1 =	sadd.s32 s1, s30  }
0xba: {  	s0 =	sor.u32 s3, s0;
	s1 =	sshll.u32 s1, $0x11  }
0xbb: {  	s0 =	sor.u32 s1, s0  }
0xbc: {  	s0 =	sadd.s32 $0x8F2B, s0  }
0xbd: {  	[sflag:s0] =	ssyncadd.remote.s32 $0x1  }
0xbe: {  	_ =	sfence.sel $0xFFFF  }
0xbf: {  	[dreg:$0x0] =	wrdreg $0xFFFFFFFF;
	(pc) =	sbr.abs _section_cstart, $3  }
0xc0: {  	[dreg:$0x1] =	wrdreg $0xFFFFFFFF  }
0xc1: {  	_ =	task.clear_ibuf [dreg:s6], $0x2FFFF;
	_ =	strace $0x9FFFFFFF  }
0xc2: {  	(tm) =	ssettm $0x7FFFFFFF  }
0xc3: {  	_ =	shalt  }
tec
execute0_lowered:
.L_overlay_start_1:
0x0: {  	(tag) =	ssettag $0x1  }
0x1: {  	s4 =	rddreg [dreg:$0x0];
	s0 =	srdreg.scid  }
0x2: {  	s2 =	rddreg [dreg:$0x1];
	s1 =	stileid.u32  }
0x3: {  	s3 =	simm.s32 $0x0;
	s10 =	simm.s32 $0x80;
	s11 =	simm.s32 $0x2800  }
0x4: {  	s12 =	simm.s32 $0x1;
	s13 =	simm.s32 $0x100;
	s14 =	simm.s32 $0x0  }
0x5: {  	s5 =	sand.u32 $0x1, s0;
	s0 =	rddreg [dreg:$0x2];
	s7 =	smul.u32 $0x500, s1  }
0x6: {  	[smem:$0x7FF] =	sst s3;
	s30 =	smul.u32 $0xA00, s1;
	s6 =	sshll.u32 s5, $0x4  }
0x7: {  	s8 =	sshll.u32 s5, $0x7;
	_ =	strace $0x80000047;
	s6 =	sor.u32 s1, s6  }
0x8: {  	s5 =	ssub.s32 $0x2, s5;
	s7 =	sor.u32 s8, s7;
	s6 =	smul.u32 $0x500, s6  }
0x9: {  	s31 =	sshrl.u32 s5, $0x1;
	s8 =	sshrl.u32 s30, $0x2;
	s7 =	sshrl.u32 s7, $0x3  }
0xa: {  	s9 =	ssub.s32 s5, s31;
	s7 =	sadd.s32 s7, s4;
	s6 =	sadd.s32 s6, s4  }
0xb: {  	s4 =	sadd.s32 s8, s2;
	s8 =	simm.s32 $0x2880;
	s5 =	sadd.s32 $0x600, s6  }
0xc: {  	v0 =	vimm.f32 $0.0e+00;
	v1 =	vimm.f32 $1.000000000e+00;
	s6 =	sadd.s32 $0xA600, s7;
	s7 =	smax.u32 s9, $0x1;
	s9 =	simm.s32 $0x2  }
.LBB2_1:
0xd: {  	[tilespmem:$0x2880] =	vst v0  }
0xe: {  	[tilespmem:$0x2890] =	vst v0  }
0xf: {  	[tilespmem:$0x28A0] =	vst v0  }
0x10: {  	[tilespmem:$0x28B0] =	vst v0  }
0x11: {  	[tilespmem:$0x28C0] =	vst v0  }
0x12: {  	[tilespmem:$0x28D0] =	vst v0  }
0x13: {  	[tilespmem:$0x28E0] =	vst v0  }
0x14: {  	[tilespmem:$0x28F0] =	vst v0  }
0x15: {  	[tilespmem:$0x2900] =	vst v0  }
0x16: {  	[tilespmem:$0x2910] =	vst v0  }
0x17: {  	[tilespmem:$0x2920] =	vst v0  }
0x18: {  	[tilespmem:$0x2930] =	vst v0  }
0x19: {  	[tilespmem:$0x2940] =	vst v0  }
0x1a: {  	[tilespmem:$0x2950] =	vst v0  }
0x1b: {  	[tilespmem:$0x2960] =	vst v0  }
0x1c: {  	[tilespmem:$0x2970] =	vst v0  }
0x1d: {  	[tilespmem:$0x2980] =	vst v0  }
0x1e: {  	[tilespmem:$0x2990] =	vst v0  }
0x1f: {  	[tilespmem:$0x29A0] =	vst v0  }
0x20: {  	[tilespmem:$0x29B0] =	vst v0  }
0x21: {  	[tilespmem:$0x29C0] =	vst v0  }
0x22: {  	[tilespmem:$0x29D0] =	vst v0  }
0x23: {  	[tilespmem:$0x29E0] =	vst v0  }
0x24: {  	[tilespmem:$0x29F0] =	vst v0  }
0x25: {  	[tilespmem:$0x2A00] =	vst v0  }
0x26: {  	[tilespmem:$0x2A10] =	vst v0  }
0x27: {  	[tilespmem:$0x2A20] =	vst v0  }
0x28: {  	[tilespmem:$0x2A30] =	vst v0  }
0x29: {  	[tilespmem:$0x2A40] =	vst v0  }
0x2a: {  	[tilespmem:$0x2A50] =	vst v0  }
0x2b: {  	[tilespmem:$0x2A60] =	vst v0  }
0x2c: {  	[tilespmem:$0x2A70] =	vst v0  }
0x2d: {  	[tilespmem:$0x2A80] =	vst v0  }
0x2e: {  	[tilespmem:$0x2A90] =	vst v0  }
0x2f: {  	[tilespmem:$0x2AA0] =	vst v0  }
0x30: {  	[tilespmem:$0x2AB0] =	vst v0  }
0x31: {  	[tilespmem:$0x2AC0] =	vst v0  }
0x32: {  	[tilespmem:$0x2AD0] =	vst v0  }
0x33: {  	[tilespmem:$0x2AE0] =	vst v0  }
0x34: {  	[tilespmem:$0x2AF0] =	vst v0  }
0x35: {  	[spmem:s4] =	stream.linear.scatter [tilespmem:s8], [sflag:$0x2], $0x280, $0x38;
	[tilespmem:$0x2D80] =	vst v63  }
0x36: {  	_ =	swait.ge [sflag:s9], $0x280  }
0x37: {  	[sflag:s9] =	ssyncset.done $0x0  }
0x38: {  	[sflag:s9] =	ssyncadd.s32 $0xFFFFFD80  }
0x39: {  	[tilespmem:$0x2800] =	vst v1  }
0x3a: {  	[tilespmem:$0x2810] =	vst v1  }
0x3b: {  	[tilespmem:$0x2820] =	vst v1  }
0x3c: {  	[tilespmem:$0x2830] =	vst v1  }
0x3d: {  	[tilespmem:$0x2840] =	vst v1  }
0x3e: {  	[tilespmem:$0x2850] =	vst v1  }
0x3f: {  	[tilespmem:$0x2860] =	vst v1  }
0x40: {  	[tilespmem:$0x2870] =	vst v1  }
0x41: {  	[tilespmem:s3], [sflag:$0x2] =	stream.linear.gather [hbm4b:s5+s3], $0x2800, $0x38;
	[tilespmem:$0x2D80] =	vst v63  }
0x42: {  	_ =	swait.ge [sflag:s9], $0x2800  }
0x43: {  	[sflag:s9] =	ssyncset.done $0x0  }
0x44: {  	[sflag:s9] =	ssyncadd.s32 $0xFFFFD800  }
0x45: {  	s15 =	simm.s32 $0x0;
	[bflag:$0x0] =	sbarrier.arrive $0xFFFF  }
0x46: {  	[spmem:s2] =	stream.indirect.scatter.add.f32 [tilespmem:s11], [sflag:$0x1], $0x1, s15, s10, $0xb8;
	[tilespmem:$0x2D80] =	vst v63  }
0x47: {  	s24 =	simm.s32 $0x80  }
0x48: {  	[spmem:s2] =	stream.indirect.scatter.add.f32 [tilespmem:s11], [sflag:$0x1], $0x1, s24, s10, $0xb8;
	[tilespmem:$0x2D80] =	vst v63  }
0x49: {  	s25 =	simm.s32 $0x100  }
0x4a: {  	[spmem:s2] =	stream.indirect.scatter.add.f32 [tilespmem:s11], [sflag:$0x1], $0x1, s25, s10, $0xb8;
	[tilespmem:$0x2D80] =	vst v63  }
0x4b: {  	s26 =	simm.s32 $0x180  }
0x4c: {  	[spmem:s2] =	stream.indirect.scatter.add.f32 [tilespmem:s11], [sflag:$0x1], $0x1, s26, s10, $0xb8;
	[tilespmem:$0x2D80] =	vst v63  }
0x4d: {  	s28 =	simm.s32 $0x200  }
0x4e: {  	[spmem:s2] =	stream.indirect.scatter.add.f32 [tilespmem:s11], [sflag:$0x1], $0x1, s28, s10, $0xb8;
	[tilespmem:$0x2D80] =	vst v63  }
0x4f: {  	s29 =	simm.s32 $0x280  }
0x50: {  	[spmem:s2] =	stream.indirect.scatter.add.f32 [tilespmem:s11], [sflag:$0x1], $0x1, s29, s10, $0xb8;
	[tilespmem:$0x2D80] =	vst v63  }
0x51: {  	s30 =	simm.s32 $0x300  }
0x52: {  	[spmem:s2] =	stream.indirect.scatter.add.f32 [tilespmem:s11], [sflag:$0x1], $0x1, s30, s10, $0xb8;
	[tilespmem:$0x2D80] =	vst v63  }
0x53: {  	s31 =	simm.s32 $0x380  }
0x54: {  	[spmem:s2] =	stream.indirect.scatter.add.f32 [tilespmem:s11], [sflag:$0x1], $0x1, s31, s10, $0xb8;
	[tilespmem:$0x2D80] =	vst v63  }
0x55: {  	_ =	swait.ge [sflag:s12], $0x80  }
0x56: {  	[sflag:s12] =	ssyncset.done $0x0  }
0x57: {  	[sflag:s12] =	ssyncadd.s32 $0xFFFFFF80  }
0x58: {  	_ =	swait.ge [sflag:s12], $0x80  }
0x59: {  	[sflag:s12] =	ssyncset.done $0x0  }
0x5a: {  	[sflag:s12] =	ssyncadd.s32 $0xFFFFFF80  }
0x5b: {  	_ =	swait.ge [sflag:s12], $0x80  }
0x5c: {  	[sflag:s12] =	ssyncset.done $0x0  }
0x5d: {  	[sflag:s12] =	ssyncadd.s32 $0xFFFFFF80  }
0x5e: {  	_ =	swait.ge [sflag:s12], $0x80  }
0x5f: {  	[sflag:s12] =	ssyncset.done $0x0  }
0x60: {  	[sflag:s12] =	ssyncadd.s32 $0xFFFFFF80  }
0x61: {  	_ =	swait.ge [sflag:s12], $0x80  }
0x62: {  	[sflag:s12] =	ssyncset.done $0x0  }
0x63: {  	[sflag:s12] =	ssyncadd.s32 $0xFFFFFF80  }
0x64: {  	_ =	swait.ge [sflag:s12], $0x80  }
0x65: {  	[sflag:s12] =	ssyncset.done $0x0  }
0x66: {  	[sflag:s12] =	ssyncadd.s32 $0xFFFFFF80  }
0x67: {  	_ =	swait.ge [sflag:s12], $0x80  }
0x68: {  	[sflag:s12] =	ssyncset.done $0x0  }
0x69: {  	[sflag:s12] =	ssyncadd.s32 $0xFFFFFF80  }
0x6a: {  	_ =	swait.ge [sflag:s12], $0x80  }
0x6b: {  	s17 =	simm.s32 $0x2000;
	s15 =	simm.s32 $0x1000;
	[sflag:s12] =	ssyncset.done $0x0  }
.LBB2_2:
0x6c: {  	s18 =	sshra.s32 s15, $0x2  }
0x6d: {  	[sflag:s12] =	ssyncadd.s32 $0xFFFFFF80;
	s15 =	smov.u32 s17;
	s16 =	sadd.s32 $0x1000, s17  }
0x6e: {  	[spmem:s2] =	stream.indirect.scatter.add.f32 [tilespmem:s11], [sflag:$0x1], $0x1, s18, s10, $0xb8;
	[tilespmem:$0x2D80] =	vst v63  }
0x6f: {  	p0 =	sne.s32 s17, $0x9000;
	s17 =	sadd.s32 $0x80, s18  }
0x70: {  	[spmem:s2] =	stream.indirect.scatter.add.f32 [tilespmem:s11], [sflag:$0x1], $0x1, s17, s10, $0xb8;
	[tilespmem:$0x2D80] =	vst v63  }
0x71: {  	s17 =	sadd.s32 $0x100, s18  }
0x72: {  	[spmem:s2] =	stream.indirect.scatter.add.f32 [tilespmem:s11], [sflag:$0x1], $0x1, s17, s10, $0xb8;
	[tilespmem:$0x2D80] =	vst v63  }
0x73: {  	s17 =	sadd.s32 $0x180, s18  }
0x74: {  	[spmem:s2] =	stream.indirect.scatter.add.f32 [tilespmem:s11], [sflag:$0x1], $0x1, s17, s10, $0xb8;
	[tilespmem:$0x2D80] =	vst v63  }
0x75: {  	s17 =	sadd.s32 $0x200, s18  }
0x76: {  	[spmem:s2] =	stream.indirect.scatter.add.f32 [tilespmem:s11], [sflag:$0x1], $0x1, s17, s10, $0xb8;
	[tilespmem:$0x2D80] =	vst v63  }
0x77: {  	s17 =	sadd.s32 $0x280, s18  }
0x78: {  	[spmem:s2] =	stream.indirect.scatter.add.f32 [tilespmem:s11], [sflag:$0x1], $0x1, s17, s10, $0xb8;
	[tilespmem:$0x2D80] =	vst v63  }
0x79: {  	s17 =	sadd.s32 $0x300, s18  }
0x7a: {  	[spmem:s2] =	stream.indirect.scatter.add.f32 [tilespmem:s11], [sflag:$0x1], $0x1, s17, s10, $0xb8;
	[tilespmem:$0x2D80] =	vst v63  }
0x7b: {  	s17 =	sadd.s32 $0x380, s18  }
0x7c: {  	[spmem:s2] =	stream.indirect.scatter.add.f32 [tilespmem:s11], [sflag:$0x1], $0x1, s17, s10, $0xb8;
	[tilespmem:$0x2D80] =	vst v63  }
0x7d: {  	_ =	swait.ge [sflag:s12], $0x80  }
0x7e: {  	[sflag:s12] =	ssyncset.done $0x0  }
0x7f: {  	[sflag:s12] =	ssyncadd.s32 $0xFFFFFF80  }
0x80: {  	_ =	swait.ge [sflag:s12], $0x80  }
0x81: {  	[sflag:s12] =	ssyncset.done $0x0  }
0x82: {  	[sflag:s12] =	ssyncadd.s32 $0xFFFFFF80  }
0x83: {  	_ =	swait.ge [sflag:s12], $0x80  }
0x84: {  	[sflag:s12] =	ssyncset.done $0x0  }
0x85: {  	[sflag:s12] =	ssyncadd.s32 $0xFFFFFF80  }
0x86: {  	_ =	swait.ge [sflag:s12], $0x80  }
0x87: {  	[sflag:s12] =	ssyncset.done $0x0  }
0x88: {  	[sflag:s12] =	ssyncadd.s32 $0xFFFFFF80  }
0x89: {  	_ =	swait.ge [sflag:s12], $0x80  }
0x8a: {  	[sflag:s12] =	ssyncset.done $0x0  }
0x8b: {  	[sflag:s12] =	ssyncadd.s32 $0xFFFFFF80  }
0x8c: {  	_ =	swait.ge [sflag:s12], $0x80  }
0x8d: {  	[sflag:s12] =	ssyncset.done $0x0  }
0x8e: {  	[sflag:s12] =	ssyncadd.s32 $0xFFFFFF80  }
.Ltmp0:
0x8f: {  	_ =	swait.ge [sflag:s12], $0x80;
	(pc) =	sbr.rel @p0 .LBB2_2-.Ltmp0, $4  }
0x90: {  	[sflag:s12] =	ssyncset.done $0x0  }
0x91: {  	[sflag:s12] =	ssyncadd.s32 $0xFFFFFF80  }
0x92: {  	_ =	swait.ge [sflag:s12], $0x80  }
0x93: {  	s17 =	smov.u32 s16;
	[sflag:s12] =	ssyncset.done $0x0  }
0x94: {  	s15 =	sshra.s32 s15, $0x2;
	[sflag:s12] =	ssyncadd.s32 $0xFFFFFF80  }
0x95: {  	[spmem:s2] =	stream.indirect.scatter.add.f32 [tilespmem:s11], [sflag:$0x1], $0x1, s15, s10, $0xb8;
	[tilespmem:$0x2D80] =	vst v63  }
0x96: {  	s16 =	sadd.s32 $0x80, s15  }
0x97: {  	[spmem:s2] =	stream.indirect.scatter.add.f32 [tilespmem:s11], [sflag:$0x1], $0x1, s16, s10, $0xb8;
	[tilespmem:$0x2D80] =	vst v63  }
0x98: {  	s26 =	sadd.s32 $0x100, s15  }
0x99: {  	[spmem:s2] =	stream.indirect.scatter.add.f32 [tilespmem:s11], [sflag:$0x1], $0x1, s26, s10, $0xb8;
	[tilespmem:$0x2D80] =	vst v63  }
0x9a: {  	s28 =	sadd.s32 $0x180, s15  }
0x9b: {  	[spmem:s2] =	stream.indirect.scatter.add.f32 [tilespmem:s11], [sflag:$0x1], $0x1, s28, s10, $0xb8;
	[tilespmem:$0x2D80] =	vst v63  }
0x9c: {  	s29 =	sadd.s32 $0x200, s15  }
0x9d: {  	[spmem:s2] =	stream.indirect.scatter.add.f32 [tilespmem:s11], [sflag:$0x1], $0x1, s29, s10, $0xb8;
	[tilespmem:$0x2D80] =	vst v63  }
0x9e: {  	s30 =	sadd.s32 $0x280, s15  }
0x9f: {  	[spmem:s2] =	stream.indirect.scatter.add.f32 [tilespmem:s11], [sflag:$0x1], $0x1, s30, s10, $0xb8;
	[tilespmem:$0x2D80] =	vst v63  }
0xa0: {  	s31 =	sadd.s32 $0x300, s15  }
0xa1: {  	[spmem:s2] =	stream.indirect.scatter.add.f32 [tilespmem:s11], [sflag:$0x1], $0x1, s31, s10, $0xb8;
	[tilespmem:$0x2D80] =	vst v63  }
0xa2: {  	s15 =	sadd.s32 $0x380, s15  }
0xa3: {  	[spmem:s2] =	stream.indirect.scatter.add.f32 [tilespmem:s11], [sflag:$0x1], $0x1, s15, s10, $0xb8;
	[tilespmem:$0x2D80] =	vst v63  }
0xa4: {  	_ =	swait.ge [sflag:s12], $0x80  }
0xa5: {  	[sflag:s12] =	ssyncset.done $0x0  }
0xa6: {  	[sflag:s12] =	ssyncadd.s32 $0xFFFFFF80  }
0xa7: {  	_ =	swait.ge [sflag:s12], $0x80  }
0xa8: {  	[sflag:s12] =	ssyncset.done $0x0  }
0xa9: {  	[sflag:s12] =	ssyncadd.s32 $0xFFFFFF80  }
0xaa: {  	_ =	swait.ge [sflag:s12], $0x80  }
0xab: {  	[sflag:s12] =	ssyncset.done $0x0  }
0xac: {  	[sflag:s12] =	ssyncadd.s32 $0xFFFFFF80  }
0xad: {  	_ =	swait.ge [sflag:s12], $0x80  }
0xae: {  	[sflag:s12] =	ssyncset.done $0x0  }
0xaf: {  	[sflag:s12] =	ssyncadd.s32 $0xFFFFFF80  }
0xb0: {  	_ =	swait.ge [sflag:s12], $0x80  }
0xb1: {  	[sflag:s12] =	ssyncset.done $0x0  }
0xb2: {  	[sflag:s12] =	ssyncadd.s32 $0xFFFFFF80  }
0xb3: {  	_ =	swait.ge [sflag:s12], $0x80  }
0xb4: {  	[sflag:s12] =	ssyncset.done $0x0  }
0xb5: {  	[sflag:s12] =	ssyncadd.s32 $0xFFFFFF80  }
0xb6: {  	_ =	swait.ge [sflag:s12], $0x80  }
0xb7: {  	[sflag:s12] =	ssyncset.done $0x0  }
0xb8: {  	[sflag:s12] =	ssyncadd.s32 $0xFFFFFF80  }
0xb9: {  	_ =	swait.ge [sflag:s12], $0x80  }
0xba: {  	[sflag:s12] =	ssyncset.done $0x0  }
0xbb: {  	[sflag:s12] =	ssyncadd.s32 $0xFFFFFF80  }
0xbc: {  	[bflag:$0x0] =	sbarrier.arrive $0xFFFF  }
0xbd: {  	[tilespmem:s8], [sflag:$0x2] =	stream.linear.gather [spmem:s4], $0x280, $0x38;
	[tilespmem:$0x2D80] =	vst v63  }
0xbe: {  	s14 =	sadd.s32 $0x1, s14;
	_ =	swait.ge [sflag:s9], $0x280  }
0xbf: {  	p0 =	sne.s32 s14, s7;
	[sflag:s9] =	ssyncset.done $0x0  }
.Ltmp1:
0xc0: {  	[sflag:s9] =	ssyncadd.s32 $0xFFFFFD80;
	(pc) =	sbr.rel @p0 .LBB2_1-.Ltmp1, $4  }
0xc1: {  	[hbm4b:s6+s10] =	stream.strided.scatter [tilespmem:s8], [sflag:$0x2], $0x280, s13, s10, $0x38;
	[tilespmem:$0x2D80] =	vst v63  }
0xc2: {  	_ =	swait.ge [sflag:s9], $0x280  }
0xc3: {  	[sflag:s9] =	ssyncset.done $0x0  }
0xc4: {  	[sflag:s9] =	ssyncadd.s32 $0xFFFFFD80  }
0xc5: {  	_ =	sfence.sel $0x180000  }
0xc6: {  	[bflag:$0x0] =	sbarrier.arrive $0xFFFF  }
0xc7: {  	p0 =	sne.s32 s1, $0x0;
	_ =	strace $0x90000047  }
0xc8: {  	s0 =	sadd.s32 @!p0 $0x100000, s0;
	[bflag:$0x2] =	sbarrier.arrive $0xFFFF  }
0xc9: {  	[sflag:s0] =	ssyncadd.tile.s32 @!p0 $0x1;
	_ =	shalt  }
.Lfunc_end2:
_tile_overlayer_lowered:
.L_overlay_start_2:
0xca: {  	(tag) =	ssettag $0x2  }
0xcb: {  	s0 =	rddreg [dreg:$0x0];
	s2 =	stileid.u32  }
0xcc: {  	s1 =	rddreg [dreg:$0x1];
	p0 =	sne.s32 s2, $0x0  }
0xcd: {  	s3 =	rddreg [dreg:$0x2];
	[bflag:$0x3] =	sbarrier.arrive $0xFFFF;
	s2 =	simm.s32 @!p0 $0x1C02  }
0xce: {  	[timem:s3], [sflag:s2] =	dma.local @!p0 [hbm:s0], s1  }
0xcf: {  	s0 =	simm.s32 @!p0 $0x2  }
0xd0: {  	_ =	swait.ge @!p0 [sflag:s0], s1  }
0xd1: {  	s1 =	ssub.s32 @!p0 $0x0, s1;
	[sflag:s0] =	ssyncset.done @!p0 $0x0  }
0xd2: {  	[sflag:s0] =	ssyncadd.s32 @!p0 s1  }
0xd3: {  	[bflag:$0x3] =	sbarrier.arrive $0xFFFF  }
0xd4: {  	_ =	shalt  }

</sc_bundles>
